<compile_context>
chip_gen: v7x
topology: tpu7x:2x2x1
jax: 0.10.2.dev20260603
libtpu: 0.0.44.dev20260713+nightly
codegen_flags: <defaults>
</compile_context>

<pallas_src>
import functools
import jax
import jax.numpy as jnp
from jax import lax
from jax.experimental import pallas as pl
from jax.experimental.pallas import tpu as pltpu
from jax.experimental.pallas import tpu_sc as plsc

_H = 8


def _stage_a_body(xt_ref, wqt_ref, wkt_ref, bm_ref, am_ref,
                  qn_ref, kn_ref, srow_ref, s0_ref):
    xt = xt_ref[...]
    q = jnp.dot(xt, wqt_ref[...], preferred_element_type=jnp.float32)
    k = jnp.dot(xt, wkt_ref[...], preferred_element_type=jnp.float32)
    bm = bm_ref[...]
    hq = jnp.dot(q * q, bm, preferred_element_type=jnp.float32)
    hk = jnp.dot(k * k, bm, preferred_element_type=jnp.float32)
    qn = q / (jnp.sqrt(hq) + 1e-8)
    kn = k / (jnp.sqrt(hk) + 1e-8)
    qn_ref[...] = qn
    kn_ref[...] = kn
    n = qn.shape[0]
    ksum = jnp.sum(kn, axis=0, keepdims=True)
    kanch = jnp.sum(kn * am_ref[...], axis=0, keepdims=True)
    srow_ref[...] = (jnp.sum(qn * ksum, axis=1, keepdims=True)
                     + jnp.float32(_H * n)) * 0.5
    s0_ref[...] = (jnp.sum(qn * kanch, axis=1, keepdims=True)
                   + jnp.float32(_H)) / jnp.float32(2 * _H)


def _stage_a(xt, wqt, wkt, bm, amask):
    n, c = xt.shape
    return pl.pallas_call(
        _stage_a_body,
        out_shape=[jax.ShapeDtypeStruct((n, c), jnp.float32),
                   jax.ShapeDtypeStruct((n, c), jnp.float32),
                   jax.ShapeDtypeStruct((n, 1), jnp.float32),
                   jax.ShapeDtypeStruct((n, 1), jnp.float32)],
    )(xt, wqt, wkt, bm, amask)


def _stage_c_body(wave_ref, qn_ref, kn_ref, srow_ref, pred_ref):
    wave = wave_ref[...]
    qn = qn_ref[...]
    kn = kn_ref[...]
    srow = srow_ref[...]
    n = qn.shape[0]
    tmax = jnp.max(wave) + 1
    rows = lax.broadcasted_iota(jnp.int32, (n, 1), 0)
    nf = jnp.float32(n)

    def step(t, acc):
        mf = (wave == t).astype(jnp.float32)
        cb = jnp.sum(mf)
        sr = jnp.sum(mf * srow)
        u = jnp.sum(qn * mf, axis=0, keepdims=True)
        v = jnp.sum(kn * mf, axis=0, keepdims=True)
        uv = jnp.sum(u * v)
        p = (sr - (uv + jnp.float32(_H) * cb * cb) * 0.5) \
            / (jnp.float32(_H) * cb * (nf - cb))
        return acc + jnp.where(rows == t, p, jnp.float32(0.0))

    pred_ref[...] = lax.fori_loop(0, tmax, step,
                                  jnp.zeros((n, 1), jnp.float32))


def _stage_c(wave2d, qn, kn, srow):
    n = qn.shape[0]
    return pl.pallas_call(
        _stage_c_body,
        out_shape=jax.ShapeDtypeStruct((n, 1), jnp.float32),
    )(wave2d, qn, kn, srow)


def _sload(ref, i):
    return ref[pl.ds(i, 16)][0]


def _unpack_nbr(nbr_v, ks, m):
    w = plsc.load_gather(nbr_v, [ks >> 1], mask=m)
    return (w >> ((ks & 1) << 4)) & 0xFFFF


def _make_bfs(np_, npp, pw, qcap):
    mesh = plsc.VectorSubcoreMesh(core_axis_name="c", subcore_axis_name="s")

    @functools.partial(
        pl.kernel, mesh=mesh,
        out_type=[jax.ShapeDtypeStruct((npp,), jnp.int32),
                  jax.ShapeDtypeStruct((qcap,), jnp.int32),
                  jax.ShapeDtypeStruct((16,), jnp.int32),
                  jax.ShapeDtypeStruct((qcap,), jnp.int32)],
        scratch_types=[pltpu.VMEM((pw,), jnp.int32),
                       pltpu.VMEM((npp,), jnp.int32),
                       pltpu.VMEM((npp,), jnp.int32),
                       pltpu.VMEM((qcap,), jnp.int32),
                       pltpu.VMEM((16,), jnp.int32),
                       pltpu.VMEM((qcap,), jnp.int32)],
        compiler_params=pltpu.CompilerParams(needs_layout_passes=False),
    )
    def bfs(nbr_hbm, ip_hbm, anc_hbm, wave_hbm, q_hbm, st_hbm, woff_hbm,
            nbr_v, ip_v, wave_v, q_v, st_v, woff_v):
        cid = lax.axis_index("c")
        sid = lax.axis_index("s")

        @pl.when(jnp.logical_and(cid == 0, sid == 0))
        def _():
            pltpu.sync_copy(nbr_hbm, nbr_v)
            pltpu.sync_copy(ip_hbm, ip_v)
            pltpu.sync_copy(anc_hbm, st_v)
            lanes = lax.broadcasted_iota(jnp.int32, (16,), 0)
            lane0 = lanes == 0
            anchor = _sload(st_v, jnp.int32(0))

            allm = lanes >= 0

            def initb(cc, carry):
                plsc.store_scatter(wave_v, [cc * 16 + lanes],
                                   jnp.full((16,), -1, jnp.int32), mask=allm)
                return carry
            lax.fori_loop(0, npp // 16, initb, jnp.int32(0))
            plsc.store_scatter(wave_v, [jnp.full((16,), anchor, jnp.int32)],
                               jnp.zeros((16,), jnp.int32), mask=lane0)
            plsc.store_scatter(q_v, [jnp.zeros((16,), jnp.int32)],
                               jnp.full((16,), anchor, jnp.int32), mask=lane0)

            def wcond(st):
                return st[1] > st[0]

            def wbody(st):
                qhead, qtail, t = st
                tn = t + 1
                plsc.store_scatter(woff_v, [jnp.full((16,), t, jnp.int32)],
                                   jnp.full((16,), qhead, jnp.int32),
                                   mask=lane0)

                def nodeb(p, carry):
                    i = _sload(q_v, p)
                    a0 = _sload(ip_v, i)
                    a1 = _sload(ip_v, i + 1)

                    def chb(cc, c2):
                        k = a0 + cc * 16 + lanes
                        m = k < a1
                        j = _unpack_nbr(nbr_v, jnp.where(m, k, 0), m)
                        j = jnp.where(m, j, 0)
                        wv = plsc.load_gather(wave_v, [j], mask=m)
                        newm = jnp.logical_and(m, wv < 0)
                        plsc.store_scatter(wave_v, [j],
                                           jnp.full((16,), tn, jnp.int32),
                                           mask=newm)
                        return c2
                    lax.fori_loop(0, (a1 - a0 + 15) >> 4, chb, jnp.int32(0))
                    return carry
                lax.fori_loop(qhead, qtail, nodeb, jnp.int32(0))

                def compb(cc, qt):
                    nid = cc * 16 + lanes
                    wv = plsc.load_gather(wave_v, [nid], mask=allm)
                    m = wv == tn
                    mi = m.astype(jnp.int32)
                    cs = plsc.cumsum(mi)
                    plsc.store_scatter(q_v, [qt + cs - mi], nid, mask=m)
                    return qt + jnp.max(cs)
                nqt = lax.fori_loop(0, np_ // 16, compb, qtail)
                return (qtail, nqt, tn)

            fst = lax.while_loop(wcond, wbody,
                                 (jnp.int32(0), jnp.int32(1), jnp.int32(0)))
            plsc.store_scatter(woff_v, [jnp.full((16,), fst[2], jnp.int32)],
                               jnp.full((16,), fst[1], jnp.int32), mask=lane0)
            plsc.store_scatter(woff_v,
                               [jnp.full((16,), qcap - 16, jnp.int32)],
                               jnp.full((16,), fst[2], jnp.int32), mask=lane0)
            st_v[...] = jnp.where(lane0, fst[1], jnp.int32(0))
            pltpu.sync_copy(wave_v, wave_hbm)
            pltpu.sync_copy(q_v, q_hbm)
            pltpu.sync_copy(st_v, st_hbm)
            pltpu.sync_copy(woff_v, woff_hbm)

    return bfs


_ROW = 512


def _make_sweep(npp, pw, qcap):
    mesh = plsc.VectorSubcoreMesh(core_axis_name="c", subcore_axis_name="s")

    @functools.partial(
        pl.kernel, mesh=mesh,
        out_type=jax.ShapeDtypeStruct((npp,), jnp.float32),
        scratch_types=[pltpu.VMEM((pw,), jnp.int32),
                       pltpu.VMEM((npp,), jnp.int32),
                       pltpu.VMEM((npp,), jnp.int32),
                       pltpu.VMEM((qcap,), jnp.int32),
                       pltpu.VMEM((qcap,), jnp.int32),
                       pltpu.VMEM((npp,), jnp.float32),
                       pltpu.VMEM((npp,), jnp.float32),
                       pltpu.VMEM((_ROW,), jnp.float32),
                       pltpu.VMEM((16, _ROW), jnp.float32),
                       pltpu.VMEM_SHARED((16, _ROW), jnp.float32)],
        compiler_params=pltpu.CompilerParams(needs_layout_passes=False),
    )
    def sweep(nbr_hbm, ip_hbm, wave_hbm, q_hbm, woff_hbm, s0_hbm, pred_hbm,
              out_hbm, nbr_v, ip_v, wave_v, q_v, woff_v, sc_v, pred_v,
              snew_v, rbuf_v, shared):
        cid = lax.axis_index("c")
        sid = lax.axis_index("s")

        @pl.when(cid == 0)
        def _():
            pltpu.sync_copy(nbr_hbm, nbr_v)
            pltpu.sync_copy(ip_hbm, ip_v)
            pltpu.sync_copy(wave_hbm, wave_v)
            pltpu.sync_copy(q_hbm, q_v)
            pltpu.sync_copy(woff_hbm, woff_v)
            pltpu.sync_copy(s0_hbm, sc_v)
            pltpu.sync_copy(pred_hbm, pred_v)
            lanes = lax.broadcasted_iota(jnp.int32, (16,), 0)
            lane0 = lanes == 0
            nwaves = _sload(woff_v, jnp.int32(qcap - 16))

            def wavef(w, carry):
                qs = _sload(woff_v, w)
                qe = _sload(woff_v, w + 1)
                size = qe - qs
                chunk = (size + 15) >> 4
                base = qs + sid * chunk
                myn = jnp.clip(qe - base, 0, chunk)
                pt = _sload(pred_v, w)

                def nodeb(mm, c):
                    i = _sload(q_v, base + mm)
                    t = _sload(wave_v, i)
                    a0 = _sload(ip_v, i)
                    a1 = _sload(ip_v, i + 1)

                    def chb(cc, acc):
                        k = a0 + cc * 16 + lanes
                        m = k < a1
                        j = _unpack_nbr(nbr_v, jnp.where(m, k, 0), m)
                        j = jnp.where(m, j, 0)
                        wv = plsc.load_gather(wave_v, [j], mask=m)
                        valid = m & (wv >= 0) & (wv < t)
                        sj = plsc.load_gather(sc_v, [j], mask=m)
                        return jnp.maximum(
                            acc, jnp.where(valid, sj, jnp.float32(-1e30)))
                    acc = lax.fori_loop(0, (a1 - a0 + 15) >> 4, chb,
                                        jnp.full((16,), -1e30, jnp.float32))
                    nb = jnp.max(acc)
                    nb = jnp.where(nb > jnp.float32(-1e29), nb,
                                   jnp.float32(1.0))
                    s0i = _sload(sc_v, i)
                    ns = jnp.minimum(jnp.maximum(pt, s0i), nb)
                    plsc.store_scatter(snew_v,
                                       [jnp.full((16,), mm, jnp.int32)],
                                       jnp.full((16,), ns, jnp.float32),
                                       mask=lane0)
                    return c
                lax.fori_loop(0, myn, nodeb, jnp.int32(0))
                pltpu.sync_copy(snew_v, shared.at[sid])
                plsc.subcore_barrier()
                pltpu.sync_copy(shared, rbuf_v)
                plsc.subcore_barrier()
                for kk in range(16):
                    bk = qs + kk * chunk
                    ck = jnp.clip(qe - bk, 0, chunk)

                    def apb(b, c, kk=kk, bk=bk, ck=ck):
                        off = b * 16
                        ids = q_v[pl.ds(bk + off, 16)]
                        vals = rbuf_v[kk, pl.ds(off, 16)]
                        m = (off + lanes) < ck
                        plsc.store_scatter(sc_v, [jnp.where(m, ids, 0)],
                                           vals, mask=m)
                        return c
                    lax.fori_loop(0, (ck + 15) >> 4, apb, jnp.int32(0))
                return carry
            lax.fori_loop(0, nwaves, wavef, jnp.int32(0))

            @pl.when(sid == 0)
            def _():
                pltpu.sync_copy(sc_v, out_hbm)

    return sweep


def kernel(x, edge_index, anchor, Wq, Wk):
    x = jnp.asarray(x, jnp.float32)
    _, c, n = x.shape
    np_ = ((n + 15) // 16) * 16
    npp = np_ + 16
    qcap = np_ + 32
    e2 = 2 * edge_index.shape[1]
    pw = e2 // 2

    ei = jnp.asarray(edge_index, jnp.int32)
    s = jnp.concatenate([ei[0], ei[1]])
    d = jnp.concatenate([ei[1], ei[0]])
    sk = jnp.where(s == d, n, s)
    keys = jnp.sort((sk << 16) | d)
    nbr = keys & 0xFFFF
    deg = jnp.zeros((n + 1,), jnp.int32).at[sk].add(1)
    indptr = jnp.concatenate(
        [jnp.zeros((1,), jnp.int32), jnp.cumsum(deg[:n], dtype=jnp.int32)])
    indptr = jnp.pad(indptr, (0, npp - (n + 1)), mode="edge")
    packed = nbr[0::2] | (nbr[1::2] << 16)

    anc = jnp.full((16,), jnp.asarray(anchor, jnp.int32))
    amask = (jnp.arange(n) == jnp.asarray(anchor, jnp.int32)) \
        .astype(jnp.float32).reshape(n, 1)
    dh = c // _H
    bm = jnp.repeat(jnp.repeat(jnp.eye(_H, dtype=jnp.float32), dh, 0), dh, 1)

    xt = x[0].T
    qn, kn, srow, s0 = _stage_a(xt, Wq.astype(jnp.float32).T,
                                Wk.astype(jnp.float32).T, bm, amask)

    wave, queue, stats, woff = _make_bfs(np_, npp, pw, qcap)(
        packed, indptr, anc)

    pred = _stage_c(wave[:n].reshape(n, 1), qn, kn, srow)

    s0p = jnp.pad(s0.reshape(n), (0, npp - n))
    predp = jnp.pad(pred.reshape(n), (0, npp - n))
    scores = _make_sweep(npp, pw, qcap)(
        packed, indptr, wave, queue, woff, s0p, predp)

    return (x, scores[:n].reshape(1, n, 1))

# --- scband reference (transcript-rebuilt; emitter-appended) ---
"""Pipeline reference for scband-full-flood-fill-network-609885356697 (READ-ONLY COPY).

The authoritative reference and input builder live on the scoring server;
editing this copy changes nothing except your own understanding.
"""

import jax, jax.numpy as jnp
import numpy as np

NUM_HEADS = 8

def _build_layers(edge_index, anchor, N):
    ei = np.asarray(edge_index)
    src = ei[0].tolist()
    dst = ei[1].tolist()
    adj = [set() for _ in range(N)]
    for s, d in zip(src, dst):
        if s != d:
            adj[s].add(d)
            adj[d].add(s)
    adj = [sorted(a) for a in adj]
    done = {anchor}
    boundary = [anchor]
    layers = []
    while len(boundary) > 0:
        vn = [[g for g in adj[f] if g in done] for f in boundary]
        layers.append((list(boundary), vn))
        done |= set(boundary)
        boundary = sorted({g for f in boundary for g in adj[f] if g not in done})
    return layers

def _cos_map(qf, kf, Wq, Wk):
    # qf: (C, Nq), kf: (C, Nk); multi-head normalized (cosine) attention map in [-1, 1]
    Q = qf.T @ Wq.T
    K = kf.T @ Wk.T
    Nq, C = Q.shape
    Nk = K.shape[0]
    Dh = C // NUM_HEADS
    Q = Q.reshape(Nq, NUM_HEADS, Dh)
    K = K.reshape(Nk, NUM_HEADS, Dh)
    Q = Q / (jnp.linalg.norm(Q, axis=-1, keepdims=True) + 1e-8)
    K = K / (jnp.linalg.norm(K, axis=-1, keepdims=True) + 1e-8)
    return jnp.einsum('qhd,khd->hqk', Q, K)

def _adj_matrix(edge_index, N):
    src = edge_index[0]
    dst = edge_index[1]
    A = jnp.zeros((N, N), dtype=jnp.int32)
    A = A.at[src, dst].max((src != dst).astype(jnp.int32))
    return (A + A.T) > 0

def _forward(x, Wq, Wk, A, anchor, N):
    xf = x[0]
    # init scores: anchor-vs-all normalized attention map, mapped to [0, 1], mean over heads
    anchor_x = jax.lax.dynamic_slice_in_dim(xf, anchor, 1, axis=1)
    amap = (_cos_map(xf, anchor_x, Wq, Wk) + 1.0) / 2.0  # (H, N, 1)
    new_scores = jnp.mean(amap, axis=0)  # (N, 1)
    # all-pairs head-summed [0,1] cosine map: S[q,k] = sum_h (cos_h(q,k)+1)/2
    Q = xf.T @ Wq.T
    K = xf.T @ Wk.T
    C = Q.shape[1]
    Dh = C // NUM_HEADS
    Qh = Q.reshape(N, NUM_HEADS, Dh)
    Kh = K.reshape(N, NUM_HEADS, Dh)
    Qh = Qh / (jnp.linalg.norm(Qh, axis=-1, keepdims=True) + 1e-8)
    Kh = Kh / (jnp.linalg.norm(Kh, axis=-1, keepdims=True) + 1e-8)
    S = (jnp.einsum('qhd,khd->qk', Qh, Kh) + NUM_HEADS) / 2.0  # (N, N)
    start_mask = jnp.arange(N) == anchor

    def cond(state):
        done, boundary, scores = state
        return jnp.any(boundary)

    def body(state):
        done, boundary, scores = state
        omask = ~boundary
        cb = jnp.sum(boundary).astype(S.dtype)
        co = jnp.sum(omask).astype(S.dtype)
        pair = boundary[:, None] & omask[None, :]
        # torch: mean(atnmap.reshape(1, -1), dim=1) over (H, |b|, |o|) entries
        pred = jnp.sum(jnp.where(pair, S, 0.0)) / (NUM_HEADS * cb * co)
        vn = A & done[None, :]
        vals = jnp.where(vn, scores[:, 0][None, :], -jnp.inf)
        segmax = jnp.max(vals, axis=1)
        nb = jnp.where(jnp.any(vn, axis=1), segmax, 1.0)[:, None]
        bscores = jnp.minimum(jnp.maximum(pred, scores), nb)
        scores = jnp.where(boundary[:, None], bscores, scores)
        done = done | boundary
        boundary = jnp.any(A & boundary[:, None], axis=0) & ~done
        return (done, boundary, scores)

    _, _, final = jax.lax.while_loop(cond, body, (start_mask, start_mask, new_scores))
    return final[None]  # (1, N, 1)

def setup_inputs(seed: int = 0):
    key = jax.random.key(seed)
    k1, k2, k3, k4 = jax.random.split(key, 4)
    C, N, E = 128, 5000, 80000
    x = jax.random.normal(k1, (1, C, N), dtype=jnp.float32)
    edge_index = jax.random.randint(k2, (2, E), 0, N)
    Wq = jax.random.normal(k3, (C, C), dtype=jnp.float32) / np.sqrt(C)
    Wk = jax.random.normal(k4, (C, C), dtype=jnp.float32) / np.sqrt(C)
    return {"x": x, "edge_index": edge_index, "anchor": 0, "Wq": Wq, "Wk": Wk}

def reference(x, edge_index, anchor, Wq, Wk):
    B, C, N = x.shape
    anchor = jnp.asarray(anchor, dtype=jnp.int32)
    A = _adj_matrix(edge_index, N)
    final_scores = _forward(x, Wq, Wk, A, anchor, N)
    # with atn_layers=1 the feature-updating blocks (attention[:-1]) are empty, so
    # new_features is written back unchanged: final_features == x
    final_features = x
    return (final_features, final_scores)

if __name__ == "__main__":
    import jax
    _d = setup_inputs()
    print(jax.jit(kernel)(*tuple(_d.values())))

</pallas_src>

<mosaic_0001>
#map = affine_map<(d0, d1) -> (0)>
module attributes {stable_mosaic.version = 14 : i64} {
  func.func @bfs(%arg0: i32, %arg1: i32, %arg2: memref<80000xi32, #tpu.memory_space<hbm>>, %arg3: memref<5024xi32, #tpu.memory_space<hbm>>, %arg4: memref<16xi32, #tpu.memory_space<hbm>>, %arg5: memref<5024xi32, #tpu.memory_space<hbm>>, %arg6: memref<5040xi32, #tpu.memory_space<hbm>>, %arg7: memref<16xi32, #tpu.memory_space<hbm>>, %arg8: memref<5040xi32, #tpu.memory_space<hbm>>, %arg9: memref<80000xi32, #tpu.memory_space<vmem>>, %arg10: memref<5024xi32, #tpu.memory_space<vmem>>, %arg11: memref<5024xi32, #tpu.memory_space<vmem>>, %arg12: memref<5040xi32, #tpu.memory_space<vmem>>, %arg13: memref<16xi32, #tpu.memory_space<vmem>>, %arg14: memref<5040xi32, #tpu.memory_space<vmem>>) attributes {dimension_semantics = [#tpu.dimension_semantics<core_parallel>, #tpu.dimension_semantics<subcore_parallel>], iteration_bounds = array<i64: 2, 16>, scalar_prefetch = 0 : i64, scratch_operands = 6 : i64, tpu.core_type = #tpu.core_type<sc_vector_subcore>, window_params = [{transform_indices = #map}, {transform_indices = #map}, {transform_indices = #map}, {transform_indices = #map}, {transform_indices = #map}, {transform_indices = #map}, {transform_indices = #map}]} {
    %eq3A = arith.constant 0 : i32
    %eq3A_0 = arith.cmpi eq, %arg0, %eq3A : i32
    %eq3A_1 = arith.constant 0 : i32
    %eq3A_2 = arith.cmpi eq, %arg1, %eq3A_1 : i32
    %and3A = arith.andi %eq3A_0, %eq3A_2 : i1
    %convert_element_type3A = arith.extui %and3A : i1 to i32
    %cond3A = arith.constant 0 : i32
    %cond3A_3 = arith.cmpi ne, %convert_element_type3A, %cond3A : i32
    scf.if %cond3A_3 {
      "tpu.region"() ({
        %run_scoped3A = tpu.sem_alloc : memref<!tpu.dma_semaphore, #tpu.memory_space<semaphore_mem>>
        tpu.enqueue_dma source(%arg2 : memref<80000xi32, #tpu.memory_space<hbm>>) target(%arg9 : memref<80000xi32, #tpu.memory_space<vmem>>) target_semaphore(%run_scoped3A : memref<!tpu.dma_semaphore, #tpu.memory_space<semaphore_mem>>)
        tpu.wait_dma2 semaphore(%run_scoped3A : memref<!tpu.dma_semaphore, #tpu.memory_space<semaphore_mem>>) src(%arg2 : memref<80000xi32, #tpu.memory_space<hbm>>) dst(%arg9 : memref<80000xi32, #tpu.memory_space<vmem>>)
        tpu.yield
      }) : () -> ()
      "tpu.region"() ({
        %run_scoped3A = tpu.sem_alloc : memref<!tpu.dma_semaphore, #tpu.memory_space<semaphore_mem>>
        tpu.enqueue_dma source(%arg3 : memref<5024xi32, #tpu.memory_space<hbm>>) target(%arg10 : memref<5024xi32, #tpu.memory_space<vmem>>) target_semaphore(%run_scoped3A : memref<!tpu.dma_semaphore, #tpu.memory_space<semaphore_mem>>)
        tpu.wait_dma2 semaphore(%run_scoped3A : memref<!tpu.dma_semaphore, #tpu.memory_space<semaphore_mem>>) src(%arg3 : memref<5024xi32, #tpu.memory_space<hbm>>) dst(%arg10 : memref<5024xi32, #tpu.memory_space<vmem>>)
        tpu.yield
      }) : () -> ()
      "tpu.region"() ({
        %run_scoped3A = tpu.sem_alloc : memref<!tpu.dma_semaphore, #tpu.memory_space<semaphore_mem>>
        tpu.enqueue_dma source(%arg4 : memref<16xi32, #tpu.memory_space<hbm>>) target(%arg13 : memref<16xi32, #tpu.memory_space<vmem>>) target_semaphore(%run_scoped3A : memref<!tpu.dma_semaphore, #tpu.memory_space<semaphore_mem>>)
        tpu.wait_dma2 semaphore(%run_scoped3A : memref<!tpu.dma_semaphore, #tpu.memory_space<semaphore_mem>>) src(%arg4 : memref<16xi32, #tpu.memory_space<hbm>>) dst(%arg13 : memref<16xi32, #tpu.memory_space<vmem>>)
        tpu.yield
      }) : () -> ()
      %iota3A = tpu.iota {dimensions = array<i32: 0>} : vector<16xi32>
      %eq3A_4 = arith.constant 0 : i32
      %eq3A_5 = vector.broadcast %eq3A_4 : i32 to vector<16xi32>
      %eq3A_6 = arith.cmpi eq, %iota3A, %eq3A_5 : vector<16xi32>
      %get3A = arith.constant 0 : i32
      %get3A_7 = arith.index_cast %get3A : i32 to index
      %get3A_8 = tpu.vector_load %arg13[%get3A_7] {strides = array<i32>} : memref<16xi32, #tpu.memory_space<vmem>>, vector<16xi32>,
      %slice3A = vector.extract_strided_slice %get3A_8 {offsets = [0], sizes = [1], strides = [1]} : vector<16xi32> to vector<1xi32>
      %squeeze3A = vector.extract %slice3A[0] : i32 from vector<1xi32>
      %ge3A = arith.constant 0 : i32
      %ge3A_9 = vector.broadcast %ge3A : i32 to vector<16xi32>
      %ge3A_10 = arith.cmpi sge, %iota3A, %ge3A_9 : vector<16xi32>
      %scan3A = arith.constant 0 : i32
      %scan3A_11 = arith.constant 0 : i32
      %scan3A_12 = arith.constant 314 : i32
      %scan3A_13 = arith.addi %scan3A_11, %scan3A_12 : i32
      %scan3A_14 = arith.constant 1 : i32
      scf.for %scan3A_32 = %scan3A_11 to %scan3A_13 step %scan3A_14  : i32 {
        %mul3A = arith.constant 16 : i32
        %mul3A_33 = arith.muli %scan3A_32, %mul3A : i32
        %add3A = vector.broadcast %mul3A_33 : i32 to vector<16xi32>
        %add3A_34 = arith.addi %add3A, %iota3A : vector<16xi32>
        %broadcast_in_dim3A_35 = arith.constant -1 : i32
        %broadcast_in_dim3A_36 = vector.broadcast %broadcast_in_dim3A_35 : i32 to vector<16xi32>
        tpu.vector_store_idx %arg11[%add3A_34], %broadcast_in_dim3A_36 masked %ge3A_10 : memref<5024xi32, #tpu.memory_space<vmem>>[vector<16xi32>], vector<16xi32>, vector<16xi1>
      }
      %scan3A_15 = arith.constant 314 : i32
      %broadcast_in_dim3A = vector.broadcast %squeeze3A : i32 to vector<16xi32>
      %broadcast_in_dim3A_16 = arith.constant 0 : i32
      %broadcast_in_dim3A_17 = vector.broadcast %broadcast_in_dim3A_16 : i32 to vector<16xi32>
      tpu.vector_store_idx %arg11[%broadcast_in_dim3A], %broadcast_in_dim3A_17 masked %eq3A_6 : memref<5024xi32, #tpu.memory_space<vmem>>[vector<16xi32>], vector<16xi32>, vector<16xi1>
      %broadcast_in_dim3A_18 = arith.constant 0 : i32
      %broadcast_in_dim3A_19 = vector.broadcast %broadcast_in_dim3A_18 : i32 to vector<16xi32>
      %broadcast_in_dim3A_20 = vector.broadcast %squeeze3A : i32 to vector<16xi32>
      tpu.vector_store_idx %arg12[%broadcast_in_dim3A_19], %broadcast_in_dim3A_20 masked %eq3A_6 : memref<5040xi32, #tpu.memory_space<vmem>>[vector<16xi32>], vector<16xi32>, vector<16xi1>
      %while3A = arith.constant 0 : i32
      %while3A_21 = arith.constant 1 : i32
      %while3A_22 = arith.constant 0 : i32
      %while3A_23:3 = scf.while (%while3A_32 = %while3A, %while3A_33 = %while3A_21, %while3A_34 = %while3A_22) : (i32, i32, i32) -> (i32, i32, i32) {
        %gt3A = arith.cmpi sgt, %while3A_33, %while3A_32 : i32
        scf.condition(%gt3A) %while3A_32, %while3A_33, %while3A_34 : i32, i32, i32
      } do {
      ^bb0(%while3A_32: i32, %while3A_33: i32, %while3A_34: i32):
        %add3A = arith.constant 1 : i32
        %add3A_35 = arith.addi %while3A_34, %add3A : i32
        %broadcast_in_dim3A_36 = vector.broadcast %while3A_34 : i32 to vector<16xi32>
        %broadcast_in_dim3A_37 = vector.broadcast %while3A_32 : i32 to vector<16xi32>
        tpu.vector_store_idx %arg14[%broadcast_in_dim3A_36], %broadcast_in_dim3A_37 masked %eq3A_6 : memref<5040xi32, #tpu.memory_space<vmem>>[vector<16xi32>], vector<16xi32>, vector<16xi1>
        %while3A_38 = arith.constant 0 : i32
        %while3A_39 = arith.subi %while3A_33, %while3A_32 : i32
        %while3A_40 = arith.addi %while3A_32, %while3A_39 : i32
        %while3A_41 = arith.constant 1 : i32
        %while3A_42 = arith.divsi %while3A_39, %while3A_41 : i32
        %while3A_43 = arith.muli %while3A_42, %while3A_41 : i32
        %while3A_44 = arith.addi %while3A_32, %while3A_43 : i32
        %while3A_45 = arith.constant 1 : i32
        scf.for %while3A_53 = %while3A_32 to %while3A_44 step %while3A_45  : i32 {
          %get3A_54 = arith.index_cast %while3A_53 : i32 to index
          %get3A_55 = tpu.vector_load %arg12[%get3A_54] {strides = array<i32>} : memref<5040xi32, #tpu.memory_space<vmem>>, vector<16xi32>,
          %slice3A_56 = vector.extract_strided_slice %get3A_55 {offsets = [0], sizes = [1], strides = [1]} : vector<16xi32> to vector<1xi32>
          %squeeze3A_57 = vector.extract %slice3A_56[0] : i32 from vector<1xi32>
          %get3A_58 = arith.index_cast %squeeze3A_57 : i32 to index
          %get3A_59 = tpu.vector_load %arg10[%get3A_58] {strides = array<i32>} : memref<5024xi32, #tpu.memory_space<vmem>>, vector<16xi32>,
          %slice3A_60 = vector.extract_strided_slice %get3A_59 {offsets = [0], sizes = [1], strides = [1]} : vector<16xi32> to vector<1xi32>
          %squeeze3A_61 = vector.extract %slice3A_60[0] : i32 from vector<1xi32>
          %add3A_62 = arith.constant 1 : i32
          %add3A_63 = arith.addi %squeeze3A_57, %add3A_62 : i32
          %get3A_64 = arith.index_cast %add3A_63 : i32 to index
          %get3A_65 = tpu.vector_load %arg10[%get3A_64] {strides = array<i32>} : memref<5024xi32, #tpu.memory_space<vmem>>, vector<16xi32>,
          %slice3A_66 = vector.extract_strided_slice %get3A_65 {offsets = [0], sizes = [1], strides = [1]} : vector<16xi32> to vector<1xi32>
          %squeeze3A_67 = vector.extract %slice3A_66[0] : i32 from vector<1xi32>
          %sub3A = arith.subi %squeeze3A_67, %squeeze3A_61 : i32
          %add3A_68 = arith.constant 15 : i32
          %add3A_69 = arith.addi %sub3A, %add3A_68 : i32
          %shift_right_arithmetic3A = arith.constant 4 : i32
          %shift_right_arithmetic3A_70 = arith.shrsi %add3A_69, %shift_right_arithmetic3A : i32
          %while3A_71 = arith.constant 0 : i32
          %while3A_72 = arith.constant 0 : i32
          %while3A_73 = arith.subi %shift_right_arithmetic3A_70, %while3A_72 : i32
          %while3A_74 = arith.addi %while3A_72, %while3A_73 : i32
          %while3A_75 = arith.constant 1 : i32
          %while3A_76 = arith.divsi %while3A_73, %while3A_75 : i32
          %while3A_77 = arith.muli %while3A_76, %while3A_75 : i32
          %while3A_78 = arith.addi %while3A_72, %while3A_77 : i32
          %while3A_79 = arith.constant 1 : i32
          scf.for %while3A_81 = %while3A_72 to %while3A_78 step %while3A_79  : i32 {
            %mul3A = arith.constant 16 : i32
            %mul3A_82 = arith.muli %while3A_81, %mul3A : i32
            %add3A_83 = arith.addi %squeeze3A_61, %mul3A_82 : i32
            %add3A_84 = vector.broadcast %add3A_83 : i32 to vector<16xi32>
            %add3A_85 = arith.addi %add3A_84, %iota3A : vector<16xi32>
            %lt3A = vector.broadcast %squeeze3A_67 : i32 to vector<16xi32>
            %lt3A_86 = arith.cmpi slt, %add3A_85, %lt3A : vector<16xi32>
            %jit3A_87 = arith.constant 0 : i32
            %broadcast_in_dim3A_88 = vector.broadcast %jit3A_87 : i32 to vector<16xi32>
            %select_n3A_89 = arith.select %lt3A_86, %add3A_85, %broadcast_in_dim3A_88 : vector<16xi1>, vector<16xi32>
            %shift_right_arithmetic3A_90 = arith.constant 1 : i32
            %shift_right_arithmetic3A_91 = vector.broadcast %shift_right_arithmetic3A_90 : i32 to vector<16xi32>
            %shift_right_arithmetic3A_92 = arith.shrsi %select_n3A_89, %shift_right_arithmetic3A_91 : vector<16xi32>
            %gather3A = tpu.vector_load_idx %arg9[%shift_right_arithmetic3A_92] masked %lt3A_86 : memref<80000xi32, #tpu.memory_space<vmem>>[vector<16xi32>], vector<16xi32>, vector<16xi1>
            %and3A_93 = arith.constant 1 : i32
            %and3A_94 = vector.broadcast %and3A_93 : i32 to vector<16xi32>
            %and3A_95 = arith.andi %select_n3A_89, %and3A_94 : vector<16xi32>
            %shift_left3A = arith.constant 4 : i32
            %shift_left3A_96 = vector.broadcast %shift_left3A : i32 to vector<16xi32>
            %shift_left3A_97 = arith.shli %and3A_95, %shift_left3A_96 : vector<16xi32>
            %shift_right_arithmetic3A_98 = arith.shrsi %gather3A, %shift_left3A_97 : vector<16xi32>
            %and3A_99 = arith.constant 65535 : i32
            %and3A_100 = vector.broadcast %and3A_99 : i32 to vector<16xi32>
            %and3A_101 = arith.andi %shift_right_arithmetic3A_98, %and3A_100 : vector<16xi32>
            %jit3A_102 = arith.constant 0 : i32
            %broadcast_in_dim3A_103 = vector.broadcast %jit3A_102 : i32 to vector<16xi32>
            %select_n3A_104 = arith.select %lt3A_86, %and3A_101, %broadcast_in_dim3A_103 : vector<16xi1>, vector<16xi32>
            %gather3A_105 = tpu.vector_load_idx %arg11[%select_n3A_104] masked %lt3A_86 : memref<5024xi32, #tpu.memory_space<vmem>>[vector<16xi32>], vector<16xi32>, vector<16xi1>
            %lt3A_106 = arith.constant 0 : i32
            %lt3A_107 = vector.broadcast %lt3A_106 : i32 to vector<16xi32>
            %lt3A_108 = arith.cmpi slt, %gather3A_105, %lt3A_107 : vector<16xi32>
            %and3A_109 = arith.andi %lt3A_86, %lt3A_108 : vector<16xi1>
            %broadcast_in_dim3A_110 = vector.broadcast %add3A_35 : i32 to vector<16xi32>
            tpu.vector_store_idx %arg11[%select_n3A_104], %broadcast_in_dim3A_110 masked %and3A_109 : memref<5024xi32, #tpu.memory_space<vmem>>[vector<16xi32>], vector<16xi32>, vector<16xi1>
          }
          %while3A_80 = arith.constant 1 : i32
          scf.for %while3A_81 = %while3A_78 to %while3A_74 step %while3A_80  : i32 {
            %mul3A = arith.constant 16 : i32
            %mul3A_82 = arith.muli %while3A_81, %mul3A : i32
            %add3A_83 = arith.addi %squeeze3A_61, %mul3A_82 : i32
            %add3A_84 = vector.broadcast %add3A_83 : i32 to vector<16xi32>
            %add3A_85 = arith.addi %add3A_84, %iota3A : vector<16xi32>
            %lt3A = vector.broadcast %squeeze3A_67 : i32 to vector<16xi32>
            %lt3A_86 = arith.cmpi slt, %add3A_85, %lt3A : vector<16xi32>
            %jit3A_87 = arith.constant 0 : i32
            %broadcast_in_dim3A_88 = vector.broadcast %jit3A_87 : i32 to vector<16xi32>
            %select_n3A_89 = arith.select %lt3A_86, %add3A_85, %broadcast_in_dim3A_88 : vector<16xi1>, vector<16xi32>
            %shift_right_arithmetic3A_90 = arith.constant 1 : i32
            %shift_right_arithmetic3A_91 = vector.broadcast %shift_right_arithmetic3A_90 : i32 to vector<16xi32>
            %shift_right_arithmetic3A_92 = arith.shrsi %select_n3A_89, %shift_right_arithmetic3A_91 : vector<16xi32>
            %gather3A = tpu.vector_load_idx %arg9[%shift_right_arithmetic3A_92] masked %lt3A_86 : memref<80000xi32, #tpu.memory_space<vmem>>[vector<16xi32>], vector<16xi32>, vector<16xi1>
            %and3A_93 = arith.constant 1 : i32
            %and3A_94 = vector.broadcast %and3A_93 : i32 to vector<16xi32>
            %and3A_95 = arith.andi %select_n3A_89, %and3A_94 : vector<16xi32>
            %shift_left3A = arith.constant 4 : i32
            %shift_left3A_96 = vector.broadcast %shift_left3A : i32 to vector<16xi32>
            %shift_left3A_97 = arith.shli %and3A_95, %shift_left3A_96 : vector<16xi32>
            %shift_right_arithmetic3A_98 = arith.shrsi %gather3A, %shift_left3A_97 : vector<16xi32>
            %and3A_99 = arith.constant 65535 : i32
            %and3A_100 = vector.broadcast %and3A_99 : i32 to vector<16xi32>
            %and3A_101 = arith.andi %shift_right_arithmetic3A_98, %and3A_100 : vector<16xi32>
            %jit3A_102 = arith.constant 0 : i32
            %broadcast_in_dim3A_103 = vector.broadcast %jit3A_102 : i32 to vector<16xi32>
            %select_n3A_104 = arith.select %lt3A_86, %and3A_101, %broadcast_in_dim3A_103 : vector<16xi1>, vector<16xi32>
            %gather3A_105 = tpu.vector_load_idx %arg11[%select_n3A_104] masked %lt3A_86 : memref<5024xi32, #tpu.memory_space<vmem>>[vector<16xi32>], vector<16xi32>, vector<16xi1>
            %lt3A_106 = arith.constant 0 : i32
            %lt3A_107 = vector.broadcast %lt3A_106 : i32 to vector<16xi32>
            %lt3A_108 = arith.cmpi slt, %gather3A_105, %lt3A_107 : vector<16xi32>
            %and3A_109 = arith.andi %lt3A_86, %lt3A_108 : vector<16xi1>
            %broadcast_in_dim3A_110 = vector.broadcast %add3A_35 : i32 to vector<16xi32>
            tpu.vector_store_idx %arg11[%select_n3A_104], %broadcast_in_dim3A_110 masked %and3A_109 : memref<5024xi32, #tpu.memory_space<vmem>>[vector<16xi32>], vector<16xi32>, vector<16xi1>
          }
        }
        %while3A_46 = arith.constant 1 : i32
        scf.for %while3A_53 = %while3A_44 to %while3A_40 step %while3A_46  : i32 {
          %get3A_54 = arith.index_cast %while3A_53 : i32 to index
          %get3A_55 = tpu.vector_load %arg12[%get3A_54] {strides = array<i32>} : memref<5040xi32, #tpu.memory_space<vmem>>, vector<16xi32>,
          %slice3A_56 = vector.extract_strided_slice %get3A_55 {offsets = [0], sizes = [1], strides = [1]} : vector<16xi32> to vector<1xi32>
          %squeeze3A_57 = vector.extract %slice3A_56[0] : i32 from vector<1xi32>
          %get3A_58 = arith.index_cast %squeeze3A_57 : i32 to index
          %get3A_59 = tpu.vector_load %arg10[%get3A_58] {strides = array<i32>} : memref<5024xi32, #tpu.memory_space<vmem>>, vector<16xi32>,
          %slice3A_60 = vector.extract_strided_slice %get3A_59 {offsets = [0], sizes = [1], strides = [1]} : vector<16xi32> to vector<1xi32>
          %squeeze3A_61 = vector.extract %slice3A_60[0] : i32 from vector<1xi32>
          %add3A_62 = arith.constant 1 : i32
          %add3A_63 = arith.addi %squeeze3A_57, %add3A_62 : i32
          %get3A_64 = arith.index_cast %add3A_63 : i32 to index
          %get3A_65 = tpu.vector_load %arg10[%get3A_64] {strides = array<i32>} : memref<5024xi32, #tpu.memory_space<vmem>>, vector<16xi32>,
          %slice3A_66 = vector.extract_strided_slice %get3A_65 {offsets = [0], sizes = [1], strides = [1]} : vector<16xi32> to vector<1xi32>
          %squeeze3A_67 = vector.extract %slice3A_66[0] : i32 from vector<1xi32>
          %sub3A = arith.subi %squeeze3A_67, %squeeze3A_61 : i32
          %add3A_68 = arith.constant 15 : i32
          %add3A_69 = arith.addi %sub3A, %add3A_68 : i32
          %shift_right_arithmetic3A = arith.constant 4 : i32
          %shift_right_arithmetic3A_70 = arith.shrsi %add3A_69, %shift_right_arithmetic3A : i32
          %while3A_71 = arith.constant 0 : i32
          %while3A_72 = arith.constant 0 : i32
          %while3A_73 = arith.subi %shift_right_arithmetic3A_70, %while3A_72 : i32
          %while3A_74 = arith.addi %while3A_72, %while3A_73 : i32
          %while3A_75 = arith.constant 1 : i32
          %while3A_76 = arith.divsi %while3A_73, %while3A_75 : i32
          %while3A_77 = arith.muli %while3A_76, %while3A_75 : i32
          %while3A_78 = arith.addi %while3A_72, %while3A_77 : i32
          %while3A_79 = arith.constant 1 : i32
          scf.for %while3A_81 = %while3A_72 to %while3A_78 step %while3A_79  : i32 {
            %mul3A = arith.constant 16 : i32
            %mul3A_82 = arith.muli %while3A_81, %mul3A : i32
            %add3A_83 = arith.addi %squeeze3A_61, %mul3A_82 : i32
            %add3A_84 = vector.broadcast %add3A_83 : i32 to vector<16xi32>
            %add3A_85 = arith.addi %add3A_84, %iota3A : vector<16xi32>
            %lt3A = vector.broadcast %squeeze3A_67 : i32 to vector<16xi32>
            %lt3A_86 = arith.cmpi slt, %add3A_85, %lt3A : vector<16xi32>
            %jit3A_87 = arith.constant 0 : i32
            %broadcast_in_dim3A_88 = vector.broadcast %jit3A_87 : i32 to vector<16xi32>
            %select_n3A_89 = arith.select %lt3A_86, %add3A_85, %broadcast_in_dim3A_88 : vector<16xi1>, vector<16xi32>
            %shift_right_arithmetic3A_90 = arith.constant 1 : i32
            %shift_right_arithmetic3A_91 = vector.broadcast %shift_right_arithmetic3A_90 : i32 to vector<16xi32>
            %shift_right_arithmetic3A_92 = arith.shrsi %select_n3A_89, %shift_right_arithmetic3A_91 : vector<16xi32>
            %gather3A = tpu.vector_load_idx %arg9[%shift_right_arithmetic3A_92] masked %lt3A_86 : memref<80000xi32, #tpu.memory_space<vmem>>[vector<16xi32>], vector<16xi32>, vector<16xi1>
            %and3A_93 = arith.constant 1 : i32
            %and3A_94 = vector.broadcast %and3A_93 : i32 to vector<16xi32>
            %and3A_95 = arith.andi %select_n3A_89, %and3A_94 : vector<16xi32>
            %shift_left3A = arith.constant 4 : i32
            %shift_left3A_96 = vector.broadcast %shift_left3A : i32 to vector<16xi32>
            %shift_left3A_97 = arith.shli %and3A_95, %shift_left3A_96 : vector<16xi32>
            %shift_right_arithmetic3A_98 = arith.shrsi %gather3A, %shift_left3A_97 : vector<16xi32>
            %and3A_99 = arith.constant 65535 : i32
            %and3A_100 = vector.broadcast %and3A_99 : i32 to vector<16xi32>
            %and3A_101 = arith.andi %shift_right_arithmetic3A_98, %and3A_100 : vector<16xi32>
            %jit3A_102 = arith.constant 0 : i32
            %broadcast_in_dim3A_103 = vector.broadcast %jit3A_102 : i32 to vector<16xi32>
            %select_n3A_104 = arith.select %lt3A_86, %and3A_101, %broadcast_in_dim3A_103 : vector<16xi1>, vector<16xi32>
            %gather3A_105 = tpu.vector_load_idx %arg11[%select_n3A_104] masked %lt3A_86 : memref<5024xi32, #tpu.memory_space<vmem>>[vector<16xi32>], vector<16xi32>, vector<16xi1>
            %lt3A_106 = arith.constant 0 : i32
            %lt3A_107 = vector.broadcast %lt3A_106 : i32 to vector<16xi32>
            %lt3A_108 = arith.cmpi slt, %gather3A_105, %lt3A_107 : vector<16xi32>
            %and3A_109 = arith.andi %lt3A_86, %lt3A_108 : vector<16xi1>
            %broadcast_in_dim3A_110 = vector.broadcast %add3A_35 : i32 to vector<16xi32>
            tpu.vector_store_idx %arg11[%select_n3A_104], %broadcast_in_dim3A_110 masked %and3A_109 : memref<5024xi32, #tpu.memory_space<vmem>>[vector<16xi32>], vector<16xi32>, vector<16xi1>
          }
          %while3A_80 = arith.constant 1 : i32
          scf.for %while3A_81 = %while3A_78 to %while3A_74 step %while3A_80  : i32 {
            %mul3A = arith.constant 16 : i32
            %mul3A_82 = arith.muli %while3A_81, %mul3A : i32
            %add3A_83 = arith.addi %squeeze3A_61, %mul3A_82 : i32
            %add3A_84 = vector.broadcast %add3A_83 : i32 to vector<16xi32>
            %add3A_85 = arith.addi %add3A_84, %iota3A : vector<16xi32>
            %lt3A = vector.broadcast %squeeze3A_67 : i32 to vector<16xi32>
            %lt3A_86 = arith.cmpi slt, %add3A_85, %lt3A : vector<16xi32>
            %jit3A_87 = arith.constant 0 : i32
            %broadcast_in_dim3A_88 = vector.broadcast %jit3A_87 : i32 to vector<16xi32>
            %select_n3A_89 = arith.select %lt3A_86, %add3A_85, %broadcast_in_dim3A_88 : vector<16xi1>, vector<16xi32>
            %shift_right_arithmetic3A_90 = arith.constant 1 : i32
            %shift_right_arithmetic3A_91 = vector.broadcast %shift_right_arithmetic3A_90 : i32 to vector<16xi32>
            %shift_right_arithmetic3A_92 = arith.shrsi %select_n3A_89, %shift_right_arithmetic3A_91 : vector<16xi32>
            %gather3A = tpu.vector_load_idx %arg9[%shift_right_arithmetic3A_92] masked %lt3A_86 : memref<80000xi32, #tpu.memory_space<vmem>>[vector<16xi32>], vector<16xi32>, vector<16xi1>
            %and3A_93 = arith.constant 1 : i32
            %and3A_94 = vector.broadcast %and3A_93 : i32 to vector<16xi32>
            %and3A_95 = arith.andi %select_n3A_89, %and3A_94 : vector<16xi32>
            %shift_left3A = arith.constant 4 : i32
            %shift_left3A_96 = vector.broadcast %shift_left3A : i32 to vector<16xi32>
            %shift_left3A_97 = arith.shli %and3A_95, %shift_left3A_96 : vector<16xi32>
            %shift_right_arithmetic3A_98 = arith.shrsi %gather3A, %shift_left3A_97 : vector<16xi32>
            %and3A_99 = arith.constant 65535 : i32
            %and3A_100 = vector.broadcast %and3A_99 : i32 to vector<16xi32>
            %and3A_101 = arith.andi %shift_right_arithmetic3A_98, %and3A_100 : vector<16xi32>
            %jit3A_102 = arith.constant 0 : i32
            %broadcast_in_dim3A_103 = vector.broadcast %jit3A_102 : i32 to vector<16xi32>
            %select_n3A_104 = arith.select %lt3A_86, %and3A_101, %broadcast_in_dim3A_103 : vector<16xi1>, vector<16xi32>
            %gather3A_105 = tpu.vector_load_idx %arg11[%select_n3A_104] masked %lt3A_86 : memref<5024xi32, #tpu.memory_space<vmem>>[vector<16xi32>], vector<16xi32>, vector<16xi1>
            %lt3A_106 = arith.constant 0 : i32
            %lt3A_107 = vector.broadcast %lt3A_106 : i32 to vector<16xi32>
            %lt3A_108 = arith.cmpi slt, %gather3A_105, %lt3A_107 : vector<16xi32>
            %and3A_109 = arith.andi %lt3A_86, %lt3A_108 : vector<16xi1>
            %broadcast_in_dim3A_110 = vector.broadcast %add3A_35 : i32 to vector<16xi32>
            tpu.vector_store_idx %arg11[%select_n3A_104], %broadcast_in_dim3A_110 masked %and3A_109 : memref<5024xi32, #tpu.memory_space<vmem>>[vector<16xi32>], vector<16xi32>, vector<16xi1>
          }
        }
        %scan3A_47 = arith.constant 0 : i32
        %scan3A_48 = arith.constant 313 : i32
        %scan3A_49 = arith.addi %scan3A_47, %scan3A_48 : i32
        %scan3A_50 = arith.constant 1 : i32
        %scan3A_51 = scf.for %scan3A_53 = %scan3A_47 to %scan3A_49 step %scan3A_50 iter_args(%scan3A_54 = %while3A_33) -> (i32)  : i32 {
          %mul3A = arith.constant 16 : i32
          %mul3A_55 = arith.muli %scan3A_53, %mul3A : i32
          %add3A_56 = vector.broadcast %mul3A_55 : i32 to vector<16xi32>
          %add3A_57 = arith.addi %add3A_56, %iota3A : vector<16xi32>
          %gather3A = tpu.vector_load_idx %arg11[%add3A_57] masked %ge3A_10 : memref<5024xi32, #tpu.memory_space<vmem>>[vector<16xi32>], vector<16xi32>, vector<16xi1>
          %eq3A_58 = vector.broadcast %add3A_35 : i32 to vector<16xi32>
          %eq3A_59 = arith.cmpi eq, %gather3A, %eq3A_58 : vector<16xi32>
          %convert_element_type3A_60 = arith.extui %eq3A_59 : vector<16xi1> to vector<16xi32>
          %broadcast_in_dim3A_61 = arith.constant true
          %broadcast_in_dim3A_62 = vector.broadcast %broadcast_in_dim3A_61 : i1 to vector<16xi1>
          %masked_cumsum3A = tpu.scan <sum>, %convert_element_type3A_60 masked %broadcast_in_dim3A_62 : vector<16xi32>, vector<16xi1> -> vector<16xi32>
          %add3A_63 = vector.broadcast %scan3A_54 : i32 to vector<16xi32>
          %add3A_64 = arith.addi %add3A_63, %masked_cumsum3A : vector<16xi32>
          %sub3A = arith.subi %add3A_64, %convert_element_type3A_60 : vector<16xi32>
          tpu.vector_store_idx %arg12[%sub3A], %add3A_57 masked %eq3A_59 : memref<5040xi32, #tpu.memory_space<vmem>>[vector<16xi32>], vector<16xi32>, vector<16xi1>
          %reduce_max3A = arith.constant true
          %reduce_max3A_65 = vector.broadcast %reduce_max3A : i1 to vector<16xi1>
          %reduce_max3A_66 = arith.constant -2147483648 : i32
          %reduce_max3A_67 = vector.broadcast %reduce_max3A_66 : i32 to vector<16xi32>
          %reduce_max3A_68 = arith.xori %masked_cumsum3A, %reduce_max3A_67 : vector<16xi32>
          %reduce_max3A_69 = tpu.scan <max>, %reduce_max3A_68 masked %reduce_max3A_65 : vector<16xi32>, vector<16xi1> -> vector<16xi32>
          %reduce_max3A_70 = arith.xori %reduce_max3A_69, %reduce_max3A_67 : vector<16xi32>
          %reduce_max3A_71 = vector.extract %reduce_max3A_70[15] : i32 from vector<16xi32>
          %add3A_72 = arith.addi %scan3A_54, %reduce_max3A_71 : i32
          scf.yield %add3A_72 : i32
        }
        %scan3A_52 = arith.constant 313 : i32
        scf.yield %while3A_33, %scan3A_51, %add3A_35 : i32, i32, i32
      }
      %broadcast_in_dim3A_24 = vector.broadcast %while3A_23#2 : i32 to vector<16xi32>
      %broadcast_in_dim3A_25 = vector.broadcast %while3A_23#1 : i32 to vector<16xi32>
      tpu.vector_store_idx %arg14[%broadcast_in_dim3A_24], %broadcast_in_dim3A_25 masked %eq3A_6 : memref<5040xi32, #tpu.memory_space<vmem>>[vector<16xi32>], vector<16xi32>, vector<16xi1>
      %broadcast_in_dim3A_26 = arith.constant 5024 : i32
      %broadcast_in_dim3A_27 = vector.broadcast %broadcast_in_dim3A_26 : i32 to vector<16xi32>
      %broadcast_in_dim3A_28 = vector.broadcast %while3A_23#2 : i32 to vector<16xi32>
      tpu.vector_store_idx %arg14[%broadcast_in_dim3A_27], %broadcast_in_dim3A_28 masked %eq3A_6 : memref<5040xi32, #tpu.memory_space<vmem>>[vector<16xi32>], vector<16xi32>, vector<16xi1>
      %jit3A = arith.constant 0 : i32
      %broadcast_in_dim3A_29 = vector.broadcast %while3A_23#1 : i32 to vector<16xi32>
      %broadcast_in_dim3A_30 = vector.broadcast %jit3A : i32 to vector<16xi32>
      %select_n3A = arith.select %eq3A_6, %broadcast_in_dim3A_29, %broadcast_in_dim3A_30 : vector<16xi1>, vector<16xi32>
      %swap3A = arith.constant 0 : index
      %swap3A_31 = tpu.vector_load %arg13[%swap3A] {strides = array<i32>} : memref<16xi32, #tpu.memory_space<vmem>>, vector<16xi32>,
      tpu.vector_store %arg13[%swap3A], %select_n3A {strides = array<i32>} : memref<16xi32, #tpu.memory_space<vmem>>, vector<16xi32>,
      "tpu.region"() ({
        %run_scoped3A = tpu.sem_alloc : memref<!tpu.dma_semaphore, #tpu.memory_space<semaphore_mem>>
        tpu.enqueue_dma source(%arg11 : memref<5024xi32, #tpu.memory_space<vmem>>) target(%arg5 : memref<5024xi32, #tpu.memory_space<hbm>>) target_semaphore(%run_scoped3A : memref<!tpu.dma_semaphore, #tpu.memory_space<semaphore_mem>>)
        tpu.wait_dma2 semaphore(%run_scoped3A : memref<!tpu.dma_semaphore, #tpu.memory_space<semaphore_mem>>) src(%arg11 : memref<5024xi32, #tpu.memory_space<vmem>>) dst(%arg5 : memref<5024xi32, #tpu.memory_space<hbm>>)
        tpu.yield
      }) : () -> ()
      "tpu.region"() ({
        %run_scoped3A = tpu.sem_alloc : memref<!tpu.dma_semaphore, #tpu.memory_space<semaphore_mem>>
        tpu.enqueue_dma source(%arg12 : memref<5040xi32, #tpu.memory_space<vmem>>) target(%arg6 : memref<5040xi32, #tpu.memory_space<hbm>>) target_semaphore(%run_scoped3A : memref<!tpu.dma_semaphore, #tpu.memory_space<semaphore_mem>>)
        tpu.wait_dma2 semaphore(%run_scoped3A : memref<!tpu.dma_semaphore, #tpu.memory_space<semaphore_mem>>) src(%arg12 : memref<5040xi32, #tpu.memory_space<vmem>>) dst(%arg6 : memref<5040xi32, #tpu.memory_space<hbm>>)
        tpu.yield
      }) : () -> ()
      "tpu.region"() ({
        %run_scoped3A = tpu.sem_alloc : memref<!tpu.dma_semaphore, #tpu.memory_space<semaphore_mem>>
        tpu.enqueue_dma source(%arg13 : memref<16xi32, #tpu.memory_space<vmem>>) target(%arg7 : memref<16xi32, #tpu.memory_space<hbm>>) target_semaphore(%run_scoped3A : memref<!tpu.dma_semaphore, #tpu.memory_space<semaphore_mem>>)
        tpu.wait_dma2 semaphore(%run_scoped3A : memref<!tpu.dma_semaphore, #tpu.memory_space<semaphore_mem>>) src(%arg13 : memref<16xi32, #tpu.memory_space<vmem>>) dst(%arg7 : memref<16xi32, #tpu.memory_space<hbm>>)
        tpu.yield
      }) : () -> ()
      "tpu.region"() ({
        %run_scoped3A = tpu.sem_alloc : memref<!tpu.dma_semaphore, #tpu.memory_space<semaphore_mem>>
        tpu.enqueue_dma source(%arg14 : memref<5040xi32, #tpu.memory_space<vmem>>) target(%arg8 : memref<5040xi32, #tpu.memory_space<hbm>>) target_semaphore(%run_scoped3A : memref<!tpu.dma_semaphore, #tpu.memory_space<semaphore_mem>>)
        tpu.wait_dma2 semaphore(%run_scoped3A : memref<!tpu.dma_semaphore, #tpu.memory_space<semaphore_mem>>) src(%arg14 : memref<5040xi32, #tpu.memory_space<vmem>>) dst(%arg8 : memref<5040xi32, #tpu.memory_space<hbm>>)
        tpu.yield
      }) : () -> ()
    } else {
    }
    return
  }
}

#map = affine_map<(d0, d1) -> (0)>
module attributes {stable_mosaic.version = 14 : i64} {
  func.func @sweep(%arg0: i32, %arg1: i32, %arg2: memref<80000xi32, #tpu.memory_space<hbm>>, %arg3: memref<5024xi32, #tpu.memory_space<hbm>>, %arg4: memref<5024xi32, #tpu.memory_space<hbm>>, %arg5: memref<5040xi32, #tpu.memory_space<hbm>>, %arg6: memref<5040xi32, #tpu.memory_space<hbm>>, %arg7: memref<5024xf32, #tpu.memory_space<hbm>>, %arg8: memref<5024xf32, #tpu.memory_space<hbm>>, %arg9: memref<5024xf32, #tpu.memory_space<hbm>>, %arg10: memref<80000xi32, #tpu.memory_space<vmem>>, %arg11: memref<5024xi32, #tpu.memory_space<vmem>>, %arg12: memref<5024xi32, #tpu.memory_space<vmem>>, %arg13: memref<5040xi32, #tpu.memory_space<vmem>>, %arg14: memref<5040xi32, #tpu.memory_space<vmem>>, %arg15: memref<5024xf32, #tpu.memory_space<vmem>>, %arg16: memref<5024xf32, #tpu.memory_space<vmem>>, %arg17: memref<512xf32, #tpu.memory_space<vmem>>, %arg18: memref<16x512xf32, #tpu.memory_space<vmem>>, %arg19: memref<16x512xf32, #tpu.memory_space<vmem_shared>>) attributes {dimension_semantics = [#tpu.dimension_semantics<core_parallel>, #tpu.dimension_semantics<subcore_parallel>], iteration_bounds = array<i64: 2, 16>, scalar_prefetch = 0 : i64, scratch_operands = 10 : i64, tpu.core_type = #tpu.core_type<sc_vector_subcore>, window_params = [{transform_indices = #map}, {transform_indices = #map}, {transform_indices = #map}, {transform_indices = #map}, {transform_indices = #map}, {transform_indices = #map}, {transform_indices = #map}, {transform_indices = #map}]} {
    %eq3A = arith.constant 0 : i32
    %eq3A_0 = arith.cmpi eq, %arg0, %eq3A : i32
    %convert_element_type3A = arith.extui %eq3A_0 : i1 to i32
    %cond3A = arith.constant 0 : i32
    %cond3A_1 = arith.cmpi ne, %convert_element_type3A, %cond3A : i32
    scf.if %cond3A_1 {
      "tpu.region"() ({
        %run_scoped3A = tpu.sem_alloc : memref<!tpu.dma_semaphore, #tpu.memory_space<semaphore_mem>>
        tpu.enqueue_dma source(%arg2 : memref<80000xi32, #tpu.memory_space<hbm>>) target(%arg10 : memref<80000xi32, #tpu.memory_space<vmem>>) target_semaphore(%run_scoped3A : memref<!tpu.dma_semaphore, #tpu.memory_space<semaphore_mem>>)
        tpu.wait_dma2 semaphore(%run_scoped3A : memref<!tpu.dma_semaphore, #tpu.memory_space<semaphore_mem>>) src(%arg2 : memref<80000xi32, #tpu.memory_space<hbm>>) dst(%arg10 : memref<80000xi32, #tpu.memory_space<vmem>>)
        tpu.yield
      }) : () -> ()
      "tpu.region"() ({
        %run_scoped3A = tpu.sem_alloc : memref<!tpu.dma_semaphore, #tpu.memory_space<semaphore_mem>>
        tpu.enqueue_dma source(%arg3 : memref<5024xi32, #tpu.memory_space<hbm>>) target(%arg11 : memref<5024xi32, #tpu.memory_space<vmem>>) target_semaphore(%run_scoped3A : memref<!tpu.dma_semaphore, #tpu.memory_space<semaphore_mem>>)
        tpu.wait_dma2 semaphore(%run_scoped3A : memref<!tpu.dma_semaphore, #tpu.memory_space<semaphore_mem>>) src(%arg3 : memref<5024xi32, #tpu.memory_space<hbm>>) dst(%arg11 : memref<5024xi32, #tpu.memory_space<vmem>>)
        tpu.yield
      }) : () -> ()
      "tpu.region"() ({
        %run_scoped3A = tpu.sem_alloc : memref<!tpu.dma_semaphore, #tpu.memory_space<semaphore_mem>>
        tpu.enqueue_dma source(%arg4 : memref<5024xi32, #tpu.memory_space<hbm>>) target(%arg12 : memref<5024xi32, #tpu.memory_space<vmem>>) target_semaphore(%run_scoped3A : memref<!tpu.dma_semaphore, #tpu.memory_space<semaphore_mem>>)
        tpu.wait_dma2 semaphore(%run_scoped3A : memref<!tpu.dma_semaphore, #tpu.memory_space<semaphore_mem>>) src(%arg4 : memref<5024xi32, #tpu.memory_space<hbm>>) dst(%arg12 : memref<5024xi32, #tpu.memory_space<vmem>>)
        tpu.yield
      }) : () -> ()
      "tpu.region"() ({
        %run_scoped3A = tpu.sem_alloc : memref<!tpu.dma_semaphore, #tpu.memory_space<semaphore_mem>>
        tpu.enqueue_dma source(%arg5 : memref<5040xi32, #tpu.memory_space<hbm>>) target(%arg13 : memref<5040xi32, #tpu.memory_space<vmem>>) target_semaphore(%run_scoped3A : memref<!tpu.dma_semaphore, #tpu.memory_space<semaphore_mem>>)
        tpu.wait_dma2 semaphore(%run_scoped3A : memref<!tpu.dma_semaphore, #tpu.memory_space<semaphore_mem>>) src(%arg5 : memref<5040xi32, #tpu.memory_space<hbm>>) dst(%arg13 : memref<5040xi32, #tpu.memory_space<vmem>>)
        tpu.yield
      }) : () -> ()
      "tpu.region"() ({
        %run_scoped3A = tpu.sem_alloc : memref<!tpu.dma_semaphore, #tpu.memory_space<semaphore_mem>>
        tpu.enqueue_dma source(%arg6 : memref<5040xi32, #tpu.memory_space<hbm>>) target(%arg14 : memref<5040xi32, #tpu.memory_space<vmem>>) target_semaphore(%run_scoped3A : memref<!tpu.dma_semaphore, #tpu.memory_space<semaphore_mem>>)
        tpu.wait_dma2 semaphore(%run_scoped3A : memref<!tpu.dma_semaphore, #tpu.memory_space<semaphore_mem>>) src(%arg6 : memref<5040xi32, #tpu.memory_space<hbm>>) dst(%arg14 : memref<5040xi32, #tpu.memory_space<vmem>>)
        tpu.yield
      }) : () -> ()
      "tpu.region"() ({
        %run_scoped3A = tpu.sem_alloc : memref<!tpu.dma_semaphore, #tpu.memory_space<semaphore_mem>>
        tpu.enqueue_dma source(%arg7 : memref<5024xf32, #tpu.memory_space<hbm>>) target(%arg15 : memref<5024xf32, #tpu.memory_space<vmem>>) target_semaphore(%run_scoped3A : memref<!tpu.dma_semaphore, #tpu.memory_space<semaphore_mem>>)
        tpu.wait_dma2 semaphore(%run_scoped3A : memref<!tpu.dma_semaphore, #tpu.memory_space<semaphore_mem>>) src(%arg7 : memref<5024xf32, #tpu.memory_space<hbm>>) dst(%arg15 : memref<5024xf32, #tpu.memory_space<vmem>>)
        tpu.yield
      }) : () -> ()
      "tpu.region"() ({
        %run_scoped3A = tpu.sem_alloc : memref<!tpu.dma_semaphore, #tpu.memory_space<semaphore_mem>>
        tpu.enqueue_dma source(%arg8 : memref<5024xf32, #tpu.memory_space<hbm>>) target(%arg16 : memref<5024xf32, #tpu.memory_space<vmem>>) target_semaphore(%run_scoped3A : memref<!tpu.dma_semaphore, #tpu.memory_space<semaphore_mem>>)
        tpu.wait_dma2 semaphore(%run_scoped3A : memref<!tpu.dma_semaphore, #tpu.memory_space<semaphore_mem>>) src(%arg8 : memref<5024xf32, #tpu.memory_space<hbm>>) dst(%arg16 : memref<5024xf32, #tpu.memory_space<vmem>>)
        tpu.yield
      }) : () -> ()
      %iota3A = tpu.iota {dimensions = array<i32: 0>} : vector<16xi32>
      %eq3A_2 = arith.constant 0 : i32
      %eq3A_3 = vector.broadcast %eq3A_2 : i32 to vector<16xi32>
      %eq3A_4 = arith.cmpi eq, %iota3A, %eq3A_3 : vector<16xi32>
      %get3A = arith.constant 5024 : i32
      %get3A_5 = arith.index_cast %get3A : i32 to index
      %get3A_6 = tpu.vector_load %arg14[%get3A_5] {strides = array<i32>} : memref<5040xi32, #tpu.memory_space<vmem>>, vector<16xi32>,
      %slice3A = vector.extract_strided_slice %get3A_6 {offsets = [0], sizes = [1], strides = [1]} : vector<16xi32> to vector<1xi32>
      %squeeze3A = vector.extract %slice3A[0] : i32 from vector<1xi32>
      %while3A = arith.constant 0 : i32
      %while3A_7 = arith.constant 0 : i32
      %while3A_8 = arith.subi %squeeze3A, %while3A_7 : i32
      %while3A_9 = arith.addi %while3A_7, %while3A_8 : i32
      %while3A_10 = arith.constant 1 : i32
      %while3A_11 = arith.divsi %while3A_8, %while3A_10 : i32
      %while3A_12 = arith.muli %while3A_11, %while3A_10 : i32
      %while3A_13 = arith.addi %while3A_7, %while3A_12 : i32
      %while3A_14 = arith.constant 1 : i32
      scf.for %while3A_21 = %while3A_7 to %while3A_13 step %while3A_14  : i32 {
        %get3A_22 = arith.index_cast %while3A_21 : i32 to index
        %get3A_23 = tpu.vector_load %arg14[%get3A_22] {strides = array<i32>} : memref<5040xi32, #tpu.memory_space<vmem>>, vector<16xi32>,
        %slice3A_24 = vector.extract_strided_slice %get3A_23 {offsets = [0], sizes = [1], strides = [1]} : vector<16xi32> to vector<1xi32>
        %squeeze3A_25 = vector.extract %slice3A_24[0] : i32 from vector<1xi32>
        %add3A = arith.constant 1 : i32
        %add3A_26 = arith.addi %while3A_21, %add3A : i32
        %get3A_27 = arith.index_cast %add3A_26 : i32 to index
        %get3A_28 = tpu.vector_load %arg14[%get3A_27] {strides = array<i32>} : memref<5040xi32, #tpu.memory_space<vmem>>, vector<16xi32>,
        %slice3A_29 = vector.extract_strided_slice %get3A_28 {offsets = [0], sizes = [1], strides = [1]} : vector<16xi32> to vector<1xi32>
        %squeeze3A_30 = vector.extract %slice3A_29[0] : i32 from vector<1xi32>
        %sub3A = arith.subi %squeeze3A_30, %squeeze3A_25 : i32
        %add3A_31 = arith.constant 15 : i32
        %add3A_32 = arith.addi %sub3A, %add3A_31 : i32
        %shift_right_arithmetic3A = arith.constant 4 : i32
        %shift_right_arithmetic3A_33 = arith.shrsi %add3A_32, %shift_right_arithmetic3A : i32
        %mul3A = arith.muli %arg1, %shift_right_arithmetic3A_33 : i32
        %add3A_34 = arith.addi %squeeze3A_25, %mul3A : i32
        %sub3A_35 = arith.subi %squeeze3A_30, %add3A_34 : i32
        %jit3A = arith.constant 0 : i32
        %max3A = arith.maxsi %jit3A, %sub3A_35 : i32
        %min3A = arith.minsi %shift_right_arithmetic3A_33, %max3A : i32
        %get3A_36 = arith.index_cast %while3A_21 : i32 to index
        %get3A_37 = tpu.vector_load %arg16[%get3A_36] {strides = array<i32>} : memref<5024xf32, #tpu.memory_space<vmem>>, vector<16xf32>,
        %slice3A_38 = vector.extract_strided_slice %get3A_37 {offsets = [0], sizes = [1], strides = [1]} : vector<16xf32> to vector<1xf32>
        %squeeze3A_39 = vector.extract %slice3A_38[0] : f32 from vector<1xf32>
        %while3A_40 = arith.constant 0 : i32
        %while3A_41 = arith.constant 0 : i32
        %while3A_42 = arith.subi %min3A, %while3A_41 : i32
        %while3A_43 = arith.addi %while3A_41, %while3A_42 : i32
        %while3A_44 = arith.constant 1 : i32
        %while3A_45 = arith.divsi %while3A_42, %while3A_44 : i32
        %while3A_46 = arith.muli %while3A_45, %while3A_44 : i32
        %while3A_47 = arith.addi %while3A_41, %while3A_46 : i32
        %while3A_48 = arith.constant 1 : i32
        scf.for %while3A_387 = %while3A_41 to %while3A_47 step %while3A_48  : i32 {
          %add3A_388 = arith.addi %add3A_34, %while3A_387 : i32
          %get3A_389 = arith.index_cast %add3A_388 : i32 to index
          %get3A_390 = tpu.vector_load %arg13[%get3A_389] {strides = array<i32>} : memref<5040xi32, #tpu.memory_space<vmem>>, vector<16xi32>,
          %slice3A_391 = vector.extract_strided_slice %get3A_390 {offsets = [0], sizes = [1], strides = [1]} : vector<16xi32> to vector<1xi32>
          %squeeze3A_392 = vector.extract %slice3A_391[0] : i32 from vector<1xi32>
          %get3A_393 = arith.index_cast %squeeze3A_392 : i32 to index
          %get3A_394 = tpu.vector_load %arg12[%get3A_393] {strides = array<i32>} : memref<5024xi32, #tpu.memory_space<vmem>>, vector<16xi32>,
          %slice3A_395 = vector.extract_strided_slice %get3A_394 {offsets = [0], sizes = [1], strides = [1]} : vector<16xi32> to vector<1xi32>
          %squeeze3A_396 = vector.extract %slice3A_395[0] : i32 from vector<1xi32>
          %get3A_397 = arith.index_cast %squeeze3A_392 : i32 to index
          %get3A_398 = tpu.vector_load %arg11[%get3A_397] {strides = array<i32>} : memref<5024xi32, #tpu.memory_space<vmem>>, vector<16xi32>,
          %slice3A_399 = vector.extract_strided_slice %get3A_398 {offsets = [0], sizes = [1], strides = [1]} : vector<16xi32> to vector<1xi32>
          %squeeze3A_400 = vector.extract %slice3A_399[0] : i32 from vector<1xi32>
          %add3A_401 = arith.constant 1 : i32
          %add3A_402 = arith.addi %squeeze3A_392, %add3A_401 : i32
          %get3A_403 = arith.index_cast %add3A_402 : i32 to index
          %get3A_404 = tpu.vector_load %arg11[%get3A_403] {strides = array<i32>} : memref<5024xi32, #tpu.memory_space<vmem>>, vector<16xi32>,
          %slice3A_405 = vector.extract_strided_slice %get3A_404 {offsets = [0], sizes = [1], strides = [1]} : vector<16xi32> to vector<1xi32>
          %squeeze3A_406 = vector.extract %slice3A_405[0] : i32 from vector<1xi32>
          %sub3A_407 = arith.subi %squeeze3A_406, %squeeze3A_400 : i32
          %add3A_408 = arith.constant 15 : i32
          %add3A_409 = arith.addi %sub3A_407, %add3A_408 : i32
          %shift_right_arithmetic3A_410 = arith.constant 4 : i32
          %shift_right_arithmetic3A_411 = arith.shrsi %add3A_409, %shift_right_arithmetic3A_410 : i32
          %broadcast_in_dim3A = arith.constant -1.000000e+30 : f32
          %broadcast_in_dim3A_412 = vector.broadcast %broadcast_in_dim3A : f32 to vector<16xf32>
          %while3A_413 = arith.constant 0 : i32
          %while3A_414 = arith.subi %shift_right_arithmetic3A_411, %while3A_413 : i32
          %while3A_415 = arith.addi %while3A_413, %while3A_414 : i32
          %while3A_416 = arith.constant 1 : i32
          %while3A_417 = arith.divsi %while3A_414, %while3A_416 : i32
          %while3A_418 = arith.muli %while3A_417, %while3A_416 : i32
          %while3A_419 = arith.addi %while3A_413, %while3A_418 : i32
          %while3A_420 = arith.constant 1 : i32
          %while3A_421 = scf.for %while3A_437 = %while3A_413 to %while3A_419 step %while3A_420 iter_args(%while3A_438 = %broadcast_in_dim3A_412) -> (vector<16xf32>)  : i32 {
            %mul3A_439 = arith.constant 16 : i32
            %mul3A_440 = arith.muli %while3A_437, %mul3A_439 : i32
            %add3A_441 = arith.addi %squeeze3A_400, %mul3A_440 : i32
            %add3A_442 = vector.broadcast %add3A_441 : i32 to vector<16xi32>
            %add3A_443 = arith.addi %add3A_442, %iota3A : vector<16xi32>
            %lt3A = vector.broadcast %squeeze3A_406 : i32 to vector<16xi32>
            %lt3A_444 = arith.cmpi slt, %add3A_443, %lt3A : vector<16xi32>
            %jit3A_445 = arith.constant 0 : i32
            %broadcast_in_dim3A_446 = vector.broadcast %jit3A_445 : i32 to vector<16xi32>
            %select_n3A_447 = arith.select %lt3A_444, %add3A_443, %broadcast_in_dim3A_446 : vector<16xi1>, vector<16xi32>
            %shift_right_arithmetic3A_448 = arith.constant 1 : i32
            %shift_right_arithmetic3A_449 = vector.broadcast %shift_right_arithmetic3A_448 : i32 to vector<16xi32>
            %shift_right_arithmetic3A_450 = arith.shrsi %select_n3A_447, %shift_right_arithmetic3A_449 : vector<16xi32>
            %gather3A = tpu.vector_load_idx %arg10[%shift_right_arithmetic3A_450] masked %lt3A_444 : memref<80000xi32, #tpu.memory_space<vmem>>[vector<16xi32>], vector<16xi32>, vector<16xi1>
            %and3A = arith.constant 1 : i32
            %and3A_451 = vector.broadcast %and3A : i32 to vector<16xi32>
            %and3A_452 = arith.andi %select_n3A_447, %and3A_451 : vector<16xi32>
            %shift_left3A = arith.constant 4 : i32
            %shift_left3A_453 = vector.broadcast %shift_left3A : i32 to vector<16xi32>
            %shift_left3A_454 = arith.shli %and3A_452, %shift_left3A_453 : vector<16xi32>
            %shift_right_arithmetic3A_455 = arith.shrsi %gather3A, %shift_left3A_454 : vector<16xi32>
            %and3A_456 = arith.constant 65535 : i32
            %and3A_457 = vector.broadcast %and3A_456 : i32 to vector<16xi32>
            %and3A_458 = arith.andi %shift_right_arithmetic3A_455, %and3A_457 : vector<16xi32>
            %jit3A_459 = arith.constant 0 : i32
            %broadcast_in_dim3A_460 = vector.broadcast %jit3A_459 : i32 to vector<16xi32>
            %select_n3A_461 = arith.select %lt3A_444, %and3A_458, %broadcast_in_dim3A_460 : vector<16xi1>, vector<16xi32>
            %gather3A_462 = tpu.vector_load_idx %arg12[%select_n3A_461] masked %lt3A_444 : memref<5024xi32, #tpu.memory_space<vmem>>[vector<16xi32>], vector<16xi32>, vector<16xi1>
            %ge3A = arith.constant 0 : i32
            %ge3A_463 = vector.broadcast %ge3A : i32 to vector<16xi32>
            %ge3A_464 = arith.cmpi sge, %gather3A_462, %ge3A_463 : vector<16xi32>
            %and3A_465 = arith.andi %lt3A_444, %ge3A_464 : vector<16xi1>
            %lt3A_466 = vector.broadcast %squeeze3A_396 : i32 to vector<16xi32>
            %lt3A_467 = arith.cmpi slt, %gather3A_462, %lt3A_466 : vector<16xi32>
            %and3A_468 = arith.andi %and3A_465, %lt3A_467 : vector<16xi1>
            %gather3A_469 = tpu.vector_load_idx %arg15[%select_n3A_461] masked %lt3A_444 : memref<5024xf32, #tpu.memory_space<vmem>>[vector<16xi32>], vector<16xf32>, vector<16xi1>
            %jit3A_470 = arith.constant -1.000000e+30 : f32
            %broadcast_in_dim3A_471 = vector.broadcast %jit3A_470 : f32 to vector<16xf32>
            %select_n3A_472 = arith.select %and3A_468, %gather3A_469, %broadcast_in_dim3A_471 : vector<16xi1>, vector<16xf32>
            %max3A_473 = arith.maximumf %while3A_438, %select_n3A_472 : vector<16xf32>
            scf.yield %max3A_473 : vector<16xf32>
          }
          %while3A_422 = arith.constant 1 : i32
          %while3A_423 = scf.for %while3A_437 = %while3A_419 to %while3A_415 step %while3A_422 iter_args(%while3A_438 = %while3A_421) -> (vector<16xf32>)  : i32 {
            %mul3A_439 = arith.constant 16 : i32
            %mul3A_440 = arith.muli %while3A_437, %mul3A_439 : i32
            %add3A_441 = arith.addi %squeeze3A_400, %mul3A_440 : i32
            %add3A_442 = vector.broadcast %add3A_441 : i32 to vector<16xi32>
            %add3A_443 = arith.addi %add3A_442, %iota3A : vector<16xi32>
            %lt3A = vector.broadcast %squeeze3A_406 : i32 to vector<16xi32>
            %lt3A_444 = arith.cmpi slt, %add3A_443, %lt3A : vector<16xi32>
            %jit3A_445 = arith.constant 0 : i32
            %broadcast_in_dim3A_446 = vector.broadcast %jit3A_445 : i32 to vector<16xi32>
            %select_n3A_447 = arith.select %lt3A_444, %add3A_443, %broadcast_in_dim3A_446 : vector<16xi1>, vector<16xi32>
            %shift_right_arithmetic3A_448 = arith.constant 1 : i32
            %shift_right_arithmetic3A_449 = vector.broadcast %shift_right_arithmetic3A_448 : i32 to vector<16xi32>
            %shift_right_arithmetic3A_450 = arith.shrsi %select_n3A_447, %shift_right_arithmetic3A_449 : vector<16xi32>
            %gather3A = tpu.vector_load_idx %arg10[%shift_right_arithmetic3A_450] masked %lt3A_444 : memref<80000xi32, #tpu.memory_space<vmem>>[vector<16xi32>], vector<16xi32>, vector<16xi1>
            %and3A = arith.constant 1 : i32
            %and3A_451 = vector.broadcast %and3A : i32 to vector<16xi32>
            %and3A_452 = arith.andi %select_n3A_447, %and3A_451 : vector<16xi32>
            %shift_left3A = arith.constant 4 : i32
            %shift_left3A_453 = vector.broadcast %shift_left3A : i32 to vector<16xi32>
            %shift_left3A_454 = arith.shli %and3A_452, %shift_left3A_453 : vector<16xi32>
            %shift_right_arithmetic3A_455 = arith.shrsi %gather3A, %shift_left3A_454 : vector<16xi32>
            %and3A_456 = arith.constant 65535 : i32
            %and3A_457 = vector.broadcast %and3A_456 : i32 to vector<16xi32>
            %and3A_458 = arith.andi %shift_right_arithmetic3A_455, %and3A_457 : vector<16xi32>
            %jit3A_459 = arith.constant 0 : i32
            %broadcast_in_dim3A_460 = vector.broadcast %jit3A_459 : i32 to vector<16xi32>
            %select_n3A_461 = arith.select %lt3A_444, %and3A_458, %broadcast_in_dim3A_460 : vector<16xi1>, vector<16xi32>
            %gather3A_462 = tpu.vector_load_idx %arg12[%select_n3A_461] masked %lt3A_444 : memref<5024xi32, #tpu.memory_space<vmem>>[vector<16xi32>], vector<16xi32>, vector<16xi1>
            %ge3A = arith.constant 0 : i32
            %ge3A_463 = vector.broadcast %ge3A : i32 to vector<16xi32>
            %ge3A_464 = arith.cmpi sge, %gather3A_462, %ge3A_463 : vector<16xi32>
            %and3A_465 = arith.andi %lt3A_444, %ge3A_464 : vector<16xi1>
            %lt3A_466 = vector.broadcast %squeeze3A_396 : i32 to vector<16xi32>
            %lt3A_467 = arith.cmpi slt, %gather3A_462, %lt3A_466 : vector<16xi32>
            %and3A_468 = arith.andi %and3A_465, %lt3A_467 : vector<16xi1>
            %gather3A_469 = tpu.vector_load_idx %arg15[%select_n3A_461] masked %lt3A_444 : memref<5024xf32, #tpu.memory_space<vmem>>[vector<16xi32>], vector<16xf32>, vector<16xi1>
            %jit3A_470 = arith.constant -1.000000e+30 : f32
            %broadcast_in_dim3A_471 = vector.broadcast %jit3A_470 : f32 to vector<16xf32>
            %select_n3A_472 = arith.select %and3A_468, %gather3A_469, %broadcast_in_dim3A_471 : vector<16xi1>, vector<16xf32>
            %max3A_473 = arith.maximumf %while3A_438, %select_n3A_472 : vector<16xf32>
            scf.yield %max3A_473 : vector<16xf32>
          }
          %reduce_max3A = arith.constant true
          %reduce_max3A_424 = vector.broadcast %reduce_max3A : i1 to vector<16xi1>
          %reduce_max3A_425 = tpu.scan <max>, %while3A_423 masked %reduce_max3A_424 : vector<16xf32>, vector<16xi1> -> vector<16xf32>
          %reduce_max3A_426 = vector.extract %reduce_max3A_425[15] : f32 from vector<16xf32>
          %gt3A = arith.constant -1.000000e+29 : f32
          %gt3A_427 = arith.cmpf ogt, %reduce_max3A_426, %gt3A : f32
          %jit3A_428 = arith.constant 1.000000e+00 : f32
          %select_n3A = arith.select %gt3A_427, %reduce_max3A_426, %jit3A_428 : f32
          %get3A_429 = arith.index_cast %squeeze3A_392 : i32 to index
          %get3A_430 = tpu.vector_load %arg15[%get3A_429] {strides = array<i32>} : memref<5024xf32, #tpu.memory_space<vmem>>, vector<16xf32>,
          %slice3A_431 = vector.extract_strided_slice %get3A_430 {offsets = [0], sizes = [1], strides = [1]} : vector<16xf32> to vector<1xf32>
          %squeeze3A_432 = vector.extract %slice3A_431[0] : f32 from vector<1xf32>
          %max3A_433 = arith.maximumf %squeeze3A_39, %squeeze3A_432 : f32
          %min3A_434 = arith.minimumf %max3A_433, %select_n3A : f32
          %broadcast_in_dim3A_435 = vector.broadcast %while3A_387 : i32 to vector<16xi32>
          %broadcast_in_dim3A_436 = vector.broadcast %min3A_434 : f32 to vector<16xf32>
          tpu.vector_store_idx %arg17[%broadcast_in_dim3A_435], %broadcast_in_dim3A_436 masked %eq3A_4 : memref<512xf32, #tpu.memory_space<vmem>>[vector<16xi32>], vector<16xf32>, vector<16xi1>
        }
        %while3A_49 = arith.constant 1 : i32
        scf.for %while3A_387 = %while3A_47 to %while3A_43 step %while3A_49  : i32 {
          %add3A_388 = arith.addi %add3A_34, %while3A_387 : i32
          %get3A_389 = arith.index_cast %add3A_388 : i32 to index
          %get3A_390 = tpu.vector_load %arg13[%get3A_389] {strides = array<i32>} : memref<5040xi32, #tpu.memory_space<vmem>>, vector<16xi32>,
          %slice3A_391 = vector.extract_strided_slice %get3A_390 {offsets = [0], sizes = [1], strides = [1]} : vector<16xi32> to vector<1xi32>
          %squeeze3A_392 = vector.extract %slice3A_391[0] : i32 from vector<1xi32>
          %get3A_393 = arith.index_cast %squeeze3A_392 : i32 to index
          %get3A_394 = tpu.vector_load %arg12[%get3A_393] {strides = array<i32>} : memref<5024xi32, #tpu.memory_space<vmem>>, vector<16xi32>,
          %slice3A_395 = vector.extract_strided_slice %get3A_394 {offsets = [0], sizes = [1], strides = [1]} : vector<16xi32> to vector<1xi32>
          %squeeze3A_396 = vector.extract %slice3A_395[0] : i32 from vector<1xi32>
          %get3A_397 = arith.index_cast %squeeze3A_392 : i32 to index
          %get3A_398 = tpu.vector_load %arg11[%get3A_397] {strides = array<i32>} : memref<5024xi32, #tpu.memory_space<vmem>>, vector<16xi32>,
          %slice3A_399 = vector.extract_strided_slice %get3A_398 {offsets = [0], sizes = [1], strides = [1]} : vector<16xi32> to vector<1xi32>
          %squeeze3A_400 = vector.extract %slice3A_399[0] : i32 from vector<1xi32>
          %add3A_401 = arith.constant 1 : i32
          %add3A_402 = arith.addi %squeeze3A_392, %add3A_401 : i32
          %get3A_403 = arith.index_cast %add3A_402 : i32 to index
          %get3A_404 = tpu.vector_load %arg11[%get3A_403] {strides = array<i32>} : memref<5024xi32, #tpu.memory_space<vmem>>, vector<16xi32>,
          %slice3A_405 = vector.extract_strided_slice %get3A_404 {offsets = [0], sizes = [1], strides = [1]} : vector<16xi32> to vector<1xi32>
          %squeeze3A_406 = vector.extract %slice3A_405[0] : i32 from vector<1xi32>
          %sub3A_407 = arith.subi %squeeze3A_406, %squeeze3A_400 : i32
          %add3A_408 = arith.constant 15 : i32
          %add3A_409 = arith.addi %sub3A_407, %add3A_408 : i32
          %shift_right_arithmetic3A_410 = arith.constant 4 : i32
          %shift_right_arithmetic3A_411 = arith.shrsi %add3A_409, %shift_right_arithmetic3A_410 : i32
          %broadcast_in_dim3A = arith.constant -1.000000e+30 : f32
          %broadcast_in_dim3A_412 = vector.broadcast %broadcast_in_dim3A : f32 to vector<16xf32>
          %while3A_413 = arith.constant 0 : i32
          %while3A_414 = arith.subi %shift_right_arithmetic3A_411, %while3A_413 : i32
          %while3A_415 = arith.addi %while3A_413, %while3A_414 : i32
          %while3A_416 = arith.constant 1 : i32
          %while3A_417 = arith.divsi %while3A_414, %while3A_416 : i32
          %while3A_418 = arith.muli %while3A_417, %while3A_416 : i32
          %while3A_419 = arith.addi %while3A_413, %while3A_418 : i32
          %while3A_420 = arith.constant 1 : i32
          %while3A_421 = scf.for %while3A_437 = %while3A_413 to %while3A_419 step %while3A_420 iter_args(%while3A_438 = %broadcast_in_dim3A_412) -> (vector<16xf32>)  : i32 {
            %mul3A_439 = arith.constant 16 : i32
            %mul3A_440 = arith.muli %while3A_437, %mul3A_439 : i32
            %add3A_441 = arith.addi %squeeze3A_400, %mul3A_440 : i32
            %add3A_442 = vector.broadcast %add3A_441 : i32 to vector<16xi32>
            %add3A_443 = arith.addi %add3A_442, %iota3A : vector<16xi32>
            %lt3A = vector.broadcast %squeeze3A_406 : i32 to vector<16xi32>
            %lt3A_444 = arith.cmpi slt, %add3A_443, %lt3A : vector<16xi32>
            %jit3A_445 = arith.constant 0 : i32
            %broadcast_in_dim3A_446 = vector.broadcast %jit3A_445 : i32 to vector<16xi32>
            %select_n3A_447 = arith.select %lt3A_444, %add3A_443, %broadcast_in_dim3A_446 : vector<16xi1>, vector<16xi32>
            %shift_right_arithmetic3A_448 = arith.constant 1 : i32
            %shift_right_arithmetic3A_449 = vector.broadcast %shift_right_arithmetic3A_448 : i32 to vector<16xi32>
            %shift_right_arithmetic3A_450 = arith.shrsi %select_n3A_447, %shift_right_arithmetic3A_449 : vector<16xi32>
            %gather3A = tpu.vector_load_idx %arg10[%shift_right_arithmetic3A_450] masked %lt3A_444 : memref<80000xi32, #tpu.memory_space<vmem>>[vector<16xi32>], vector<16xi32>, vector<16xi1>
            %and3A = arith.constant 1 : i32
            %and3A_451 = vector.broadcast %and3A : i32 to vector<16xi32>
            %and3A_452 = arith.andi %select_n3A_447, %and3A_451 : vector<16xi32>
            %shift_left3A = arith.constant 4 : i32
            %shift_left3A_453 = vector.broadcast %shift_left3A : i32 to vector<16xi32>
            %shift_left3A_454 = arith.shli %and3A_452, %shift_left3A_453 : vector<16xi32>
            %shift_right_arithmetic3A_455 = arith.shrsi %gather3A, %shift_left3A_454 : vector<16xi32>
            %and3A_456 = arith.constant 65535 : i32
            %and3A_457 = vector.broadcast %and3A_456 : i32 to vector<16xi32>
            %and3A_458 = arith.andi %shift_right_arithmetic3A_455, %and3A_457 : vector<16xi32>
            %jit3A_459 = arith.constant 0 : i32
            %broadcast_in_dim3A_460 = vector.broadcast %jit3A_459 : i32 to vector<16xi32>
            %select_n3A_461 = arith.select %lt3A_444, %and3A_458, %broadcast_in_dim3A_460 : vector<16xi1>, vector<16xi32>
            %gather3A_462 = tpu.vector_load_idx %arg12[%select_n3A_461] masked %lt3A_444 : memref<5024xi32, #tpu.memory_space<vmem>>[vector<16xi32>], vector<16xi32>, vector<16xi1>
            %ge3A = arith.constant 0 : i32
            %ge3A_463 = vector.broadcast %ge3A : i32 to vector<16xi32>
            %ge3A_464 = arith.cmpi sge, %gather3A_462, %ge3A_463 : vector<16xi32>
            %and3A_465 = arith.andi %lt3A_444, %ge3A_464 : vector<16xi1>
            %lt3A_466 = vector.broadcast %squeeze3A_396 : i32 to vector<16xi32>
            %lt3A_467 = arith.cmpi slt, %gather3A_462, %lt3A_466 : vector<16xi32>
            %and3A_468 = arith.andi %and3A_465, %lt3A_467 : vector<16xi1>
            %gather3A_469 = tpu.vector_load_idx %arg15[%select_n3A_461] masked %lt3A_444 : memref<5024xf32, #tpu.memory_space<vmem>>[vector<16xi32>], vector<16xf32>, vector<16xi1>
            %jit3A_470 = arith.constant -1.000000e+30 : f32
            %broadcast_in_dim3A_471 = vector.broadcast %jit3A_470 : f32 to vector<16xf32>
            %select_n3A_472 = arith.select %and3A_468, %gather3A_469, %broadcast_in_dim3A_471 : vector<16xi1>, vector<16xf32>
            %max3A_473 = arith.maximumf %while3A_438, %select_n3A_472 : vector<16xf32>
            scf.yield %max3A_473 : vector<16xf32>
          }
          %while3A_422 = arith.constant 1 : i32
          %while3A_423 = scf.for %while3A_437 = %while3A_419 to %while3A_415 step %while3A_422 iter_args(%while3A_438 = %while3A_421) -> (vector<16xf32>)  : i32 {
            %mul3A_439 = arith.constant 16 : i32
            %mul3A_440 = arith.muli %while3A_437, %mul3A_439 : i32
            %add3A_441 = arith.addi %squeeze3A_400, %mul3A_440 : i32
            %add3A_442 = vector.broadcast %add3A_441 : i32 to vector<16xi32>
            %add3A_443 = arith.addi %add3A_442, %iota3A : vector<16xi32>
            %lt3A = vector.broadcast %squeeze3A_406 : i32 to vector<16xi32>
            %lt3A_444 = arith.cmpi slt, %add3A_443, %lt3A : vector<16xi32>
            %jit3A_445 = arith.constant 0 : i32
            %broadcast_in_dim3A_446 = vector.broadcast %jit3A_445 : i32 to vector<16xi32>
            %select_n3A_447 = arith.select %lt3A_444, %add3A_443, %broadcast_in_dim3A_446 : vector<16xi1>, vector<16xi32>
            %shift_right_arithmetic3A_448 = arith.constant 1 : i32
            %shift_right_arithmetic3A_449 = vector.broadcast %shift_right_arithmetic3A_448 : i32 to vector<16xi32>
            %shift_right_arithmetic3A_450 = arith.shrsi %select_n3A_447, %shift_right_arithmetic3A_449 : vector<16xi32>
            %gather3A = tpu.vector_load_idx %arg10[%shift_right_arithmetic3A_450] masked %lt3A_444 : memref<80000xi32, #tpu.memory_space<vmem>>[vector<16xi32>], vector<16xi32>, vector<16xi1>
            %and3A = arith.constant 1 : i32
            %and3A_451 = vector.broadcast %and3A : i32 to vector<16xi32>
            %and3A_452 = arith.andi %select_n3A_447, %and3A_451 : vector<16xi32>
            %shift_left3A = arith.constant 4 : i32
            %shift_left3A_453 = vector.broadcast %shift_left3A : i32 to vector<16xi32>
            %shift_left3A_454 = arith.shli %and3A_452, %shift_left3A_453 : vector<16xi32>
            %shift_right_arithmetic3A_455 = arith.shrsi %gather3A, %shift_left3A_454 : vector<16xi32>
            %and3A_456 = arith.constant 65535 : i32
            %and3A_457 = vector.broadcast %and3A_456 : i32 to vector<16xi32>
            %and3A_458 = arith.andi %shift_right_arithmetic3A_455, %and3A_457 : vector<16xi32>
            %jit3A_459 = arith.constant 0 : i32
            %broadcast_in_dim3A_460 = vector.broadcast %jit3A_459 : i32 to vector<16xi32>
            %select_n3A_461 = arith.select %lt3A_444, %and3A_458, %broadcast_in_dim3A_460 : vector<16xi1>, vector<16xi32>
            %gather3A_462 = tpu.vector_load_idx %arg12[%select_n3A_461] masked %lt3A_444 : memref<5024xi32, #tpu.memory_space<vmem>>[vector<16xi32>], vector<16xi32>, vector<16xi1>
            %ge3A = arith.constant 0 : i32
            %ge3A_463 = vector.broadcast %ge3A : i32 to vector<16xi32>
            %ge3A_464 = arith.cmpi sge, %gather3A_462, %ge3A_463 : vector<16xi32>
            %and3A_465 = arith.andi %lt3A_444, %ge3A_464 : vector<16xi1>
            %lt3A_466 = vector.broadcast %squeeze3A_396 : i32 to vector<16xi32>
            %lt3A_467 = arith.cmpi slt, %gather3A_462, %lt3A_466 : vector<16xi32>
            %and3A_468 = arith.andi %and3A_465, %lt3A_467 : vector<16xi1>
            %gather3A_469 = tpu.vector_load_idx %arg15[%select_n3A_461] masked %lt3A_444 : memref<5024xf32, #tpu.memory_space<vmem>>[vector<16xi32>], vector<16xf32>, vector<16xi1>
            %jit3A_470 = arith.constant -1.000000e+30 : f32
            %broadcast_in_dim3A_471 = vector.broadcast %jit3A_470 : f32 to vector<16xf32>
            %select_n3A_472 = arith.select %and3A_468, %gather3A_469, %broadcast_in_dim3A_471 : vector<16xi1>, vector<16xf32>
            %max3A_473 = arith.maximumf %while3A_438, %select_n3A_472 : vector<16xf32>
            scf.yield %max3A_473 : vector<16xf32>
          }
          %reduce_max3A = arith.constant true
          %reduce_max3A_424 = vector.broadcast %reduce_max3A : i1 to vector<16xi1>
          %reduce_max3A_425 = tpu.scan <max>, %while3A_423 masked %reduce_max3A_424 : vector<16xf32>, vector<16xi1> -> vector<16xf32>
          %reduce_max3A_426 = vector.extract %reduce_max3A_425[15] : f32 from vector<16xf32>
          %gt3A = arith.constant -1.000000e+29 : f32
          %gt3A_427 = arith.cmpf ogt, %reduce_max3A_426, %gt3A : f32
          %jit3A_428 = arith.constant 1.000000e+00 : f32
          %select_n3A = arith.select %gt3A_427, %reduce_max3A_426, %jit3A_428 : f32
          %get3A_429 = arith.index_cast %squeeze3A_392 : i32 to index
          %get3A_430 = tpu.vector_load %arg15[%get3A_429] {strides = array<i32>} : memref<5024xf32, #tpu.memory_space<vmem>>, vector<16xf32>,
          %slice3A_431 = vector.extract_strided_slice %get3A_430 {offsets = [0], sizes = [1], strides = [1]} : vector<16xf32> to vector<1xf32>
          %squeeze3A_432 = vector.extract %slice3A_431[0] : f32 from vector<1xf32>
          %max3A_433 = arith.maximumf %squeeze3A_39, %squeeze3A_432 : f32
          %min3A_434 = arith.minimumf %max3A_433, %select_n3A : f32
          %broadcast_in_dim3A_435 = vector.broadcast %while3A_387 : i32 to vector<16xi32>
          %broadcast_in_dim3A_436 = vector.broadcast %min3A_434 : f32 to vector<16xf32>
          tpu.vector_store_idx %arg17[%broadcast_in_dim3A_435], %broadcast_in_dim3A_436 masked %eq3A_4 : memref<512xf32, #tpu.memory_space<vmem>>[vector<16xi32>], vector<16xf32>, vector<16xi1>
        }
        "tpu.region"() ({
          %run_scoped3A = tpu.sem_alloc : memref<!tpu.dma_semaphore, #tpu.memory_space<semaphore_mem>>
          %dma_start3A = arith.constant 0 : i32
          %dma_start3A_387 = tpu.memref_slice %arg19[%arg1, %dma_start3A] : memref<16x512xf32, #tpu.memory_space<vmem_shared>> -> memref<1x512xf32, #tpu.memory_space<vmem_shared>>
          %dma_start3A_388 = tpu.memref_squeeze %dma_start3A_387 : memref<1x512xf32, #tpu.memory_space<vmem_shared>> -> memref<512xf32, #tpu.memory_space<vmem_shared>>
          %dma_start3A_389 = arith.constant 0 : i32
          %dma_start3A_390 = tpu.memref_slice %arg19[%arg1, %dma_start3A_389] : memref<16x512xf32, #tpu.memory_space<vmem_shared>> -> memref<1x512xf32, #tpu.memory_space<vmem_shared>>
          %dma_start3A_391 = tpu.memref_squeeze %dma_start3A_390 : memref<1x512xf32, #tpu.memory_space<vmem_shared>> -> memref<512xf32, #tpu.memory_space<vmem_shared>>
          tpu.enqueue_dma source(%arg17 : memref<512xf32, #tpu.memory_space<vmem>>) target(%dma_start3A_391 : memref<512xf32, #tpu.memory_space<vmem_shared>>) target_semaphore(%run_scoped3A : memref<!tpu.dma_semaphore, #tpu.memory_space<semaphore_mem>>)
          %dma_wait3A = arith.constant 0 : i32
          %dma_wait3A_392 = tpu.memref_slice %arg19[%arg1, %dma_wait3A] : memref<16x512xf32, #tpu.memory_space<vmem_shared>> -> memref<1x512xf32, #tpu.memory_space<vmem_shared>>
          %dma_wait3A_393 = tpu.memref_squeeze %dma_wait3A_392 : memref<1x512xf32, #tpu.memory_space<vmem_shared>> -> memref<512xf32, #tpu.memory_space<vmem_shared>>
          %dma_wait3A_394 = arith.constant 0 : i32
          %dma_wait3A_395 = tpu.memref_slice %arg19[%arg1, %dma_wait3A_394] : memref<16x512xf32, #tpu.memory_space<vmem_shared>> -> memref<1x512xf32, #tpu.memory_space<vmem_shared>>
          %dma_wait3A_396 = tpu.memref_squeeze %dma_wait3A_395 : memref<1x512xf32, #tpu.memory_space<vmem_shared>> -> memref<512xf32, #tpu.memory_space<vmem_shared>>
          tpu.wait_dma2 semaphore(%run_scoped3A : memref<!tpu.dma_semaphore, #tpu.memory_space<semaphore_mem>>) src(%arg17 : memref<512xf32, #tpu.memory_space<vmem>>) dst(%dma_wait3A_396 : memref<512xf32, #tpu.memory_space<vmem_shared>>)
          tpu.yield
        }) : () -> ()
        %barrier3A = arith.constant 0 : index
        tpu.barrier barrier_id(%barrier3A)
        "tpu.region"() ({
          %run_scoped3A = tpu.sem_alloc : memref<!tpu.dma_semaphore, #tpu.memory_space<semaphore_mem>>
          tpu.enqueue_dma source(%arg19 : memref<16x512xf32, #tpu.memory_space<vmem_shared>>) target(%arg18 : memref<16x512xf32, #tpu.memory_space<vmem>>) target_semaphore(%run_scoped3A : memref<!tpu.dma_semaphore, #tpu.memory_space<semaphore_mem>>)
          tpu.wait_dma2 semaphore(%run_scoped3A : memref<!tpu.dma_semaphore, #tpu.memory_space<semaphore_mem>>) src(%arg19 : memref<16x512xf32, #tpu.memory_space<vmem_shared>>) dst(%arg18 : memref<16x512xf32, #tpu.memory_space<vmem>>)
          tpu.yield
        }) : () -> ()
        %barrier3A_50 = arith.constant 0 : index
        tpu.barrier barrier_id(%barrier3A_50)
        %mul3A_51 = arith.constant 0 : i32
        %mul3A_52 = arith.muli %mul3A_51, %shift_right_arithmetic3A_33 : i32
        %add3A_53 = arith.addi %squeeze3A_25, %mul3A_52 : i32
        %sub3A_54 = arith.subi %squeeze3A_30, %add3A_53 : i32
        %jit3A_55 = arith.constant 0 : i32
        %max3A_56 = arith.maxsi %jit3A_55, %sub3A_54 : i32
        %min3A_57 = arith.minsi %shift_right_arithmetic3A_33, %max3A_56 : i32
        %add3A_58 = arith.constant 15 : i32
        %add3A_59 = arith.addi %min3A_57, %add3A_58 : i32
        %shift_right_arithmetic3A_60 = arith.constant 4 : i32
        %shift_right_arithmetic3A_61 = arith.shrsi %add3A_59, %shift_right_arithmetic3A_60 : i32
        %while3A_62 = arith.constant 0 : i32
        %while3A_63 = arith.constant 0 : i32
        %while3A_64 = arith.subi %shift_right_arithmetic3A_61, %while3A_63 : i32
        %while3A_65 = arith.addi %while3A_63, %while3A_64 : i32
        %while3A_66 = arith.constant 1 : i32
        %while3A_67 = arith.divsi %while3A_64, %while3A_66 : i32
        %while3A_68 = arith.muli %while3A_67, %while3A_66 : i32
        %while3A_69 = arith.addi %while3A_63, %while3A_68 : i32
        %while3A_70 = arith.constant 1 : i32
        scf.for %while3A_387 = %while3A_63 to %while3A_69 step %while3A_70  : i32 {
          %mul3A_388 = arith.constant 16 : i32
          %mul3A_389 = arith.muli %while3A_387, %mul3A_388 : i32
          %add3A_390 = arith.addi %add3A_53, %mul3A_389 : i32
          %get3A_391 = arith.index_cast %add3A_390 : i32 to index
          %get3A_392 = tpu.vector_load %arg13[%get3A_391] {strides = array<i32>} : memref<5040xi32, #tpu.memory_space<vmem>>, vector<16xi32>,
          %get3A_393 = arith.constant 0 : i32
          %get3A_394 = arith.index_cast %get3A_393 : i32 to index
          %get3A_395 = arith.index_cast %mul3A_389 : i32 to index
          %get3A_396 = tpu.vector_load %arg18[%get3A_394, %get3A_395] {strides = array<i32>} : memref<16x512xf32, #tpu.memory_space<vmem>>, vector<16xf32>,
          %add3A_397 = vector.broadcast %mul3A_389 : i32 to vector<16xi32>
          %add3A_398 = arith.addi %add3A_397, %iota3A : vector<16xi32>
          %lt3A = vector.broadcast %min3A_57 : i32 to vector<16xi32>
          %lt3A_399 = arith.cmpi slt, %add3A_398, %lt3A : vector<16xi32>
          %jit3A_400 = arith.constant 0 : i32
          %broadcast_in_dim3A = vector.broadcast %jit3A_400 : i32 to vector<16xi32>
          %select_n3A = arith.select %lt3A_399, %get3A_392, %broadcast_in_dim3A : vector<16xi1>, vector<16xi32>
          tpu.vector_store_idx %arg15[%select_n3A], %get3A_396 masked %lt3A_399 : memref<5024xf32, #tpu.memory_space<vmem>>[vector<16xi32>], vector<16xf32>, vector<16xi1>
        }
        %while3A_71 = arith.constant 1 : i32
        scf.for %while3A_387 = %while3A_69 to %while3A_65 step %while3A_71  : i32 {
          %mul3A_388 = arith.constant 16 : i32
          %mul3A_389 = arith.muli %while3A_387, %mul3A_388 : i32
          %add3A_390 = arith.addi %add3A_53, %mul3A_389 : i32
          %get3A_391 = arith.index_cast %add3A_390 : i32 to index
          %get3A_392 = tpu.vector_load %arg13[%get3A_391] {strides = array<i32>} : memref<5040xi32, #tpu.memory_space<vmem>>, vector<16xi32>,
          %get3A_393 = arith.constant 0 : i32
          %get3A_394 = arith.index_cast %get3A_393 : i32 to index
          %get3A_395 = arith.index_cast %mul3A_389 : i32 to index
          %get3A_396 = tpu.vector_load %arg18[%get3A_394, %get3A_395] {strides = array<i32>} : memref<16x512xf32, #tpu.memory_space<vmem>>, vector<16xf32>,
          %add3A_397 = vector.broadcast %mul3A_389 : i32 to vector<16xi32>
          %add3A_398 = arith.addi %add3A_397, %iota3A : vector<16xi32>
          %lt3A = vector.broadcast %min3A_57 : i32 to vector<16xi32>
          %lt3A_399 = arith.cmpi slt, %add3A_398, %lt3A : vector<16xi32>
          %jit3A_400 = arith.constant 0 : i32
          %broadcast_in_dim3A = vector.broadcast %jit3A_400 : i32 to vector<16xi32>
          %select_n3A = arith.select %lt3A_399, %get3A_392, %broadcast_in_dim3A : vector<16xi1>, vector<16xi32>
          tpu.vector_store_idx %arg15[%select_n3A], %get3A_396 masked %lt3A_399 : memref<5024xf32, #tpu.memory_space<vmem>>[vector<16xi32>], vector<16xf32>, vector<16xi1>
        }
        %mul3A_72 = arith.constant 1 : i32
        %mul3A_73 = arith.muli %mul3A_72, %shift_right_arithmetic3A_33 : i32
        %add3A_74 = arith.addi %squeeze3A_25, %mul3A_73 : i32
        %sub3A_75 = arith.subi %squeeze3A_30, %add3A_74 : i32
        %jit3A_76 = arith.constant 0 : i32
        %max3A_77 = arith.maxsi %jit3A_76, %sub3A_75 : i32
        %min3A_78 = arith.minsi %shift_right_arithmetic3A_33, %max3A_77 : i32
        %add3A_79 = arith.constant 15 : i32
        %add3A_80 = arith.addi %min3A_78, %add3A_79 : i32
        %shift_right_arithmetic3A_81 = arith.constant 4 : i32
        %shift_right_arithmetic3A_82 = arith.shrsi %add3A_80, %shift_right_arithmetic3A_81 : i32
        %while3A_83 = arith.constant 0 : i32
        %while3A_84 = arith.constant 0 : i32
        %while3A_85 = arith.subi %shift_right_arithmetic3A_82, %while3A_84 : i32
        %while3A_86 = arith.addi %while3A_84, %while3A_85 : i32
        %while3A_87 = arith.constant 1 : i32
        %while3A_88 = arith.divsi %while3A_85, %while3A_87 : i32
        %while3A_89 = arith.muli %while3A_88, %while3A_87 : i32
        %while3A_90 = arith.addi %while3A_84, %while3A_89 : i32
        %while3A_91 = arith.constant 1 : i32
        scf.for %while3A_387 = %while3A_84 to %while3A_90 step %while3A_91  : i32 {
          %mul3A_388 = arith.constant 16 : i32
          %mul3A_389 = arith.muli %while3A_387, %mul3A_388 : i32
          %add3A_390 = arith.addi %add3A_74, %mul3A_389 : i32
          %get3A_391 = arith.index_cast %add3A_390 : i32 to index
          %get3A_392 = tpu.vector_load %arg13[%get3A_391] {strides = array<i32>} : memref<5040xi32, #tpu.memory_space<vmem>>, vector<16xi32>,
          %get3A_393 = arith.constant 1 : i32
          %get3A_394 = arith.index_cast %get3A_393 : i32 to index
          %get3A_395 = arith.index_cast %mul3A_389 : i32 to index
          %get3A_396 = tpu.vector_load %arg18[%get3A_394, %get3A_395] {strides = array<i32>} : memref<16x512xf32, #tpu.memory_space<vmem>>, vector<16xf32>,
          %add3A_397 = vector.broadcast %mul3A_389 : i32 to vector<16xi32>
          %add3A_398 = arith.addi %add3A_397, %iota3A : vector<16xi32>
          %lt3A = vector.broadcast %min3A_78 : i32 to vector<16xi32>
          %lt3A_399 = arith.cmpi slt, %add3A_398, %lt3A : vector<16xi32>
          %jit3A_400 = arith.constant 0 : i32
          %broadcast_in_dim3A = vector.broadcast %jit3A_400 : i32 to vector<16xi32>
          %select_n3A = arith.select %lt3A_399, %get3A_392, %broadcast_in_dim3A : vector<16xi1>, vector<16xi32>
          tpu.vector_store_idx %arg15[%select_n3A], %get3A_396 masked %lt3A_399 : memref<5024xf32, #tpu.memory_space<vmem>>[vector<16xi32>], vector<16xf32>, vector<16xi1>
        }
        %while3A_92 = arith.constant 1 : i32
        scf.for %while3A_387 = %while3A_90 to %while3A_86 step %while3A_92  : i32 {
          %mul3A_388 = arith.constant 16 : i32
          %mul3A_389 = arith.muli %while3A_387, %mul3A_388 : i32
          %add3A_390 = arith.addi %add3A_74, %mul3A_389 : i32
          %get3A_391 = arith.index_cast %add3A_390 : i32 to index
          %get3A_392 = tpu.vector_load %arg13[%get3A_391] {strides = array<i32>} : memref<5040xi32, #tpu.memory_space<vmem>>, vector<16xi32>,
          %get3A_393 = arith.constant 1 : i32
          %get3A_394 = arith.index_cast %get3A_393 : i32 to index
          %get3A_395 = arith.index_cast %mul3A_389 : i32 to index
          %get3A_396 = tpu.vector_load %arg18[%get3A_394, %get3A_395] {strides = array<i32>} : memref<16x512xf32, #tpu.memory_space<vmem>>, vector<16xf32>,
          %add3A_397 = vector.broadcast %mul3A_389 : i32 to vector<16xi32>
          %add3A_398 = arith.addi %add3A_397, %iota3A : vector<16xi32>
          %lt3A = vector.broadcast %min3A_78 : i32 to vector<16xi32>
          %lt3A_399 = arith.cmpi slt, %add3A_398, %lt3A : vector<16xi32>
          %jit3A_400 = arith.constant 0 : i32
          %broadcast_in_dim3A = vector.broadcast %jit3A_400 : i32 to vector<16xi32>
          %select_n3A = arith.select %lt3A_399, %get3A_392, %broadcast_in_dim3A : vector<16xi1>, vector<16xi32>
          tpu.vector_store_idx %arg15[%select_n3A], %get3A_396 masked %lt3A_399 : memref<5024xf32, #tpu.memory_space<vmem>>[vector<16xi32>], vector<16xf32>, vector<16xi1>
        }
        %mul3A_93 = arith.constant 2 : i32
        %mul3A_94 = arith.muli %mul3A_93, %shift_right_arithmetic3A_33 : i32
        %add3A_95 = arith.addi %squeeze3A_25, %mul3A_94 : i32
        %sub3A_96 = arith.subi %squeeze3A_30, %add3A_95 : i32
        %jit3A_97 = arith.constant 0 : i32
        %max3A_98 = arith.maxsi %jit3A_97, %sub3A_96 : i32
        %min3A_99 = arith.minsi %shift_right_arithmetic3A_33, %max3A_98 : i32
        %add3A_100 = arith.constant 15 : i32
        %add3A_101 = arith.addi %min3A_99, %add3A_100 : i32
        %shift_right_arithmetic3A_102 = arith.constant 4 : i32
        %shift_right_arithmetic3A_103 = arith.shrsi %add3A_101, %shift_right_arithmetic3A_102 : i32
        %while3A_104 = arith.constant 0 : i32
        %while3A_105 = arith.constant 0 : i32
        %while3A_106 = arith.subi %shift_right_arithmetic3A_103, %while3A_105 : i32
        %while3A_107 = arith.addi %while3A_105, %while3A_106 : i32
        %while3A_108 = arith.constant 1 : i32
        %while3A_109 = arith.divsi %while3A_106, %while3A_108 : i32
        %while3A_110 = arith.muli %while3A_109, %while3A_108 : i32
        %while3A_111 = arith.addi %while3A_105, %while3A_110 : i32
        %while3A_112 = arith.constant 1 : i32
        scf.for %while3A_387 = %while3A_105 to %while3A_111 step %while3A_112  : i32 {
          %mul3A_388 = arith.constant 16 : i32
          %mul3A_389 = arith.muli %while3A_387, %mul3A_388 : i32
          %add3A_390 = arith.addi %add3A_95, %mul3A_389 : i32
          %get3A_391 = arith.index_cast %add3A_390 : i32 to index
          %get3A_392 = tpu.vector_load %arg13[%get3A_391] {strides = array<i32>} : memref<5040xi32, #tpu.memory_space<vmem>>, vector<16xi32>,
          %get3A_393 = arith.constant 2 : i32
          %get3A_394 = arith.index_cast %get3A_393 : i32 to index
          %get3A_395 = arith.index_cast %mul3A_389 : i32 to index
          %get3A_396 = tpu.vector_load %arg18[%get3A_394, %get3A_395] {strides = array<i32>} : memref<16x512xf32, #tpu.memory_space<vmem>>, vector<16xf32>,
          %add3A_397 = vector.broadcast %mul3A_389 : i32 to vector<16xi32>
          %add3A_398 = arith.addi %add3A_397, %iota3A : vector<16xi32>
          %lt3A = vector.broadcast %min3A_99 : i32 to vector<16xi32>
          %lt3A_399 = arith.cmpi slt, %add3A_398, %lt3A : vector<16xi32>
          %jit3A_400 = arith.constant 0 : i32
          %broadcast_in_dim3A = vector.broadcast %jit3A_400 : i32 to vector<16xi32>
          %select_n3A = arith.select %lt3A_399, %get3A_392, %broadcast_in_dim3A : vector<16xi1>, vector<16xi32>
          tpu.vector_store_idx %arg15[%select_n3A], %get3A_396 masked %lt3A_399 : memref<5024xf32, #tpu.memory_space<vmem>>[vector<16xi32>], vector<16xf32>, vector<16xi1>
        }
        %while3A_113 = arith.constant 1 : i32
        scf.for %while3A_387 = %while3A_111 to %while3A_107 step %while3A_113  : i32 {
          %mul3A_388 = arith.constant 16 : i32
          %mul3A_389 = arith.muli %while3A_387, %mul3A_388 : i32
          %add3A_390 = arith.addi %add3A_95, %mul3A_389 : i32
          %get3A_391 = arith.index_cast %add3A_390 : i32 to index
          %get3A_392 = tpu.vector_load %arg13[%get3A_391] {strides = array<i32>} : memref<5040xi32, #tpu.memory_space<vmem>>, vector<16xi32>,
          %get3A_393 = arith.constant 2 : i32
          %get3A_394 = arith.index_cast %get3A_393 : i32 to index
          %get3A_395 = arith.index_cast %mul3A_389 : i32 to index
          %get3A_396 = tpu.vector_load %arg18[%get3A_394, %get3A_395] {strides = array<i32>} : memref<16x512xf32, #tpu.memory_space<vmem>>, vector<16xf32>,
          %add3A_397 = vector.broadcast %mul3A_389 : i32 to vector<16xi32>
          %add3A_398 = arith.addi %add3A_397, %iota3A : vector<16xi32>
          %lt3A = vector.broadcast %min3A_99 : i32 to vector<16xi32>
          %lt3A_399 = arith.cmpi slt, %add3A_398, %lt3A : vector<16xi32>
          %jit3A_400 = arith.constant 0 : i32
          %broadcast_in_dim3A = vector.broadcast %jit3A_400 : i32 to vector<16xi32>
          %select_n3A = arith.select %lt3A_399, %get3A_392, %broadcast_in_dim3A : vector<16xi1>, vector<16xi32>
          tpu.vector_store_idx %arg15[%select_n3A], %get3A_396 masked %lt3A_399 : memref<5024xf32, #tpu.memory_space<vmem>>[vector<16xi32>], vector<16xf32>, vector<16xi1>
        }
        %mul3A_114 = arith.constant 3 : i32
        %mul3A_115 = arith.muli %mul3A_114, %shift_right_arithmetic3A_33 : i32
        %add3A_116 = arith.addi %squeeze3A_25, %mul3A_115 : i32
        %sub3A_117 = arith.subi %squeeze3A_30, %add3A_116 : i32
        %jit3A_118 = arith.constant 0 : i32
        %max3A_119 = arith.maxsi %jit3A_118, %sub3A_117 : i32
        %min3A_120 = arith.minsi %shift_right_arithmetic3A_33, %max3A_119 : i32
        %add3A_121 = arith.constant 15 : i32
        %add3A_122 = arith.addi %min3A_120, %add3A_121 : i32
        %shift_right_arithmetic3A_123 = arith.constant 4 : i32
        %shift_right_arithmetic3A_124 = arith.shrsi %add3A_122, %shift_right_arithmetic3A_123 : i32
        %while3A_125 = arith.constant 0 : i32
        %while3A_126 = arith.constant 0 : i32
        %while3A_127 = arith.subi %shift_right_arithmetic3A_124, %while3A_126 : i32
        %while3A_128 = arith.addi %while3A_126, %while3A_127 : i32
        %while3A_129 = arith.constant 1 : i32
        %while3A_130 = arith.divsi %while3A_127, %while3A_129 : i32
        %while3A_131 = arith.muli %while3A_130, %while3A_129 : i32
        %while3A_132 = arith.addi %while3A_126, %while3A_131 : i32
        %while3A_133 = arith.constant 1 : i32
        scf.for %while3A_387 = %while3A_126 to %while3A_132 step %while3A_133  : i32 {
          %mul3A_388 = arith.constant 16 : i32
          %mul3A_389 = arith.muli %while3A_387, %mul3A_388 : i32
          %add3A_390 = arith.addi %add3A_116, %mul3A_389 : i32
          %get3A_391 = arith.index_cast %add3A_390 : i32 to index
          %get3A_392 = tpu.vector_load %arg13[%get3A_391] {strides = array<i32>} : memref<5040xi32, #tpu.memory_space<vmem>>, vector<16xi32>,
          %get3A_393 = arith.constant 3 : i32
          %get3A_394 = arith.index_cast %get3A_393 : i32 to index
          %get3A_395 = arith.index_cast %mul3A_389 : i32 to index
          %get3A_396 = tpu.vector_load %arg18[%get3A_394, %get3A_395] {strides = array<i32>} : memref<16x512xf32, #tpu.memory_space<vmem>>, vector<16xf32>,
          %add3A_397 = vector.broadcast %mul3A_389 : i32 to vector<16xi32>
          %add3A_398 = arith.addi %add3A_397, %iota3A : vector<16xi32>
          %lt3A = vector.broadcast %min3A_120 : i32 to vector<16xi32>
          %lt3A_399 = arith.cmpi slt, %add3A_398, %lt3A : vector<16xi32>
          %jit3A_400 = arith.constant 0 : i32
          %broadcast_in_dim3A = vector.broadcast %jit3A_400 : i32 to vector<16xi32>
          %select_n3A = arith.select %lt3A_399, %get3A_392, %broadcast_in_dim3A : vector<16xi1>, vector<16xi32>
          tpu.vector_store_idx %arg15[%select_n3A], %get3A_396 masked %lt3A_399 : memref<5024xf32, #tpu.memory_space<vmem>>[vector<16xi32>], vector<16xf32>, vector<16xi1>
        }
        %while3A_134 = arith.constant 1 : i32
        scf.for %while3A_387 = %while3A_132 to %while3A_128 step %while3A_134  : i32 {
          %mul3A_388 = arith.constant 16 : i32
          %mul3A_389 = arith.muli %while3A_387, %mul3A_388 : i32
          %add3A_390 = arith.addi %add3A_116, %mul3A_389 : i32
          %get3A_391 = arith.index_cast %add3A_390 : i32 to index
          %get3A_392 = tpu.vector_load %arg13[%get3A_391] {strides = array<i32>} : memref<5040xi32, #tpu.memory_space<vmem>>, vector<16xi32>,
          %get3A_393 = arith.constant 3 : i32
          %get3A_394 = arith.index_cast %get3A_393 : i32 to index
          %get3A_395 = arith.index_cast %mul3A_389 : i32 to index
          %get3A_396 = tpu.vector_load %arg18[%get3A_394, %get3A_395] {strides = array<i32>} : memref<16x512xf32, #tpu.memory_space<vmem>>, vector<16xf32>,
          %add3A_397 = vector.broadcast %mul3A_389 : i32 to vector<16xi32>
          %add3A_398 = arith.addi %add3A_397, %iota3A : vector<16xi32>
          %lt3A = vector.broadcast %min3A_120 : i32 to vector<16xi32>
          %lt3A_399 = arith.cmpi slt, %add3A_398, %lt3A : vector<16xi32>
          %jit3A_400 = arith.constant 0 : i32
          %broadcast_in_dim3A = vector.broadcast %jit3A_400 : i32 to vector<16xi32>
          %select_n3A = arith.select %lt3A_399, %get3A_392, %broadcast_in_dim3A : vector<16xi1>, vector<16xi32>
          tpu.vector_store_idx %arg15[%select_n3A], %get3A_396 masked %lt3A_399 : memref<5024xf32, #tpu.memory_space<vmem>>[vector<16xi32>], vector<16xf32>, vector<16xi1>
        }
        %mul3A_135 = arith.constant 4 : i32
        %mul3A_136 = arith.muli %mul3A_135, %shift_right_arithmetic3A_33 : i32
        %add3A_137 = arith.addi %squeeze3A_25, %mul3A_136 : i32
        %sub3A_138 = arith.subi %squeeze3A_30, %add3A_137 : i32
        %jit3A_139 = arith.constant 0 : i32
        %max3A_140 = arith.maxsi %jit3A_139, %sub3A_138 : i32
        %min3A_141 = arith.minsi %shift_right_arithmetic3A_33, %max3A_140 : i32
        %add3A_142 = arith.constant 15 : i32
        %add3A_143 = arith.addi %min3A_141, %add3A_142 : i32
        %shift_right_arithmetic3A_144 = arith.constant 4 : i32
        %shift_right_arithmetic3A_145 = arith.shrsi %add3A_143, %shift_right_arithmetic3A_144 : i32
        %while3A_146 = arith.constant 0 : i32
        %while3A_147 = arith.constant 0 : i32
        %while3A_148 = arith.subi %shift_right_arithmetic3A_145, %while3A_147 : i32
        %while3A_149 = arith.addi %while3A_147, %while3A_148 : i32
        %while3A_150 = arith.constant 1 : i32
        %while3A_151 = arith.divsi %while3A_148, %while3A_150 : i32
        %while3A_152 = arith.muli %while3A_151, %while3A_150 : i32
        %while3A_153 = arith.addi %while3A_147, %while3A_152 : i32
        %while3A_154 = arith.constant 1 : i32
        scf.for %while3A_387 = %while3A_147 to %while3A_153 step %while3A_154  : i32 {
          %mul3A_388 = arith.constant 16 : i32
          %mul3A_389 = arith.muli %while3A_387, %mul3A_388 : i32
          %add3A_390 = arith.addi %add3A_137, %mul3A_389 : i32
          %get3A_391 = arith.index_cast %add3A_390 : i32 to index
          %get3A_392 = tpu.vector_load %arg13[%get3A_391] {strides = array<i32>} : memref<5040xi32, #tpu.memory_space<vmem>>, vector<16xi32>,
          %get3A_393 = arith.constant 4 : i32
          %get3A_394 = arith.index_cast %get3A_393 : i32 to index
          %get3A_395 = arith.index_cast %mul3A_389 : i32 to index
          %get3A_396 = tpu.vector_load %arg18[%get3A_394, %get3A_395] {strides = array<i32>} : memref<16x512xf32, #tpu.memory_space<vmem>>, vector<16xf32>,
          %add3A_397 = vector.broadcast %mul3A_389 : i32 to vector<16xi32>
          %add3A_398 = arith.addi %add3A_397, %iota3A : vector<16xi32>
          %lt3A = vector.broadcast %min3A_141 : i32 to vector<16xi32>
          %lt3A_399 = arith.cmpi slt, %add3A_398, %lt3A : vector<16xi32>
          %jit3A_400 = arith.constant 0 : i32
          %broadcast_in_dim3A = vector.broadcast %jit3A_400 : i32 to vector<16xi32>
          %select_n3A = arith.select %lt3A_399, %get3A_392, %broadcast_in_dim3A : vector<16xi1>, vector<16xi32>
          tpu.vector_store_idx %arg15[%select_n3A], %get3A_396 masked %lt3A_399 : memref<5024xf32, #tpu.memory_space<vmem>>[vector<16xi32>], vector<16xf32>, vector<16xi1>
        }
        %while3A_155 = arith.constant 1 : i32
        scf.for %while3A_387 = %while3A_153 to %while3A_149 step %while3A_155  : i32 {
          %mul3A_388 = arith.constant 16 : i32
          %mul3A_389 = arith.muli %while3A_387, %mul3A_388 : i32
          %add3A_390 = arith.addi %add3A_137, %mul3A_389 : i32
          %get3A_391 = arith.index_cast %add3A_390 : i32 to index
          %get3A_392 = tpu.vector_load %arg13[%get3A_391] {strides = array<i32>} : memref<5040xi32, #tpu.memory_space<vmem>>, vector<16xi32>,
          %get3A_393 = arith.constant 4 : i32
          %get3A_394 = arith.index_cast %get3A_393 : i32 to index
          %get3A_395 = arith.index_cast %mul3A_389 : i32 to index
          %get3A_396 = tpu.vector_load %arg18[%get3A_394, %get3A_395] {strides = array<i32>} : memref<16x512xf32, #tpu.memory_space<vmem>>, vector<16xf32>,
          %add3A_397 = vector.broadcast %mul3A_389 : i32 to vector<16xi32>
          %add3A_398 = arith.addi %add3A_397, %iota3A : vector<16xi32>
          %lt3A = vector.broadcast %min3A_141 : i32 to vector<16xi32>
          %lt3A_399 = arith.cmpi slt, %add3A_398, %lt3A : vector<16xi32>
          %jit3A_400 = arith.constant 0 : i32
          %broadcast_in_dim3A = vector.broadcast %jit3A_400 : i32 to vector<16xi32>
          %select_n3A = arith.select %lt3A_399, %get3A_392, %broadcast_in_dim3A : vector<16xi1>, vector<16xi32>
          tpu.vector_store_idx %arg15[%select_n3A], %get3A_396 masked %lt3A_399 : memref<5024xf32, #tpu.memory_space<vmem>>[vector<16xi32>], vector<16xf32>, vector<16xi1>
        }
        %mul3A_156 = arith.constant 5 : i32
        %mul3A_157 = arith.muli %mul3A_156, %shift_right_arithmetic3A_33 : i32
        %add3A_158 = arith.addi %squeeze3A_25, %mul3A_157 : i32
        %sub3A_159 = arith.subi %squeeze3A_30, %add3A_158 : i32
        %jit3A_160 = arith.constant 0 : i32
        %max3A_161 = arith.maxsi %jit3A_160, %sub3A_159 : i32
        %min3A_162 = arith.minsi %shift_right_arithmetic3A_33, %max3A_161 : i32
        %add3A_163 = arith.constant 15 : i32
        %add3A_164 = arith.addi %min3A_162, %add3A_163 : i32
        %shift_right_arithmetic3A_165 = arith.constant 4 : i32
        %shift_right_arithmetic3A_166 = arith.shrsi %add3A_164, %shift_right_arithmetic3A_165 : i32
        %while3A_167 = arith.constant 0 : i32
        %while3A_168 = arith.constant 0 : i32
        %while3A_169 = arith.subi %shift_right_arithmetic3A_166, %while3A_168 : i32
        %while3A_170 = arith.addi %while3A_168, %while3A_169 : i32
        %while3A_171 = arith.constant 1 : i32
        %while3A_172 = arith.divsi %while3A_169, %while3A_171 : i32
        %while3A_173 = arith.muli %while3A_172, %while3A_171 : i32
        %while3A_174 = arith.addi %while3A_168, %while3A_173 : i32
        %while3A_175 = arith.constant 1 : i32
        scf.for %while3A_387 = %while3A_168 to %while3A_174 step %while3A_175  : i32 {
          %mul3A_388 = arith.constant 16 : i32
          %mul3A_389 = arith.muli %while3A_387, %mul3A_388 : i32
          %add3A_390 = arith.addi %add3A_158, %mul3A_389 : i32
          %get3A_391 = arith.index_cast %add3A_390 : i32 to index
          %get3A_392 = tpu.vector_load %arg13[%get3A_391] {strides = array<i32>} : memref<5040xi32, #tpu.memory_space<vmem>>, vector<16xi32>,
          %get3A_393 = arith.constant 5 : i32
          %get3A_394 = arith.index_cast %get3A_393 : i32 to index
          %get3A_395 = arith.index_cast %mul3A_389 : i32 to index
          %get3A_396 = tpu.vector_load %arg18[%get3A_394, %get3A_395] {strides = array<i32>} : memref<16x512xf32, #tpu.memory_space<vmem>>, vector<16xf32>,
          %add3A_397 = vector.broadcast %mul3A_389 : i32 to vector<16xi32>
          %add3A_398 = arith.addi %add3A_397, %iota3A : vector<16xi32>
          %lt3A = vector.broadcast %min3A_162 : i32 to vector<16xi32>
          %lt3A_399 = arith.cmpi slt, %add3A_398, %lt3A : vector<16xi32>
          %jit3A_400 = arith.constant 0 : i32
          %broadcast_in_dim3A = vector.broadcast %jit3A_400 : i32 to vector<16xi32>
          %select_n3A = arith.select %lt3A_399, %get3A_392, %broadcast_in_dim3A : vector<16xi1>, vector<16xi32>
          tpu.vector_store_idx %arg15[%select_n3A], %get3A_396 masked %lt3A_399 : memref<5024xf32, #tpu.memory_space<vmem>>[vector<16xi32>], vector<16xf32>, vector<16xi1>
        }
        %while3A_176 = arith.constant 1 : i32
        scf.for %while3A_387 = %while3A_174 to %while3A_170 step %while3A_176  : i32 {
          %mul3A_388 = arith.constant 16 : i32
          %mul3A_389 = arith.muli %while3A_387, %mul3A_388 : i32
          %add3A_390 = arith.addi %add3A_158, %mul3A_389 : i32
          %get3A_391 = arith.index_cast %add3A_390 : i32 to index
          %get3A_392 = tpu.vector_load %arg13[%get3A_391] {strides = array<i32>} : memref<5040xi32, #tpu.memory_space<vmem>>, vector<16xi32>,
          %get3A_393 = arith.constant 5 : i32
          %get3A_394 = arith.index_cast %get3A_393 : i32 to index
          %get3A_395 = arith.index_cast %mul3A_389 : i32 to index
          %get3A_396 = tpu.vector_load %arg18[%get3A_394, %get3A_395] {strides = array<i32>} : memref<16x512xf32, #tpu.memory_space<vmem>>, vector<16xf32>,
          %add3A_397 = vector.broadcast %mul3A_389 : i32 to vector<16xi32>
          %add3A_398 = arith.addi %add3A_397, %iota3A : vector<16xi32>
          %lt3A = vector.broadcast %min3A_162 : i32 to vector<16xi32>
          %lt3A_399 = arith.cmpi slt, %add3A_398, %lt3A : vector<16xi32>
          %jit3A_400 = arith.constant 0 : i32
          %broadcast_in_dim3A = vector.broadcast %jit3A_400 : i32 to vector<16xi32>
          %select_n3A = arith.select %lt3A_399, %get3A_392, %broadcast_in_dim3A : vector<16xi1>, vector<16xi32>
          tpu.vector_store_idx %arg15[%select_n3A], %get3A_396 masked %lt3A_399 : memref<5024xf32, #tpu.memory_space<vmem>>[vector<16xi32>], vector<16xf32>, vector<16xi1>
        }
        %mul3A_177 = arith.constant 6 : i32
        %mul3A_178 = arith.muli %mul3A_177, %shift_right_arithmetic3A_33 : i32
        %add3A_179 = arith.addi %squeeze3A_25, %mul3A_178 : i32
        %sub3A_180 = arith.subi %squeeze3A_30, %add3A_179 : i32
        %jit3A_181 = arith.constant 0 : i32
        %max3A_182 = arith.maxsi %jit3A_181, %sub3A_180 : i32
        %min3A_183 = arith.minsi %shift_right_arithmetic3A_33, %max3A_182 : i32
        %add3A_184 = arith.constant 15 : i32
        %add3A_185 = arith.addi %min3A_183, %add3A_184 : i32
        %shift_right_arithmetic3A_186 = arith.constant 4 : i32
        %shift_right_arithmetic3A_187 = arith.shrsi %add3A_185, %shift_right_arithmetic3A_186 : i32
        %while3A_188 = arith.constant 0 : i32
        %while3A_189 = arith.constant 0 : i32
        %while3A_190 = arith.subi %shift_right_arithmetic3A_187, %while3A_189 : i32
        %while3A_191 = arith.addi %while3A_189, %while3A_190 : i32
        %while3A_192 = arith.constant 1 : i32
        %while3A_193 = arith.divsi %while3A_190, %while3A_192 : i32
        %while3A_194 = arith.muli %while3A_193, %while3A_192 : i32
        %while3A_195 = arith.addi %while3A_189, %while3A_194 : i32
        %while3A_196 = arith.constant 1 : i32
        scf.for %while3A_387 = %while3A_189 to %while3A_195 step %while3A_196  : i32 {
          %mul3A_388 = arith.constant 16 : i32
          %mul3A_389 = arith.muli %while3A_387, %mul3A_388 : i32
          %add3A_390 = arith.addi %add3A_179, %mul3A_389 : i32
          %get3A_391 = arith.index_cast %add3A_390 : i32 to index
          %get3A_392 = tpu.vector_load %arg13[%get3A_391] {strides = array<i32>} : memref<5040xi32, #tpu.memory_space<vmem>>, vector<16xi32>,
          %get3A_393 = arith.constant 6 : i32
          %get3A_394 = arith.index_cast %get3A_393 : i32 to index
          %get3A_395 = arith.index_cast %mul3A_389 : i32 to index
          %get3A_396 = tpu.vector_load %arg18[%get3A_394, %get3A_395] {strides = array<i32>} : memref<16x512xf32, #tpu.memory_space<vmem>>, vector<16xf32>,
          %add3A_397 = vector.broadcast %mul3A_389 : i32 to vector<16xi32>
          %add3A_398 = arith.addi %add3A_397, %iota3A : vector<16xi32>
          %lt3A = vector.broadcast %min3A_183 : i32 to vector<16xi32>
          %lt3A_399 = arith.cmpi slt, %add3A_398, %lt3A : vector<16xi32>
          %jit3A_400 = arith.constant 0 : i32
          %broadcast_in_dim3A = vector.broadcast %jit3A_400 : i32 to vector<16xi32>
          %select_n3A = arith.select %lt3A_399, %get3A_392, %broadcast_in_dim3A : vector<16xi1>, vector<16xi32>
          tpu.vector_store_idx %arg15[%select_n3A], %get3A_396 masked %lt3A_399 : memref<5024xf32, #tpu.memory_space<vmem>>[vector<16xi32>], vector<16xf32>, vector<16xi1>
        }
        %while3A_197 = arith.constant 1 : i32
        scf.for %while3A_387 = %while3A_195 to %while3A_191 step %while3A_197  : i32 {
          %mul3A_388 = arith.constant 16 : i32
          %mul3A_389 = arith.muli %while3A_387, %mul3A_388 : i32
          %add3A_390 = arith.addi %add3A_179, %mul3A_389 : i32
          %get3A_391 = arith.index_cast %add3A_390 : i32 to index
          %get3A_392 = tpu.vector_load %arg13[%get3A_391] {strides = array<i32>} : memref<5040xi32, #tpu.memory_space<vmem>>, vector<16xi32>,
          %get3A_393 = arith.constant 6 : i32
          %get3A_394 = arith.index_cast %get3A_393 : i32 to index
          %get3A_395 = arith.index_cast %mul3A_389 : i32 to index
          %get3A_396 = tpu.vector_load %arg18[%get3A_394, %get3A_395] {strides = array<i32>} : memref<16x512xf32, #tpu.memory_space<vmem>>, vector<16xf32>,
          %add3A_397 = vector.broadcast %mul3A_389 : i32 to vector<16xi32>
          %add3A_398 = arith.addi %add3A_397, %iota3A : vector<16xi32>
          %lt3A = vector.broadcast %min3A_183 : i32 to vector<16xi32>
          %lt3A_399 = arith.cmpi slt, %add3A_398, %lt3A : vector<16xi32>
          %jit3A_400 = arith.constant 0 : i32
          %broadcast_in_dim3A = vector.broadcast %jit3A_400 : i32 to vector<16xi32>
          %select_n3A = arith.select %lt3A_399, %get3A_392, %broadcast_in_dim3A : vector<16xi1>, vector<16xi32>
          tpu.vector_store_idx %arg15[%select_n3A], %get3A_396 masked %lt3A_399 : memref<5024xf32, #tpu.memory_space<vmem>>[vector<16xi32>], vector<16xf32>, vector<16xi1>
        }
        %mul3A_198 = arith.constant 7 : i32
        %mul3A_199 = arith.muli %mul3A_198, %shift_right_arithmetic3A_33 : i32
        %add3A_200 = arith.addi %squeeze3A_25, %mul3A_199 : i32
        %sub3A_201 = arith.subi %squeeze3A_30, %add3A_200 : i32
        %jit3A_202 = arith.constant 0 : i32
        %max3A_203 = arith.maxsi %jit3A_202, %sub3A_201 : i32
        %min3A_204 = arith.minsi %shift_right_arithmetic3A_33, %max3A_203 : i32
        %add3A_205 = arith.constant 15 : i32
        %add3A_206 = arith.addi %min3A_204, %add3A_205 : i32
        %shift_right_arithmetic3A_207 = arith.constant 4 : i32
        %shift_right_arithmetic3A_208 = arith.shrsi %add3A_206, %shift_right_arithmetic3A_207 : i32
        %while3A_209 = arith.constant 0 : i32
        %while3A_210 = arith.constant 0 : i32
        %while3A_211 = arith.subi %shift_right_arithmetic3A_208, %while3A_210 : i32
        %while3A_212 = arith.addi %while3A_210, %while3A_211 : i32
        %while3A_213 = arith.constant 1 : i32
        %while3A_214 = arith.divsi %while3A_211, %while3A_213 : i32
        %while3A_215 = arith.muli %while3A_214, %while3A_213 : i32
        %while3A_216 = arith.addi %while3A_210, %while3A_215 : i32
        %while3A_217 = arith.constant 1 : i32
        scf.for %while3A_387 = %while3A_210 to %while3A_216 step %while3A_217  : i32 {
          %mul3A_388 = arith.constant 16 : i32
          %mul3A_389 = arith.muli %while3A_387, %mul3A_388 : i32
          %add3A_390 = arith.addi %add3A_200, %mul3A_389 : i32
          %get3A_391 = arith.index_cast %add3A_390 : i32 to index
          %get3A_392 = tpu.vector_load %arg13[%get3A_391] {strides = array<i32>} : memref<5040xi32, #tpu.memory_space<vmem>>, vector<16xi32>,
          %get3A_393 = arith.constant 7 : i32
          %get3A_394 = arith.index_cast %get3A_393 : i32 to index
          %get3A_395 = arith.index_cast %mul3A_389 : i32 to index
          %get3A_396 = tpu.vector_load %arg18[%get3A_394, %get3A_395] {strides = array<i32>} : memref<16x512xf32, #tpu.memory_space<vmem>>, vector<16xf32>,
          %add3A_397 = vector.broadcast %mul3A_389 : i32 to vector<16xi32>
          %add3A_398 = arith.addi %add3A_397, %iota3A : vector<16xi32>
          %lt3A = vector.broadcast %min3A_204 : i32 to vector<16xi32>
          %lt3A_399 = arith.cmpi slt, %add3A_398, %lt3A : vector<16xi32>
          %jit3A_400 = arith.constant 0 : i32
          %broadcast_in_dim3A = vector.broadcast %jit3A_400 : i32 to vector<16xi32>
          %select_n3A = arith.select %lt3A_399, %get3A_392, %broadcast_in_dim3A : vector<16xi1>, vector<16xi32>
          tpu.vector_store_idx %arg15[%select_n3A], %get3A_396 masked %lt3A_399 : memref<5024xf32, #tpu.memory_space<vmem>>[vector<16xi32>], vector<16xf32>, vector<16xi1>
        }
        %while3A_218 = arith.constant 1 : i32
        scf.for %while3A_387 = %while3A_216 to %while3A_212 step %while3A_218  : i32 {
          %mul3A_388 = arith.constant 16 : i32
          %mul3A_389 = arith.muli %while3A_387, %mul3A_388 : i32
          %add3A_390 = arith.addi %add3A_200, %mul3A_389 : i32
          %get3A_391 = arith.index_cast %add3A_390 : i32 to index
          %get3A_392 = tpu.vector_load %arg13[%get3A_391] {strides = array<i32>} : memref<5040xi32, #tpu.memory_space<vmem>>, vector<16xi32>,
          %get3A_393 = arith.constant 7 : i32
          %get3A_394 = arith.index_cast %get3A_393 : i32 to index
          %get3A_395 = arith.index_cast %mul3A_389 : i32 to index
          %get3A_396 = tpu.vector_load %arg18[%get3A_394, %get3A_395] {strides = array<i32>} : memref<16x512xf32, #tpu.memory_space<vmem>>, vector<16xf32>,
          %add3A_397 = vector.broadcast %mul3A_389 : i32 to vector<16xi32>
          %add3A_398 = arith.addi %add3A_397, %iota3A : vector<16xi32>
          %lt3A = vector.broadcast %min3A_204 : i32 to vector<16xi32>
          %lt3A_399 = arith.cmpi slt, %add3A_398, %lt3A : vector<16xi32>
          %jit3A_400 = arith.constant 0 : i32
          %broadcast_in_dim3A = vector.broadcast %jit3A_400 : i32 to vector<16xi32>
          %select_n3A = arith.select %lt3A_399, %get3A_392, %broadcast_in_dim3A : vector<16xi1>, vector<16xi32>
          tpu.vector_store_idx %arg15[%select_n3A], %get3A_396 masked %lt3A_399 : memref<5024xf32, #tpu.memory_space<vmem>>[vector<16xi32>], vector<16xf32>, vector<16xi1>
        }
        %mul3A_219 = arith.constant 8 : i32
        %mul3A_220 = arith.muli %mul3A_219, %shift_right_arithmetic3A_33 : i32
        %add3A_221 = arith.addi %squeeze3A_25, %mul3A_220 : i32
        %sub3A_222 = arith.subi %squeeze3A_30, %add3A_221 : i32
        %jit3A_223 = arith.constant 0 : i32
        %max3A_224 = arith.maxsi %jit3A_223, %sub3A_222 : i32
        %min3A_225 = arith.minsi %shift_right_arithmetic3A_33, %max3A_224 : i32
        %add3A_226 = arith.constant 15 : i32
        %add3A_227 = arith.addi %min3A_225, %add3A_226 : i32
        %shift_right_arithmetic3A_228 = arith.constant 4 : i32
        %shift_right_arithmetic3A_229 = arith.shrsi %add3A_227, %shift_right_arithmetic3A_228 : i32
        %while3A_230 = arith.constant 0 : i32
        %while3A_231 = arith.constant 0 : i32
        %while3A_232 = arith.subi %shift_right_arithmetic3A_229, %while3A_231 : i32
        %while3A_233 = arith.addi %while3A_231, %while3A_232 : i32
        %while3A_234 = arith.constant 1 : i32
        %while3A_235 = arith.divsi %while3A_232, %while3A_234 : i32
        %while3A_236 = arith.muli %while3A_235, %while3A_234 : i32
        %while3A_237 = arith.addi %while3A_231, %while3A_236 : i32
        %while3A_238 = arith.constant 1 : i32
        scf.for %while3A_387 = %while3A_231 to %while3A_237 step %while3A_238  : i32 {
          %mul3A_388 = arith.constant 16 : i32
          %mul3A_389 = arith.muli %while3A_387, %mul3A_388 : i32
          %add3A_390 = arith.addi %add3A_221, %mul3A_389 : i32
          %get3A_391 = arith.index_cast %add3A_390 : i32 to index
          %get3A_392 = tpu.vector_load %arg13[%get3A_391] {strides = array<i32>} : memref<5040xi32, #tpu.memory_space<vmem>>, vector<16xi32>,
          %get3A_393 = arith.constant 8 : i32
          %get3A_394 = arith.index_cast %get3A_393 : i32 to index
          %get3A_395 = arith.index_cast %mul3A_389 : i32 to index
          %get3A_396 = tpu.vector_load %arg18[%get3A_394, %get3A_395] {strides = array<i32>} : memref<16x512xf32, #tpu.memory_space<vmem>>, vector<16xf32>,
          %add3A_397 = vector.broadcast %mul3A_389 : i32 to vector<16xi32>
          %add3A_398 = arith.addi %add3A_397, %iota3A : vector<16xi32>
          %lt3A = vector.broadcast %min3A_225 : i32 to vector<16xi32>
          %lt3A_399 = arith.cmpi slt, %add3A_398, %lt3A : vector<16xi32>
          %jit3A_400 = arith.constant 0 : i32
          %broadcast_in_dim3A = vector.broadcast %jit3A_400 : i32 to vector<16xi32>
          %select_n3A = arith.select %lt3A_399, %get3A_392, %broadcast_in_dim3A : vector<16xi1>, vector<16xi32>
          tpu.vector_store_idx %arg15[%select_n3A], %get3A_396 masked %lt3A_399 : memref<5024xf32, #tpu.memory_space<vmem>>[vector<16xi32>], vector<16xf32>, vector<16xi1>
        }
        %while3A_239 = arith.constant 1 : i32
        scf.for %while3A_387 = %while3A_237 to %while3A_233 step %while3A_239  : i32 {
          %mul3A_388 = arith.constant 16 : i32
          %mul3A_389 = arith.muli %while3A_387, %mul3A_388 : i32
          %add3A_390 = arith.addi %add3A_221, %mul3A_389 : i32
          %get3A_391 = arith.index_cast %add3A_390 : i32 to index
          %get3A_392 = tpu.vector_load %arg13[%get3A_391] {strides = array<i32>} : memref<5040xi32, #tpu.memory_space<vmem>>, vector<16xi32>,
          %get3A_393 = arith.constant 8 : i32
          %get3A_394 = arith.index_cast %get3A_393 : i32 to index
          %get3A_395 = arith.index_cast %mul3A_389 : i32 to index
          %get3A_396 = tpu.vector_load %arg18[%get3A_394, %get3A_395] {strides = array<i32>} : memref<16x512xf32, #tpu.memory_space<vmem>>, vector<16xf32>,
          %add3A_397 = vector.broadcast %mul3A_389 : i32 to vector<16xi32>
          %add3A_398 = arith.addi %add3A_397, %iota3A : vector<16xi32>
          %lt3A = vector.broadcast %min3A_225 : i32 to vector<16xi32>
          %lt3A_399 = arith.cmpi slt, %add3A_398, %lt3A : vector<16xi32>
          %jit3A_400 = arith.constant 0 : i32
          %broadcast_in_dim3A = vector.broadcast %jit3A_400 : i32 to vector<16xi32>
          %select_n3A = arith.select %lt3A_399, %get3A_392, %broadcast_in_dim3A : vector<16xi1>, vector<16xi32>
          tpu.vector_store_idx %arg15[%select_n3A], %get3A_396 masked %lt3A_399 : memref<5024xf32, #tpu.memory_space<vmem>>[vector<16xi32>], vector<16xf32>, vector<16xi1>
        }
        %mul3A_240 = arith.constant 9 : i32
        %mul3A_241 = arith.muli %mul3A_240, %shift_right_arithmetic3A_33 : i32
        %add3A_242 = arith.addi %squeeze3A_25, %mul3A_241 : i32
        %sub3A_243 = arith.subi %squeeze3A_30, %add3A_242 : i32
        %jit3A_244 = arith.constant 0 : i32
        %max3A_245 = arith.maxsi %jit3A_244, %sub3A_243 : i32
        %min3A_246 = arith.minsi %shift_right_arithmetic3A_33, %max3A_245 : i32
        %add3A_247 = arith.constant 15 : i32
        %add3A_248 = arith.addi %min3A_246, %add3A_247 : i32
        %shift_right_arithmetic3A_249 = arith.constant 4 : i32
        %shift_right_arithmetic3A_250 = arith.shrsi %add3A_248, %shift_right_arithmetic3A_249 : i32
        %while3A_251 = arith.constant 0 : i32
        %while3A_252 = arith.constant 0 : i32
        %while3A_253 = arith.subi %shift_right_arithmetic3A_250, %while3A_252 : i32
        %while3A_254 = arith.addi %while3A_252, %while3A_253 : i32
        %while3A_255 = arith.constant 1 : i32
        %while3A_256 = arith.divsi %while3A_253, %while3A_255 : i32
        %while3A_257 = arith.muli %while3A_256, %while3A_255 : i32
        %while3A_258 = arith.addi %while3A_252, %while3A_257 : i32
        %while3A_259 = arith.constant 1 : i32
        scf.for %while3A_387 = %while3A_252 to %while3A_258 step %while3A_259  : i32 {
          %mul3A_388 = arith.constant 16 : i32
          %mul3A_389 = arith.muli %while3A_387, %mul3A_388 : i32
          %add3A_390 = arith.addi %add3A_242, %mul3A_389 : i32
          %get3A_391 = arith.index_cast %add3A_390 : i32 to index
          %get3A_392 = tpu.vector_load %arg13[%get3A_391] {strides = array<i32>} : memref<5040xi32, #tpu.memory_space<vmem>>, vector<16xi32>,
          %get3A_393 = arith.constant 9 : i32
          %get3A_394 = arith.index_cast %get3A_393 : i32 to index
          %get3A_395 = arith.index_cast %mul3A_389 : i32 to index
          %get3A_396 = tpu.vector_load %arg18[%get3A_394, %get3A_395] {strides = array<i32>} : memref<16x512xf32, #tpu.memory_space<vmem>>, vector<16xf32>,
          %add3A_397 = vector.broadcast %mul3A_389 : i32 to vector<16xi32>
          %add3A_398 = arith.addi %add3A_397, %iota3A : vector<16xi32>
          %lt3A = vector.broadcast %min3A_246 : i32 to vector<16xi32>
          %lt3A_399 = arith.cmpi slt, %add3A_398, %lt3A : vector<16xi32>
          %jit3A_400 = arith.constant 0 : i32
          %broadcast_in_dim3A = vector.broadcast %jit3A_400 : i32 to vector<16xi32>
          %select_n3A = arith.select %lt3A_399, %get3A_392, %broadcast_in_dim3A : vector<16xi1>, vector<16xi32>
          tpu.vector_store_idx %arg15[%select_n3A], %get3A_396 masked %lt3A_399 : memref<5024xf32, #tpu.memory_space<vmem>>[vector<16xi32>], vector<16xf32>, vector<16xi1>
        }
        %while3A_260 = arith.constant 1 : i32
        scf.for %while3A_387 = %while3A_258 to %while3A_254 step %while3A_260  : i32 {
          %mul3A_388 = arith.constant 16 : i32
          %mul3A_389 = arith.muli %while3A_387, %mul3A_388 : i32
          %add3A_390 = arith.addi %add3A_242, %mul3A_389 : i32
          %get3A_391 = arith.index_cast %add3A_390 : i32 to index
          %get3A_392 = tpu.vector_load %arg13[%get3A_391] {strides = array<i32>} : memref<5040xi32, #tpu.memory_space<vmem>>, vector<16xi32>,
          %get3A_393 = arith.constant 9 : i32
          %get3A_394 = arith.index_cast %get3A_393 : i32 to index
          %get3A_395 = arith.index_cast %mul3A_389 : i32 to index
          %get3A_396 = tpu.vector_load %arg18[%get3A_394, %get3A_395] {strides = array<i32>} : memref<16x512xf32, #tpu.memory_space<vmem>>, vector<16xf32>,
          %add3A_397 = vector.broadcast %mul3A_389 : i32 to vector<16xi32>
          %add3A_398 = arith.addi %add3A_397, %iota3A : vector<16xi32>
          %lt3A = vector.broadcast %min3A_246 : i32 to vector<16xi32>
          %lt3A_399 = arith.cmpi slt, %add3A_398, %lt3A : vector<16xi32>
          %jit3A_400 = arith.constant 0 : i32
          %broadcast_in_dim3A = vector.broadcast %jit3A_400 : i32 to vector<16xi32>
          %select_n3A = arith.select %lt3A_399, %get3A_392, %broadcast_in_dim3A : vector<16xi1>, vector<16xi32>
          tpu.vector_store_idx %arg15[%select_n3A], %get3A_396 masked %lt3A_399 : memref<5024xf32, #tpu.memory_space<vmem>>[vector<16xi32>], vector<16xf32>, vector<16xi1>
        }
        %mul3A_261 = arith.constant 10 : i32
        %mul3A_262 = arith.muli %mul3A_261, %shift_right_arithmetic3A_33 : i32
        %add3A_263 = arith.addi %squeeze3A_25, %mul3A_262 : i32
        %sub3A_264 = arith.subi %squeeze3A_30, %add3A_263 : i32
        %jit3A_265 = arith.constant 0 : i32
        %max3A_266 = arith.maxsi %jit3A_265, %sub3A_264 : i32
        %min3A_267 = arith.minsi %shift_right_arithmetic3A_33, %max3A_266 : i32
        %add3A_268 = arith.constant 15 : i32
        %add3A_269 = arith.addi %min3A_267, %add3A_268 : i32
        %shift_right_arithmetic3A_270 = arith.constant 4 : i32
        %shift_right_arithmetic3A_271 = arith.shrsi %add3A_269, %shift_right_arithmetic3A_270 : i32
        %while3A_272 = arith.constant 0 : i32
        %while3A_273 = arith.constant 0 : i32
        %while3A_274 = arith.subi %shift_right_arithmetic3A_271, %while3A_273 : i32
        %while3A_275 = arith.addi %while3A_273, %while3A_274 : i32
        %while3A_276 = arith.constant 1 : i32
        %while3A_277 = arith.divsi %while3A_274, %while3A_276 : i32
        %while3A_278 = arith.muli %while3A_277, %while3A_276 : i32
        %while3A_279 = arith.addi %while3A_273, %while3A_278 : i32
        %while3A_280 = arith.constant 1 : i32
        scf.for %while3A_387 = %while3A_273 to %while3A_279 step %while3A_280  : i32 {
          %mul3A_388 = arith.constant 16 : i32
          %mul3A_389 = arith.muli %while3A_387, %mul3A_388 : i32
          %add3A_390 = arith.addi %add3A_263, %mul3A_389 : i32
          %get3A_391 = arith.index_cast %add3A_390 : i32 to index
          %get3A_392 = tpu.vector_load %arg13[%get3A_391] {strides = array<i32>} : memref<5040xi32, #tpu.memory_space<vmem>>, vector<16xi32>,
          %get3A_393 = arith.constant 10 : i32
          %get3A_394 = arith.index_cast %get3A_393 : i32 to index
          %get3A_395 = arith.index_cast %mul3A_389 : i32 to index
          %get3A_396 = tpu.vector_load %arg18[%get3A_394, %get3A_395] {strides = array<i32>} : memref<16x512xf32, #tpu.memory_space<vmem>>, vector<16xf32>,
          %add3A_397 = vector.broadcast %mul3A_389 : i32 to vector<16xi32>
          %add3A_398 = arith.addi %add3A_397, %iota3A : vector<16xi32>
          %lt3A = vector.broadcast %min3A_267 : i32 to vector<16xi32>
          %lt3A_399 = arith.cmpi slt, %add3A_398, %lt3A : vector<16xi32>
          %jit3A_400 = arith.constant 0 : i32
          %broadcast_in_dim3A = vector.broadcast %jit3A_400 : i32 to vector<16xi32>
          %select_n3A = arith.select %lt3A_399, %get3A_392, %broadcast_in_dim3A : vector<16xi1>, vector<16xi32>
          tpu.vector_store_idx %arg15[%select_n3A], %get3A_396 masked %lt3A_399 : memref<5024xf32, #tpu.memory_space<vmem>>[vector<16xi32>], vector<16xf32>, vector<16xi1>
        }
        %while3A_281 = arith.constant 1 : i32
        scf.for %while3A_387 = %while3A_279 to %while3A_275 step %while3A_281  : i32 {
          %mul3A_388 = arith.constant 16 : i32
          %mul3A_389 = arith.muli %while3A_387, %mul3A_388 : i32
          %add3A_390 = arith.addi %add3A_263, %mul3A_389 : i32
          %get3A_391 = arith.index_cast %add3A_390 : i32 to index
          %get3A_392 = tpu.vector_load %arg13[%get3A_391] {strides = array<i32>} : memref<5040xi32, #tpu.memory_space<vmem>>, vector<16xi32>,
          %get3A_393 = arith.constant 10 : i32
          %get3A_394 = arith.index_cast %get3A_393 : i32 to index
          %get3A_395 = arith.index_cast %mul3A_389 : i32 to index
          %get3A_396 = tpu.vector_load %arg18[%get3A_394, %get3A_395] {strides = array<i32>} : memref<16x512xf32, #tpu.memory_space<vmem>>, vector<16xf32>,
          %add3A_397 = vector.broadcast %mul3A_389 : i32 to vector<16xi32>
          %add3A_398 = arith.addi %add3A_397, %iota3A : vector<16xi32>
          %lt3A = vector.broadcast %min3A_267 : i32 to vector<16xi32>
          %lt3A_399 = arith.cmpi slt, %add3A_398, %lt3A : vector<16xi32>
          %jit3A_400 = arith.constant 0 : i32
          %broadcast_in_dim3A = vector.broadcast %jit3A_400 : i32 to vector<16xi32>
          %select_n3A = arith.select %lt3A_399, %get3A_392, %broadcast_in_dim3A : vector<16xi1>, vector<16xi32>
          tpu.vector_store_idx %arg15[%select_n3A], %get3A_396 masked %lt3A_399 : memref<5024xf32, #tpu.memory_space<vmem>>[vector<16xi32>], vector<16xf32>, vector<16xi1>
        }
        %mul3A_282 = arith.constant 11 : i32
        %mul3A_283 = arith.muli %mul3A_282, %shift_right_arithmetic3A_33 : i32
        %add3A_284 = arith.addi %squeeze3A_25, %mul3A_283 : i32
        %sub3A_285 = arith.subi %squeeze3A_30, %add3A_284 : i32
        %jit3A_286 = arith.constant 0 : i32
        %max3A_287 = arith.maxsi %jit3A_286, %sub3A_285 : i32
        %min3A_288 = arith.minsi %shift_right_arithmetic3A_33, %max3A_287 : i32
        %add3A_289 = arith.constant 15 : i32
        %add3A_290 = arith.addi %min3A_288, %add3A_289 : i32
        %shift_right_arithmetic3A_291 = arith.constant 4 : i32
        %shift_right_arithmetic3A_292 = arith.shrsi %add3A_290, %shift_right_arithmetic3A_291 : i32
        %while3A_293 = arith.constant 0 : i32
        %while3A_294 = arith.constant 0 : i32
        %while3A_295 = arith.subi %shift_right_arithmetic3A_292, %while3A_294 : i32
        %while3A_296 = arith.addi %while3A_294, %while3A_295 : i32
        %while3A_297 = arith.constant 1 : i32
        %while3A_298 = arith.divsi %while3A_295, %while3A_297 : i32
        %while3A_299 = arith.muli %while3A_298, %while3A_297 : i32
        %while3A_300 = arith.addi %while3A_294, %while3A_299 : i32
        %while3A_301 = arith.constant 1 : i32
        scf.for %while3A_387 = %while3A_294 to %while3A_300 step %while3A_301  : i32 {
          %mul3A_388 = arith.constant 16 : i32
          %mul3A_389 = arith.muli %while3A_387, %mul3A_388 : i32
          %add3A_390 = arith.addi %add3A_284, %mul3A_389 : i32
          %get3A_391 = arith.index_cast %add3A_390 : i32 to index
          %get3A_392 = tpu.vector_load %arg13[%get3A_391] {strides = array<i32>} : memref<5040xi32, #tpu.memory_space<vmem>>, vector<16xi32>,
          %get3A_393 = arith.constant 11 : i32
          %get3A_394 = arith.index_cast %get3A_393 : i32 to index
          %get3A_395 = arith.index_cast %mul3A_389 : i32 to index
          %get3A_396 = tpu.vector_load %arg18[%get3A_394, %get3A_395] {strides = array<i32>} : memref<16x512xf32, #tpu.memory_space<vmem>>, vector<16xf32>,
          %add3A_397 = vector.broadcast %mul3A_389 : i32 to vector<16xi32>
          %add3A_398 = arith.addi %add3A_397, %iota3A : vector<16xi32>
          %lt3A = vector.broadcast %min3A_288 : i32 to vector<16xi32>
          %lt3A_399 = arith.cmpi slt, %add3A_398, %lt3A : vector<16xi32>
          %jit3A_400 = arith.constant 0 : i32
          %broadcast_in_dim3A = vector.broadcast %jit3A_400 : i32 to vector<16xi32>
          %select_n3A = arith.select %lt3A_399, %get3A_392, %broadcast_in_dim3A : vector<16xi1>, vector<16xi32>
          tpu.vector_store_idx %arg15[%select_n3A], %get3A_396 masked %lt3A_399 : memref<5024xf32, #tpu.memory_space<vmem>>[vector<16xi32>], vector<16xf32>, vector<16xi1>
        }
        %while3A_302 = arith.constant 1 : i32
        scf.for %while3A_387 = %while3A_300 to %while3A_296 step %while3A_302  : i32 {
          %mul3A_388 = arith.constant 16 : i32
          %mul3A_389 = arith.muli %while3A_387, %mul3A_388 : i32
          %add3A_390 = arith.addi %add3A_284, %mul3A_389 : i32
          %get3A_391 = arith.index_cast %add3A_390 : i32 to index
          %get3A_392 = tpu.vector_load %arg13[%get3A_391] {strides = array<i32>} : memref<5040xi32, #tpu.memory_space<vmem>>, vector<16xi32>,
          %get3A_393 = arith.constant 11 : i32
          %get3A_394 = arith.index_cast %get3A_393 : i32 to index
          %get3A_395 = arith.index_cast %mul3A_389 : i32 to index
          %get3A_396 = tpu.vector_load %arg18[%get3A_394, %get3A_395] {strides = array<i32>} : memref<16x512xf32, #tpu.memory_space<vmem>>, vector<16xf32>,
          %add3A_397 = vector.broadcast %mul3A_389 : i32 to vector<16xi32>
          %add3A_398 = arith.addi %add3A_397, %iota3A : vector<16xi32>
          %lt3A = vector.broadcast %min3A_288 : i32 to vector<16xi32>
          %lt3A_399 = arith.cmpi slt, %add3A_398, %lt3A : vector<16xi32>
          %jit3A_400 = arith.constant 0 : i32
          %broadcast_in_dim3A = vector.broadcast %jit3A_400 : i32 to vector<16xi32>
          %select_n3A = arith.select %lt3A_399, %get3A_392, %broadcast_in_dim3A : vector<16xi1>, vector<16xi32>
          tpu.vector_store_idx %arg15[%select_n3A], %get3A_396 masked %lt3A_399 : memref<5024xf32, #tpu.memory_space<vmem>>[vector<16xi32>], vector<16xf32>, vector<16xi1>
        }
        %mul3A_303 = arith.constant 12 : i32
        %mul3A_304 = arith.muli %mul3A_303, %shift_right_arithmetic3A_33 : i32
        %add3A_305 = arith.addi %squeeze3A_25, %mul3A_304 : i32
        %sub3A_306 = arith.subi %squeeze3A_30, %add3A_305 : i32
        %jit3A_307 = arith.constant 0 : i32
        %max3A_308 = arith.maxsi %jit3A_307, %sub3A_306 : i32
        %min3A_309 = arith.minsi %shift_right_arithmetic3A_33, %max3A_308 : i32
        %add3A_310 = arith.constant 15 : i32
        %add3A_311 = arith.addi %min3A_309, %add3A_310 : i32
        %shift_right_arithmetic3A_312 = arith.constant 4 : i32
        %shift_right_arithmetic3A_313 = arith.shrsi %add3A_311, %shift_right_arithmetic3A_312 : i32
        %while3A_314 = arith.constant 0 : i32
        %while3A_315 = arith.constant 0 : i32
        %while3A_316 = arith.subi %shift_right_arithmetic3A_313, %while3A_315 : i32
        %while3A_317 = arith.addi %while3A_315, %while3A_316 : i32
        %while3A_318 = arith.constant 1 : i32
        %while3A_319 = arith.divsi %while3A_316, %while3A_318 : i32
        %while3A_320 = arith.muli %while3A_319, %while3A_318 : i32
        %while3A_321 = arith.addi %while3A_315, %while3A_320 : i32
        %while3A_322 = arith.constant 1 : i32
        scf.for %while3A_387 = %while3A_315 to %while3A_321 step %while3A_322  : i32 {
          %mul3A_388 = arith.constant 16 : i32
          %mul3A_389 = arith.muli %while3A_387, %mul3A_388 : i32
          %add3A_390 = arith.addi %add3A_305, %mul3A_389 : i32
          %get3A_391 = arith.index_cast %add3A_390 : i32 to index
          %get3A_392 = tpu.vector_load %arg13[%get3A_391] {strides = array<i32>} : memref<5040xi32, #tpu.memory_space<vmem>>, vector<16xi32>,
          %get3A_393 = arith.constant 12 : i32
          %get3A_394 = arith.index_cast %get3A_393 : i32 to index
          %get3A_395 = arith.index_cast %mul3A_389 : i32 to index
          %get3A_396 = tpu.vector_load %arg18[%get3A_394, %get3A_395] {strides = array<i32>} : memref<16x512xf32, #tpu.memory_space<vmem>>, vector<16xf32>,
          %add3A_397 = vector.broadcast %mul3A_389 : i32 to vector<16xi32>
          %add3A_398 = arith.addi %add3A_397, %iota3A : vector<16xi32>
          %lt3A = vector.broadcast %min3A_309 : i32 to vector<16xi32>
          %lt3A_399 = arith.cmpi slt, %add3A_398, %lt3A : vector<16xi32>
          %jit3A_400 = arith.constant 0 : i32
          %broadcast_in_dim3A = vector.broadcast %jit3A_400 : i32 to vector<16xi32>
          %select_n3A = arith.select %lt3A_399, %get3A_392, %broadcast_in_dim3A : vector<16xi1>, vector<16xi32>
          tpu.vector_store_idx %arg15[%select_n3A], %get3A_396 masked %lt3A_399 : memref<5024xf32, #tpu.memory_space<vmem>>[vector<16xi32>], vector<16xf32>, vector<16xi1>
        }
        %while3A_323 = arith.constant 1 : i32
        scf.for %while3A_387 = %while3A_321 to %while3A_317 step %while3A_323  : i32 {
          %mul3A_388 = arith.constant 16 : i32
          %mul3A_389 = arith.muli %while3A_387, %mul3A_388 : i32
          %add3A_390 = arith.addi %add3A_305, %mul3A_389 : i32
          %get3A_391 = arith.index_cast %add3A_390 : i32 to index
          %get3A_392 = tpu.vector_load %arg13[%get3A_391] {strides = array<i32>} : memref<5040xi32, #tpu.memory_space<vmem>>, vector<16xi32>,
          %get3A_393 = arith.constant 12 : i32
          %get3A_394 = arith.index_cast %get3A_393 : i32 to index
          %get3A_395 = arith.index_cast %mul3A_389 : i32 to index
          %get3A_396 = tpu.vector_load %arg18[%get3A_394, %get3A_395] {strides = array<i32>} : memref<16x512xf32, #tpu.memory_space<vmem>>, vector<16xf32>,
          %add3A_397 = vector.broadcast %mul3A_389 : i32 to vector<16xi32>
          %add3A_398 = arith.addi %add3A_397, %iota3A : vector<16xi32>
          %lt3A = vector.broadcast %min3A_309 : i32 to vector<16xi32>
          %lt3A_399 = arith.cmpi slt, %add3A_398, %lt3A : vector<16xi32>
          %jit3A_400 = arith.constant 0 : i32
          %broadcast_in_dim3A = vector.broadcast %jit3A_400 : i32 to vector<16xi32>
          %select_n3A = arith.select %lt3A_399, %get3A_392, %broadcast_in_dim3A : vector<16xi1>, vector<16xi32>
          tpu.vector_store_idx %arg15[%select_n3A], %get3A_396 masked %lt3A_399 : memref<5024xf32, #tpu.memory_space<vmem>>[vector<16xi32>], vector<16xf32>, vector<16xi1>
        }
        %mul3A_324 = arith.constant 13 : i32
        %mul3A_325 = arith.muli %mul3A_324, %shift_right_arithmetic3A_33 : i32
        %add3A_326 = arith.addi %squeeze3A_25, %mul3A_325 : i32
        %sub3A_327 = arith.subi %squeeze3A_30, %add3A_326 : i32
        %jit3A_328 = arith.constant 0 : i32
        %max3A_329 = arith.maxsi %jit3A_328, %sub3A_327 : i32
        %min3A_330 = arith.minsi %shift_right_arithmetic3A_33, %max3A_329 : i32
        %add3A_331 = arith.constant 15 : i32
        %add3A_332 = arith.addi %min3A_330, %add3A_331 : i32
        %shift_right_arithmetic3A_333 = arith.constant 4 : i32
        %shift_right_arithmetic3A_334 = arith.shrsi %add3A_332, %shift_right_arithmetic3A_333 : i32
        %while3A_335 = arith.constant 0 : i32
        %while3A_336 = arith.constant 0 : i32
        %while3A_337 = arith.subi %shift_right_arithmetic3A_334, %while3A_336 : i32
        %while3A_338 = arith.addi %while3A_336, %while3A_337 : i32
        %while3A_339 = arith.constant 1 : i32
        %while3A_340 = arith.divsi %while3A_337, %while3A_339 : i32
        %while3A_341 = arith.muli %while3A_340, %while3A_339 : i32
        %while3A_342 = arith.addi %while3A_336, %while3A_341 : i32
        %while3A_343 = arith.constant 1 : i32
        scf.for %while3A_387 = %while3A_336 to %while3A_342 step %while3A_343  : i32 {
          %mul3A_388 = arith.constant 16 : i32
          %mul3A_389 = arith.muli %while3A_387, %mul3A_388 : i32
          %add3A_390 = arith.addi %add3A_326, %mul3A_389 : i32
          %get3A_391 = arith.index_cast %add3A_390 : i32 to index
          %get3A_392 = tpu.vector_load %arg13[%get3A_391] {strides = array<i32>} : memref<5040xi32, #tpu.memory_space<vmem>>, vector<16xi32>,
          %get3A_393 = arith.constant 13 : i32
          %get3A_394 = arith.index_cast %get3A_393 : i32 to index
          %get3A_395 = arith.index_cast %mul3A_389 : i32 to index
          %get3A_396 = tpu.vector_load %arg18[%get3A_394, %get3A_395] {strides = array<i32>} : memref<16x512xf32, #tpu.memory_space<vmem>>, vector<16xf32>,
          %add3A_397 = vector.broadcast %mul3A_389 : i32 to vector<16xi32>
          %add3A_398 = arith.addi %add3A_397, %iota3A : vector<16xi32>
          %lt3A = vector.broadcast %min3A_330 : i32 to vector<16xi32>
          %lt3A_399 = arith.cmpi slt, %add3A_398, %lt3A : vector<16xi32>
          %jit3A_400 = arith.constant 0 : i32
          %broadcast_in_dim3A = vector.broadcast %jit3A_400 : i32 to vector<16xi32>
          %select_n3A = arith.select %lt3A_399, %get3A_392, %broadcast_in_dim3A : vector<16xi1>, vector<16xi32>
          tpu.vector_store_idx %arg15[%select_n3A], %get3A_396 masked %lt3A_399 : memref<5024xf32, #tpu.memory_space<vmem>>[vector<16xi32>], vector<16xf32>, vector<16xi1>
        }
        %while3A_344 = arith.constant 1 : i32
        scf.for %while3A_387 = %while3A_342 to %while3A_338 step %while3A_344  : i32 {
          %mul3A_388 = arith.constant 16 : i32
          %mul3A_389 = arith.muli %while3A_387, %mul3A_388 : i32
          %add3A_390 = arith.addi %add3A_326, %mul3A_389 : i32
          %get3A_391 = arith.index_cast %add3A_390 : i32 to index
          %get3A_392 = tpu.vector_load %arg13[%get3A_391] {strides = array<i32>} : memref<5040xi32, #tpu.memory_space<vmem>>, vector<16xi32>,
          %get3A_393 = arith.constant 13 : i32
          %get3A_394 = arith.index_cast %get3A_393 : i32 to index
          %get3A_395 = arith.index_cast %mul3A_389 : i32 to index
          %get3A_396 = tpu.vector_load %arg18[%get3A_394, %get3A_395] {strides = array<i32>} : memref<16x512xf32, #tpu.memory_space<vmem>>, vector<16xf32>,
          %add3A_397 = vector.broadcast %mul3A_389 : i32 to vector<16xi32>
          %add3A_398 = arith.addi %add3A_397, %iota3A : vector<16xi32>
          %lt3A = vector.broadcast %min3A_330 : i32 to vector<16xi32>
          %lt3A_399 = arith.cmpi slt, %add3A_398, %lt3A : vector<16xi32>
          %jit3A_400 = arith.constant 0 : i32
          %broadcast_in_dim3A = vector.broadcast %jit3A_400 : i32 to vector<16xi32>
          %select_n3A = arith.select %lt3A_399, %get3A_392, %broadcast_in_dim3A : vector<16xi1>, vector<16xi32>
          tpu.vector_store_idx %arg15[%select_n3A], %get3A_396 masked %lt3A_399 : memref<5024xf32, #tpu.memory_space<vmem>>[vector<16xi32>], vector<16xf32>, vector<16xi1>
        }
        %mul3A_345 = arith.constant 14 : i32
        %mul3A_346 = arith.muli %mul3A_345, %shift_right_arithmetic3A_33 : i32
        %add3A_347 = arith.addi %squeeze3A_25, %mul3A_346 : i32
        %sub3A_348 = arith.subi %squeeze3A_30, %add3A_347 : i32
        %jit3A_349 = arith.constant 0 : i32
        %max3A_350 = arith.maxsi %jit3A_349, %sub3A_348 : i32
        %min3A_351 = arith.minsi %shift_right_arithmetic3A_33, %max3A_350 : i32
        %add3A_352 = arith.constant 15 : i32
        %add3A_353 = arith.addi %min3A_351, %add3A_352 : i32
        %shift_right_arithmetic3A_354 = arith.constant 4 : i32
        %shift_right_arithmetic3A_355 = arith.shrsi %add3A_353, %shift_right_arithmetic3A_354 : i32
        %while3A_356 = arith.constant 0 : i32
        %while3A_357 = arith.constant 0 : i32
        %while3A_358 = arith.subi %shift_right_arithmetic3A_355, %while3A_357 : i32
        %while3A_359 = arith.addi %while3A_357, %while3A_358 : i32
        %while3A_360 = arith.constant 1 : i32
        %while3A_361 = arith.divsi %while3A_358, %while3A_360 : i32
        %while3A_362 = arith.muli %while3A_361, %while3A_360 : i32
        %while3A_363 = arith.addi %while3A_357, %while3A_362 : i32
        %while3A_364 = arith.constant 1 : i32
        scf.for %while3A_387 = %while3A_357 to %while3A_363 step %while3A_364  : i32 {
          %mul3A_388 = arith.constant 16 : i32
          %mul3A_389 = arith.muli %while3A_387, %mul3A_388 : i32
          %add3A_390 = arith.addi %add3A_347, %mul3A_389 : i32
          %get3A_391 = arith.index_cast %add3A_390 : i32 to index
          %get3A_392 = tpu.vector_load %arg13[%get3A_391] {strides = array<i32>} : memref<5040xi32, #tpu.memory_space<vmem>>, vector<16xi32>,
          %get3A_393 = arith.constant 14 : i32
          %get3A_394 = arith.index_cast %get3A_393 : i32 to index
          %get3A_395 = arith.index_cast %mul3A_389 : i32 to index
          %get3A_396 = tpu.vector_load %arg18[%get3A_394, %get3A_395] {strides = array<i32>} : memref<16x512xf32, #tpu.memory_space<vmem>>, vector<16xf32>,
          %add3A_397 = vector.broadcast %mul3A_389 : i32 to vector<16xi32>
          %add3A_398 = arith.addi %add3A_397, %iota3A : vector<16xi32>
          %lt3A = vector.broadcast %min3A_351 : i32 to vector<16xi32>
          %lt3A_399 = arith.cmpi slt, %add3A_398, %lt3A : vector<16xi32>
          %jit3A_400 = arith.constant 0 : i32
          %broadcast_in_dim3A = vector.broadcast %jit3A_400 : i32 to vector<16xi32>
          %select_n3A = arith.select %lt3A_399, %get3A_392, %broadcast_in_dim3A : vector<16xi1>, vector<16xi32>
          tpu.vector_store_idx %arg15[%select_n3A], %get3A_396 masked %lt3A_399 : memref<5024xf32, #tpu.memory_space<vmem>>[vector<16xi32>], vector<16xf32>, vector<16xi1>
        }
        %while3A_365 = arith.constant 1 : i32
        scf.for %while3A_387 = %while3A_363 to %while3A_359 step %while3A_365  : i32 {
          %mul3A_388 = arith.constant 16 : i32
          %mul3A_389 = arith.muli %while3A_387, %mul3A_388 : i32
          %add3A_390 = arith.addi %add3A_347, %mul3A_389 : i32
          %get3A_391 = arith.index_cast %add3A_390 : i32 to index
          %get3A_392 = tpu.vector_load %arg13[%get3A_391] {strides = array<i32>} : memref<5040xi32, #tpu.memory_space<vmem>>, vector<16xi32>,
          %get3A_393 = arith.constant 14 : i32
          %get3A_394 = arith.index_cast %get3A_393 : i32 to index
          %get3A_395 = arith.index_cast %mul3A_389 : i32 to index
          %get3A_396 = tpu.vector_load %arg18[%get3A_394, %get3A_395] {strides = array<i32>} : memref<16x512xf32, #tpu.memory_space<vmem>>, vector<16xf32>,
          %add3A_397 = vector.broadcast %mul3A_389 : i32 to vector<16xi32>
          %add3A_398 = arith.addi %add3A_397, %iota3A : vector<16xi32>
          %lt3A = vector.broadcast %min3A_351 : i32 to vector<16xi32>
          %lt3A_399 = arith.cmpi slt, %add3A_398, %lt3A : vector<16xi32>
          %jit3A_400 = arith.constant 0 : i32
          %broadcast_in_dim3A = vector.broadcast %jit3A_400 : i32 to vector<16xi32>
          %select_n3A = arith.select %lt3A_399, %get3A_392, %broadcast_in_dim3A : vector<16xi1>, vector<16xi32>
          tpu.vector_store_idx %arg15[%select_n3A], %get3A_396 masked %lt3A_399 : memref<5024xf32, #tpu.memory_space<vmem>>[vector<16xi32>], vector<16xf32>, vector<16xi1>
        }
        %mul3A_366 = arith.constant 15 : i32
        %mul3A_367 = arith.muli %mul3A_366, %shift_right_arithmetic3A_33 : i32
        %add3A_368 = arith.addi %squeeze3A_25, %mul3A_367 : i32
        %sub3A_369 = arith.subi %squeeze3A_30, %add3A_368 : i32
        %jit3A_370 = arith.constant 0 : i32
        %max3A_371 = arith.maxsi %jit3A_370, %sub3A_369 : i32
        %min3A_372 = arith.minsi %shift_right_arithmetic3A_33, %max3A_371 : i32
        %add3A_373 = arith.constant 15 : i32
        %add3A_374 = arith.addi %min3A_372, %add3A_373 : i32
        %shift_right_arithmetic3A_375 = arith.constant 4 : i32
        %shift_right_arithmetic3A_376 = arith.shrsi %add3A_374, %shift_right_arithmetic3A_375 : i32
        %while3A_377 = arith.constant 0 : i32
        %while3A_378 = arith.constant 0 : i32
        %while3A_379 = arith.subi %shift_right_arithmetic3A_376, %while3A_378 : i32
        %while3A_380 = arith.addi %while3A_378, %while3A_379 : i32
        %while3A_381 = arith.constant 1 : i32
        %while3A_382 = arith.divsi %while3A_379, %while3A_381 : i32
        %while3A_383 = arith.muli %while3A_382, %while3A_381 : i32
        %while3A_384 = arith.addi %while3A_378, %while3A_383 : i32
        %while3A_385 = arith.constant 1 : i32
        scf.for %while3A_387 = %while3A_378 to %while3A_384 step %while3A_385  : i32 {
          %mul3A_388 = arith.constant 16 : i32
          %mul3A_389 = arith.muli %while3A_387, %mul3A_388 : i32
          %add3A_390 = arith.addi %add3A_368, %mul3A_389 : i32
          %get3A_391 = arith.index_cast %add3A_390 : i32 to index
          %get3A_392 = tpu.vector_load %arg13[%get3A_391] {strides = array<i32>} : memref<5040xi32, #tpu.memory_space<vmem>>, vector<16xi32>,
          %get3A_393 = arith.constant 15 : i32
          %get3A_394 = arith.index_cast %get3A_393 : i32 to index
          %get3A_395 = arith.index_cast %mul3A_389 : i32 to index
          %get3A_396 = tpu.vector_load %arg18[%get3A_394, %get3A_395] {strides = array<i32>} : memref<16x512xf32, #tpu.memory_space<vmem>>, vector<16xf32>,
          %add3A_397 = vector.broadcast %mul3A_389 : i32 to vector<16xi32>
          %add3A_398 = arith.addi %add3A_397, %iota3A : vector<16xi32>
          %lt3A = vector.broadcast %min3A_372 : i32 to vector<16xi32>
          %lt3A_399 = arith.cmpi slt, %add3A_398, %lt3A : vector<16xi32>
          %jit3A_400 = arith.constant 0 : i32
          %broadcast_in_dim3A = vector.broadcast %jit3A_400 : i32 to vector<16xi32>
          %select_n3A = arith.select %lt3A_399, %get3A_392, %broadcast_in_dim3A : vector<16xi1>, vector<16xi32>
          tpu.vector_store_idx %arg15[%select_n3A], %get3A_396 masked %lt3A_399 : memref<5024xf32, #tpu.memory_space<vmem>>[vector<16xi32>], vector<16xf32>, vector<16xi1>
        }
        %while3A_386 = arith.constant 1 : i32
        scf.for %while3A_387 = %while3A_384 to %while3A_380 step %while3A_386  : i32 {
          %mul3A_388 = arith.constant 16 : i32
          %mul3A_389 = arith.muli %while3A_387, %mul3A_388 : i32
          %add3A_390 = arith.addi %add3A_368, %mul3A_389 : i32
          %get3A_391 = arith.index_cast %add3A_390 : i32 to index
          %get3A_392 = tpu.vector_load %arg13[%get3A_391] {strides = array<i32>} : memref<5040xi32, #tpu.memory_space<vmem>>, vector<16xi32>,
          %get3A_393 = arith.constant 15 : i32
          %get3A_394 = arith.index_cast %get3A_393 : i32 to index
          %get3A_395 = arith.index_cast %mul3A_389 : i32 to index
          %get3A_396 = tpu.vector_load %arg18[%get3A_394, %get3A_395] {strides = array<i32>} : memref<16x512xf32, #tpu.memory_space<vmem>>, vector<16xf32>,
          %add3A_397 = vector.broadcast %mul3A_389 : i32 to vector<16xi32>
          %add3A_398 = arith.addi %add3A_397, %iota3A : vector<16xi32>
          %lt3A = vector.broadcast %min3A_372 : i32 to vector<16xi32>
          %lt3A_399 = arith.cmpi slt, %add3A_398, %lt3A : vector<16xi32>
          %jit3A_400 = arith.constant 0 : i32
          %broadcast_in_dim3A = vector.broadcast %jit3A_400 : i32 to vector<16xi32>
          %select_n3A = arith.select %lt3A_399, %get3A_392, %broadcast_in_dim3A : vector<16xi1>, vector<16xi32>
          tpu.vector_store_idx %arg15[%select_n3A], %get3A_396 masked %lt3A_399 : memref<5024xf32, #tpu.memory_space<vmem>>[vector<16xi32>], vector<16xf32>, vector<16xi1>
        }
      }
      %while3A_15 = arith.constant 1 : i32
      scf.for %while3A_21 = %while3A_13 to %while3A_9 step %while3A_15  : i32 {
        %get3A_22 = arith.index_cast %while3A_21 : i32 to index
        %get3A_23 = tpu.vector_load %arg14[%get3A_22] {strides = array<i32>} : memref<5040xi32, #tpu.memory_space<vmem>>, vector<16xi32>,
        %slice3A_24 = vector.extract_strided_slice %get3A_23 {offsets = [0], sizes = [1], strides = [1]} : vector<16xi32> to vector<1xi32>
        %squeeze3A_25 = vector.extract %slice3A_24[0] : i32 from vector<1xi32>
        %add3A = arith.constant 1 : i32
        %add3A_26 = arith.addi %while3A_21, %add3A : i32
        %get3A_27 = arith.index_cast %add3A_26 : i32 to index
        %get3A_28 = tpu.vector_load %arg14[%get3A_27] {strides = array<i32>} : memref<5040xi32, #tpu.memory_space<vmem>>, vector<16xi32>,
        %slice3A_29 = vector.extract_strided_slice %get3A_28 {offsets = [0], sizes = [1], strides = [1]} : vector<16xi32> to vector<1xi32>
        %squeeze3A_30 = vector.extract %slice3A_29[0] : i32 from vector<1xi32>
        %sub3A = arith.subi %squeeze3A_30, %squeeze3A_25 : i32
        %add3A_31 = arith.constant 15 : i32
        %add3A_32 = arith.addi %sub3A, %add3A_31 : i32
        %shift_right_arithmetic3A = arith.constant 4 : i32
        %shift_right_arithmetic3A_33 = arith.shrsi %add3A_32, %shift_right_arithmetic3A : i32
        %mul3A = arith.muli %arg1, %shift_right_arithmetic3A_33 : i32
        %add3A_34 = arith.addi %squeeze3A_25, %mul3A : i32
        %sub3A_35 = arith.subi %squeeze3A_30, %add3A_34 : i32
        %jit3A = arith.constant 0 : i32
        %max3A = arith.maxsi %jit3A, %sub3A_35 : i32
        %min3A = arith.minsi %shift_right_arithmetic3A_33, %max3A : i32
        %get3A_36 = arith.index_cast %while3A_21 : i32 to index
        %get3A_37 = tpu.vector_load %arg16[%get3A_36] {strides = array<i32>} : memref<5024xf32, #tpu.memory_space<vmem>>, vector<16xf32>,
        %slice3A_38 = vector.extract_strided_slice %get3A_37 {offsets = [0], sizes = [1], strides = [1]} : vector<16xf32> to vector<1xf32>
        %squeeze3A_39 = vector.extract %slice3A_38[0] : f32 from vector<1xf32>
        %while3A_40 = arith.constant 0 : i32
        %while3A_41 = arith.constant 0 : i32
        %while3A_42 = arith.subi %min3A, %while3A_41 : i32
        %while3A_43 = arith.addi %while3A_41, %while3A_42 : i32
        %while3A_44 = arith.constant 1 : i32
        %while3A_45 = arith.divsi %while3A_42, %while3A_44 : i32
        %while3A_46 = arith.muli %while3A_45, %while3A_44 : i32
        %while3A_47 = arith.addi %while3A_41, %while3A_46 : i32
        %while3A_48 = arith.constant 1 : i32
        scf.for %while3A_387 = %while3A_41 to %while3A_47 step %while3A_48  : i32 {
          %add3A_388 = arith.addi %add3A_34, %while3A_387 : i32
          %get3A_389 = arith.index_cast %add3A_388 : i32 to index
          %get3A_390 = tpu.vector_load %arg13[%get3A_389] {strides = array<i32>} : memref<5040xi32, #tpu.memory_space<vmem>>, vector<16xi32>,
          %slice3A_391 = vector.extract_strided_slice %get3A_390 {offsets = [0], sizes = [1], strides = [1]} : vector<16xi32> to vector<1xi32>
          %squeeze3A_392 = vector.extract %slice3A_391[0] : i32 from vector<1xi32>
          %get3A_393 = arith.index_cast %squeeze3A_392 : i32 to index
          %get3A_394 = tpu.vector_load %arg12[%get3A_393] {strides = array<i32>} : memref<5024xi32, #tpu.memory_space<vmem>>, vector<16xi32>,
          %slice3A_395 = vector.extract_strided_slice %get3A_394 {offsets = [0], sizes = [1], strides = [1]} : vector<16xi32> to vector<1xi32>
          %squeeze3A_396 = vector.extract %slice3A_395[0] : i32 from vector<1xi32>
          %get3A_397 = arith.index_cast %squeeze3A_392 : i32 to index
          %get3A_398 = tpu.vector_load %arg11[%get3A_397] {strides = array<i32>} : memref<5024xi32, #tpu.memory_space<vmem>>, vector<16xi32>,
          %slice3A_399 = vector.extract_strided_slice %get3A_398 {offsets = [0], sizes = [1], strides = [1]} : vector<16xi32> to vector<1xi32>
          %squeeze3A_400 = vector.extract %slice3A_399[0] : i32 from vector<1xi32>
          %add3A_401 = arith.constant 1 : i32
          %add3A_402 = arith.addi %squeeze3A_392, %add3A_401 : i32
          %get3A_403 = arith.index_cast %add3A_402 : i32 to index
          %get3A_404 = tpu.vector_load %arg11[%get3A_403] {strides = array<i32>} : memref<5024xi32, #tpu.memory_space<vmem>>, vector<16xi32>,
          %slice3A_405 = vector.extract_strided_slice %get3A_404 {offsets = [0], sizes = [1], strides = [1]} : vector<16xi32> to vector<1xi32>
          %squeeze3A_406 = vector.extract %slice3A_405[0] : i32 from vector<1xi32>
          %sub3A_407 = arith.subi %squeeze3A_406, %squeeze3A_400 : i32
          %add3A_408 = arith.constant 15 : i32
          %add3A_409 = arith.addi %sub3A_407, %add3A_408 : i32
          %shift_right_arithmetic3A_410 = arith.constant 4 : i32
          %shift_right_arithmetic3A_411 = arith.shrsi %add3A_409, %shift_right_arithmetic3A_410 : i32
          %broadcast_in_dim3A = arith.constant -1.000000e+30 : f32
          %broadcast_in_dim3A_412 = vector.broadcast %broadcast_in_dim3A : f32 to vector<16xf32>
          %while3A_413 = arith.constant 0 : i32
          %while3A_414 = arith.subi %shift_right_arithmetic3A_411, %while3A_413 : i32
          %while3A_415 = arith.addi %while3A_413, %while3A_414 : i32
          %while3A_416 = arith.constant 1 : i32
          %while3A_417 = arith.divsi %while3A_414, %while3A_416 : i32
          %while3A_418 = arith.muli %while3A_417, %while3A_416 : i32
          %while3A_419 = arith.addi %while3A_413, %while3A_418 : i32
          %while3A_420 = arith.constant 1 : i32
          %while3A_421 = scf.for %while3A_437 = %while3A_413 to %while3A_419 step %while3A_420 iter_args(%while3A_438 = %broadcast_in_dim3A_412) -> (vector<16xf32>)  : i32 {
            %mul3A_439 = arith.constant 16 : i32
            %mul3A_440 = arith.muli %while3A_437, %mul3A_439 : i32
            %add3A_441 = arith.addi %squeeze3A_400, %mul3A_440 : i32
            %add3A_442 = vector.broadcast %add3A_441 : i32 to vector<16xi32>
            %add3A_443 = arith.addi %add3A_442, %iota3A : vector<16xi32>
            %lt3A = vector.broadcast %squeeze3A_406 : i32 to vector<16xi32>
            %lt3A_444 = arith.cmpi slt, %add3A_443, %lt3A : vector<16xi32>
            %jit3A_445 = arith.constant 0 : i32
            %broadcast_in_dim3A_446 = vector.broadcast %jit3A_445 : i32 to vector<16xi32>
            %select_n3A_447 = arith.select %lt3A_444, %add3A_443, %broadcast_in_dim3A_446 : vector<16xi1>, vector<16xi32>
            %shift_right_arithmetic3A_448 = arith.constant 1 : i32
            %shift_right_arithmetic3A_449 = vector.broadcast %shift_right_arithmetic3A_448 : i32 to vector<16xi32>
            %shift_right_arithmetic3A_450 = arith.shrsi %select_n3A_447, %shift_right_arithmetic3A_449 : vector<16xi32>
            %gather3A = tpu.vector_load_idx %arg10[%shift_right_arithmetic3A_450] masked %lt3A_444 : memref<80000xi32, #tpu.memory_space<vmem>>[vector<16xi32>], vector<16xi32>, vector<16xi1>
            %and3A = arith.constant 1 : i32
            %and3A_451 = vector.broadcast %and3A : i32 to vector<16xi32>
            %and3A_452 = arith.andi %select_n3A_447, %and3A_451 : vector<16xi32>
            %shift_left3A = arith.constant 4 : i32
            %shift_left3A_453 = vector.broadcast %shift_left3A : i32 to vector<16xi32>
            %shift_left3A_454 = arith.shli %and3A_452, %shift_left3A_453 : vector<16xi32>
            %shift_right_arithmetic3A_455 = arith.shrsi %gather3A, %shift_left3A_454 : vector<16xi32>
            %and3A_456 = arith.constant 65535 : i32
            %and3A_457 = vector.broadcast %and3A_456 : i32 to vector<16xi32>
            %and3A_458 = arith.andi %shift_right_arithmetic3A_455, %and3A_457 : vector<16xi32>
            %jit3A_459 = arith.constant 0 : i32
            %broadcast_in_dim3A_460 = vector.broadcast %jit3A_459 : i32 to vector<16xi32>
            %select_n3A_461 = arith.select %lt3A_444, %and3A_458, %broadcast_in_dim3A_460 : vector<16xi1>, vector<16xi32>
            %gather3A_462 = tpu.vector_load_idx %arg12[%select_n3A_461] masked %lt3A_444 : memref<5024xi32, #tpu.memory_space<vmem>>[vector<16xi32>], vector<16xi32>, vector<16xi1>
            %ge3A = arith.constant 0 : i32
            %ge3A_463 = vector.broadcast %ge3A : i32 to vector<16xi32>
            %ge3A_464 = arith.cmpi sge, %gather3A_462, %ge3A_463 : vector<16xi32>
            %and3A_465 = arith.andi %lt3A_444, %ge3A_464 : vector<16xi1>
            %lt3A_466 = vector.broadcast %squeeze3A_396 : i32 to vector<16xi32>
            %lt3A_467 = arith.cmpi slt, %gather3A_462, %lt3A_466 : vector<16xi32>
            %and3A_468 = arith.andi %and3A_465, %lt3A_467 : vector<16xi1>
            %gather3A_469 = tpu.vector_load_idx %arg15[%select_n3A_461] masked %lt3A_444 : memref<5024xf32, #tpu.memory_space<vmem>>[vector<16xi32>], vector<16xf32>, vector<16xi1>
            %jit3A_470 = arith.constant -1.000000e+30 : f32
            %broadcast_in_dim3A_471 = vector.broadcast %jit3A_470 : f32 to vector<16xf32>
            %select_n3A_472 = arith.select %and3A_468, %gather3A_469, %broadcast_in_dim3A_471 : vector<16xi1>, vector<16xf32>
            %max3A_473 = arith.maximumf %while3A_438, %select_n3A_472 : vector<16xf32>
            scf.yield %max3A_473 : vector<16xf32>
          }
          %while3A_422 = arith.constant 1 : i32
          %while3A_423 = scf.for %while3A_437 = %while3A_419 to %while3A_415 step %while3A_422 iter_args(%while3A_438 = %while3A_421) -> (vector<16xf32>)  : i32 {
            %mul3A_439 = arith.constant 16 : i32
            %mul3A_440 = arith.muli %while3A_437, %mul3A_439 : i32
            %add3A_441 = arith.addi %squeeze3A_400, %mul3A_440 : i32
            %add3A_442 = vector.broadcast %add3A_441 : i32 to vector<16xi32>
            %add3A_443 = arith.addi %add3A_442, %iota3A : vector<16xi32>
            %lt3A = vector.broadcast %squeeze3A_406 : i32 to vector<16xi32>
            %lt3A_444 = arith.cmpi slt, %add3A_443, %lt3A : vector<16xi32>
            %jit3A_445 = arith.constant 0 : i32
            %broadcast_in_dim3A_446 = vector.broadcast %jit3A_445 : i32 to vector<16xi32>
            %select_n3A_447 = arith.select %lt3A_444, %add3A_443, %broadcast_in_dim3A_446 : vector<16xi1>, vector<16xi32>
            %shift_right_arithmetic3A_448 = arith.constant 1 : i32
            %shift_right_arithmetic3A_449 = vector.broadcast %shift_right_arithmetic3A_448 : i32 to vector<16xi32>
            %shift_right_arithmetic3A_450 = arith.shrsi %select_n3A_447, %shift_right_arithmetic3A_449 : vector<16xi32>
            %gather3A = tpu.vector_load_idx %arg10[%shift_right_arithmetic3A_450] masked %lt3A_444 : memref<80000xi32, #tpu.memory_space<vmem>>[vector<16xi32>], vector<16xi32>, vector<16xi1>
            %and3A = arith.constant 1 : i32
            %and3A_451 = vector.broadcast %and3A : i32 to vector<16xi32>
            %and3A_452 = arith.andi %select_n3A_447, %and3A_451 : vector<16xi32>
            %shift_left3A = arith.constant 4 : i32
            %shift_left3A_453 = vector.broadcast %shift_left3A : i32 to vector<16xi32>
            %shift_left3A_454 = arith.shli %and3A_452, %shift_left3A_453 : vector<16xi32>
            %shift_right_arithmetic3A_455 = arith.shrsi %gather3A, %shift_left3A_454 : vector<16xi32>
            %and3A_456 = arith.constant 65535 : i32
            %and3A_457 = vector.broadcast %and3A_456 : i32 to vector<16xi32>
            %and3A_458 = arith.andi %shift_right_arithmetic3A_455, %and3A_457 : vector<16xi32>
            %jit3A_459 = arith.constant 0 : i32
            %broadcast_in_dim3A_460 = vector.broadcast %jit3A_459 : i32 to vector<16xi32>
            %select_n3A_461 = arith.select %lt3A_444, %and3A_458, %broadcast_in_dim3A_460 : vector<16xi1>, vector<16xi32>
            %gather3A_462 = tpu.vector_load_idx %arg12[%select_n3A_461] masked %lt3A_444 : memref<5024xi32, #tpu.memory_space<vmem>>[vector<16xi32>], vector<16xi32>, vector<16xi1>
            %ge3A = arith.constant 0 : i32
            %ge3A_463 = vector.broadcast %ge3A : i32 to vector<16xi32>
            %ge3A_464 = arith.cmpi sge, %gather3A_462, %ge3A_463 : vector<16xi32>
            %and3A_465 = arith.andi %lt3A_444, %ge3A_464 : vector<16xi1>
            %lt3A_466 = vector.broadcast %squeeze3A_396 : i32 to vector<16xi32>
            %lt3A_467 = arith.cmpi slt, %gather3A_462, %lt3A_466 : vector<16xi32>
            %and3A_468 = arith.andi %and3A_465, %lt3A_467 : vector<16xi1>
            %gather3A_469 = tpu.vector_load_idx %arg15[%select_n3A_461] masked %lt3A_444 : memref<5024xf32, #tpu.memory_space<vmem>>[vector<16xi32>], vector<16xf32>, vector<16xi1>
            %jit3A_470 = arith.constant -1.000000e+30 : f32
            %broadcast_in_dim3A_471 = vector.broadcast %jit3A_470 : f32 to vector<16xf32>
            %select_n3A_472 = arith.select %and3A_468, %gather3A_469, %broadcast_in_dim3A_471 : vector<16xi1>, vector<16xf32>
            %max3A_473 = arith.maximumf %while3A_438, %select_n3A_472 : vector<16xf32>
            scf.yield %max3A_473 : vector<16xf32>
          }
          %reduce_max3A = arith.constant true
          %reduce_max3A_424 = vector.broadcast %reduce_max3A : i1 to vector<16xi1>
          %reduce_max3A_425 = tpu.scan <max>, %while3A_423 masked %reduce_max3A_424 : vector<16xf32>, vector<16xi1> -> vector<16xf32>
          %reduce_max3A_426 = vector.extract %reduce_max3A_425[15] : f32 from vector<16xf32>
          %gt3A = arith.constant -1.000000e+29 : f32
          %gt3A_427 = arith.cmpf ogt, %reduce_max3A_426, %gt3A : f32
          %jit3A_428 = arith.constant 1.000000e+00 : f32
          %select_n3A = arith.select %gt3A_427, %reduce_max3A_426, %jit3A_428 : f32
          %get3A_429 = arith.index_cast %squeeze3A_392 : i32 to index
          %get3A_430 = tpu.vector_load %arg15[%get3A_429] {strides = array<i32>} : memref<5024xf32, #tpu.memory_space<vmem>>, vector<16xf32>,
          %slice3A_431 = vector.extract_strided_slice %get3A_430 {offsets = [0], sizes = [1], strides = [1]} : vector<16xf32> to vector<1xf32>
          %squeeze3A_432 = vector.extract %slice3A_431[0] : f32 from vector<1xf32>
          %max3A_433 = arith.maximumf %squeeze3A_39, %squeeze3A_432 : f32
          %min3A_434 = arith.minimumf %max3A_433, %select_n3A : f32
          %broadcast_in_dim3A_435 = vector.broadcast %while3A_387 : i32 to vector<16xi32>
          %broadcast_in_dim3A_436 = vector.broadcast %min3A_434 : f32 to vector<16xf32>
          tpu.vector_store_idx %arg17[%broadcast_in_dim3A_435], %broadcast_in_dim3A_436 masked %eq3A_4 : memref<512xf32, #tpu.memory_space<vmem>>[vector<16xi32>], vector<16xf32>, vector<16xi1>
        }
        %while3A_49 = arith.constant 1 : i32
        scf.for %while3A_387 = %while3A_47 to %while3A_43 step %while3A_49  : i32 {
          %add3A_388 = arith.addi %add3A_34, %while3A_387 : i32
          %get3A_389 = arith.index_cast %add3A_388 : i32 to index
          %get3A_390 = tpu.vector_load %arg13[%get3A_389] {strides = array<i32>} : memref<5040xi32, #tpu.memory_space<vmem>>, vector<16xi32>,
          %slice3A_391 = vector.extract_strided_slice %get3A_390 {offsets = [0], sizes = [1], strides = [1]} : vector<16xi32> to vector<1xi32>
          %squeeze3A_392 = vector.extract %slice3A_391[0] : i32 from vector<1xi32>
          %get3A_393 = arith.index_cast %squeeze3A_392 : i32 to index
          %get3A_394 = tpu.vector_load %arg12[%get3A_393] {strides = array<i32>} : memref<5024xi32, #tpu.memory_space<vmem>>, vector<16xi32>,
          %slice3A_395 = vector.extract_strided_slice %get3A_394 {offsets = [0], sizes = [1], strides = [1]} : vector<16xi32> to vector<1xi32>
          %squeeze3A_396 = vector.extract %slice3A_395[0] : i32 from vector<1xi32>
          %get3A_397 = arith.index_cast %squeeze3A_392 : i32 to index
          %get3A_398 = tpu.vector_load %arg11[%get3A_397] {strides = array<i32>} : memref<5024xi32, #tpu.memory_space<vmem>>, vector<16xi32>,
          %slice3A_399 = vector.extract_strided_slice %get3A_398 {offsets = [0], sizes = [1], strides = [1]} : vector<16xi32> to vector<1xi32>
          %squeeze3A_400 = vector.extract %slice3A_399[0] : i32 from vector<1xi32>
          %add3A_401 = arith.constant 1 : i32
          %add3A_402 = arith.addi %squeeze3A_392, %add3A_401 : i32
          %get3A_403 = arith.index_cast %add3A_402 : i32 to index
          %get3A_404 = tpu.vector_load %arg11[%get3A_403] {strides = array<i32>} : memref<5024xi32, #tpu.memory_space<vmem>>, vector<16xi32>,
          %slice3A_405 = vector.extract_strided_slice %get3A_404 {offsets = [0], sizes = [1], strides = [1]} : vector<16xi32> to vector<1xi32>
          %squeeze3A_406 = vector.extract %slice3A_405[0] : i32 from vector<1xi32>
          %sub3A_407 = arith.subi %squeeze3A_406, %squeeze3A_400 : i32
          %add3A_408 = arith.constant 15 : i32
          %add3A_409 = arith.addi %sub3A_407, %add3A_408 : i32
          %shift_right_arithmetic3A_410 = arith.constant 4 : i32
          %shift_right_arithmetic3A_411 = arith.shrsi %add3A_409, %shift_right_arithmetic3A_410 : i32
          %broadcast_in_dim3A = arith.constant -1.000000e+30 : f32
          %broadcast_in_dim3A_412 = vector.broadcast %broadcast_in_dim3A : f32 to vector<16xf32>
          %while3A_413 = arith.constant 0 : i32
          %while3A_414 = arith.subi %shift_right_arithmetic3A_411, %while3A_413 : i32
          %while3A_415 = arith.addi %while3A_413, %while3A_414 : i32
          %while3A_416 = arith.constant 1 : i32
          %while3A_417 = arith.divsi %while3A_414, %while3A_416 : i32
          %while3A_418 = arith.muli %while3A_417, %while3A_416 : i32
          %while3A_419 = arith.addi %while3A_413, %while3A_418 : i32
          %while3A_420 = arith.constant 1 : i32
          %while3A_421 = scf.for %while3A_437 = %while3A_413 to %while3A_419 step %while3A_420 iter_args(%while3A_438 = %broadcast_in_dim3A_412) -> (vector<16xf32>)  : i32 {
            %mul3A_439 = arith.constant 16 : i32
            %mul3A_440 = arith.muli %while3A_437, %mul3A_439 : i32
            %add3A_441 = arith.addi %squeeze3A_400, %mul3A_440 : i32
            %add3A_442 = vector.broadcast %add3A_441 : i32 to vector<16xi32>
            %add3A_443 = arith.addi %add3A_442, %iota3A : vector<16xi32>
            %lt3A = vector.broadcast %squeeze3A_406 : i32 to vector<16xi32>
            %lt3A_444 = arith.cmpi slt, %add3A_443, %lt3A : vector<16xi32>
            %jit3A_445 = arith.constant 0 : i32
            %broadcast_in_dim3A_446 = vector.broadcast %jit3A_445 : i32 to vector<16xi32>
            %select_n3A_447 = arith.select %lt3A_444, %add3A_443, %broadcast_in_dim3A_446 : vector<16xi1>, vector<16xi32>
            %shift_right_arithmetic3A_448 = arith.constant 1 : i32
            %shift_right_arithmetic3A_449 = vector.broadcast %shift_right_arithmetic3A_448 : i32 to vector<16xi32>
            %shift_right_arithmetic3A_450 = arith.shrsi %select_n3A_447, %shift_right_arithmetic3A_449 : vector<16xi32>
            %gather3A = tpu.vector_load_idx %arg10[%shift_right_arithmetic3A_450] masked %lt3A_444 : memref<80000xi32, #tpu.memory_space<vmem>>[vector<16xi32>], vector<16xi32>, vector<16xi1>
            %and3A = arith.constant 1 : i32
            %and3A_451 = vector.broadcast %and3A : i32 to vector<16xi32>
            %and3A_452 = arith.andi %select_n3A_447, %and3A_451 : vector<16xi32>
            %shift_left3A = arith.constant 4 : i32
            %shift_left3A_453 = vector.broadcast %shift_left3A : i32 to vector<16xi32>
            %shift_left3A_454 = arith.shli %and3A_452, %shift_left3A_453 : vector<16xi32>
            %shift_right_arithmetic3A_455 = arith.shrsi %gather3A, %shift_left3A_454 : vector<16xi32>
            %and3A_456 = arith.constant 65535 : i32
            %and3A_457 = vector.broadcast %and3A_456 : i32 to vector<16xi32>
            %and3A_458 = arith.andi %shift_right_arithmetic3A_455, %and3A_457 : vector<16xi32>
            %jit3A_459 = arith.constant 0 : i32
            %broadcast_in_dim3A_460 = vector.broadcast %jit3A_459 : i32 to vector<16xi32>
            %select_n3A_461 = arith.select %lt3A_444, %and3A_458, %broadcast_in_dim3A_460 : vector<16xi1>, vector<16xi32>
            %gather3A_462 = tpu.vector_load_idx %arg12[%select_n3A_461] masked %lt3A_444 : memref<5024xi32, #tpu.memory_space<vmem>>[vector<16xi32>], vector<16xi32>, vector<16xi1>
            %ge3A = arith.constant 0 : i32
            %ge3A_463 = vector.broadcast %ge3A : i32 to vector<16xi32>
            %ge3A_464 = arith.cmpi sge, %gather3A_462, %ge3A_463 : vector<16xi32>
            %and3A_465 = arith.andi %lt3A_444, %ge3A_464 : vector<16xi1>
            %lt3A_466 = vector.broadcast %squeeze3A_396 : i32 to vector<16xi32>
            %lt3A_467 = arith.cmpi slt, %gather3A_462, %lt3A_466 : vector<16xi32>
            %and3A_468 = arith.andi %and3A_465, %lt3A_467 : vector<16xi1>
            %gather3A_469 = tpu.vector_load_idx %arg15[%select_n3A_461] masked %lt3A_444 : memref<5024xf32, #tpu.memory_space<vmem>>[vector<16xi32>], vector<16xf32>, vector<16xi1>
            %jit3A_470 = arith.constant -1.000000e+30 : f32
            %broadcast_in_dim3A_471 = vector.broadcast %jit3A_470 : f32 to vector<16xf32>
            %select_n3A_472 = arith.select %and3A_468, %gather3A_469, %broadcast_in_dim3A_471 : vector<16xi1>, vector<16xf32>
            %max3A_473 = arith.maximumf %while3A_438, %select_n3A_472 : vector<16xf32>
            scf.yield %max3A_473 : vector<16xf32>
          }
          %while3A_422 = arith.constant 1 : i32
          %while3A_423 = scf.for %while3A_437 = %while3A_419 to %while3A_415 step %while3A_422 iter_args(%while3A_438 = %while3A_421) -> (vector<16xf32>)  : i32 {
            %mul3A_439 = arith.constant 16 : i32
            %mul3A_440 = arith.muli %while3A_437, %mul3A_439 : i32
            %add3A_441 = arith.addi %squeeze3A_400, %mul3A_440 : i32
            %add3A_442 = vector.broadcast %add3A_441 : i32 to vector<16xi32>
            %add3A_443 = arith.addi %add3A_442, %iota3A : vector<16xi32>
            %lt3A = vector.broadcast %squeeze3A_406 : i32 to vector<16xi32>
            %lt3A_444 = arith.cmpi slt, %add3A_443, %lt3A : vector<16xi32>
            %jit3A_445 = arith.constant 0 : i32
            %broadcast_in_dim3A_446 = vector.broadcast %jit3A_445 : i32 to vector<16xi32>
            %select_n3A_447 = arith.select %lt3A_444, %add3A_443, %broadcast_in_dim3A_446 : vector<16xi1>, vector<16xi32>
            %shift_right_arithmetic3A_448 = arith.constant 1 : i32
            %shift_right_arithmetic3A_449 = vector.broadcast %shift_right_arithmetic3A_448 : i32 to vector<16xi32>
            %shift_right_arithmetic3A_450 = arith.shrsi %select_n3A_447, %shift_right_arithmetic3A_449 : vector<16xi32>
            %gather3A = tpu.vector_load_idx %arg10[%shift_right_arithmetic3A_450] masked %lt3A_444 : memref<80000xi32, #tpu.memory_space<vmem>>[vector<16xi32>], vector<16xi32>, vector<16xi1>
            %and3A = arith.constant 1 : i32
            %and3A_451 = vector.broadcast %and3A : i32 to vector<16xi32>
            %and3A_452 = arith.andi %select_n3A_447, %and3A_451 : vector<16xi32>
            %shift_left3A = arith.constant 4 : i32
            %shift_left3A_453 = vector.broadcast %shift_left3A : i32 to vector<16xi32>
            %shift_left3A_454 = arith.shli %and3A_452, %shift_left3A_453 : vector<16xi32>
            %shift_right_arithmetic3A_455 = arith.shrsi %gather3A, %shift_left3A_454 : vector<16xi32>
            %and3A_456 = arith.constant 65535 : i32
            %and3A_457 = vector.broadcast %and3A_456 : i32 to vector<16xi32>
            %and3A_458 = arith.andi %shift_right_arithmetic3A_455, %and3A_457 : vector<16xi32>
            %jit3A_459 = arith.constant 0 : i32
            %broadcast_in_dim3A_460 = vector.broadcast %jit3A_459 : i32 to vector<16xi32>
            %select_n3A_461 = arith.select %lt3A_444, %and3A_458, %broadcast_in_dim3A_460 : vector<16xi1>, vector<16xi32>
            %gather3A_462 = tpu.vector_load_idx %arg12[%select_n3A_461] masked %lt3A_444 : memref<5024xi32, #tpu.memory_space<vmem>>[vector<16xi32>], vector<16xi32>, vector<16xi1>
            %ge3A = arith.constant 0 : i32
            %ge3A_463 = vector.broadcast %ge3A : i32 to vector<16xi32>
            %ge3A_464 = arith.cmpi sge, %gather3A_462, %ge3A_463 : vector<16xi32>
            %and3A_465 = arith.andi %lt3A_444, %ge3A_464 : vector<16xi1>
            %lt3A_466 = vector.broadcast %squeeze3A_396 : i32 to vector<16xi32>
            %lt3A_467 = arith.cmpi slt, %gather3A_462, %lt3A_466 : vector<16xi32>
            %and3A_468 = arith.andi %and3A_465, %lt3A_467 : vector<16xi1>
            %gather3A_469 = tpu.vector_load_idx %arg15[%select_n3A_461] masked %lt3A_444 : memref<5024xf32, #tpu.memory_space<vmem>>[vector<16xi32>], vector<16xf32>, vector<16xi1>
            %jit3A_470 = arith.constant -1.000000e+30 : f32
            %broadcast_in_dim3A_471 = vector.broadcast %jit3A_470 : f32 to vector<16xf32>
            %select_n3A_472 = arith.select %and3A_468, %gather3A_469, %broadcast_in_dim3A_471 : vector<16xi1>, vector<16xf32>
            %max3A_473 = arith.maximumf %while3A_438, %select_n3A_472 : vector<16xf32>
            scf.yield %max3A_473 : vector<16xf32>
          }
          %reduce_max3A = arith.constant true
          %reduce_max3A_424 = vector.broadcast %reduce_max3A : i1 to vector<16xi1>
          %reduce_max3A_425 = tpu.scan <max>, %while3A_423 masked %reduce_max3A_424 : vector<16xf32>, vector<16xi1> -> vector<16xf32>
          %reduce_max3A_426 = vector.extract %reduce_max3A_425[15] : f32 from vector<16xf32>
          %gt3A = arith.constant -1.000000e+29 : f32
          %gt3A_427 = arith.cmpf ogt, %reduce_max3A_426, %gt3A : f32
          %jit3A_428 = arith.constant 1.000000e+00 : f32
          %select_n3A = arith.select %gt3A_427, %reduce_max3A_426, %jit3A_428 : f32
          %get3A_429 = arith.index_cast %squeeze3A_392 : i32 to index
          %get3A_430 = tpu.vector_load %arg15[%get3A_429] {strides = array<i32>} : memref<5024xf32, #tpu.memory_space<vmem>>, vector<16xf32>,
          %slice3A_431 = vector.extract_strided_slice %get3A_430 {offsets = [0], sizes = [1], strides = [1]} : vector<16xf32> to vector<1xf32>
          %squeeze3A_432 = vector.extract %slice3A_431[0] : f32 from vector<1xf32>
          %max3A_433 = arith.maximumf %squeeze3A_39, %squeeze3A_432 : f32
          %min3A_434 = arith.minimumf %max3A_433, %select_n3A : f32
          %broadcast_in_dim3A_435 = vector.broadcast %while3A_387 : i32 to vector<16xi32>
          %broadcast_in_dim3A_436 = vector.broadcast %min3A_434 : f32 to vector<16xf32>
          tpu.vector_store_idx %arg17[%broadcast_in_dim3A_435], %broadcast_in_dim3A_436 masked %eq3A_4 : memref<512xf32, #tpu.memory_space<vmem>>[vector<16xi32>], vector<16xf32>, vector<16xi1>
        }
        "tpu.region"() ({
          %run_scoped3A = tpu.sem_alloc : memref<!tpu.dma_semaphore, #tpu.memory_space<semaphore_mem>>
          %dma_start3A = arith.constant 0 : i32
          %dma_start3A_387 = tpu.memref_slice %arg19[%arg1, %dma_start3A] : memref<16x512xf32, #tpu.memory_space<vmem_shared>> -> memref<1x512xf32, #tpu.memory_space<vmem_shared>>
          %dma_start3A_388 = tpu.memref_squeeze %dma_start3A_387 : memref<1x512xf32, #tpu.memory_space<vmem_shared>> -> memref<512xf32, #tpu.memory_space<vmem_shared>>
          %dma_start3A_389 = arith.constant 0 : i32
          %dma_start3A_390 = tpu.memref_slice %arg19[%arg1, %dma_start3A_389] : memref<16x512xf32, #tpu.memory_space<vmem_shared>> -> memref<1x512xf32, #tpu.memory_space<vmem_shared>>
          %dma_start3A_391 = tpu.memref_squeeze %dma_start3A_390 : memref<1x512xf32, #tpu.memory_space<vmem_shared>> -> memref<512xf32, #tpu.memory_space<vmem_shared>>
          tpu.enqueue_dma source(%arg17 : memref<512xf32, #tpu.memory_space<vmem>>) target(%dma_start3A_391 : memref<512xf32, #tpu.memory_space<vmem_shared>>) target_semaphore(%run_scoped3A : memref<!tpu.dma_semaphore, #tpu.memory_space<semaphore_mem>>)
          %dma_wait3A = arith.constant 0 : i32
          %dma_wait3A_392 = tpu.memref_slice %arg19[%arg1, %dma_wait3A] : memref<16x512xf32, #tpu.memory_space<vmem_shared>> -> memref<1x512xf32, #tpu.memory_space<vmem_shared>>
          %dma_wait3A_393 = tpu.memref_squeeze %dma_wait3A_392 : memref<1x512xf32, #tpu.memory_space<vmem_shared>> -> memref<512xf32, #tpu.memory_space<vmem_shared>>
          %dma_wait3A_394 = arith.constant 0 : i32
          %dma_wait3A_395 = tpu.memref_slice %arg19[%arg1, %dma_wait3A_394] : memref<16x512xf32, #tpu.memory_space<vmem_shared>> -> memref<1x512xf32, #tpu.memory_space<vmem_shared>>
          %dma_wait3A_396 = tpu.memref_squeeze %dma_wait3A_395 : memref<1x512xf32, #tpu.memory_space<vmem_shared>> -> memref<512xf32, #tpu.memory_space<vmem_shared>>
          tpu.wait_dma2 semaphore(%run_scoped3A : memref<!tpu.dma_semaphore, #tpu.memory_space<semaphore_mem>>) src(%arg17 : memref<512xf32, #tpu.memory_space<vmem>>) dst(%dma_wait3A_396 : memref<512xf32, #tpu.memory_space<vmem_shared>>)
          tpu.yield
        }) : () -> ()
        %barrier3A = arith.constant 0 : index
        tpu.barrier barrier_id(%barrier3A)
        "tpu.region"() ({
          %run_scoped3A = tpu.sem_alloc : memref<!tpu.dma_semaphore, #tpu.memory_space<semaphore_mem>>
          tpu.enqueue_dma source(%arg19 : memref<16x512xf32, #tpu.memory_space<vmem_shared>>) target(%arg18 : memref<16x512xf32, #tpu.memory_space<vmem>>) target_semaphore(%run_scoped3A : memref<!tpu.dma_semaphore, #tpu.memory_space<semaphore_mem>>)
          tpu.wait_dma2 semaphore(%run_scoped3A : memref<!tpu.dma_semaphore, #tpu.memory_space<semaphore_mem>>) src(%arg19 : memref<16x512xf32, #tpu.memory_space<vmem_shared>>) dst(%arg18 : memref<16x512xf32, #tpu.memory_space<vmem>>)
          tpu.yield
        }) : () -> ()
        %barrier3A_50 = arith.constant 0 : index
        tpu.barrier barrier_id(%barrier3A_50)
        %mul3A_51 = arith.constant 0 : i32
        %mul3A_52 = arith.muli %mul3A_51, %shift_right_arithmetic3A_33 : i32
        %add3A_53 = arith.addi %squeeze3A_25, %mul3A_52 : i32
        %sub3A_54 = arith.subi %squeeze3A_30, %add3A_53 : i32
        %jit3A_55 = arith.constant 0 : i32
        %max3A_56 = arith.maxsi %jit3A_55, %sub3A_54 : i32
        %min3A_57 = arith.minsi %shift_right_arithmetic3A_33, %max3A_56 : i32
        %add3A_58 = arith.constant 15 : i32
        %add3A_59 = arith.addi %min3A_57, %add3A_58 : i32
        %shift_right_arithmetic3A_60 = arith.constant 4 : i32
        %shift_right_arithmetic3A_61 = arith.shrsi %add3A_59, %shift_right_arithmetic3A_60 : i32
        %while3A_62 = arith.constant 0 : i32
        %while3A_63 = arith.constant 0 : i32
        %while3A_64 = arith.subi %shift_right_arithmetic3A_61, %while3A_63 : i32
        %while3A_65 = arith.addi %while3A_63, %while3A_64 : i32
        %while3A_66 = arith.constant 1 : i32
        %while3A_67 = arith.divsi %while3A_64, %while3A_66 : i32
        %while3A_68 = arith.muli %while3A_67, %while3A_66 : i32
        %while3A_69 = arith.addi %while3A_63, %while3A_68 : i32
        %while3A_70 = arith.constant 1 : i32
        scf.for %while3A_387 = %while3A_63 to %while3A_69 step %while3A_70  : i32 {
          %mul3A_388 = arith.constant 16 : i32
          %mul3A_389 = arith.muli %while3A_387, %mul3A_388 : i32
          %add3A_390 = arith.addi %add3A_53, %mul3A_389 : i32
          %get3A_391 = arith.index_cast %add3A_390 : i32 to index
          %get3A_392 = tpu.vector_load %arg13[%get3A_391] {strides = array<i32>} : memref<5040xi32, #tpu.memory_space<vmem>>, vector<16xi32>,
          %get3A_393 = arith.constant 0 : i32
          %get3A_394 = arith.index_cast %get3A_393 : i32 to index
          %get3A_395 = arith.index_cast %mul3A_389 : i32 to index
          %get3A_396 = tpu.vector_load %arg18[%get3A_394, %get3A_395] {strides = array<i32>} : memref<16x512xf32, #tpu.memory_space<vmem>>, vector<16xf32>,
          %add3A_397 = vector.broadcast %mul3A_389 : i32 to vector<16xi32>
          %add3A_398 = arith.addi %add3A_397, %iota3A : vector<16xi32>
          %lt3A = vector.broadcast %min3A_57 : i32 to vector<16xi32>
          %lt3A_399 = arith.cmpi slt, %add3A_398, %lt3A : vector<16xi32>
          %jit3A_400 = arith.constant 0 : i32
          %broadcast_in_dim3A = vector.broadcast %jit3A_400 : i32 to vector<16xi32>
          %select_n3A = arith.select %lt3A_399, %get3A_392, %broadcast_in_dim3A : vector<16xi1>, vector<16xi32>
          tpu.vector_store_idx %arg15[%select_n3A], %get3A_396 masked %lt3A_399 : memref<5024xf32, #tpu.memory_space<vmem>>[vector<16xi32>], vector<16xf32>, vector<16xi1>
        }
        %while3A_71 = arith.constant 1 : i32
        scf.for %while3A_387 = %while3A_69 to %while3A_65 step %while3A_71  : i32 {
          %mul3A_388 = arith.constant 16 : i32
          %mul3A_389 = arith.muli %while3A_387, %mul3A_388 : i32
          %add3A_390 = arith.addi %add3A_53, %mul3A_389 : i32
          %get3A_391 = arith.index_cast %add3A_390 : i32 to index
          %get3A_392 = tpu.vector_load %arg13[%get3A_391] {strides = array<i32>} : memref<5040xi32, #tpu.memory_space<vmem>>, vector<16xi32>,
          %get3A_393 = arith.constant 0 : i32
          %get3A_394 = arith.index_cast %get3A_393 : i32 to index
          %get3A_395 = arith.index_cast %mul3A_389 : i32 to index
          %get3A_396 = tpu.vector_load %arg18[%get3A_394, %get3A_395] {strides = array<i32>} : memref<16x512xf32, #tpu.memory_space<vmem>>, vector<16xf32>,
          %add3A_397 = vector.broadcast %mul3A_389 : i32 to vector<16xi32>
          %add3A_398 = arith.addi %add3A_397, %iota3A : vector<16xi32>
          %lt3A = vector.broadcast %min3A_57 : i32 to vector<16xi32>
          %lt3A_399 = arith.cmpi slt, %add3A_398, %lt3A : vector<16xi32>
          %jit3A_400 = arith.constant 0 : i32
          %broadcast_in_dim3A = vector.broadcast %jit3A_400 : i32 to vector<16xi32>
          %select_n3A = arith.select %lt3A_399, %get3A_392, %broadcast_in_dim3A : vector<16xi1>, vector<16xi32>
          tpu.vector_store_idx %arg15[%select_n3A], %get3A_396 masked %lt3A_399 : memref<5024xf32, #tpu.memory_space<vmem>>[vector<16xi32>], vector<16xf32>, vector<16xi1>
        }
        %mul3A_72 = arith.constant 1 : i32
        %mul3A_73 = arith.muli %mul3A_72, %shift_right_arithmetic3A_33 : i32
        %add3A_74 = arith.addi %squeeze3A_25, %mul3A_73 : i32
        %sub3A_75 = arith.subi %squeeze3A_30, %add3A_74 : i32
        %jit3A_76 = arith.constant 0 : i32
        %max3A_77 = arith.maxsi %jit3A_76, %sub3A_75 : i32
        %min3A_78 = arith.minsi %shift_right_arithmetic3A_33, %max3A_77 : i32
        %add3A_79 = arith.constant 15 : i32
        %add3A_80 = arith.addi %min3A_78, %add3A_79 : i32
        %shift_right_arithmetic3A_81 = arith.constant 4 : i32
        %shift_right_arithmetic3A_82 = arith.shrsi %add3A_80, %shift_right_arithmetic3A_81 : i32
        %while3A_83 = arith.constant 0 : i32
        %while3A_84 = arith.constant 0 : i32
        %while3A_85 = arith.subi %shift_right_arithmetic3A_82, %while3A_84 : i32
        %while3A_86 = arith.addi %while3A_84, %while3A_85 : i32
        %while3A_87 = arith.constant 1 : i32
        %while3A_88 = arith.divsi %while3A_85, %while3A_87 : i32
        %while3A_89 = arith.muli %while3A_88, %while3A_87 : i32
        %while3A_90 = arith.addi %while3A_84, %while3A_89 : i32
        %while3A_91 = arith.constant 1 : i32
        scf.for %while3A_387 = %while3A_84 to %while3A_90 step %while3A_91  : i32 {
          %mul3A_388 = arith.constant 16 : i32
          %mul3A_389 = arith.muli %while3A_387, %mul3A_388 : i32
          %add3A_390 = arith.addi %add3A_74, %mul3A_389 : i32
          %get3A_391 = arith.index_cast %add3A_390 : i32 to index
          %get3A_392 = tpu.vector_load %arg13[%get3A_391] {strides = array<i32>} : memref<5040xi32, #tpu.memory_space<vmem>>, vector<16xi32>,
          %get3A_393 = arith.constant 1 : i32
          %get3A_394 = arith.index_cast %get3A_393 : i32 to index
          %get3A_395 = arith.index_cast %mul3A_389 : i32 to index
          %get3A_396 = tpu.vector_load %arg18[%get3A_394, %get3A_395] {strides = array<i32>} : memref<16x512xf32, #tpu.memory_space<vmem>>, vector<16xf32>,
          %add3A_397 = vector.broadcast %mul3A_389 : i32 to vector<16xi32>
          %add3A_398 = arith.addi %add3A_397, %iota3A : vector<16xi32>
          %lt3A = vector.broadcast %min3A_78 : i32 to vector<16xi32>
          %lt3A_399 = arith.cmpi slt, %add3A_398, %lt3A : vector<16xi32>
          %jit3A_400 = arith.constant 0 : i32
          %broadcast_in_dim3A = vector.broadcast %jit3A_400 : i32 to vector<16xi32>
          %select_n3A = arith.select %lt3A_399, %get3A_392, %broadcast_in_dim3A : vector<16xi1>, vector<16xi32>
          tpu.vector_store_idx %arg15[%select_n3A], %get3A_396 masked %lt3A_399 : memref<5024xf32, #tpu.memory_space<vmem>>[vector<16xi32>], vector<16xf32>, vector<16xi1>
        }
        %while3A_92 = arith.constant 1 : i32
        scf.for %while3A_387 = %while3A_90 to %while3A_86 step %while3A_92  : i32 {
          %mul3A_388 = arith.constant 16 : i32
          %mul3A_389 = arith.muli %while3A_387, %mul3A_388 : i32
          %add3A_390 = arith.addi %add3A_74, %mul3A_389 : i32
          %get3A_391 = arith.index_cast %add3A_390 : i32 to index
          %get3A_392 = tpu.vector_load %arg13[%get3A_391] {strides = array<i32>} : memref<5040xi32, #tpu.memory_space<vmem>>, vector<16xi32>,
          %get3A_393 = arith.constant 1 : i32
          %get3A_394 = arith.index_cast %get3A_393 : i32 to index
          %get3A_395 = arith.index_cast %mul3A_389 : i32 to index
          %get3A_396 = tpu.vector_load %arg18[%get3A_394, %get3A_395] {strides = array<i32>} : memref<16x512xf32, #tpu.memory_space<vmem>>, vector<16xf32>,
          %add3A_397 = vector.broadcast %mul3A_389 : i32 to vector<16xi32>
          %add3A_398 = arith.addi %add3A_397, %iota3A : vector<16xi32>
          %lt3A = vector.broadcast %min3A_78 : i32 to vector<16xi32>
          %lt3A_399 = arith.cmpi slt, %add3A_398, %lt3A : vector<16xi32>
          %jit3A_400 = arith.constant 0 : i32
          %broadcast_in_dim3A = vector.broadcast %jit3A_400 : i32 to vector<16xi32>
          %select_n3A = arith.select %lt3A_399, %get3A_392, %broadcast_in_dim3A : vector<16xi1>, vector<16xi32>
          tpu.vector_store_idx %arg15[%select_n3A], %get3A_396 masked %lt3A_399 : memref<5024xf32, #tpu.memory_space<vmem>>[vector<16xi32>], vector<16xf32>, vector<16xi1>
        }
        %mul3A_93 = arith.constant 2 : i32
        %mul3A_94 = arith.muli %mul3A_93, %shift_right_arithmetic3A_33 : i32
        %add3A_95 = arith.addi %squeeze3A_25, %mul3A_94 : i32
        %sub3A_96 = arith.subi %squeeze3A_30, %add3A_95 : i32
        %jit3A_97 = arith.constant 0 : i32
        %max3A_98 = arith.maxsi %jit3A_97, %sub3A_96 : i32
        %min3A_99 = arith.minsi %shift_right_arithmetic3A_33, %max3A_98 : i32
        %add3A_100 = arith.constant 15 : i32
        %add3A_101 = arith.addi %min3A_99, %add3A_100 : i32
        %shift_right_arithmetic3A_102 = arith.constant 4 : i32
        %shift_right_arithmetic3A_103 = arith.shrsi %add3A_101, %shift_right_arithmetic3A_102 : i32
        %while3A_104 = arith.constant 0 : i32
        %while3A_105 = arith.constant 0 : i32
        %while3A_106 = arith.subi %shift_right_arithmetic3A_103, %while3A_105 : i32
        %while3A_107 = arith.addi %while3A_105, %while3A_106 : i32
        %while3A_108 = arith.constant 1 : i32
        %while3A_109 = arith.divsi %while3A_106, %while3A_108 : i32
        %while3A_110 = arith.muli %while3A_109, %while3A_108 : i32
        %while3A_111 = arith.addi %while3A_105, %while3A_110 : i32
        %while3A_112 = arith.constant 1 : i32
        scf.for %while3A_387 = %while3A_105 to %while3A_111 step %while3A_112  : i32 {
          %mul3A_388 = arith.constant 16 : i32
          %mul3A_389 = arith.muli %while3A_387, %mul3A_388 : i32
          %add3A_390 = arith.addi %add3A_95, %mul3A_389 : i32
          %get3A_391 = arith.index_cast %add3A_390 : i32 to index
          %get3A_392 = tpu.vector_load %arg13[%get3A_391] {strides = array<i32>} : memref<5040xi32, #tpu.memory_space<vmem>>, vector<16xi32>,
          %get3A_393 = arith.constant 2 : i32
          %get3A_394 = arith.index_cast %get3A_393 : i32 to index
          %get3A_395 = arith.index_cast %mul3A_389 : i32 to index
          %get3A_396 = tpu.vector_load %arg18[%get3A_394, %get3A_395] {strides = array<i32>} : memref<16x512xf32, #tpu.memory_space<vmem>>, vector<16xf32>,
          %add3A_397 = vector.broadcast %mul3A_389 : i32 to vector<16xi32>
          %add3A_398 = arith.addi %add3A_397, %iota3A : vector<16xi32>
          %lt3A = vector.broadcast %min3A_99 : i32 to vector<16xi32>
          %lt3A_399 = arith.cmpi slt, %add3A_398, %lt3A : vector<16xi32>
          %jit3A_400 = arith.constant 0 : i32
          %broadcast_in_dim3A = vector.broadcast %jit3A_400 : i32 to vector<16xi32>
          %select_n3A = arith.select %lt3A_399, %get3A_392, %broadcast_in_dim3A : vector<16xi1>, vector<16xi32>
          tpu.vector_store_idx %arg15[%select_n3A], %get3A_396 masked %lt3A_399 : memref<5024xf32, #tpu.memory_space<vmem>>[vector<16xi32>], vector<16xf32>, vector<16xi1>
        }
        %while3A_113 = arith.constant 1 : i32
        scf.for %while3A_387 = %while3A_111 to %while3A_107 step %while3A_113  : i32 {
          %mul3A_388 = arith.constant 16 : i32
          %mul3A_389 = arith.muli %while3A_387, %mul3A_388 : i32
          %add3A_390 = arith.addi %add3A_95, %mul3A_389 : i32
          %get3A_391 = arith.index_cast %add3A_390 : i32 to index
          %get3A_392 = tpu.vector_load %arg13[%get3A_391] {strides = array<i32>} : memref<5040xi32, #tpu.memory_space<vmem>>, vector<16xi32>,
          %get3A_393 = arith.constant 2 : i32
          %get3A_394 = arith.index_cast %get3A_393 : i32 to index
          %get3A_395 = arith.index_cast %mul3A_389 : i32 to index
          %get3A_396 = tpu.vector_load %arg18[%get3A_394, %get3A_395] {strides = array<i32>} : memref<16x512xf32, #tpu.memory_space<vmem>>, vector<16xf32>,
          %add3A_397 = vector.broadcast %mul3A_389 : i32 to vector<16xi32>
          %add3A_398 = arith.addi %add3A_397, %iota3A : vector<16xi32>
          %lt3A = vector.broadcast %min3A_99 : i32 to vector<16xi32>
          %lt3A_399 = arith.cmpi slt, %add3A_398, %lt3A : vector<16xi32>
          %jit3A_400 = arith.constant 0 : i32
          %broadcast_in_dim3A = vector.broadcast %jit3A_400 : i32 to vector<16xi32>
          %select_n3A = arith.select %lt3A_399, %get3A_392, %broadcast_in_dim3A : vector<16xi1>, vector<16xi32>
          tpu.vector_store_idx %arg15[%select_n3A], %get3A_396 masked %lt3A_399 : memref<5024xf32, #tpu.memory_space<vmem>>[vector<16xi32>], vector<16xf32>, vector<16xi1>
        }
        %mul3A_114 = arith.constant 3 : i32
        %mul3A_115 = arith.muli %mul3A_114, %shift_right_arithmetic3A_33 : i32
        %add3A_116 = arith.addi %squeeze3A_25, %mul3A_115 : i32
        %sub3A_117 = arith.subi %squeeze3A_30, %add3A_116 : i32
        %jit3A_118 = arith.constant 0 : i32
        %max3A_119 = arith.maxsi %jit3A_118, %sub3A_117 : i32
        %min3A_120 = arith.minsi %shift_right_arithmetic3A_33, %max3A_119 : i32
        %add3A_121 = arith.constant 15 : i32
        %add3A_122 = arith.addi %min3A_120, %add3A_121 : i32
        %shift_right_arithmetic3A_123 = arith.constant 4 : i32
        %shift_right_arithmetic3A_124 = arith.shrsi %add3A_122, %shift_right_arithmetic3A_123 : i32
        %while3A_125 = arith.constant 0 : i32
        %while3A_126 = arith.constant 0 : i32
        %while3A_127 = arith.subi %shift_right_arithmetic3A_124, %while3A_126 : i32
        %while3A_128 = arith.addi %while3A_126, %while3A_127 : i32
        %while3A_129 = arith.constant 1 : i32
        %while3A_130 = arith.divsi %while3A_127, %while3A_129 : i32
        %while3A_131 = arith.muli %while3A_130, %while3A_129 : i32
        %while3A_132 = arith.addi %while3A_126, %while3A_131 : i32
        %while3A_133 = arith.constant 1 : i32
        scf.for %while3A_387 = %while3A_126 to %while3A_132 step %while3A_133  : i32 {
          %mul3A_388 = arith.constant 16 : i32
          %mul3A_389 = arith.muli %while3A_387, %mul3A_388 : i32
          %add3A_390 = arith.addi %add3A_116, %mul3A_389 : i32
          %get3A_391 = arith.index_cast %add3A_390 : i32 to index
          %get3A_392 = tpu.vector_load %arg13[%get3A_391] {strides = array<i32>} : memref<5040xi32, #tpu.memory_space<vmem>>, vector<16xi32>,
          %get3A_393 = arith.constant 3 : i32
          %get3A_394 = arith.index_cast %get3A_393 : i32 to index
          %get3A_395 = arith.index_cast %mul3A_389 : i32 to index
          %get3A_396 = tpu.vector_load %arg18[%get3A_394, %get3A_395] {strides = array<i32>} : memref<16x512xf32, #tpu.memory_space<vmem>>, vector<16xf32>,
          %add3A_397 = vector.broadcast %mul3A_389 : i32 to vector<16xi32>
          %add3A_398 = arith.addi %add3A_397, %iota3A : vector<16xi32>
          %lt3A = vector.broadcast %min3A_120 : i32 to vector<16xi32>
          %lt3A_399 = arith.cmpi slt, %add3A_398, %lt3A : vector<16xi32>
          %jit3A_400 = arith.constant 0 : i32
          %broadcast_in_dim3A = vector.broadcast %jit3A_400 : i32 to vector<16xi32>
          %select_n3A = arith.select %lt3A_399, %get3A_392, %broadcast_in_dim3A : vector<16xi1>, vector<16xi32>
          tpu.vector_store_idx %arg15[%select_n3A], %get3A_396 masked %lt3A_399 : memref<5024xf32, #tpu.memory_space<vmem>>[vector<16xi32>], vector<16xf32>, vector<16xi1>
        }
        %while3A_134 = arith.constant 1 : i32
        scf.for %while3A_387 = %while3A_132 to %while3A_128 step %while3A_134  : i32 {
          %mul3A_388 = arith.constant 16 : i32
          %mul3A_389 = arith.muli %while3A_387, %mul3A_388 : i32
          %add3A_390 = arith.addi %add3A_116, %mul3A_389 : i32
          %get3A_391 = arith.index_cast %add3A_390 : i32 to index
          %get3A_392 = tpu.vector_load %arg13[%get3A_391] {strides = array<i32>} : memref<5040xi32, #tpu.memory_space<vmem>>, vector<16xi32>,
          %get3A_393 = arith.constant 3 : i32
          %get3A_394 = arith.index_cast %get3A_393 : i32 to index
          %get3A_395 = arith.index_cast %mul3A_389 : i32 to index
          %get3A_396 = tpu.vector_load %arg18[%get3A_394, %get3A_395] {strides = array<i32>} : memref<16x512xf32, #tpu.memory_space<vmem>>, vector<16xf32>,
          %add3A_397 = vector.broadcast %mul3A_389 : i32 to vector<16xi32>
          %add3A_398 = arith.addi %add3A_397, %iota3A : vector<16xi32>
          %lt3A = vector.broadcast %min3A_120 : i32 to vector<16xi32>
          %lt3A_399 = arith.cmpi slt, %add3A_398, %lt3A : vector<16xi32>
          %jit3A_400 = arith.constant 0 : i32
          %broadcast_in_dim3A = vector.broadcast %jit3A_400 : i32 to vector<16xi32>
          %select_n3A = arith.select %lt3A_399, %get3A_392, %broadcast_in_dim3A : vector<16xi1>, vector<16xi32>
          tpu.vector_store_idx %arg15[%select_n3A], %get3A_396 masked %lt3A_399 : memref<5024xf32, #tpu.memory_space<vmem>>[vector<16xi32>], vector<16xf32>, vector<16xi1>
        }
        %mul3A_135 = arith.constant 4 : i32
        %mul3A_136 = arith.muli %mul3A_135, %shift_right_arithmetic3A_33 : i32
        %add3A_137 = arith.addi %squeeze3A_25, %mul3A_136 : i32
        %sub3A_138 = arith.subi %squeeze3A_30, %add3A_137 : i32
        %jit3A_139 = arith.constant 0 : i32
        %max3A_140 = arith.maxsi %jit3A_139, %sub3A_138 : i32
        %min3A_141 = arith.minsi %shift_right_arithmetic3A_33, %max3A_140 : i32
        %add3A_142 = arith.constant 15 : i32
        %add3A_143 = arith.addi %min3A_141, %add3A_142 : i32
        %shift_right_arithmetic3A_144 = arith.constant 4 : i32
        %shift_right_arithmetic3A_145 = arith.shrsi %add3A_143, %shift_right_arithmetic3A_144 : i32
        %while3A_146 = arith.constant 0 : i32
        %while3A_147 = arith.constant 0 : i32
        %while3A_148 = arith.subi %shift_right_arithmetic3A_145, %while3A_147 : i32
        %while3A_149 = arith.addi %while3A_147, %while3A_148 : i32
        %while3A_150 = arith.constant 1 : i32
        %while3A_151 = arith.divsi %while3A_148, %while3A_150 : i32
        %while3A_152 = arith.muli %while3A_151, %while3A_150 : i32
        %while3A_153 = arith.addi %while3A_147, %while3A_152 : i32
        %while3A_154 = arith.constant 1 : i32
        scf.for %while3A_387 = %while3A_147 to %while3A_153 step %while3A_154  : i32 {
          %mul3A_388 = arith.constant 16 : i32
          %mul3A_389 = arith.muli %while3A_387, %mul3A_388 : i32
          %add3A_390 = arith.addi %add3A_137, %mul3A_389 : i32
          %get3A_391 = arith.index_cast %add3A_390 : i32 to index
          %get3A_392 = tpu.vector_load %arg13[%get3A_391] {strides = array<i32>} : memref<5040xi32, #tpu.memory_space<vmem>>, vector<16xi32>,
          %get3A_393 = arith.constant 4 : i32
          %get3A_394 = arith.index_cast %get3A_393 : i32 to index
          %get3A_395 = arith.index_cast %mul3A_389 : i32 to index
          %get3A_396 = tpu.vector_load %arg18[%get3A_394, %get3A_395] {strides = array<i32>} : memref<16x512xf32, #tpu.memory_space<vmem>>, vector<16xf32>,
          %add3A_397 = vector.broadcast %mul3A_389 : i32 to vector<16xi32>
          %add3A_398 = arith.addi %add3A_397, %iota3A : vector<16xi32>
          %lt3A = vector.broadcast %min3A_141 : i32 to vector<16xi32>
          %lt3A_399 = arith.cmpi slt, %add3A_398, %lt3A : vector<16xi32>
          %jit3A_400 = arith.constant 0 : i32
          %broadcast_in_dim3A = vector.broadcast %jit3A_400 : i32 to vector<16xi32>
          %select_n3A = arith.select %lt3A_399, %get3A_392, %broadcast_in_dim3A : vector<16xi1>, vector<16xi32>
          tpu.vector_store_idx %arg15[%select_n3A], %get3A_396 masked %lt3A_399 : memref<5024xf32, #tpu.memory_space<vmem>>[vector<16xi32>], vector<16xf32>, vector<16xi1>
        }
        %while3A_155 = arith.constant 1 : i32
        scf.for %while3A_387 = %while3A_153 to %while3A_149 step %while3A_155  : i32 {
          %mul3A_388 = arith.constant 16 : i32
          %mul3A_389 = arith.muli %while3A_387, %mul3A_388 : i32
          %add3A_390 = arith.addi %add3A_137, %mul3A_389 : i32
          %get3A_391 = arith.index_cast %add3A_390 : i32 to index
          %get3A_392 = tpu.vector_load %arg13[%get3A_391] {strides = array<i32>} : memref<5040xi32, #tpu.memory_space<vmem>>, vector<16xi32>,
          %get3A_393 = arith.constant 4 : i32
          %get3A_394 = arith.index_cast %get3A_393 : i32 to index
          %get3A_395 = arith.index_cast %mul3A_389 : i32 to index
          %get3A_396 = tpu.vector_load %arg18[%get3A_394, %get3A_395] {strides = array<i32>} : memref<16x512xf32, #tpu.memory_space<vmem>>, vector<16xf32>,
          %add3A_397 = vector.broadcast %mul3A_389 : i32 to vector<16xi32>
          %add3A_398 = arith.addi %add3A_397, %iota3A : vector<16xi32>
          %lt3A = vector.broadcast %min3A_141 : i32 to vector<16xi32>
          %lt3A_399 = arith.cmpi slt, %add3A_398, %lt3A : vector<16xi32>
          %jit3A_400 = arith.constant 0 : i32
          %broadcast_in_dim3A = vector.broadcast %jit3A_400 : i32 to vector<16xi32>
          %select_n3A = arith.select %lt3A_399, %get3A_392, %broadcast_in_dim3A : vector<16xi1>, vector<16xi32>
          tpu.vector_store_idx %arg15[%select_n3A], %get3A_396 masked %lt3A_399 : memref<5024xf32, #tpu.memory_space<vmem>>[vector<16xi32>], vector<16xf32>, vector<16xi1>
        }
        %mul3A_156 = arith.constant 5 : i32
        %mul3A_157 = arith.muli %mul3A_156, %shift_right_arithmetic3A_33 : i32
        %add3A_158 = arith.addi %squeeze3A_25, %mul3A_157 : i32
        %sub3A_159 = arith.subi %squeeze3A_30, %add3A_158 : i32
        %jit3A_160 = arith.constant 0 : i32
        %max3A_161 = arith.maxsi %jit3A_160, %sub3A_159 : i32
        %min3A_162 = arith.minsi %shift_right_arithmetic3A_33, %max3A_161 : i32
        %add3A_163 = arith.constant 15 : i32
        %add3A_164 = arith.addi %min3A_162, %add3A_163 : i32
        %shift_right_arithmetic3A_165 = arith.constant 4 : i32
        %shift_right_arithmetic3A_166 = arith.shrsi %add3A_164, %shift_right_arithmetic3A_165 : i32
        %while3A_167 = arith.constant 0 : i32
        %while3A_168 = arith.constant 0 : i32
        %while3A_169 = arith.subi %shift_right_arithmetic3A_166, %while3A_168 : i32
        %while3A_170 = arith.addi %while3A_168, %while3A_169 : i32
        %while3A_171 = arith.constant 1 : i32
        %while3A_172 = arith.divsi %while3A_169, %while3A_171 : i32
        %while3A_173 = arith.muli %while3A_172, %while3A_171 : i32
        %while3A_174 = arith.addi %while3A_168, %while3A_173 : i32
        %while3A_175 = arith.constant 1 : i32
        scf.for %while3A_387 = %while3A_168 to %while3A_174 step %while3A_175  : i32 {
          %mul3A_388 = arith.constant 16 : i32
          %mul3A_389 = arith.muli %while3A_387, %mul3A_388 : i32
          %add3A_390 = arith.addi %add3A_158, %mul3A_389 : i32
          %get3A_391 = arith.index_cast %add3A_390 : i32 to index
          %get3A_392 = tpu.vector_load %arg13[%get3A_391] {strides = array<i32>} : memref<5040xi32, #tpu.memory_space<vmem>>, vector<16xi32>,
          %get3A_393 = arith.constant 5 : i32
          %get3A_394 = arith.index_cast %get3A_393 : i32 to index
          %get3A_395 = arith.index_cast %mul3A_389 : i32 to index
          %get3A_396 = tpu.vector_load %arg18[%get3A_394, %get3A_395] {strides = array<i32>} : memref<16x512xf32, #tpu.memory_space<vmem>>, vector<16xf32>,
          %add3A_397 = vector.broadcast %mul3A_389 : i32 to vector<16xi32>
          %add3A_398 = arith.addi %add3A_397, %iota3A : vector<16xi32>
          %lt3A = vector.broadcast %min3A_162 : i32 to vector<16xi32>
          %lt3A_399 = arith.cmpi slt, %add3A_398, %lt3A : vector<16xi32>
          %jit3A_400 = arith.constant 0 : i32
          %broadcast_in_dim3A = vector.broadcast %jit3A_400 : i32 to vector<16xi32>
          %select_n3A = arith.select %lt3A_399, %get3A_392, %broadcast_in_dim3A : vector<16xi1>, vector<16xi32>
          tpu.vector_store_idx %arg15[%select_n3A], %get3A_396 masked %lt3A_399 : memref<5024xf32, #tpu.memory_space<vmem>>[vector<16xi32>], vector<16xf32>, vector<16xi1>
        }
        %while3A_176 = arith.constant 1 : i32
        scf.for %while3A_387 = %while3A_174 to %while3A_170 step %while3A_176  : i32 {
          %mul3A_388 = arith.constant 16 : i32
          %mul3A_389 = arith.muli %while3A_387, %mul3A_388 : i32
          %add3A_390 = arith.addi %add3A_158, %mul3A_389 : i32
          %get3A_391 = arith.index_cast %add3A_390 : i32 to index
          %get3A_392 = tpu.vector_load %arg13[%get3A_391] {strides = array<i32>} : memref<5040xi32, #tpu.memory_space<vmem>>, vector<16xi32>,
          %get3A_393 = arith.constant 5 : i32
          %get3A_394 = arith.index_cast %get3A_393 : i32 to index
          %get3A_395 = arith.index_cast %mul3A_389 : i32 to index
          %get3A_396 = tpu.vector_load %arg18[%get3A_394, %get3A_395] {strides = array<i32>} : memref<16x512xf32, #tpu.memory_space<vmem>>, vector<16xf32>,
          %add3A_397 = vector.broadcast %mul3A_389 : i32 to vector<16xi32>
          %add3A_398 = arith.addi %add3A_397, %iota3A : vector<16xi32>
          %lt3A = vector.broadcast %min3A_162 : i32 to vector<16xi32>
          %lt3A_399 = arith.cmpi slt, %add3A_398, %lt3A : vector<16xi32>
          %jit3A_400 = arith.constant 0 : i32
          %broadcast_in_dim3A = vector.broadcast %jit3A_400 : i32 to vector<16xi32>
          %select_n3A = arith.select %lt3A_399, %get3A_392, %broadcast_in_dim3A : vector<16xi1>, vector<16xi32>
          tpu.vector_store_idx %arg15[%select_n3A], %get3A_396 masked %lt3A_399 : memref<5024xf32, #tpu.memory_space<vmem>>[vector<16xi32>], vector<16xf32>, vector<16xi1>
        }
        %mul3A_177 = arith.constant 6 : i32
        %mul3A_178 = arith.muli %mul3A_177, %shift_right_arithmetic3A_33 : i32
        %add3A_179 = arith.addi %squeeze3A_25, %mul3A_178 : i32
        %sub3A_180 = arith.subi %squeeze3A_30, %add3A_179 : i32
        %jit3A_181 = arith.constant 0 : i32
        %max3A_182 = arith.maxsi %jit3A_181, %sub3A_180 : i32
        %min3A_183 = arith.minsi %shift_right_arithmetic3A_33, %max3A_182 : i32
        %add3A_184 = arith.constant 15 : i32
        %add3A_185 = arith.addi %min3A_183, %add3A_184 : i32
        %shift_right_arithmetic3A_186 = arith.constant 4 : i32
        %shift_right_arithmetic3A_187 = arith.shrsi %add3A_185, %shift_right_arithmetic3A_186 : i32
        %while3A_188 = arith.constant 0 : i32
        %while3A_189 = arith.constant 0 : i32
        %while3A_190 = arith.subi %shift_right_arithmetic3A_187, %while3A_189 : i32
        %while3A_191 = arith.addi %while3A_189, %while3A_190 : i32
        %while3A_192 = arith.constant 1 : i32
        %while3A_193 = arith.divsi %while3A_190, %while3A_192 : i32
        %while3A_194 = arith.muli %while3A_193, %while3A_192 : i32
        %while3A_195 = arith.addi %while3A_189, %while3A_194 : i32
        %while3A_196 = arith.constant 1 : i32
        scf.for %while3A_387 = %while3A_189 to %while3A_195 step %while3A_196  : i32 {
          %mul3A_388 = arith.constant 16 : i32
          %mul3A_389 = arith.muli %while3A_387, %mul3A_388 : i32
          %add3A_390 = arith.addi %add3A_179, %mul3A_389 : i32
          %get3A_391 = arith.index_cast %add3A_390 : i32 to index
          %get3A_392 = tpu.vector_load %arg13[%get3A_391] {strides = array<i32>} : memref<5040xi32, #tpu.memory_space<vmem>>, vector<16xi32>,
          %get3A_393 = arith.constant 6 : i32
          %get3A_394 = arith.index_cast %get3A_393 : i32 to index
          %get3A_395 = arith.index_cast %mul3A_389 : i32 to index
          %get3A_396 = tpu.vector_load %arg18[%get3A_394, %get3A_395] {strides = array<i32>} : memref<16x512xf32, #tpu.memory_space<vmem>>, vector<16xf32>,
          %add3A_397 = vector.broadcast %mul3A_389 : i32 to vector<16xi32>
          %add3A_398 = arith.addi %add3A_397, %iota3A : vector<16xi32>
          %lt3A = vector.broadcast %min3A_183 : i32 to vector<16xi32>
          %lt3A_399 = arith.cmpi slt, %add3A_398, %lt3A : vector<16xi32>
          %jit3A_400 = arith.constant 0 : i32
          %broadcast_in_dim3A = vector.broadcast %jit3A_400 : i32 to vector<16xi32>
          %select_n3A = arith.select %lt3A_399, %get3A_392, %broadcast_in_dim3A : vector<16xi1>, vector<16xi32>
          tpu.vector_store_idx %arg15[%select_n3A], %get3A_396 masked %lt3A_399 : memref<5024xf32, #tpu.memory_space<vmem>>[vector<16xi32>], vector<16xf32>, vector<16xi1>
        }
        %while3A_197 = arith.constant 1 : i32
        scf.for %while3A_387 = %while3A_195 to %while3A_191 step %while3A_197  : i32 {
          %mul3A_388 = arith.constant 16 : i32
          %mul3A_389 = arith.muli %while3A_387, %mul3A_388 : i32
          %add3A_390 = arith.addi %add3A_179, %mul3A_389 : i32
          %get3A_391 = arith.index_cast %add3A_390 : i32 to index
          %get3A_392 = tpu.vector_load %arg13[%get3A_391] {strides = array<i32>} : memref<5040xi32, #tpu.memory_space<vmem>>, vector<16xi32>,
          %get3A_393 = arith.constant 6 : i32
          %get3A_394 = arith.index_cast %get3A_393 : i32 to index
          %get3A_395 = arith.index_cast %mul3A_389 : i32 to index
          %get3A_396 = tpu.vector_load %arg18[%get3A_394, %get3A_395] {strides = array<i32>} : memref<16x512xf32, #tpu.memory_space<vmem>>, vector<16xf32>,
          %add3A_397 = vector.broadcast %mul3A_389 : i32 to vector<16xi32>
          %add3A_398 = arith.addi %add3A_397, %iota3A : vector<16xi32>
          %lt3A = vector.broadcast %min3A_183 : i32 to vector<16xi32>
          %lt3A_399 = arith.cmpi slt, %add3A_398, %lt3A : vector<16xi32>
          %jit3A_400 = arith.constant 0 : i32
          %broadcast_in_dim3A = vector.broadcast %jit3A_400 : i32 to vector<16xi32>
          %select_n3A = arith.select %lt3A_399, %get3A_392, %broadcast_in_dim3A : vector<16xi1>, vector<16xi32>
          tpu.vector_store_idx %arg15[%select_n3A], %get3A_396 masked %lt3A_399 : memref<5024xf32, #tpu.memory_space<vmem>>[vector<16xi32>], vector<16xf32>, vector<16xi1>
        }
        %mul3A_198 = arith.constant 7 : i32
        %mul3A_199 = arith.muli %mul3A_198, %shift_right_arithmetic3A_33 : i32
        %add3A_200 = arith.addi %squeeze3A_25, %mul3A_199 : i32
        %sub3A_201 = arith.subi %squeeze3A_30, %add3A_200 : i32
        %jit3A_202 = arith.constant 0 : i32
        %max3A_203 = arith.maxsi %jit3A_202, %sub3A_201 : i32
        %min3A_204 = arith.minsi %shift_right_arithmetic3A_33, %max3A_203 : i32
        %add3A_205 = arith.constant 15 : i32
        %add3A_206 = arith.addi %min3A_204, %add3A_205 : i32
        %shift_right_arithmetic3A_207 = arith.constant 4 : i32
        %shift_right_arithmetic3A_208 = arith.shrsi %add3A_206, %shift_right_arithmetic3A_207 : i32
        %while3A_209 = arith.constant 0 : i32
        %while3A_210 = arith.constant 0 : i32
        %while3A_211 = arith.subi %shift_right_arithmetic3A_208, %while3A_210 : i32
        %while3A_212 = arith.addi %while3A_210, %while3A_211 : i32
        %while3A_213 = arith.constant 1 : i32
        %while3A_214 = arith.divsi %while3A_211, %while3A_213 : i32
        %while3A_215 = arith.muli %while3A_214, %while3A_213 : i32
        %while3A_216 = arith.addi %while3A_210, %while3A_215 : i32
        %while3A_217 = arith.constant 1 : i32
        scf.for %while3A_387 = %while3A_210 to %while3A_216 step %while3A_217  : i32 {
          %mul3A_388 = arith.constant 16 : i32
          %mul3A_389 = arith.muli %while3A_387, %mul3A_388 : i32
          %add3A_390 = arith.addi %add3A_200, %mul3A_389 : i32
          %get3A_391 = arith.index_cast %add3A_390 : i32 to index
          %get3A_392 = tpu.vector_load %arg13[%get3A_391] {strides = array<i32>} : memref<5040xi32, #tpu.memory_space<vmem>>, vector<16xi32>,
          %get3A_393 = arith.constant 7 : i32
          %get3A_394 = arith.index_cast %get3A_393 : i32 to index
          %get3A_395 = arith.index_cast %mul3A_389 : i32 to index
          %get3A_396 = tpu.vector_load %arg18[%get3A_394, %get3A_395] {strides = array<i32>} : memref<16x512xf32, #tpu.memory_space<vmem>>, vector<16xf32>,
          %add3A_397 = vector.broadcast %mul3A_389 : i32 to vector<16xi32>
          %add3A_398 = arith.addi %add3A_397, %iota3A : vector<16xi32>
          %lt3A = vector.broadcast %min3A_204 : i32 to vector<16xi32>
          %lt3A_399 = arith.cmpi slt, %add3A_398, %lt3A : vector<16xi32>
          %jit3A_400 = arith.constant 0 : i32
          %broadcast_in_dim3A = vector.broadcast %jit3A_400 : i32 to vector<16xi32>
          %select_n3A = arith.select %lt3A_399, %get3A_392, %broadcast_in_dim3A : vector<16xi1>, vector<16xi32>
          tpu.vector_store_idx %arg15[%select_n3A], %get3A_396 masked %lt3A_399 : memref<5024xf32, #tpu.memory_space<vmem>>[vector<16xi32>], vector<16xf32>, vector<16xi1>
        }
        %while3A_218 = arith.constant 1 : i32
        scf.for %while3A_387 = %while3A_216 to %while3A_212 step %while3A_218  : i32 {
          %mul3A_388 = arith.constant 16 : i32
          %mul3A_389 = arith.muli %while3A_387, %mul3A_388 : i32
          %add3A_390 = arith.addi %add3A_200, %mul3A_389 : i32
          %get3A_391 = arith.index_cast %add3A_390 : i32 to index
          %get3A_392 = tpu.vector_load %arg13[%get3A_391] {strides = array<i32>} : memref<5040xi32, #tpu.memory_space<vmem>>, vector<16xi32>,
          %get3A_393 = arith.constant 7 : i32
          %get3A_394 = arith.index_cast %get3A_393 : i32 to index
          %get3A_395 = arith.index_cast %mul3A_389 : i32 to index
          %get3A_396 = tpu.vector_load %arg18[%get3A_394, %get3A_395] {strides = array<i32>} : memref<16x512xf32, #tpu.memory_space<vmem>>, vector<16xf32>,
          %add3A_397 = vector.broadcast %mul3A_389 : i32 to vector<16xi32>
          %add3A_398 = arith.addi %add3A_397, %iota3A : vector<16xi32>
          %lt3A = vector.broadcast %min3A_204 : i32 to vector<16xi32>
          %lt3A_399 = arith.cmpi slt, %add3A_398, %lt3A : vector<16xi32>
          %jit3A_400 = arith.constant 0 : i32
          %broadcast_in_dim3A = vector.broadcast %jit3A_400 : i32 to vector<16xi32>
          %select_n3A = arith.select %lt3A_399, %get3A_392, %broadcast_in_dim3A : vector<16xi1>, vector<16xi32>
          tpu.vector_store_idx %arg15[%select_n3A], %get3A_396 masked %lt3A_399 : memref<5024xf32, #tpu.memory_space<vmem>>[vector<16xi32>], vector<16xf32>, vector<16xi1>
        }
        %mul3A_219 = arith.constant 8 : i32
        %mul3A_220 = arith.muli %mul3A_219, %shift_right_arithmetic3A_33 : i32
        %add3A_221 = arith.addi %squeeze3A_25, %mul3A_220 : i32
        %sub3A_222 = arith.subi %squeeze3A_30, %add3A_221 : i32
        %jit3A_223 = arith.constant 0 : i32
        %max3A_224 = arith.maxsi %jit3A_223, %sub3A_222 : i32
        %min3A_225 = arith.minsi %shift_right_arithmetic3A_33, %max3A_224 : i32
        %add3A_226 = arith.constant 15 : i32
        %add3A_227 = arith.addi %min3A_225, %add3A_226 : i32
        %shift_right_arithmetic3A_228 = arith.constant 4 : i32
        %shift_right_arithmetic3A_229 = arith.shrsi %add3A_227, %shift_right_arithmetic3A_228 : i32
        %while3A_230 = arith.constant 0 : i32
        %while3A_231 = arith.constant 0 : i32
        %while3A_232 = arith.subi %shift_right_arithmetic3A_229, %while3A_231 : i32
        %while3A_233 = arith.addi %while3A_231, %while3A_232 : i32
        %while3A_234 = arith.constant 1 : i32
        %while3A_235 = arith.divsi %while3A_232, %while3A_234 : i32
        %while3A_236 = arith.muli %while3A_235, %while3A_234 : i32
        %while3A_237 = arith.addi %while3A_231, %while3A_236 : i32
        %while3A_238 = arith.constant 1 : i32
        scf.for %while3A_387 = %while3A_231 to %while3A_237 step %while3A_238  : i32 {
          %mul3A_388 = arith.constant 16 : i32
          %mul3A_389 = arith.muli %while3A_387, %mul3A_388 : i32
          %add3A_390 = arith.addi %add3A_221, %mul3A_389 : i32
          %get3A_391 = arith.index_cast %add3A_390 : i32 to index
          %get3A_392 = tpu.vector_load %arg13[%get3A_391] {strides = array<i32>} : memref<5040xi32, #tpu.memory_space<vmem>>, vector<16xi32>,
          %get3A_393 = arith.constant 8 : i32
          %get3A_394 = arith.index_cast %get3A_393 : i32 to index
          %get3A_395 = arith.index_cast %mul3A_389 : i32 to index
          %get3A_396 = tpu.vector_load %arg18[%get3A_394, %get3A_395] {strides = array<i32>} : memref<16x512xf32, #tpu.memory_space<vmem>>, vector<16xf32>,
          %add3A_397 = vector.broadcast %mul3A_389 : i32 to vector<16xi32>
          %add3A_398 = arith.addi %add3A_397, %iota3A : vector<16xi32>
          %lt3A = vector.broadcast %min3A_225 : i32 to vector<16xi32>
          %lt3A_399 = arith.cmpi slt, %add3A_398, %lt3A : vector<16xi32>
          %jit3A_400 = arith.constant 0 : i32
          %broadcast_in_dim3A = vector.broadcast %jit3A_400 : i32 to vector<16xi32>
          %select_n3A = arith.select %lt3A_399, %get3A_392, %broadcast_in_dim3A : vector<16xi1>, vector<16xi32>
          tpu.vector_store_idx %arg15[%select_n3A], %get3A_396 masked %lt3A_399 : memref<5024xf32, #tpu.memory_space<vmem>>[vector<16xi32>], vector<16xf32>, vector<16xi1>
        }
        %while3A_239 = arith.constant 1 : i32
        scf.for %while3A_387 = %while3A_237 to %while3A_233 step %while3A_239  : i32 {
          %mul3A_388 = arith.constant 16 : i32
          %mul3A_389 = arith.muli %while3A_387, %mul3A_388 : i32
          %add3A_390 = arith.addi %add3A_221, %mul3A_389 : i32
          %get3A_391 = arith.index_cast %add3A_390 : i32 to index
          %get3A_392 = tpu.vector_load %arg13[%get3A_391] {strides = array<i32>} : memref<5040xi32, #tpu.memory_space<vmem>>, vector<16xi32>,
          %get3A_393 = arith.constant 8 : i32
          %get3A_394 = arith.index_cast %get3A_393 : i32 to index
          %get3A_395 = arith.index_cast %mul3A_389 : i32 to index
          %get3A_396 = tpu.vector_load %arg18[%get3A_394, %get3A_395] {strides = array<i32>} : memref<16x512xf32, #tpu.memory_space<vmem>>, vector<16xf32>,
          %add3A_397 = vector.broadcast %mul3A_389 : i32 to vector<16xi32>
          %add3A_398 = arith.addi %add3A_397, %iota3A : vector<16xi32>
          %lt3A = vector.broadcast %min3A_225 : i32 to vector<16xi32>
          %lt3A_399 = arith.cmpi slt, %add3A_398, %lt3A : vector<16xi32>
          %jit3A_400 = arith.constant 0 : i32
          %broadcast_in_dim3A = vector.broadcast %jit3A_400 : i32 to vector<16xi32>
          %select_n3A = arith.select %lt3A_399, %get3A_392, %broadcast_in_dim3A : vector<16xi1>, vector<16xi32>
          tpu.vector_store_idx %arg15[%select_n3A], %get3A_396 masked %lt3A_399 : memref<5024xf32, #tpu.memory_space<vmem>>[vector<16xi32>], vector<16xf32>, vector<16xi1>
        }
        %mul3A_240 = arith.constant 9 : i32
        %mul3A_241 = arith.muli %mul3A_240, %shift_right_arithmetic3A_33 : i32
        %add3A_242 = arith.addi %squeeze3A_25, %mul3A_241 : i32
        %sub3A_243 = arith.subi %squeeze3A_30, %add3A_242 : i32
        %jit3A_244 = arith.constant 0 : i32
        %max3A_245 = arith.maxsi %jit3A_244, %sub3A_243 : i32
        %min3A_246 = arith.minsi %shift_right_arithmetic3A_33, %max3A_245 : i32
        %add3A_247 = arith.constant 15 : i32
        %add3A_248 = arith.addi %min3A_246, %add3A_247 : i32
        %shift_right_arithmetic3A_249 = arith.constant 4 : i32
        %shift_right_arithmetic3A_250 = arith.shrsi %add3A_248, %shift_right_arithmetic3A_249 : i32
        %while3A_251 = arith.constant 0 : i32
        %while3A_252 = arith.constant 0 : i32
        %while3A_253 = arith.subi %shift_right_arithmetic3A_250, %while3A_252 : i32
        %while3A_254 = arith.addi %while3A_252, %while3A_253 : i32
        %while3A_255 = arith.constant 1 : i32
        %while3A_256 = arith.divsi %while3A_253, %while3A_255 : i32
        %while3A_257 = arith.muli %while3A_256, %while3A_255 : i32
        %while3A_258 = arith.addi %while3A_252, %while3A_257 : i32
        %while3A_259 = arith.constant 1 : i32
        scf.for %while3A_387 = %while3A_252 to %while3A_258 step %while3A_259  : i32 {
          %mul3A_388 = arith.constant 16 : i32
          %mul3A_389 = arith.muli %while3A_387, %mul3A_388 : i32
          %add3A_390 = arith.addi %add3A_242, %mul3A_389 : i32
          %get3A_391 = arith.index_cast %add3A_390 : i32 to index
          %get3A_392 = tpu.vector_load %arg13[%get3A_391] {strides = array<i32>} : memref<5040xi32, #tpu.memory_space<vmem>>, vector<16xi32>,
          %get3A_393 = arith.constant 9 : i32
          %get3A_394 = arith.index_cast %get3A_393 : i32 to index
          %get3A_395 = arith.index_cast %mul3A_389 : i32 to index
          %get3A_396 = tpu.vector_load %arg18[%get3A_394, %get3A_395] {strides = array<i32>} : memref<16x512xf32, #tpu.memory_space<vmem>>, vector<16xf32>,
          %add3A_397 = vector.broadcast %mul3A_389 : i32 to vector<16xi32>
          %add3A_398 = arith.addi %add3A_397, %iota3A : vector<16xi32>
          %lt3A = vector.broadcast %min3A_246 : i32 to vector<16xi32>
          %lt3A_399 = arith.cmpi slt, %add3A_398, %lt3A : vector<16xi32>
          %jit3A_400 = arith.constant 0 : i32
          %broadcast_in_dim3A = vector.broadcast %jit3A_400 : i32 to vector<16xi32>
          %select_n3A = arith.select %lt3A_399, %get3A_392, %broadcast_in_dim3A : vector<16xi1>, vector<16xi32>
          tpu.vector_store_idx %arg15[%select_n3A], %get3A_396 masked %lt3A_399 : memref<5024xf32, #tpu.memory_space<vmem>>[vector<16xi32>], vector<16xf32>, vector<16xi1>
        }
        %while3A_260 = arith.constant 1 : i32
        scf.for %while3A_387 = %while3A_258 to %while3A_254 step %while3A_260  : i32 {
          %mul3A_388 = arith.constant 16 : i32
          %mul3A_389 = arith.muli %while3A_387, %mul3A_388 : i32
          %add3A_390 = arith.addi %add3A_242, %mul3A_389 : i32
          %get3A_391 = arith.index_cast %add3A_390 : i32 to index
          %get3A_392 = tpu.vector_load %arg13[%get3A_391] {strides = array<i32>} : memref<5040xi32, #tpu.memory_space<vmem>>, vector<16xi32>,
          %get3A_393 = arith.constant 9 : i32
          %get3A_394 = arith.index_cast %get3A_393 : i32 to index
          %get3A_395 = arith.index_cast %mul3A_389 : i32 to index
          %get3A_396 = tpu.vector_load %arg18[%get3A_394, %get3A_395] {strides = array<i32>} : memref<16x512xf32, #tpu.memory_space<vmem>>, vector<16xf32>,
          %add3A_397 = vector.broadcast %mul3A_389 : i32 to vector<16xi32>
          %add3A_398 = arith.addi %add3A_397, %iota3A : vector<16xi32>
          %lt3A = vector.broadcast %min3A_246 : i32 to vector<16xi32>
          %lt3A_399 = arith.cmpi slt, %add3A_398, %lt3A : vector<16xi32>
          %jit3A_400 = arith.constant 0 : i32
          %broadcast_in_dim3A = vector.broadcast %jit3A_400 : i32 to vector<16xi32>
          %select_n3A = arith.select %lt3A_399, %get3A_392, %broadcast_in_dim3A : vector<16xi1>, vector<16xi32>
          tpu.vector_store_idx %arg15[%select_n3A], %get3A_396 masked %lt3A_399 : memref<5024xf32, #tpu.memory_space<vmem>>[vector<16xi32>], vector<16xf32>, vector<16xi1>
        }
        %mul3A_261 = arith.constant 10 : i32
        %mul3A_262 = arith.muli %mul3A_261, %shift_right_arithmetic3A_33 : i32
        %add3A_263 = arith.addi %squeeze3A_25, %mul3A_262 : i32
        %sub3A_264 = arith.subi %squeeze3A_30, %add3A_263 : i32
        %jit3A_265 = arith.constant 0 : i32
        %max3A_266 = arith.maxsi %jit3A_265, %sub3A_264 : i32
        %min3A_267 = arith.minsi %shift_right_arithmetic3A_33, %max3A_266 : i32
        %add3A_268 = arith.constant 15 : i32
        %add3A_269 = arith.addi %min3A_267, %add3A_268 : i32
        %shift_right_arithmetic3A_270 = arith.constant 4 : i32
        %shift_right_arithmetic3A_271 = arith.shrsi %add3A_269, %shift_right_arithmetic3A_270 : i32
        %while3A_272 = arith.constant 0 : i32
        %while3A_273 = arith.constant 0 : i32
        %while3A_274 = arith.subi %shift_right_arithmetic3A_271, %while3A_273 : i32
        %while3A_275 = arith.addi %while3A_273, %while3A_274 : i32
        %while3A_276 = arith.constant 1 : i32
        %while3A_277 = arith.divsi %while3A_274, %while3A_276 : i32
        %while3A_278 = arith.muli %while3A_277, %while3A_276 : i32
        %while3A_279 = arith.addi %while3A_273, %while3A_278 : i32
        %while3A_280 = arith.constant 1 : i32
        scf.for %while3A_387 = %while3A_273 to %while3A_279 step %while3A_280  : i32 {
          %mul3A_388 = arith.constant 16 : i32
          %mul3A_389 = arith.muli %while3A_387, %mul3A_388 : i32
          %add3A_390 = arith.addi %add3A_263, %mul3A_389 : i32
          %get3A_391 = arith.index_cast %add3A_390 : i32 to index
          %get3A_392 = tpu.vector_load %arg13[%get3A_391] {strides = array<i32>} : memref<5040xi32, #tpu.memory_space<vmem>>, vector<16xi32>,
          %get3A_393 = arith.constant 10 : i32
          %get3A_394 = arith.index_cast %get3A_393 : i32 to index
          %get3A_395 = arith.index_cast %mul3A_389 : i32 to index
          %get3A_396 = tpu.vector_load %arg18[%get3A_394, %get3A_395] {strides = array<i32>} : memref<16x512xf32, #tpu.memory_space<vmem>>, vector<16xf32>,
          %add3A_397 = vector.broadcast %mul3A_389 : i32 to vector<16xi32>
          %add3A_398 = arith.addi %add3A_397, %iota3A : vector<16xi32>
          %lt3A = vector.broadcast %min3A_267 : i32 to vector<16xi32>
          %lt3A_399 = arith.cmpi slt, %add3A_398, %lt3A : vector<16xi32>
          %jit3A_400 = arith.constant 0 : i32
          %broadcast_in_dim3A = vector.broadcast %jit3A_400 : i32 to vector<16xi32>
          %select_n3A = arith.select %lt3A_399, %get3A_392, %broadcast_in_dim3A : vector<16xi1>, vector<16xi32>
          tpu.vector_store_idx %arg15[%select_n3A], %get3A_396 masked %lt3A_399 : memref<5024xf32, #tpu.memory_space<vmem>>[vector<16xi32>], vector<16xf32>, vector<16xi1>
        }
        %while3A_281 = arith.constant 1 : i32
        scf.for %while3A_387 = %while3A_279 to %while3A_275 step %while3A_281  : i32 {
          %mul3A_388 = arith.constant 16 : i32
          %mul3A_389 = arith.muli %while3A_387, %mul3A_388 : i32
          %add3A_390 = arith.addi %add3A_263, %mul3A_389 : i32
          %get3A_391 = arith.index_cast %add3A_390 : i32 to index
          %get3A_392 = tpu.vector_load %arg13[%get3A_391] {strides = array<i32>} : memref<5040xi32, #tpu.memory_space<vmem>>, vector<16xi32>,
          %get3A_393 = arith.constant 10 : i32
          %get3A_394 = arith.index_cast %get3A_393 : i32 to index
          %get3A_395 = arith.index_cast %mul3A_389 : i32 to index
          %get3A_396 = tpu.vector_load %arg18[%get3A_394, %get3A_395] {strides = array<i32>} : memref<16x512xf32, #tpu.memory_space<vmem>>, vector<16xf32>,
          %add3A_397 = vector.broadcast %mul3A_389 : i32 to vector<16xi32>
          %add3A_398 = arith.addi %add3A_397, %iota3A : vector<16xi32>
          %lt3A = vector.broadcast %min3A_267 : i32 to vector<16xi32>
          %lt3A_399 = arith.cmpi slt, %add3A_398, %lt3A : vector<16xi32>
          %jit3A_400 = arith.constant 0 : i32
          %broadcast_in_dim3A = vector.broadcast %jit3A_400 : i32 to vector<16xi32>
          %select_n3A = arith.select %lt3A_399, %get3A_392, %broadcast_in_dim3A : vector<16xi1>, vector<16xi32>
          tpu.vector_store_idx %arg15[%select_n3A], %get3A_396 masked %lt3A_399 : memref<5024xf32, #tpu.memory_space<vmem>>[vector<16xi32>], vector<16xf32>, vector<16xi1>
        }
        %mul3A_282 = arith.constant 11 : i32
        %mul3A_283 = arith.muli %mul3A_282, %shift_right_arithmetic3A_33 : i32
        %add3A_284 = arith.addi %squeeze3A_25, %mul3A_283 : i32
        %sub3A_285 = arith.subi %squeeze3A_30, %add3A_284 : i32
        %jit3A_286 = arith.constant 0 : i32
        %max3A_287 = arith.maxsi %jit3A_286, %sub3A_285 : i32
        %min3A_288 = arith.minsi %shift_right_arithmetic3A_33, %max3A_287 : i32
        %add3A_289 = arith.constant 15 : i32
        %add3A_290 = arith.addi %min3A_288, %add3A_289 : i32
        %shift_right_arithmetic3A_291 = arith.constant 4 : i32
        %shift_right_arithmetic3A_292 = arith.shrsi %add3A_290, %shift_right_arithmetic3A_291 : i32
        %while3A_293 = arith.constant 0 : i32
        %while3A_294 = arith.constant 0 : i32
        %while3A_295 = arith.subi %shift_right_arithmetic3A_292, %while3A_294 : i32
        %while3A_296 = arith.addi %while3A_294, %while3A_295 : i32
        %while3A_297 = arith.constant 1 : i32
        %while3A_298 = arith.divsi %while3A_295, %while3A_297 : i32
        %while3A_299 = arith.muli %while3A_298, %while3A_297 : i32
        %while3A_300 = arith.addi %while3A_294, %while3A_299 : i32
        %while3A_301 = arith.constant 1 : i32
        scf.for %while3A_387 = %while3A_294 to %while3A_300 step %while3A_301  : i32 {
          %mul3A_388 = arith.constant 16 : i32
          %mul3A_389 = arith.muli %while3A_387, %mul3A_388 : i32
          %add3A_390 = arith.addi %add3A_284, %mul3A_389 : i32
          %get3A_391 = arith.index_cast %add3A_390 : i32 to index
          %get3A_392 = tpu.vector_load %arg13[%get3A_391] {strides = array<i32>} : memref<5040xi32, #tpu.memory_space<vmem>>, vector<16xi32>,
          %get3A_393 = arith.constant 11 : i32
          %get3A_394 = arith.index_cast %get3A_393 : i32 to index
          %get3A_395 = arith.index_cast %mul3A_389 : i32 to index
          %get3A_396 = tpu.vector_load %arg18[%get3A_394, %get3A_395] {strides = array<i32>} : memref<16x512xf32, #tpu.memory_space<vmem>>, vector<16xf32>,
          %add3A_397 = vector.broadcast %mul3A_389 : i32 to vector<16xi32>
          %add3A_398 = arith.addi %add3A_397, %iota3A : vector<16xi32>
          %lt3A = vector.broadcast %min3A_288 : i32 to vector<16xi32>
          %lt3A_399 = arith.cmpi slt, %add3A_398, %lt3A : vector<16xi32>
          %jit3A_400 = arith.constant 0 : i32
          %broadcast_in_dim3A = vector.broadcast %jit3A_400 : i32 to vector<16xi32>
          %select_n3A = arith.select %lt3A_399, %get3A_392, %broadcast_in_dim3A : vector<16xi1>, vector<16xi32>
          tpu.vector_store_idx %arg15[%select_n3A], %get3A_396 masked %lt3A_399 : memref<5024xf32, #tpu.memory_space<vmem>>[vector<16xi32>], vector<16xf32>, vector<16xi1>
        }
        %while3A_302 = arith.constant 1 : i32
        scf.for %while3A_387 = %while3A_300 to %while3A_296 step %while3A_302  : i32 {
          %mul3A_388 = arith.constant 16 : i32
          %mul3A_389 = arith.muli %while3A_387, %mul3A_388 : i32
          %add3A_390 = arith.addi %add3A_284, %mul3A_389 : i32
          %get3A_391 = arith.index_cast %add3A_390 : i32 to index
          %get3A_392 = tpu.vector_load %arg13[%get3A_391] {strides = array<i32>} : memref<5040xi32, #tpu.memory_space<vmem>>, vector<16xi32>,
          %get3A_393 = arith.constant 11 : i32
          %get3A_394 = arith.index_cast %get3A_393 : i32 to index
          %get3A_395 = arith.index_cast %mul3A_389 : i32 to index
          %get3A_396 = tpu.vector_load %arg18[%get3A_394, %get3A_395] {strides = array<i32>} : memref<16x512xf32, #tpu.memory_space<vmem>>, vector<16xf32>,
          %add3A_397 = vector.broadcast %mul3A_389 : i32 to vector<16xi32>
          %add3A_398 = arith.addi %add3A_397, %iota3A : vector<16xi32>
          %lt3A = vector.broadcast %min3A_288 : i32 to vector<16xi32>
          %lt3A_399 = arith.cmpi slt, %add3A_398, %lt3A : vector<16xi32>
          %jit3A_400 = arith.constant 0 : i32
          %broadcast_in_dim3A = vector.broadcast %jit3A_400 : i32 to vector<16xi32>
          %select_n3A = arith.select %lt3A_399, %get3A_392, %broadcast_in_dim3A : vector<16xi1>, vector<16xi32>
          tpu.vector_store_idx %arg15[%select_n3A], %get3A_396 masked %lt3A_399 : memref<5024xf32, #tpu.memory_space<vmem>>[vector<16xi32>], vector<16xf32>, vector<16xi1>
        }
        %mul3A_303 = arith.constant 12 : i32
        %mul3A_304 = arith.muli %mul3A_303, %shift_right_arithmetic3A_33 : i32
        %add3A_305 = arith.addi %squeeze3A_25, %mul3A_304 : i32
        %sub3A_306 = arith.subi %squeeze3A_30, %add3A_305 : i32
        %jit3A_307 = arith.constant 0 : i32
        %max3A_308 = arith.maxsi %jit3A_307, %sub3A_306 : i32
        %min3A_309 = arith.minsi %shift_right_arithmetic3A_33, %max3A_308 : i32
        %add3A_310 = arith.constant 15 : i32
        %add3A_311 = arith.addi %min3A_309, %add3A_310 : i32
        %shift_right_arithmetic3A_312 = arith.constant 4 : i32
        %shift_right_arithmetic3A_313 = arith.shrsi %add3A_311, %shift_right_arithmetic3A_312 : i32
        %while3A_314 = arith.constant 0 : i32
        %while3A_315 = arith.constant 0 : i32
        %while3A_316 = arith.subi %shift_right_arithmetic3A_313, %while3A_315 : i32
        %while3A_317 = arith.addi %while3A_315, %while3A_316 : i32
        %while3A_318 = arith.constant 1 : i32
        %while3A_319 = arith.divsi %while3A_316, %while3A_318 : i32
        %while3A_320 = arith.muli %while3A_319, %while3A_318 : i32
        %while3A_321 = arith.addi %while3A_315, %while3A_320 : i32
        %while3A_322 = arith.constant 1 : i32
        scf.for %while3A_387 = %while3A_315 to %while3A_321 step %while3A_322  : i32 {
          %mul3A_388 = arith.constant 16 : i32
          %mul3A_389 = arith.muli %while3A_387, %mul3A_388 : i32
          %add3A_390 = arith.addi %add3A_305, %mul3A_389 : i32
          %get3A_391 = arith.index_cast %add3A_390 : i32 to index
          %get3A_392 = tpu.vector_load %arg13[%get3A_391] {strides = array<i32>} : memref<5040xi32, #tpu.memory_space<vmem>>, vector<16xi32>,
          %get3A_393 = arith.constant 12 : i32
          %get3A_394 = arith.index_cast %get3A_393 : i32 to index
          %get3A_395 = arith.index_cast %mul3A_389 : i32 to index
          %get3A_396 = tpu.vector_load %arg18[%get3A_394, %get3A_395] {strides = array<i32>} : memref<16x512xf32, #tpu.memory_space<vmem>>, vector<16xf32>,
          %add3A_397 = vector.broadcast %mul3A_389 : i32 to vector<16xi32>
          %add3A_398 = arith.addi %add3A_397, %iota3A : vector<16xi32>
          %lt3A = vector.broadcast %min3A_309 : i32 to vector<16xi32>
          %lt3A_399 = arith.cmpi slt, %add3A_398, %lt3A : vector<16xi32>
          %jit3A_400 = arith.constant 0 : i32
          %broadcast_in_dim3A = vector.broadcast %jit3A_400 : i32 to vector<16xi32>
          %select_n3A = arith.select %lt3A_399, %get3A_392, %broadcast_in_dim3A : vector<16xi1>, vector<16xi32>
          tpu.vector_store_idx %arg15[%select_n3A], %get3A_396 masked %lt3A_399 : memref<5024xf32, #tpu.memory_space<vmem>>[vector<16xi32>], vector<16xf32>, vector<16xi1>
        }
        %while3A_323 = arith.constant 1 : i32
        scf.for %while3A_387 = %while3A_321 to %while3A_317 step %while3A_323  : i32 {
          %mul3A_388 = arith.constant 16 : i32
          %mul3A_389 = arith.muli %while3A_387, %mul3A_388 : i32
          %add3A_390 = arith.addi %add3A_305, %mul3A_389 : i32
          %get3A_391 = arith.index_cast %add3A_390 : i32 to index
          %get3A_392 = tpu.vector_load %arg13[%get3A_391] {strides = array<i32>} : memref<5040xi32, #tpu.memory_space<vmem>>, vector<16xi32>,
          %get3A_393 = arith.constant 12 : i32
          %get3A_394 = arith.index_cast %get3A_393 : i32 to index
          %get3A_395 = arith.index_cast %mul3A_389 : i32 to index
          %get3A_396 = tpu.vector_load %arg18[%get3A_394, %get3A_395] {strides = array<i32>} : memref<16x512xf32, #tpu.memory_space<vmem>>, vector<16xf32>,
          %add3A_397 = vector.broadcast %mul3A_389 : i32 to vector<16xi32>
          %add3A_398 = arith.addi %add3A_397, %iota3A : vector<16xi32>
          %lt3A = vector.broadcast %min3A_309 : i32 to vector<16xi32>
          %lt3A_399 = arith.cmpi slt, %add3A_398, %lt3A : vector<16xi32>
          %jit3A_400 = arith.constant 0 : i32
          %broadcast_in_dim3A = vector.broadcast %jit3A_400 : i32 to vector<16xi32>
          %select_n3A = arith.select %lt3A_399, %get3A_392, %broadcast_in_dim3A : vector<16xi1>, vector<16xi32>
          tpu.vector_store_idx %arg15[%select_n3A], %get3A_396 masked %lt3A_399 : memref<5024xf32, #tpu.memory_space<vmem>>[vector<16xi32>], vector<16xf32>, vector<16xi1>
        }
        %mul3A_324 = arith.constant 13 : i32
        %mul3A_325 = arith.muli %mul3A_324, %shift_right_arithmetic3A_33 : i32
        %add3A_326 = arith.addi %squeeze3A_25, %mul3A_325 : i32
        %sub3A_327 = arith.subi %squeeze3A_30, %add3A_326 : i32
        %jit3A_328 = arith.constant 0 : i32
        %max3A_329 = arith.maxsi %jit3A_328, %sub3A_327 : i32
        %min3A_330 = arith.minsi %shift_right_arithmetic3A_33, %max3A_329 : i32
        %add3A_331 = arith.constant 15 : i32
        %add3A_332 = arith.addi %min3A_330, %add3A_331 : i32
        %shift_right_arithmetic3A_333 = arith.constant 4 : i32
        %shift_right_arithmetic3A_334 = arith.shrsi %add3A_332, %shift_right_arithmetic3A_333 : i32
        %while3A_335 = arith.constant 0 : i32
        %while3A_336 = arith.constant 0 : i32
        %while3A_337 = arith.subi %shift_right_arithmetic3A_334, %while3A_336 : i32
        %while3A_338 = arith.addi %while3A_336, %while3A_337 : i32
        %while3A_339 = arith.constant 1 : i32
        %while3A_340 = arith.divsi %while3A_337, %while3A_339 : i32
        %while3A_341 = arith.muli %while3A_340, %while3A_339 : i32
        %while3A_342 = arith.addi %while3A_336, %while3A_341 : i32
        %while3A_343 = arith.constant 1 : i32
        scf.for %while3A_387 = %while3A_336 to %while3A_342 step %while3A_343  : i32 {
          %mul3A_388 = arith.constant 16 : i32
          %mul3A_389 = arith.muli %while3A_387, %mul3A_388 : i32
          %add3A_390 = arith.addi %add3A_326, %mul3A_389 : i32
          %get3A_391 = arith.index_cast %add3A_390 : i32 to index
          %get3A_392 = tpu.vector_load %arg13[%get3A_391] {strides = array<i32>} : memref<5040xi32, #tpu.memory_space<vmem>>, vector<16xi32>,
          %get3A_393 = arith.constant 13 : i32
          %get3A_394 = arith.index_cast %get3A_393 : i32 to index
          %get3A_395 = arith.index_cast %mul3A_389 : i32 to index
          %get3A_396 = tpu.vector_load %arg18[%get3A_394, %get3A_395] {strides = array<i32>} : memref<16x512xf32, #tpu.memory_space<vmem>>, vector<16xf32>,
          %add3A_397 = vector.broadcast %mul3A_389 : i32 to vector<16xi32>
          %add3A_398 = arith.addi %add3A_397, %iota3A : vector<16xi32>
          %lt3A = vector.broadcast %min3A_330 : i32 to vector<16xi32>
          %lt3A_399 = arith.cmpi slt, %add3A_398, %lt3A : vector<16xi32>
          %jit3A_400 = arith.constant 0 : i32
          %broadcast_in_dim3A = vector.broadcast %jit3A_400 : i32 to vector<16xi32>
          %select_n3A = arith.select %lt3A_399, %get3A_392, %broadcast_in_dim3A : vector<16xi1>, vector<16xi32>
          tpu.vector_store_idx %arg15[%select_n3A], %get3A_396 masked %lt3A_399 : memref<5024xf32, #tpu.memory_space<vmem>>[vector<16xi32>], vector<16xf32>, vector<16xi1>
        }
        %while3A_344 = arith.constant 1 : i32
        scf.for %while3A_387 = %while3A_342 to %while3A_338 step %while3A_344  : i32 {
          %mul3A_388 = arith.constant 16 : i32
          %mul3A_389 = arith.muli %while3A_387, %mul3A_388 : i32
          %add3A_390 = arith.addi %add3A_326, %mul3A_389 : i32
          %get3A_391 = arith.index_cast %add3A_390 : i32 to index
          %get3A_392 = tpu.vector_load %arg13[%get3A_391] {strides = array<i32>} : memref<5040xi32, #tpu.memory_space<vmem>>, vector<16xi32>,
          %get3A_393 = arith.constant 13 : i32
          %get3A_394 = arith.index_cast %get3A_393 : i32 to index
          %get3A_395 = arith.index_cast %mul3A_389 : i32 to index
          %get3A_396 = tpu.vector_load %arg18[%get3A_394, %get3A_395] {strides = array<i32>} : memref<16x512xf32, #tpu.memory_space<vmem>>, vector<16xf32>,
          %add3A_397 = vector.broadcast %mul3A_389 : i32 to vector<16xi32>
          %add3A_398 = arith.addi %add3A_397, %iota3A : vector<16xi32>
          %lt3A = vector.broadcast %min3A_330 : i32 to vector<16xi32>
          %lt3A_399 = arith.cmpi slt, %add3A_398, %lt3A : vector<16xi32>
          %jit3A_400 = arith.constant 0 : i32
          %broadcast_in_dim3A = vector.broadcast %jit3A_400 : i32 to vector<16xi32>
          %select_n3A = arith.select %lt3A_399, %get3A_392, %broadcast_in_dim3A : vector<16xi1>, vector<16xi32>
          tpu.vector_store_idx %arg15[%select_n3A], %get3A_396 masked %lt3A_399 : memref<5024xf32, #tpu.memory_space<vmem>>[vector<16xi32>], vector<16xf32>, vector<16xi1>
        }
        %mul3A_345 = arith.constant 14 : i32
        %mul3A_346 = arith.muli %mul3A_345, %shift_right_arithmetic3A_33 : i32
        %add3A_347 = arith.addi %squeeze3A_25, %mul3A_346 : i32
        %sub3A_348 = arith.subi %squeeze3A_30, %add3A_347 : i32
        %jit3A_349 = arith.constant 0 : i32
        %max3A_350 = arith.maxsi %jit3A_349, %sub3A_348 : i32
        %min3A_351 = arith.minsi %shift_right_arithmetic3A_33, %max3A_350 : i32
        %add3A_352 = arith.constant 15 : i32
        %add3A_353 = arith.addi %min3A_351, %add3A_352 : i32
        %shift_right_arithmetic3A_354 = arith.constant 4 : i32
        %shift_right_arithmetic3A_355 = arith.shrsi %add3A_353, %shift_right_arithmetic3A_354 : i32
        %while3A_356 = arith.constant 0 : i32
        %while3A_357 = arith.constant 0 : i32
        %while3A_358 = arith.subi %shift_right_arithmetic3A_355, %while3A_357 : i32
        %while3A_359 = arith.addi %while3A_357, %while3A_358 : i32
        %while3A_360 = arith.constant 1 : i32
        %while3A_361 = arith.divsi %while3A_358, %while3A_360 : i32
        %while3A_362 = arith.muli %while3A_361, %while3A_360 : i32
        %while3A_363 = arith.addi %while3A_357, %while3A_362 : i32
        %while3A_364 = arith.constant 1 : i32
        scf.for %while3A_387 = %while3A_357 to %while3A_363 step %while3A_364  : i32 {
          %mul3A_388 = arith.constant 16 : i32
          %mul3A_389 = arith.muli %while3A_387, %mul3A_388 : i32
          %add3A_390 = arith.addi %add3A_347, %mul3A_389 : i32
          %get3A_391 = arith.index_cast %add3A_390 : i32 to index
          %get3A_392 = tpu.vector_load %arg13[%get3A_391] {strides = array<i32>} : memref<5040xi32, #tpu.memory_space<vmem>>, vector<16xi32>,
          %get3A_393 = arith.constant 14 : i32
          %get3A_394 = arith.index_cast %get3A_393 : i32 to index
          %get3A_395 = arith.index_cast %mul3A_389 : i32 to index
          %get3A_396 = tpu.vector_load %arg18[%get3A_394, %get3A_395] {strides = array<i32>} : memref<16x512xf32, #tpu.memory_space<vmem>>, vector<16xf32>,
          %add3A_397 = vector.broadcast %mul3A_389 : i32 to vector<16xi32>
          %add3A_398 = arith.addi %add3A_397, %iota3A : vector<16xi32>
          %lt3A = vector.broadcast %min3A_351 : i32 to vector<16xi32>
          %lt3A_399 = arith.cmpi slt, %add3A_398, %lt3A : vector<16xi32>
          %jit3A_400 = arith.constant 0 : i32
          %broadcast_in_dim3A = vector.broadcast %jit3A_400 : i32 to vector<16xi32>
          %select_n3A = arith.select %lt3A_399, %get3A_392, %broadcast_in_dim3A : vector<16xi1>, vector<16xi32>
          tpu.vector_store_idx %arg15[%select_n3A], %get3A_396 masked %lt3A_399 : memref<5024xf32, #tpu.memory_space<vmem>>[vector<16xi32>], vector<16xf32>, vector<16xi1>
        }
        %while3A_365 = arith.constant 1 : i32
        scf.for %while3A_387 = %while3A_363 to %while3A_359 step %while3A_365  : i32 {
          %mul3A_388 = arith.constant 16 : i32
          %mul3A_389 = arith.muli %while3A_387, %mul3A_388 : i32
          %add3A_390 = arith.addi %add3A_347, %mul3A_389 : i32
          %get3A_391 = arith.index_cast %add3A_390 : i32 to index
          %get3A_392 = tpu.vector_load %arg13[%get3A_391] {strides = array<i32>} : memref<5040xi32, #tpu.memory_space<vmem>>, vector<16xi32>,
          %get3A_393 = arith.constant 14 : i32
          %get3A_394 = arith.index_cast %get3A_393 : i32 to index
          %get3A_395 = arith.index_cast %mul3A_389 : i32 to index
          %get3A_396 = tpu.vector_load %arg18[%get3A_394, %get3A_395] {strides = array<i32>} : memref<16x512xf32, #tpu.memory_space<vmem>>, vector<16xf32>,
          %add3A_397 = vector.broadcast %mul3A_389 : i32 to vector<16xi32>
          %add3A_398 = arith.addi %add3A_397, %iota3A : vector<16xi32>
          %lt3A = vector.broadcast %min3A_351 : i32 to vector<16xi32>
          %lt3A_399 = arith.cmpi slt, %add3A_398, %lt3A : vector<16xi32>
          %jit3A_400 = arith.constant 0 : i32
          %broadcast_in_dim3A = vector.broadcast %jit3A_400 : i32 to vector<16xi32>
          %select_n3A = arith.select %lt3A_399, %get3A_392, %broadcast_in_dim3A : vector<16xi1>, vector<16xi32>
          tpu.vector_store_idx %arg15[%select_n3A], %get3A_396 masked %lt3A_399 : memref<5024xf32, #tpu.memory_space<vmem>>[vector<16xi32>], vector<16xf32>, vector<16xi1>
        }
        %mul3A_366 = arith.constant 15 : i32
        %mul3A_367 = arith.muli %mul3A_366, %shift_right_arithmetic3A_33 : i32
        %add3A_368 = arith.addi %squeeze3A_25, %mul3A_367 : i32
        %sub3A_369 = arith.subi %squeeze3A_30, %add3A_368 : i32
        %jit3A_370 = arith.constant 0 : i32
        %max3A_371 = arith.maxsi %jit3A_370, %sub3A_369 : i32
        %min3A_372 = arith.minsi %shift_right_arithmetic3A_33, %max3A_371 : i32
        %add3A_373 = arith.constant 15 : i32
        %add3A_374 = arith.addi %min3A_372, %add3A_373 : i32
        %shift_right_arithmetic3A_375 = arith.constant 4 : i32
        %shift_right_arithmetic3A_376 = arith.shrsi %add3A_374, %shift_right_arithmetic3A_375 : i32
        %while3A_377 = arith.constant 0 : i32
        %while3A_378 = arith.constant 0 : i32
        %while3A_379 = arith.subi %shift_right_arithmetic3A_376, %while3A_378 : i32
        %while3A_380 = arith.addi %while3A_378, %while3A_379 : i32
        %while3A_381 = arith.constant 1 : i32
        %while3A_382 = arith.divsi %while3A_379, %while3A_381 : i32
        %while3A_383 = arith.muli %while3A_382, %while3A_381 : i32
        %while3A_384 = arith.addi %while3A_378, %while3A_383 : i32
        %while3A_385 = arith.constant 1 : i32
        scf.for %while3A_387 = %while3A_378 to %while3A_384 step %while3A_385  : i32 {
          %mul3A_388 = arith.constant 16 : i32
          %mul3A_389 = arith.muli %while3A_387, %mul3A_388 : i32
          %add3A_390 = arith.addi %add3A_368, %mul3A_389 : i32
          %get3A_391 = arith.index_cast %add3A_390 : i32 to index
          %get3A_392 = tpu.vector_load %arg13[%get3A_391] {strides = array<i32>} : memref<5040xi32, #tpu.memory_space<vmem>>, vector<16xi32>,
          %get3A_393 = arith.constant 15 : i32
          %get3A_394 = arith.index_cast %get3A_393 : i32 to index
          %get3A_395 = arith.index_cast %mul3A_389 : i32 to index
          %get3A_396 = tpu.vector_load %arg18[%get3A_394, %get3A_395] {strides = array<i32>} : memref<16x512xf32, #tpu.memory_space<vmem>>, vector<16xf32>,
          %add3A_397 = vector.broadcast %mul3A_389 : i32 to vector<16xi32>
          %add3A_398 = arith.addi %add3A_397, %iota3A : vector<16xi32>
          %lt3A = vector.broadcast %min3A_372 : i32 to vector<16xi32>
          %lt3A_399 = arith.cmpi slt, %add3A_398, %lt3A : vector<16xi32>
          %jit3A_400 = arith.constant 0 : i32
          %broadcast_in_dim3A = vector.broadcast %jit3A_400 : i32 to vector<16xi32>
          %select_n3A = arith.select %lt3A_399, %get3A_392, %broadcast_in_dim3A : vector<16xi1>, vector<16xi32>
          tpu.vector_store_idx %arg15[%select_n3A], %get3A_396 masked %lt3A_399 : memref<5024xf32, #tpu.memory_space<vmem>>[vector<16xi32>], vector<16xf32>, vector<16xi1>
        }
        %while3A_386 = arith.constant 1 : i32
        scf.for %while3A_387 = %while3A_384 to %while3A_380 step %while3A_386  : i32 {
          %mul3A_388 = arith.constant 16 : i32
          %mul3A_389 = arith.muli %while3A_387, %mul3A_388 : i32
          %add3A_390 = arith.addi %add3A_368, %mul3A_389 : i32
          %get3A_391 = arith.index_cast %add3A_390 : i32 to index
          %get3A_392 = tpu.vector_load %arg13[%get3A_391] {strides = array<i32>} : memref<5040xi32, #tpu.memory_space<vmem>>, vector<16xi32>,
          %get3A_393 = arith.constant 15 : i32
          %get3A_394 = arith.index_cast %get3A_393 : i32 to index
          %get3A_395 = arith.index_cast %mul3A_389 : i32 to index
          %get3A_396 = tpu.vector_load %arg18[%get3A_394, %get3A_395] {strides = array<i32>} : memref<16x512xf32, #tpu.memory_space<vmem>>, vector<16xf32>,
          %add3A_397 = vector.broadcast %mul3A_389 : i32 to vector<16xi32>
          %add3A_398 = arith.addi %add3A_397, %iota3A : vector<16xi32>
          %lt3A = vector.broadcast %min3A_372 : i32 to vector<16xi32>
          %lt3A_399 = arith.cmpi slt, %add3A_398, %lt3A : vector<16xi32>
          %jit3A_400 = arith.constant 0 : i32
          %broadcast_in_dim3A = vector.broadcast %jit3A_400 : i32 to vector<16xi32>
          %select_n3A = arith.select %lt3A_399, %get3A_392, %broadcast_in_dim3A : vector<16xi1>, vector<16xi32>
          tpu.vector_store_idx %arg15[%select_n3A], %get3A_396 masked %lt3A_399 : memref<5024xf32, #tpu.memory_space<vmem>>[vector<16xi32>], vector<16xf32>, vector<16xi1>
        }
      }
      %eq3A_16 = arith.constant 0 : i32
      %eq3A_17 = arith.cmpi eq, %arg1, %eq3A_16 : i32
      %convert_element_type3A_18 = arith.extui %eq3A_17 : i1 to i32
      %cond3A_19 = arith.constant 0 : i32
      %cond3A_20 = arith.cmpi ne, %convert_element_type3A_18, %cond3A_19 : i32
      scf.if %cond3A_20 {
        "tpu.region"() ({
          %run_scoped3A = tpu.sem_alloc : memref<!tpu.dma_semaphore, #tpu.memory_space<semaphore_mem>>
          tpu.enqueue_dma source(%arg15 : memref<5024xf32, #tpu.memory_space<vmem>>) target(%arg9 : memref<5024xf32, #tpu.memory_space<hbm>>) target_semaphore(%run_scoped3A : memref<!tpu.dma_semaphore, #tpu.memory_space<semaphore_mem>>)
          tpu.wait_dma2 semaphore(%run_scoped3A : memref<!tpu.dma_semaphore, #tpu.memory_space<semaphore_mem>>) src(%arg15 : memref<5024xf32, #tpu.memory_space<vmem>>) dst(%arg9 : memref<5024xf32, #tpu.memory_space<hbm>>)
          tpu.yield
        }) : () -> ()
      } else {
      }
    } else {
    }
    return
  }
}

module attributes {stable_mosaic.version = 14 : i64} {
  func.func @_stage_a_body(%arg0: memref<5000x128xf32, #tpu.memory_space<vmem>>, %arg1: memref<128x128xf32, #tpu.memory_space<vmem>>, %arg2: memref<128x128xf32, #tpu.memory_space<vmem>>, %arg3: memref<128x128xf32, #tpu.memory_space<vmem>>, %arg4: memref<5000x1xf32, #tpu.memory_space<vmem>>, %arg5: memref<5000x128xf32, #tpu.memory_space<vmem>>, %arg6: memref<5000x128xf32, #tpu.memory_space<vmem>>, %arg7: memref<5000x1xf32, #tpu.memory_space<vmem>>, %arg8: memref<5000x1xf32, #tpu.memory_space<vmem>>) attributes {dimension_semantics = [], scalar_prefetch = 0 : i64, scratch_operands = 0 : i64, tpu.core_type = #tpu.core_type<tc>} {
    %get3A = arith.constant 0 : index
    %get3A_0 = arith.constant 0 : index
    %get3A_1 = vector.load %arg0[%get3A, %get3A_0] : memref<5000x128xf32, #tpu.memory_space<vmem>>, vector<5000x128xf32>
    %get3A_2 = arith.constant 0 : index
    %get3A_3 = arith.constant 0 : index
    %get3A_4 = vector.load %arg1[%get3A_2, %get3A_3] : memref<128x128xf32, #tpu.memory_space<vmem>>, vector<128x128xf32>
    %dot_general3A = arith.constant dense<0.000000e+00> : vector<5000x128xf32>
    %dot_general3A_5 = tpu.matmul %get3A_1, %get3A_4, %dot_general3A {dimension_numbers = #tpu.dot_dimension_numbers<[1], [0], [0], [1], [0, 0, 1, 1], [], []>, transpose_lhs_hint = false} : vector<5000x128xf32>, vector<128x128xf32>, vector<5000x128xf32> -> vector<5000x128xf32>
    %get3A_6 = arith.constant 0 : index
    %get3A_7 = arith.constant 0 : index
    %get3A_8 = vector.load %arg2[%get3A_6, %get3A_7] : memref<128x128xf32, #tpu.memory_space<vmem>>, vector<128x128xf32>
    %dot_general3A_9 = arith.constant dense<0.000000e+00> : vector<5000x128xf32>
    %dot_general3A_10 = tpu.matmul %get3A_1, %get3A_8, %dot_general3A_9 {dimension_numbers = #tpu.dot_dimension_numbers<[1], [0], [0], [1], [0, 0, 1, 1], [], []>, transpose_lhs_hint = false} : vector<5000x128xf32>, vector<128x128xf32>, vector<5000x128xf32> -> vector<5000x128xf32>
    %get3A_11 = arith.constant 0 : index
    %get3A_12 = arith.constant 0 : index
    %get3A_13 = vector.load %arg3[%get3A_11, %get3A_12] : memref<128x128xf32, #tpu.memory_space<vmem>>, vector<128x128xf32>
    %mul3A = arith.mulf %dot_general3A_5, %dot_general3A_5 : vector<5000x128xf32>
    %dot_general3A_14 = arith.constant dense<0.000000e+00> : vector<5000x128xf32>
    %dot_general3A_15 = tpu.matmul %mul3A, %get3A_13, %dot_general3A_14 {dimension_numbers = #tpu.dot_dimension_numbers<[1], [0], [0], [1], [0, 0, 1, 1], [], []>, transpose_lhs_hint = false} : vector<5000x128xf32>, vector<128x128xf32>, vector<5000x128xf32> -> vector<5000x128xf32>
    %mul3A_16 = arith.mulf %dot_general3A_10, %dot_general3A_10 : vector<5000x128xf32>
    %dot_general3A_17 = arith.constant dense<0.000000e+00> : vector<5000x128xf32>
    %dot_general3A_18 = tpu.matmul %mul3A_16, %get3A_13, %dot_general3A_17 {dimension_numbers = #tpu.dot_dimension_numbers<[1], [0], [0], [1], [0, 0, 1, 1], [], []>, transpose_lhs_hint = false} : vector<5000x128xf32>, vector<128x128xf32>, vector<5000x128xf32> -> vector<5000x128xf32>
    %sqrt3A = math.sqrt %dot_general3A_15 : vector<5000x128xf32>
    %add3A = arith.constant 9.99999993E-9 : f32
    %add3A_19 = vector.broadcast %add3A : f32 to vector<5000x128xf32>
    %add3A_20 = arith.addf %sqrt3A, %add3A_19 : vector<5000x128xf32>
    %div3A = arith.divf %dot_general3A_5, %add3A_20 : vector<5000x128xf32>
    %sqrt3A_21 = math.sqrt %dot_general3A_18 : vector<5000x128xf32>
    %add3A_22 = arith.constant 9.99999993E-9 : f32
    %add3A_23 = vector.broadcast %add3A_22 : f32 to vector<5000x128xf32>
    %add3A_24 = arith.addf %sqrt3A_21, %add3A_23 : vector<5000x128xf32>
    %div3A_25 = arith.divf %dot_general3A_10, %add3A_24 : vector<5000x128xf32>
    %swap3A = arith.constant 0 : index
    %swap3A_26 = arith.constant 0 : index
    %swap3A_27 = vector.load %arg5[%swap3A, %swap3A_26] : memref<5000x128xf32, #tpu.memory_space<vmem>>, vector<5000x128xf32>
    tpu.vector_store %arg5[%swap3A, %swap3A_26], %div3A {strides = array<i32>} : memref<5000x128xf32, #tpu.memory_space<vmem>>, vector<5000x128xf32>,
    %swap3A_28 = arith.constant 0 : index
    %swap3A_29 = arith.constant 0 : index
    %swap3A_30 = vector.load %arg6[%swap3A_28, %swap3A_29] : memref<5000x128xf32, #tpu.memory_space<vmem>>, vector<5000x128xf32>
    tpu.vector_store %arg6[%swap3A_28, %swap3A_29], %div3A_25 {strides = array<i32>} : memref<5000x128xf32, #tpu.memory_space<vmem>>, vector<5000x128xf32>,
    %reduce_sum3A = arith.constant dense<0.000000e+00> : vector<128xf32>
    %reduce_sum3A_31 = vector.multi_reduction <add>, %div3A_25, %reduce_sum3A [0] : vector<5000x128xf32> to vector<128xf32>
    %broadcast_in_dim3A = vector.shape_cast %reduce_sum3A_31 : vector<128xf32> to vector<1x128xf32>
    %get3A_32 = arith.constant 0 : index
    %get3A_33 = arith.constant 0 : index
    %get3A_34 = vector.load %arg4[%get3A_32, %get3A_33] : memref<5000x1xf32, #tpu.memory_space<vmem>>, vector<5000x1xf32>
    %mul3A_35 = vector.broadcast %get3A_34 : vector<5000x1xf32> to vector<5000x128xf32>
    %mul3A_36 = arith.mulf %div3A_25, %mul3A_35 : vector<5000x128xf32>
    %reduce_sum3A_37 = arith.constant dense<0.000000e+00> : vector<128xf32>
    %reduce_sum3A_38 = vector.multi_reduction <add>, %mul3A_36, %reduce_sum3A_37 [0] : vector<5000x128xf32> to vector<128xf32>
    %broadcast_in_dim3A_39 = vector.shape_cast %reduce_sum3A_38 : vector<128xf32> to vector<1x128xf32>
    %mul3A_40 = vector.broadcast %broadcast_in_dim3A : vector<1x128xf32> to vector<5000x128xf32>
    %mul3A_41 = arith.mulf %div3A, %mul3A_40 : vector<5000x128xf32>
    %reduce_sum3A_42 = arith.constant dense<0.000000e+00> : vector<5000xf32>
    %reduce_sum3A_43 = vector.multi_reduction <add>, %mul3A_41, %reduce_sum3A_42 [1] : vector<5000x128xf32> to vector<5000xf32>
    %broadcast_in_dim3A_44 = vector.shape_cast %reduce_sum3A_43 : vector<5000xf32> to vector<5000x1xf32>
    %add3A_45 = arith.constant 4.000000e+04 : f32
    %add3A_46 = vector.broadcast %add3A_45 : f32 to vector<5000x1xf32>
    %add3A_47 = arith.addf %broadcast_in_dim3A_44, %add3A_46 : vector<5000x1xf32>
    %mul3A_48 = arith.constant 5.000000e-01 : f32
    %mul3A_49 = vector.broadcast %mul3A_48 : f32 to vector<5000x1xf32>
    %mul3A_50 = arith.mulf %add3A_47, %mul3A_49 : vector<5000x1xf32>
    %swap3A_51 = arith.constant 0 : index
    %swap3A_52 = arith.constant 0 : index
    %swap3A_53 = vector.load %arg7[%swap3A_51, %swap3A_52] : memref<5000x1xf32, #tpu.memory_space<vmem>>, vector<5000x1xf32>
    tpu.vector_store %arg7[%swap3A_51, %swap3A_52], %mul3A_50 {strides = array<i32>} : memref<5000x1xf32, #tpu.memory_space<vmem>>, vector<5000x1xf32>,
    %mul3A_54 = vector.broadcast %broadcast_in_dim3A_39 : vector<1x128xf32> to vector<5000x128xf32>
    %mul3A_55 = arith.mulf %div3A, %mul3A_54 : vector<5000x128xf32>
    %reduce_sum3A_56 = arith.constant dense<0.000000e+00> : vector<5000xf32>
    %reduce_sum3A_57 = vector.multi_reduction <add>, %mul3A_55, %reduce_sum3A_56 [1] : vector<5000x128xf32> to vector<5000xf32>
    %broadcast_in_dim3A_58 = vector.shape_cast %reduce_sum3A_57 : vector<5000xf32> to vector<5000x1xf32>
    %add3A_59 = arith.constant 8.000000e+00 : f32
    %add3A_60 = vector.broadcast %add3A_59 : f32 to vector<5000x1xf32>
    %add3A_61 = arith.addf %broadcast_in_dim3A_58, %add3A_60 : vector<5000x1xf32>
    %div3A_62 = arith.constant 1.600000e+01 : f32
    %div3A_63 = vector.broadcast %div3A_62 : f32 to vector<5000x1xf32>
    %div3A_64 = arith.divf %add3A_61, %div3A_63 : vector<5000x1xf32>
    %swap3A_65 = arith.constant 0 : index
    %swap3A_66 = arith.constant 0 : index
    %swap3A_67 = vector.load %arg8[%swap3A_65, %swap3A_66] : memref<5000x1xf32, #tpu.memory_space<vmem>>, vector<5000x1xf32>
    tpu.vector_store %arg8[%swap3A_65, %swap3A_66], %div3A_64 {strides = array<i32>} : memref<5000x1xf32, #tpu.memory_space<vmem>>, vector<5000x1xf32>,
    return
  }
}

module attributes {stable_mosaic.version = 14 : i64} {
  func.func @_stage_c_body(%arg0: memref<5000x1xi32, #tpu.memory_space<vmem>>, %arg1: memref<5000x128xf32, #tpu.memory_space<vmem>>, %arg2: memref<5000x128xf32, #tpu.memory_space<vmem>>, %arg3: memref<5000x1xf32, #tpu.memory_space<vmem>>, %arg4: memref<5000x1xf32, #tpu.memory_space<vmem>>) attributes {dimension_semantics = [], scalar_prefetch = 0 : i64, scratch_operands = 0 : i64, tpu.core_type = #tpu.core_type<tc>} {
    %get3A = arith.constant 0 : index
    %get3A_0 = arith.constant 0 : index
    %get3A_1 = vector.load %arg0[%get3A, %get3A_0] : memref<5000x1xi32, #tpu.memory_space<vmem>>, vector<5000x1xi32>
    %get3A_2 = arith.constant 0 : index
    %get3A_3 = arith.constant 0 : index
    %get3A_4 = vector.load %arg1[%get3A_2, %get3A_3] : memref<5000x128xf32, #tpu.memory_space<vmem>>, vector<5000x128xf32>
    %get3A_5 = arith.constant 0 : index
    %get3A_6 = arith.constant 0 : index
    %get3A_7 = vector.load %arg2[%get3A_5, %get3A_6] : memref<5000x128xf32, #tpu.memory_space<vmem>>, vector<5000x128xf32>
    %get3A_8 = arith.constant 0 : index
    %get3A_9 = arith.constant 0 : index
    %get3A_10 = vector.load %arg3[%get3A_8, %get3A_9] : memref<5000x1xf32, #tpu.memory_space<vmem>>, vector<5000x1xf32>
    %reduce_max3A = vector.shape_cast %get3A_1 : vector<5000x1xi32> to vector<1x5000x1xi32>
    %reduce_max3A_11 = arith.constant dense<-2147483648> : vector<1xi32>
    %reduce_max3A_12 = vector.multi_reduction <maxsi>, %reduce_max3A, %reduce_max3A_11 [1, 2] : vector<1x5000x1xi32> to vector<1xi32>
    %reduce_max3A_13 = vector.shape_cast %reduce_max3A_12 : vector<1xi32> to vector<1x1x1xi32>
    %reduce_max3A_14 = vector.extract %reduce_max3A_13[0, 0, 0] : i32 from vector<1x1x1xi32>
    %add3A = arith.constant 1 : i32
    %add3A_15 = arith.addi %reduce_max3A_14, %add3A : i32
    %iota3A = tpu.iota {dimensions = array<i32: 0>} : vector<5000x1xi32>
    %broadcast_in_dim3A = arith.constant 0.000000e+00 : f32
    %broadcast_in_dim3A_16 = vector.broadcast %broadcast_in_dim3A : f32 to vector<5000x1xf32>
    %while3A = arith.constant 5.000000e+03 : f32
    %while3A_17 = arith.constant 0 : i32
    %while3A_18 = arith.subi %add3A_15, %while3A_17 : i32
    %while3A_19 = arith.addi %while3A_17, %while3A_18 : i32
    %while3A_20 = arith.constant 1 : i32
    %while3A_21 = arith.divsi %while3A_18, %while3A_20 : i32
    %while3A_22 = arith.muli %while3A_21, %while3A_20 : i32
    %while3A_23 = arith.addi %while3A_17, %while3A_22 : i32
    %while3A_24 = arith.constant 1 : i32
    %while3A_25 = scf.for %while3A_30 = %while3A_17 to %while3A_23 step %while3A_24 iter_args(%while3A_31 = %broadcast_in_dim3A_16) -> (vector<5000x1xf32>)  : i32 {
      %eq3A = vector.broadcast %while3A_30 : i32 to vector<5000x1xi32>
      %eq3A_32 = arith.cmpi eq, %get3A_1, %eq3A : vector<5000x1xi32>
      %convert_element_type3A = arith.extui %eq3A_32 : vector<5000x1xi1> to vector<5000x1xi32>
      %convert_element_type3A_33 = arith.sitofp %convert_element_type3A : vector<5000x1xi32> to vector<5000x1xf32>
      %reduce_sum3A = vector.shape_cast %convert_element_type3A_33 : vector<5000x1xf32> to vector<1x5000x1xf32>
      %reduce_sum3A_34 = arith.constant dense<0.000000e+00> : vector<1xf32>
      %reduce_sum3A_35 = vector.multi_reduction <add>, %reduce_sum3A, %reduce_sum3A_34 [1, 2] : vector<1x5000x1xf32> to vector<1xf32>
      %reduce_sum3A_36 = vector.shape_cast %reduce_sum3A_35 : vector<1xf32> to vector<1x1x1xf32>
      %reduce_sum3A_37 = vector.extract %reduce_sum3A_36[0, 0, 0] : f32 from vector<1x1x1xf32>
      %mul3A = arith.mulf %convert_element_type3A_33, %get3A_10 : vector<5000x1xf32>
      %reduce_sum3A_38 = vector.shape_cast %mul3A : vector<5000x1xf32> to vector<1x5000x1xf32>
      %reduce_sum3A_39 = arith.constant dense<0.000000e+00> : vector<1xf32>
      %reduce_sum3A_40 = vector.multi_reduction <add>, %reduce_sum3A_38, %reduce_sum3A_39 [1, 2] : vector<1x5000x1xf32> to vector<1xf32>
      %reduce_sum3A_41 = vector.shape_cast %reduce_sum3A_40 : vector<1xf32> to vector<1x1x1xf32>
      %reduce_sum3A_42 = vector.extract %reduce_sum3A_41[0, 0, 0] : f32 from vector<1x1x1xf32>
      %mul3A_43 = vector.broadcast %convert_element_type3A_33 : vector<5000x1xf32> to vector<5000x128xf32>
      %mul3A_44 = arith.mulf %get3A_4, %mul3A_43 : vector<5000x128xf32>
      %reduce_sum3A_45 = arith.constant dense<0.000000e+00> : vector<128xf32>
      %reduce_sum3A_46 = vector.multi_reduction <add>, %mul3A_44, %reduce_sum3A_45 [0] : vector<5000x128xf32> to vector<128xf32>
      %broadcast_in_dim3A_47 = vector.shape_cast %reduce_sum3A_46 : vector<128xf32> to vector<1x128xf32>
      %mul3A_48 = vector.broadcast %convert_element_type3A_33 : vector<5000x1xf32> to vector<5000x128xf32>
      %mul3A_49 = arith.mulf %get3A_7, %mul3A_48 : vector<5000x128xf32>
      %reduce_sum3A_50 = arith.constant dense<0.000000e+00> : vector<128xf32>
      %reduce_sum3A_51 = vector.multi_reduction <add>, %mul3A_49, %reduce_sum3A_50 [0] : vector<5000x128xf32> to vector<128xf32>
      %broadcast_in_dim3A_52 = vector.shape_cast %reduce_sum3A_51 : vector<128xf32> to vector<1x128xf32>
      %mul3A_53 = arith.mulf %broadcast_in_dim3A_47, %broadcast_in_dim3A_52 : vector<1x128xf32>
      %reduce_sum3A_54 = vector.shape_cast %mul3A_53 : vector<1x128xf32> to vector<1x1x128xf32>
      %reduce_sum3A_55 = arith.constant dense<0.000000e+00> : vector<1xf32>
      %reduce_sum3A_56 = vector.multi_reduction <add>, %reduce_sum3A_54, %reduce_sum3A_55 [1, 2] : vector<1x1x128xf32> to vector<1xf32>
      %reduce_sum3A_57 = vector.shape_cast %reduce_sum3A_56 : vector<1xf32> to vector<1x1x1xf32>
      %reduce_sum3A_58 = vector.extract %reduce_sum3A_57[0, 0, 0] : f32 from vector<1x1x1xf32>
      %mul3A_59 = arith.constant 8.000000e+00 : f32
      %mul3A_60 = arith.mulf %mul3A_59, %reduce_sum3A_37 : f32
      %mul3A_61 = arith.mulf %mul3A_60, %reduce_sum3A_37 : f32
      %add3A_62 = arith.addf %reduce_sum3A_58, %mul3A_61 : f32
      %mul3A_63 = arith.constant 5.000000e-01 : f32
      %mul3A_64 = arith.mulf %add3A_62, %mul3A_63 : f32
      %sub3A = arith.subf %reduce_sum3A_42, %mul3A_64 : f32
      %mul3A_65 = arith.constant 8.000000e+00 : f32
      %mul3A_66 = arith.mulf %mul3A_65, %reduce_sum3A_37 : f32
      %sub3A_67 = arith.subf %while3A, %reduce_sum3A_37 : f32
      %mul3A_68 = arith.mulf %mul3A_66, %sub3A_67 : f32
      %div3A = arith.divf %sub3A, %mul3A_68 : f32
      %eq3A_69 = vector.broadcast %while3A_30 : i32 to vector<5000x1xi32>
      %eq3A_70 = arith.cmpi eq, %iota3A, %eq3A_69 : vector<5000x1xi32>
      %jit3A = arith.constant 0.000000e+00 : f32
      %broadcast_in_dim3A_71 = vector.broadcast %div3A : f32 to vector<5000x1xf32>
      %broadcast_in_dim3A_72 = vector.broadcast %jit3A : f32 to vector<5000x1xf32>
      %select_n3A = arith.select %eq3A_70, %broadcast_in_dim3A_71, %broadcast_in_dim3A_72 : vector<5000x1xi1>, vector<5000x1xf32>
      %add3A_73 = arith.addf %while3A_31, %select_n3A : vector<5000x1xf32>
      scf.yield %add3A_73 : vector<5000x1xf32>
    }
    %while3A_26 = arith.constant 1 : i32
    %while3A_27 = scf.for %while3A_30 = %while3A_23 to %while3A_19 step %while3A_26 iter_args(%while3A_31 = %while3A_25) -> (vector<5000x1xf32>)  : i32 {
      %eq3A = vector.broadcast %while3A_30 : i32 to vector<5000x1xi32>
      %eq3A_32 = arith.cmpi eq, %get3A_1, %eq3A : vector<5000x1xi32>
      %convert_element_type3A = arith.extui %eq3A_32 : vector<5000x1xi1> to vector<5000x1xi32>
      %convert_element_type3A_33 = arith.sitofp %convert_element_type3A : vector<5000x1xi32> to vector<5000x1xf32>
      %reduce_sum3A = vector.shape_cast %convert_element_type3A_33 : vector<5000x1xf32> to vector<1x5000x1xf32>
      %reduce_sum3A_34 = arith.constant dense<0.000000e+00> : vector<1xf32>
      %reduce_sum3A_35 = vector.multi_reduction <add>, %reduce_sum3A, %reduce_sum3A_34 [1, 2] : vector<1x5000x1xf32> to vector<1xf32>
      %reduce_sum3A_36 = vector.shape_cast %reduce_sum3A_35 : vector<1xf32> to vector<1x1x1xf32>
      %reduce_sum3A_37 = vector.extract %reduce_sum3A_36[0, 0, 0] : f32 from vector<1x1x1xf32>
      %mul3A = arith.mulf %convert_element_type3A_33, %get3A_10 : vector<5000x1xf32>
      %reduce_sum3A_38 = vector.shape_cast %mul3A : vector<5000x1xf32> to vector<1x5000x1xf32>
      %reduce_sum3A_39 = arith.constant dense<0.000000e+00> : vector<1xf32>
      %reduce_sum3A_40 = vector.multi_reduction <add>, %reduce_sum3A_38, %reduce_sum3A_39 [1, 2] : vector<1x5000x1xf32> to vector<1xf32>
      %reduce_sum3A_41 = vector.shape_cast %reduce_sum3A_40 : vector<1xf32> to vector<1x1x1xf32>
      %reduce_sum3A_42 = vector.extract %reduce_sum3A_41[0, 0, 0] : f32 from vector<1x1x1xf32>
      %mul3A_43 = vector.broadcast %convert_element_type3A_33 : vector<5000x1xf32> to vector<5000x128xf32>
      %mul3A_44 = arith.mulf %get3A_4, %mul3A_43 : vector<5000x128xf32>
      %reduce_sum3A_45 = arith.constant dense<0.000000e+00> : vector<128xf32>
      %reduce_sum3A_46 = vector.multi_reduction <add>, %mul3A_44, %reduce_sum3A_45 [0] : vector<5000x128xf32> to vector<128xf32>
      %broadcast_in_dim3A_47 = vector.shape_cast %reduce_sum3A_46 : vector<128xf32> to vector<1x128xf32>
      %mul3A_48 = vector.broadcast %convert_element_type3A_33 : vector<5000x1xf32> to vector<5000x128xf32>
      %mul3A_49 = arith.mulf %get3A_7, %mul3A_48 : vector<5000x128xf32>
      %reduce_sum3A_50 = arith.constant dense<0.000000e+00> : vector<128xf32>
      %reduce_sum3A_51 = vector.multi_reduction <add>, %mul3A_49, %reduce_sum3A_50 [0] : vector<5000x128xf32> to vector<128xf32>
      %broadcast_in_dim3A_52 = vector.shape_cast %reduce_sum3A_51 : vector<128xf32> to vector<1x128xf32>
      %mul3A_53 = arith.mulf %broadcast_in_dim3A_47, %broadcast_in_dim3A_52 : vector<1x128xf32>
      %reduce_sum3A_54 = vector.shape_cast %mul3A_53 : vector<1x128xf32> to vector<1x1x128xf32>
      %reduce_sum3A_55 = arith.constant dense<0.000000e+00> : vector<1xf32>
      %reduce_sum3A_56 = vector.multi_reduction <add>, %reduce_sum3A_54, %reduce_sum3A_55 [1, 2] : vector<1x1x128xf32> to vector<1xf32>
      %reduce_sum3A_57 = vector.shape_cast %reduce_sum3A_56 : vector<1xf32> to vector<1x1x1xf32>
      %reduce_sum3A_58 = vector.extract %reduce_sum3A_57[0, 0, 0] : f32 from vector<1x1x1xf32>
      %mul3A_59 = arith.constant 8.000000e+00 : f32
      %mul3A_60 = arith.mulf %mul3A_59, %reduce_sum3A_37 : f32
      %mul3A_61 = arith.mulf %mul3A_60, %reduce_sum3A_37 : f32
      %add3A_62 = arith.addf %reduce_sum3A_58, %mul3A_61 : f32
      %mul3A_63 = arith.constant 5.000000e-01 : f32
      %mul3A_64 = arith.mulf %add3A_62, %mul3A_63 : f32
      %sub3A = arith.subf %reduce_sum3A_42, %mul3A_64 : f32
      %mul3A_65 = arith.constant 8.000000e+00 : f32
      %mul3A_66 = arith.mulf %mul3A_65, %reduce_sum3A_37 : f32
      %sub3A_67 = arith.subf %while3A, %reduce_sum3A_37 : f32
      %mul3A_68 = arith.mulf %mul3A_66, %sub3A_67 : f32
      %div3A = arith.divf %sub3A, %mul3A_68 : f32
      %eq3A_69 = vector.broadcast %while3A_30 : i32 to vector<5000x1xi32>
      %eq3A_70 = arith.cmpi eq, %iota3A, %eq3A_69 : vector<5000x1xi32>
      %jit3A = arith.constant 0.000000e+00 : f32
      %broadcast_in_dim3A_71 = vector.broadcast %div3A : f32 to vector<5000x1xf32>
      %broadcast_in_dim3A_72 = vector.broadcast %jit3A : f32 to vector<5000x1xf32>
      %select_n3A = arith.select %eq3A_70, %broadcast_in_dim3A_71, %broadcast_in_dim3A_72 : vector<5000x1xi1>, vector<5000x1xf32>
      %add3A_73 = arith.addf %while3A_31, %select_n3A : vector<5000x1xf32>
      scf.yield %add3A_73 : vector<5000x1xf32>
    }
    %swap3A = arith.constant 0 : index
    %swap3A_28 = arith.constant 0 : index
    %swap3A_29 = vector.load %arg4[%swap3A, %swap3A_28] : memref<5000x1xf32, #tpu.memory_space<vmem>>, vector<5000x1xf32>
    tpu.vector_store %arg4[%swap3A, %swap3A_28], %while3A_27 {strides = array<i32>} : memref<5000x1xf32, #tpu.memory_space<vmem>>, vector<5000x1xf32>,
    return
  }
}

</mosaic_0001>

<sc_bundles>
// kernel: kernel.6.cloned.1.call-start
scs
__scs_entry_jumppad:
0x0: {  	(pc) =	sbr.rel $0x88, $3  }
0x1: {  	(tag) =	ssettag $0x0;
	lr =	simm.s32 $0x1  }
0x2: {  	[smem:$0x3F9C] =	sst lr;
	_ =	strace $0xD0000000  }
0x3: {  	_ = 	snop  }
0x4: {  	_ = 	snop  }
0x5: {  	_ = 	snop  }
0x6: {  	_ = 	snop  }
0x7: {  	_ = 	snop  }
__scs_overlays_trampoline_lowered:
0x8: {  	[smem:$0x3FAB] =	sst s0  }
0x9: {  	[smem:$0x3FAC] =	sst s1  }
0xa: {  	[smem:$0x3FAD] =	sst s2  }
0xb: {  	[smem:$0x3FAE] =	sst s3  }
0xc: {  	[smem:$0x3FAF] =	sst s4  }
0xd: {  	[smem:$0x3FB0] =	sst s5  }
0xe: {  	[smem:$0x3FB1] =	sst s6  }
0xf: {  	[smem:$0x3FB2] =	sst s7  }
0x10: {  	[smem:$0x3FB3] =	sst s8  }
0x11: {  	[smem:$0x3FB4] =	sst s9;
	s0 =	simm.s32 @!p0 $0x0  }
0x12: {  	s1 =	sld [smem:$0x3F9A];
	s0 =	simm.s32 @p0 $0x1  }
0x13: {  	[smem:$0x3FB5] =	sst s0;
	s0 =	simm.s32 @!p1 $0x0  }
0x14: {  	s2 =	sld [smem:$0x3F99];
	s0 =	simm.s32 @p1 $0x1  }
0x15: {  	[smem:$0x3FB6] =	sst s0;
	s0 =	simm.s32 @!p2 $0x0  }
0x16: {  	s3 =	sld [smem:$0x3FDB];
	s0 =	simm.s32 @p2 $0x1  }
0x17: {  	s4 =	simm.s32 $0x1BF5;
	[smem:$0x3FB8] =	sst s0  }
0x18: {  	s0 =	sld [smem:$0x3F9B];
	_ =	swait.ge [sflag:s4], $0x0  }
0x19: {  	s7 =	sld [smem:$0x3F9C]  }
0x1a: {  	s8 =	sadd.s32 $0xFFFFE003, lr  }
0x1b: {  	s9 =	sadd.s32 $0xFFFFFEF7, lr;
	s5 =	simm.s32 $0xFFFFFFFF;
	p2 =	slt.u32 s8, $0xFFFFF086  }
0x1c: {  	p1 =	slt.u32 s9, $0xF7A;
	s5 =	simm.s32 @!p2 $0x0  }
0x1d: {  	s5 =	simm.s32 @p1 $0x1;
	p0 =	seq.s32 s7, s2  }
0x1e: {  	s7 =	smul.u32 @!p0 $0xF7A, s2;
	p2 =	seq.s32 @!p0 s5, $0x0  }
0x1f: {  	s9 =	smul.u32 $0xF7A, s1;
	s8 =	simm.s32 @!p0 $0x1BF5;
	p2 =	por !p2, p0  }
0x20: {  	[sflag:s8] =	ssyncset.s32 @!p0 $0xFFFFF086;
	s6 =	sadd.s32 @!p0 s3, s7;
	s7 =	simm.s32 @!p0 $0x108  }
0x21: {  	s3 =	sadd.s32 s3, s9;
	s6 =	sadd.s32 @!p0 $0x88, s6;
	s7 =	simm.s32 @p2 $0x1082  }
0x22: {  	[simem:s7], [sflag:s8] =	dma.local @!p0 [hbm:s6], $0xF7A  }
0x23: {  	s9 =	sor.u32 $0xD0000000, s2;
	s6 =	simm.s32 $0x108;
	_ =	swait.ge @!p0 [sflag:s8], $0x0  }
0x24: {  	s3 =	sadd.s32 $0x88, s3;
	s6 =	simm.s32 @!p1 $0x1082;
	[sflag:s4] =	ssyncset.s32 $0xFFFFF086  }
0x25: {  	[simem:s6], [sflag:s4] =	dma.local [hbm:s3], $0xF7A  }
0x26: {  	[smem:$0x3F9C] =	sst s1;
	(tag) =	ssettag s2;
	_ =	strace s9  }
0x27: {  	s1 =	sld [smem:$0x3FAC]  }
0x28: {  	s2 =	sld [smem:$0x3FAD]  }
0x29: {  	s4 =	sld [smem:$0x3FAF]  }
0x2a: {  	p0 =	seq.s32 s5, $0x0;
	s5 =	sld [smem:$0x3FB0]  }
0x2b: {  	s6 =	sld [smem:$0x3FB1]  }
0x2c: {  	s7 =	sld [smem:$0x3FB2]  }
0x2d: {  	s3 =	simm.s32 $0x108;
	s8 =	sld [smem:$0x3FB3]  }
0x2e: {  	s3 =	simm.s32 @!p0 $0x1082;
	s9 =	sld [smem:$0x3FB4]  }
0x2f: {  	lr =	sadd.s32 s0, s3;
	s0 =	sld [smem:$0x3FAB]  }
0x30: {  	s3 =	sld [smem:$0x3FAE]  }
0x31: {  	[smem:$0x3FB7] =	sst s10  }
0x32: {  	s10 =	sld [smem:$0x3FB5];
	_ =	sdelay $0x3  }
0x33: {  	p0 =	seq.s32 s10, $0x1;
	s10 =	sld [smem:$0x3FB7];
	_ =	sdelay $0x3  }
0x34: {  	[smem:$0x3FB7] =	sst s10  }
0x35: {  	s10 =	sld [smem:$0x3FB6];
	_ =	sdelay $0x3  }
0x36: {  	p1 =	seq.s32 s10, $0x1;
	s10 =	sld [smem:$0x3FB7];
	_ =	sdelay $0x3  }
0x37: {  	[smem:$0x3FB7] =	sst s10  }
0x38: {  	s10 =	sld [smem:$0x3FB8]  }
0x39: {  	_ = 	snop;
	(pc) =	sbr.ind lr, $3  }
0x3a: {  	_ = 	snop  }
0x3b: {  	_ = 	snop  }
0x3c: {  	p2 =	seq.s32 s10, $0x1;
	s10 =	sld [smem:$0x3FB7]  }
0x3d: {  	_ =	shalt  }
0x3e: {  	_ =	shalt  }
0x3f: {  	_ =	shalt  }
0x40: {  	_ =	shalt  }
0x41: {  	_ =	shalt  }
0x42: {  	_ =	shalt  }
0x43: {  	_ =	shalt  }
0x44: {  	_ =	shalt  }
0x45: {  	_ =	shalt  }
0x46: {  	_ =	shalt  }
0x47: {  	_ =	shalt  }
0x48: {  	_ =	shalt  }
0x49: {  	_ =	shalt  }
0x4a: {  	_ =	shalt  }
0x4b: {  	_ =	shalt  }
0x4c: {  	_ =	shalt  }
0x4d: {  	_ =	shalt  }
0x4e: {  	_ =	shalt  }
0x4f: {  	_ =	shalt  }
0x50: {  	_ =	shalt  }
0x51: {  	_ =	shalt  }
0x52: {  	_ =	shalt  }
0x53: {  	_ =	shalt  }
0x54: {  	_ =	shalt  }
0x55: {  	_ =	shalt  }
0x56: {  	_ =	shalt  }
0x57: {  	_ =	shalt  }
0x58: {  	_ =	shalt  }
0x59: {  	_ =	shalt  }
0x5a: {  	_ =	shalt  }
0x5b: {  	_ =	shalt  }
0x5c: {  	_ =	shalt  }
0x5d: {  	_ =	shalt  }
0x5e: {  	_ =	shalt  }
0x5f: {  	_ =	shalt  }
0x60: {  	_ =	shalt  }
0x61: {  	_ =	shalt  }
0x62: {  	_ =	shalt  }
0x63: {  	_ =	shalt  }
0x64: {  	_ =	shalt  }
0x65: {  	_ =	shalt  }
0x66: {  	_ =	shalt  }
0x67: {  	_ =	shalt  }
0x68: {  	_ =	shalt  }
0x69: {  	_ =	shalt  }
0x6a: {  	_ =	shalt  }
0x6b: {  	_ =	shalt  }
0x6c: {  	_ =	shalt  }
0x6d: {  	_ =	shalt  }
0x6e: {  	_ =	shalt  }
0x6f: {  	_ =	shalt  }
0x70: {  	_ =	shalt  }
0x71: {  	_ =	shalt  }
0x72: {  	_ =	shalt  }
0x73: {  	_ =	shalt  }
0x74: {  	_ =	shalt  }
0x75: {  	_ =	shalt  }
0x76: {  	_ =	shalt  }
0x77: {  	_ =	shalt  }
0x78: {  	_ =	shalt  }
0x79: {  	_ =	shalt  }
0x7a: {  	_ =	shalt  }
0x7b: {  	_ =	shalt  }
0x7c: {  	_ =	shalt  }
0x7d: {  	_ =	shalt  }
0x7e: {  	_ =	shalt  }
0x7f: {  	_ =	shalt  }
0x80: {  	_ =	shalt  }
0x81: {  	_ =	shalt  }
0x82: {  	_ =	shalt  }
0x83: {  	_ =	shalt  }
0x84: {  	_ =	shalt  }
0x85: {  	_ =	shalt  }
0x86: {  	_ =	shalt  }
0x87: {  	_ =	shalt  }
.Lfunc_end0:
.L_simem_size_0:
called_computation.1_lowered:
.L_overlay_start_0:
0x88: {  	s2 =	sld [smem:$0x3FD9]  }
0x89: {  	s3 =	sld [smem:$0x3FFE];
	_ =	sdelay $0x1  }
0x8a: {  	s1 =	srdreg.scid  }
0x8b: {  	s0 =	sand.u32 $0x1, s1  }
0x8c: {  	s14 =	sshll.u32 s0, $0xA;
	s2 =	sadd.s32 s3, s2  }
0x8d: {  	s2 =	sadd.s32 s2, s14  }
0x8e: {  	[smem:$0x3FC3] =	sst s2  }
0x8f: {  	_ = 	snop  }
0x90: {  	s2 =	sld [smem:$0x3FD0];
	_ =	sdelay $0x2  }
0x91: {  	s15 =	simm.s32 $0xA;
	s4 =	simm.s32 $0x10  }
0x92: {  	[smem:s4], [sflag:s15] =	dma.local [hbm:s2], $0x1  }
0x93: {  	_ =	swait.eq [sflag:s15], $0x1  }
0x94: {  	[sflag:s15] =	ssyncset.done $0x0  }
0x95: {  	s16 =	sld [smem:$0x10];
	[sflag:s15] =	ssyncadd.s32 $0xFFFFFFFF  }
0x96: {  	s17 =	sld [smem:$0x11];
	(tm) =	ssettm $0x1  }
0x97: {  	s18 =	sld [smem:$0x3FFB];
	_ =	sdelay $0x3  }
0x98: {  	_ =	strace s18  }
0x99: {  	s4 =	sld [smem:$0x3FFC];
	_ =	sdelay $0x3  }
0x9a: {  	_ =	strace s4  }
0x9b: {  	s4 =	sld [smem:$0x3FFD];
	_ =	sdelay $0x3  }
0x9c: {  	_ =	strace s4  }
0x9d: {  	_ =	strace $0x8FFFFFFF  }
0x9e: {  	s19 =	sld [smem:$0x3FDB];
	_ =	sdelay $0x1  }
0x9f: {  	s5 =	simm.s32 $_scs_section_size  }
0xa0: {  	s6 =	simm.s32 $_size__tile_overlayer_lowered;
	s7 =	simm.s32 $_tile_overlayer_lowered  }
0xa1: {  	s22 =	simm.s32 $0x1BFF;
	s21 =	sshll.u32 s7, $0x1;
	s4 =	sadd.s32 s5, s19  }
0xa2: {  	s8 =	simm.s32 $0x0;
	s20 =	sshll.u32 s6, $0x1;
	s6 =	sadd.s32 s21, s4  }
0xa3: {  	[timem:s8], [sflag:s22] =	dma.local [hbm:s6], s20  }
0xa4: {  	_ =	swait.ge [sflag:s22], s20  }
0xa5: {  	s5 =	ssub.s32 $0x0, s20;
	[sflag:s22] =	ssyncset.done $0x0  }
0xa6: {  	[sflag:s22] =	ssyncadd.s32 s5;
	_ =	sdelay $0x1  }
0xa7: {  	s23 =	simm.s32 $0x1B8B  }
0xa8: {  	_ =	swait.ge [sflag:s23], $0x1  }
0xa9: {  	[sflag:s23] =	ssyncset.done $0x0  }
0xaa: {  	s25 =	simm.s32 $0x1B8E;
	s24 =	sld [smem:$0x3FFE];
	[sflag:s23] =	ssyncadd.s32 $0xFFFFFFFF  }
0xab: {  	s26 =	simm.s32 $execute0_lowered;
	[smem:$0x3FD2] =	sst s25  }
0xac: {  	s6 =	sshll.u32 s26, $0x1;
	_ =	strace $0x80000049;
	[dreg:$0x1] =	wrdreg $0xFFFFFFFF  }
0xad: {  	s28 =	simm.s32 $_size_execute0_lowered;
	s4 =	sadd.s32 s4, s6;
	[dreg:$0x0] =	wrdreg $0x0  }
0xae: {  	s6 =	sshll.u32 s28, $0x1;
	[dreg:$0x2] =	wrdreg s4  }
0xaf: {  	[dreg:$0x3] =	wrdreg s6  }
0xb0: {  	[dreg:$0x4] =	wrdreg $0xC0  }
0xb1: {  	_ =	task [dreg:s8], $0x5FFFF  }
0xb2: {  	[dreg:$0x1] =	wrdreg $0xFFFFFFFF  }
0xb3: {  	[dreg:$0x0] =	wrdreg $0x60  }
0xb4: {  	[dreg:$0x2] =	wrdreg s24  }
0xb5: {  	[dreg:$0x3] =	wrdreg s16  }
0xb6: {  	[dreg:$0x4] =	wrdreg s17  }
0xb7: {  	[dreg:$0x5] =	wrdreg $0x9  }
0xb8: {  	_ =	task.clear_ibuf [dreg:s8], $0x6FFFF;
	_ =	strace $0x90000049  }
0xb9: {  	s29 =	simm.s32 $0x9;
	_ =	strace $0x8000004B  }
0xba: {  	_ =	swait.ge [sflag:s29], $0x1  }
0xbb: {  	[sflag:s29] =	ssyncadd.s32 $0xFFFFFFFF  }
0xbc: {  	_ =	strace $0x9000004B  }
0xbd: {  	_ =	sfence  }
0xbe: {  	s30 =	sld [smem:$0x0];
	_ =	sdelay $0x2  }
0xbf: {  	s31 =	sshll.u32 s1, $0xD;
	s1 =	sshrl.u32 s1, $0x2  }
0xc0: {  	s3 =	sand.u32 $0x4000, s31;
	s1 =	sadd.s32 s1, s30  }
0xc1: {  	s0 =	sor.u32 s3, s0;
	s1 =	sshll.u32 s1, $0x11  }
0xc2: {  	s0 =	sor.u32 s1, s0  }
0xc3: {  	s0 =	sadd.s32 $0x8F2B, s0  }
0xc4: {  	[sflag:s0] =	ssyncadd.remote.s32 $0x1  }
0xc5: {  	_ =	sfence.sel $0xFFFF  }
0xc6: {  	[dreg:$0x0] =	wrdreg $0xFFFFFFFF;
	(pc) =	sbr.abs _section_cstart, $3  }
0xc7: {  	[dreg:$0x1] =	wrdreg $0xFFFFFFFF  }
0xc8: {  	_ =	task.clear_ibuf [dreg:s8], $0x2FFFF;
	_ =	strace $0x9FFFFFFF  }
0xc9: {  	(tm) =	ssettm $0x7FFFFFFF  }
tec
execute0_lowered:
.L_overlay_start_1:
0x0: {  	(tag) =	ssettag $0x1  }
0x1: {  	s0 =	srdreg.scid  }
0x2: {  	s7 =	sand.u32 $0x1, s0;
	s0 =	stileid.u32  }
0x3: {  	s5 =	sor.u32 s0, s7  }
0x4: {  	p0 =	sne.s32 s5, $0x0  }
.Ltmp0:
0x5: {  	_ = 	snop;
	(pc) =	sbr.rel @p0 .LBB2_18-.Ltmp0, $4  }
0x6: {  	s1 =	rddreg [dreg:$0x0]  }
0x7: {  	s3 =	rddreg [dreg:$0x1]  }
0x8: {  	s4 =	rddreg [dreg:$0x2]  }
0x9: {  	s2 =	rddreg [dreg:$0x3];
	_ =	strace $0x8000004A  }
0xa: {  	s5 =	sadd.s32 $0x2A00, s1;
	s6 =	sadd.s32 $0x2E00, s1;
	s9 =	ssub.s32 $0x2, s7  }
0xb: {  	s7 =	sadd.s32 $0x2800, s1;
	s8 =	sadd.s32 $0x3200, s1;
	s11 =	simm.s32 $0x1  }
0xc: {  	s12 =	simm.s32 $0x13880;
	s13 =	simm.s32 $0x17480;
	s14 =	simm.s32 $0x14C80  }
0xd: {  	v0 =	vlaneseq.u32;
	v1 =	vimm.s32 $0xFFFFFFFF;
	s15 =	simm.s32 $0x16080;
	s16 =	simm.s32 $0x17500;
	s10 =	sshrl.u32 s9, $0x1  }
0xe: {  	v2 =	vimm.s32 $0x0;
	v3 =	vimm.s32 $0x13A0;
	vm0 =	vcmask $0x300;
	s17 =	simm.s32 $0x0;
	s9 =	ssub.s32 s9, s10;
	s10 =	simm.s32 $0x0  }
.LBB2_2:
0xf: {  	[tilespmem:s10], [sflag:$0x1] =	stream.linear.gather [hbm4b:s1+s10], $0x13880, $0x38;
	[tilespmem:$0x18900] =	vst v63  }
0x10: {  	_ =	swait.ge [sflag:s11], $0x13880  }
0x11: {  	[sflag:s11] =	ssyncset.done $0x0  }
0x12: {  	[sflag:s11] =	ssyncadd.s32 $0xFFFEC780  }
0x13: {  	[tilespmem:s12], [sflag:$0x1] =	stream.linear.gather [hbm4b:s3+s10], $0x1400, $0x38;
	[tilespmem:$0x18900] =	vst v63  }
0x14: {  	_ =	swait.ge [sflag:s11], $0x1400  }
0x15: {  	[sflag:s11] =	ssyncset.done $0x0  }
0x16: {  	[sflag:s11] =	ssyncadd.s32 $0xFFFFEC00  }
0x17: {  	[tilespmem:s13], [sflag:$0x1] =	stream.linear.gather [hbm4b:s4+s10], $0x80, $0x38;
	[tilespmem:$0x18900] =	vst v63  }
0x18: {  	_ =	swait.ge [sflag:s11], $0x80  }
0x19: {  	[sflag:s11] =	ssyncset.done $0x0  }
0x1a: {  	[sflag:s11] =	ssyncadd.s32 $0xFFFFFF80  }
0x1b: {  	s18 =	simm.s32 $0x10;
	v5 =	vor.u32 s10, v0;
	v4 =	vld [tilespmem:$0x17480]  }
.LBB2_3:
0x1c: {  	p0 =	sne.s32 s18, $0x1390  }
.Ltmp1:
0x1d: {  	_ = 	snop;
	(pc) =	sbr.rel @p0 .LBB2_3-.Ltmp1, $3  }
0x1e: {  	_ =	sdelay $0x1  }
0x1f: {  	[tilespmem:v5+s14+$0x0] =	vst.idx.msk $0xffff, v1;
	s19 =	smov.u32 s18;
	s18 =	sadd.s32 $0x10, s18  }
0x20: {  	v5 =	vor.u32 s19, v0  }
0x21: {  	v4 =	vbroadcast v4, $0x0;
	_ =	sdelay $0x4  }
0x22: {  	[tilespmem:v5+s14+$0x0] =	vst.idx.msk $0xffff, v1  }
0x23: {  	[tilespmem:v4+s14+$0x0] =	vst.idx.msk $0x1, v2  }
0x24: {  	s21 =	simm.s32 $0x1;
	s18 =	simm.s32 $0x0;
	s19 =	simm.s32 $0x0;
	[tilespmem:v2+s15+$0x0] =	vst.idx.msk $0x1, v4  }
.LBB2_6:
0x25: {  	v4 =	vmov s18  }
.Ltmp2:
0x26: {  	_ = 	snop;
	(pc) =	sbr.rel .LBB2_7-.Ltmp2, $3  }
0x27: {  	_ =	sdelay $0x1  }
0x28: {  	s18 =	sadd.s32 $0x1, s18;
	v5 =	vmov s19  }
0x29: {  	s20 =	smov.u32 s19;
	s19 =	smov.u32 s21;
	[tilespmem:v4+s16+$0x0] =	vst.idx.msk $0x1, v5;
	v4 =	vmov s18  }
.LBB2_9:
0x2a: {  	_ = 	snop  }
.LBB2_12:
0x2b: {  	vm3 =	vlt.s32 v7, v5;
	vm1 =	vmand @p0 vm1, vm2  }
0x2c: {  	v5 =	vnsel vm3, $0x0, v7  }
0x2d: {  	v7 =	vshra.s32 v5, $0x1;
	_ =	sdelay $0x3  }
0x2e: {  	[tilespmem:v6+s14+$0x0] =	vst.idx.msk @p0 vm1, v4  }
0x2f: {  	v6 =	vld.idx.msk [tilespmem:v7+s10+$0x0], vm3;
	_ =	sdelay $0x2  }
0x30: {  	v5 =	vshll.u32 v5, $0x4  }
0x31: {  	v5 =	vand.u32 $0x10, v5  }
0x32: {  	v5 =	vshra.s32 v6, v5  }
0x33: {  	v5 =	vand.u32 $0xFFFF, v5  }
0x34: {  	v5 =	vnsel vm3, $0x0, v5;
	_ =	sdelay $0x4  }
0x35: {  	v6 =	vld.idx.msk [tilespmem:v5+s14+$0x0], vm3;
	_ =	sdelay $0x4  }
0x36: {  	vm1 =	vlt.s32 v6, $0x0  }
0x37: {  	vm1 =	vmand vm3, vm1;
	_ =	sdelay $0x5  }
0x38: {  	[tilespmem:v5+s14+$0x0] =	vst.idx.msk vm1, v4  }
.LBB2_13:
0x39: {  	s20 =	sadd.s32 $0x1, s20  }
0x3a: {  	p0 =	slt.s32 s20, s19  }
.Ltmp3:
0x3b: {  	_ = 	snop;
	(pc) =	sbr.rel @!p0 .LBB2_14-.Ltmp3, $2  }
0x3c: {  	_ =	sdelay $0x2  }
0x3d: {  	s21 =	simm.s32 $0x0  }
.LBB2_7:
0x3e: {  	v5 =	vld [tilespmem:s20+$0x16080];
	_ =	sdelay $0x4  }
0x3f: {  	(v2sf) =	vpush v5, $0x0;
	_ =	sdelay $0xe  }
0x40: {  	s21 =	spop (v2sf)  }
0x41: {  	v6 =	vld [tilespmem:s21+$0x13880]  }
0x42: {  	v5 =	vld [tilespmem:s21+$0x13881];
	_ =	sdelay $0x3  }
0x43: {  	(v2sf) =	vpush v6, $0x0  }
0x44: {  	(v2sf) =	vpush v5, $0x0;
	_ =	sdelay $0xd  }
0x45: {  	s21 =	spop (v2sf)  }
0x46: {  	s22 =	spop (v2sf)  }
0x47: {  	s22 =	ssub.s32 s22, s21  }
0x48: {  	s22 =	sadd.s32 $0xF, s22  }
0x49: {  	s22 =	sshra.s32 s22, $0x4  }
0x4a: {  	p0 =	slt.s32 s22, $0x1  }
.Ltmp4:
0x4b: {  	_ = 	snop;
	(pc) =	sbr.rel @p0 .LBB2_13-.Ltmp4, $1  }
0x4c: {  	_ =	sdelay $0x3  }
0x4d: {  	p1 =	sne.s32 s22, $0x1  }
.Ltmp5:
0x4e: {  	_ = 	snop;
	(pc) =	sbr.rel @!p1 .LBB2_9-.Ltmp5, $3  }
0x4f: {  	_ =	sdelay $0x1  }
0x50: {  	v5 =	vbroadcast v5, $0x0  }
0x51: {  	v7 =	vadd.s32 s21, v0;
	s22 =	sadd.s32 $0xFFFFFFFF, s22;
	p0 =	por $0x0, $0x0  }
0x52: {  	vm1 =	vlt.s32 v7, v5  }
0x53: {  	v6 =	vnsel vm1, $0x0, v7  }
0x54: {  	v7 =	vshra.s32 v6, $0x1;
	_ =	sdelay $0x4  }
0x55: {  	v7 =	vld.idx.msk [tilespmem:v7+s10+$0x0], vm1;
	_ =	sdelay $0x2  }
0x56: {  	v6 =	vshll.u32 v6, $0x4  }
0x57: {  	v6 =	vand.u32 $0x10, v6  }
0x58: {  	v6 =	vshra.s32 v7, v6  }
0x59: {  	v6 =	vand.u32 $0xFFFF, v6  }
0x5a: {  	v6 =	vnsel vm1, $0x0, v6;
	_ =	sdelay $0x4  }
0x5b: {  	p1 =	sne.s32 s22, $0x1;
	v8 =	vld.idx.msk [tilespmem:v6+s14+$0x0], vm1  }
.Ltmp6:
0x5c: {  	_ = 	snop;
	(pc) =	sbr.rel @!p1 .LBB2_12-.Ltmp6, $3  }
0x5d: {  	_ =	sdelay $0x1  }
0x5e: {  	s21 =	sadd.s32 $0x10, s21  }
0x5f: {  	s22 =	sadd.s32 $0xFFFFFFFF, s22;
	p0 =	por $0x1, $0x1;
	v7 =	vadd.s32 s21, v0;
	vm2 =	vlt.s32 v8, $0x0  }
.LBB2_11:
0x60: {  	p1 =	sne.s32 s22, $0x1;
	vm2 =	vmand vm1, vm2;
	vm1 =	vlt.s32 v7, v5  }
0x61: {  	v7 =	vnsel vm1, $0x0, v7  }
0x62: {  	v8 =	vshra.s32 v7, $0x1;
	_ =	sdelay $0x3  }
0x63: {  	[tilespmem:v6+s14+$0x0] =	vst.idx.msk vm2, v4  }
0x64: {  	v6 =	vld.idx.msk [tilespmem:v8+s10+$0x0], vm1;
	_ =	sdelay $0x3  }
0x65: {  	v7 =	vshll.u32 v7, $0x4  }
0x66: {  	v7 =	vand.u32 $0x10, v7  }
0x67: {  	v6 =	vshra.s32 v6, v7  }
0x68: {  	v6 =	vand.u32 $0xFFFF, v6  }
0x69: {  	v6 =	vnsel vm1, $0x0, v6;
	_ =	sdelay $0x4  }
0x6a: {  	v8 =	vld.idx.msk [tilespmem:v6+s14+$0x0], vm1;
	_ =	sdelay $0x1  }
.Ltmp7:
0x6b: {  	(pc) =	sbr.rel @p1 .LBB2_11-.Ltmp7, $3  }
0x6c: {  	_ =	sdelay $0x1  }
0x6d: {  	s21 =	sadd.s32 $0x10, s21  }
0x6e: {  	s22 =	sadd.s32 $0xFFFFFFFF, s22;
	v7 =	vadd.s32 s21, v0;
	vm2 =	vlt.s32 v8, $0x0  }
.Ltmp8:
0x6f: {  	_ = 	snop;
	(pc) =	sbr.rel .LBB2_12-.Ltmp8, $1  }
0x70: {  	_ =	sdelay $0x3  }
.LBB2_14:
0x71: {  	v5 =	vor.u32 s21, v0;
	_ =	sdelay $0x4  }
0x72: {  	v6 =	vld.idx.msk [tilespmem:v5+s14+$0x0], $0xffff;
	_ =	sdelay $0x4  }
0x73: {  	vm1 =	veq.s32 v6, v4  }
0x74: {  	v6 =	vsel vm1, $0x1, v2  }
0x75: {  	(xrf0) =	vadd.scan.msk.s32 $0xffff, v6;
	_ =	sdelay $0x5  }
0x76: {  	v7, _, _ =	vpop (xrf0)  }
0x77: {  	v8 =	vxor.u32 $0x80000000, v7  }
0x78: {  	v6 =	vsel vm1, $0xFFFFFFFF, v2;
	(xrf0) =	vmax.scan.msk.u32 $0xffff, v8  }
0x79: {  	v6 =	vadd.s32 s19, v6  }
0x7a: {  	s20 =	simm.s32 $0x10;
	v7 =	vadd.s32 v7, v6  }
0x7b: {  	s21 =	simm.s32 $0x20;
	v6 =	vor.u32 s20, v0;
	s20 =	smov.u32 s19  }
.LBB2_15:
0x7c: {  	p0 =	seq.s32 s21, $0x1380;
	_ =	sdelay $0x1  }
0x7d: {  	v8, _, _ =	vpop (xrf0)  }
0x7e: {  	[tilespmem:v7+s15+$0x0] =	vst.idx.msk vm1, v5;
	(v2sf) =	vpush v8, $0xF;
	v5 =	vmov v6  }
0x7f: {  	v6 =	vld.idx.msk [tilespmem:v6+s14+$0x0], $0xffff;
	_ =	sdelay $0x5  }
0x80: {  	vm1 =	veq.s32 v6, v4  }
0x81: {  	v6 =	vsel vm1, $0xFFFFFFFF, v2;
	v7 =	vsel vm1, $0x1, v2  }
0x82: {  	(xrf0) =	vadd.scan.msk.s32 $0xffff, v7;
	_ =	sdelay $0x5  }
0x83: {  	v7, _, _ =	vpop (xrf0);
	s22 =	spop (v2sf)  }
.Ltmp9:
0x84: {  	v8 =	vxor.u32 $0x80000000, v7;
	s20 =	sadd.s32 s22, s20;
	(pc) =	sbr.rel @!p0 .LBB2_15-.Ltmp9, $4  }
0x85: {  	(xrf0) =	vmax.scan.msk.u32 $0xffff, v8;
	s20 =	sadd.s32 $0x80000000, s20  }
0x86: {  	v6 =	vadd.s32 s20, v6  }
0x87: {  	v7 =	vadd.s32 v7, v6  }
0x88: {  	v6 =	vor.u32 s21, v0;
	s21 =	sadd.s32 $0x10, s21  }
0x89: {  	_ =	sdelay $0x4  }
0x8a: {  	[tilespmem:v7+s15+$0x0] =	vst.idx.msk vm1, v5  }
0x8b: {  	v5 =	vld.idx.msk [tilespmem:v6+s14+$0x0], $0xffff;
	_ =	sdelay $0x4  }
0x8c: {  	vm1 =	veq.s32 v5, v4  }
0x8d: {  	v5 =	vsel vm1, $0x1, v2  }
0x8e: {  	(xrf0) =	vadd.scan.msk.s32 $0xffff, v5;
	_ =	sdelay $0x4  }
0x8f: {  	v5, _, _ =	vpop (xrf0)  }
0x90: {  	v7, _, _ =	vpop (xrf0)  }
0x91: {  	v8 =	vxor.u32 $0x80000000, v7  }
0x92: {  	(v2sf) =	vpush v5, $0xF;
	(xrf0) =	vmax.scan.msk.u32 $0xffff, v8;
	_ =	sdelay $0x5  }
0x93: {  	v5, _, _ =	vpop (xrf0)  }
0x94: {  	(v2sf) =	vpush v5, $0xF;
	_ =	sdelay $0x7  }
0x95: {  	s21 =	spop (v2sf)  }
0x96: {  	s20 =	sadd.s32 s21, s20  }
0x97: {  	v5 =	vsel vm1, $0xFFFFFFFF, v2;
	s20 =	sadd.s32 $0x80000000, s20  }
0x98: {  	v5 =	vadd.s32 s20, v5  }
0x99: {  	v5 =	vadd.s32 v7, v5;
	_ =	sdelay $0x2  }
0x9a: {  	s31 =	spop (v2sf)  }
0x9b: {  	s20 =	sadd.s32 s31, s20  }
0x9c: {  	[tilespmem:v5+s15+$0x0] =	vst.idx.msk vm1, v6;
	s21 =	sadd.s32 $0x80000000, s20  }
0x9d: {  	p0 =	sle.s32 s21, s19  }
.Ltmp10:
0x9e: {  	_ = 	snop;
	(pc) =	sbr.rel @!p0 .LBB2_6-.Ltmp10, $1  }
0x9f: {  	_ =	sdelay $0x3  }
0xa0: {  	_ =	sdelay $0x2  }
0xa1: {  	v5 =	vmov s21  }
0xa2: {  	[tilespmem:v4+s16+$0x0] =	vst.idx.msk $0x1, v5  }
0xa3: {  	[tilespmem:v3+s16+$0x0] =	vst.idx.msk $0x1, v4;
	v4 =	vnsel vm0, $0x0, v5  }
0xa4: {  	[tilespmem:$0x17480] =	vst v4  }
0xa5: {  	[hbm4b:s5+s10] =	stream.linear.scatter [tilespmem:s14], [sflag:$0x1], $0x1400, $0x38;
	[tilespmem:$0x18900] =	vst v63  }
0xa6: {  	_ =	swait.ge [sflag:s11], $0x1400  }
0xa7: {  	[sflag:s11] =	ssyncset.done $0x0  }
0xa8: {  	[sflag:s11] =	ssyncadd.s32 $0xFFFFEC00  }
0xa9: {  	[hbm4b:s6+s10] =	stream.linear.scatter [tilespmem:s15], [sflag:$0x1], $0x1400, $0x38;
	[tilespmem:$0x18900] =	vst v63  }
0xaa: {  	_ =	swait.ge [sflag:s11], $0x1400  }
0xab: {  	[sflag:s11] =	ssyncset.done $0x0  }
0xac: {  	[sflag:s11] =	ssyncadd.s32 $0xFFFFEC00  }
0xad: {  	[hbm4b:s7+s10] =	stream.linear.scatter [tilespmem:s13], [sflag:$0x1], $0x80, $0x38;
	[tilespmem:$0x18900] =	vst v63  }
0xae: {  	s17 =	sadd.s32 $0x1, s17;
	_ =	swait.ge [sflag:s11], $0x80  }
0xaf: {  	p0 =	sne.s32 s17, s9;
	[sflag:s11] =	ssyncset.done $0x0  }
.Ltmp11:
0xb0: {  	[sflag:s11] =	ssyncadd.s32 $0xFFFFFF80;
	(pc) =	sbr.rel @p0 .LBB2_2-.Ltmp11, $4  }
0xb1: {  	[hbm4b:s8+s10] =	stream.linear.scatter [tilespmem:s16], [sflag:$0x1], $0x1400, $0x38;
	[tilespmem:$0x18900] =	vst v63  }
0xb2: {  	_ =	swait.ge [sflag:s11], $0x1400  }
0xb3: {  	[sflag:s11] =	ssyncset.done $0x0  }
0xb4: {  	[sflag:s11] =	ssyncadd.s32 $0xFFFFEC00  }
.LBB2_18:
0xb5: {  	_ =	sfence.sel $0x180000  }
0xb6: {  	[bflag:$0x0] =	sbarrier.arrive $0xFFFF  }
0xb7: {  	p0 =	sne.s32 s0, $0x0;
	_ =	strace $0x9000004A  }
0xb8: {  	s0 =	sadd.s32 @!p0 $0x100000, s2;
	[bflag:$0x2] =	sbarrier.arrive $0xFFFF  }
0xb9: {  	[sflag:s0] =	ssyncadd.tile.s32 @!p0 $0x1;
	_ =	shalt  }
.Lfunc_end2:
_tile_overlayer_lowered:
.L_overlay_start_2:
0xba: {  	(tag) =	ssettag $0x2  }
0xbb: {  	s0 =	rddreg [dreg:$0x0];
	s2 =	stileid.u32  }
0xbc: {  	s1 =	rddreg [dreg:$0x1];
	p0 =	sne.s32 s2, $0x0  }
0xbd: {  	s3 =	rddreg [dreg:$0x2];
	[bflag:$0x3] =	sbarrier.arrive $0xFFFF;
	s2 =	simm.s32 @!p0 $0x1C01  }
0xbe: {  	[timem:s3], [sflag:s2] =	dma.local @!p0 [hbm:s0], s1  }
0xbf: {  	s0 =	simm.s32 @!p0 $0x1  }
0xc0: {  	_ =	swait.ge @!p0 [sflag:s0], s1  }
0xc1: {  	s1 =	ssub.s32 @!p0 $0x0, s1;
	[sflag:s0] =	ssyncset.done @!p0 $0x0  }
0xc2: {  	[sflag:s0] =	ssyncadd.s32 @!p0 s1  }
0xc3: {  	[bflag:$0x3] =	sbarrier.arrive $0xFFFF  }
0xc4: {  	_ =	shalt  }

// kernel: kernel.9.cloned.1.call-start
scs
__scs_entry_jumppad:
0x0: {  	(pc) =	sbr.rel $0x88, $3  }
0x1: {  	(tag) =	ssettag $0x0;
	lr =	simm.s32 $0x1  }
0x2: {  	[smem:$0x3F9C] =	sst lr;
	_ =	strace $0xD0000000  }
0x3: {  	_ = 	snop  }
0x4: {  	_ = 	snop  }
0x5: {  	_ = 	snop  }
0x6: {  	_ = 	snop  }
0x7: {  	_ = 	snop  }
__scs_overlays_trampoline_lowered:
0x8: {  	[smem:$0x3FAB] =	sst s0  }
0x9: {  	[smem:$0x3FAC] =	sst s1  }
0xa: {  	[smem:$0x3FAD] =	sst s2  }
0xb: {  	[smem:$0x3FAE] =	sst s3  }
0xc: {  	[smem:$0x3FAF] =	sst s4  }
0xd: {  	[smem:$0x3FB0] =	sst s5  }
0xe: {  	[smem:$0x3FB1] =	sst s6  }
0xf: {  	[smem:$0x3FB2] =	sst s7  }
0x10: {  	[smem:$0x3FB3] =	sst s8  }
0x11: {  	[smem:$0x3FB4] =	sst s9;
	s0 =	simm.s32 @!p0 $0x0  }
0x12: {  	s1 =	sld [smem:$0x3F9A];
	s0 =	simm.s32 @p0 $0x1  }
0x13: {  	[smem:$0x3FB5] =	sst s0;
	s0 =	simm.s32 @!p1 $0x0  }
0x14: {  	s2 =	sld [smem:$0x3F99];
	s0 =	simm.s32 @p1 $0x1  }
0x15: {  	[smem:$0x3FB6] =	sst s0;
	s0 =	simm.s32 @!p2 $0x0  }
0x16: {  	s3 =	sld [smem:$0x3FDB];
	s0 =	simm.s32 @p2 $0x1  }
0x17: {  	s4 =	simm.s32 $0x1BF5;
	[smem:$0x3FB8] =	sst s0  }
0x18: {  	s0 =	sld [smem:$0x3F9B];
	_ =	swait.ge [sflag:s4], $0x0  }
0x19: {  	s7 =	sld [smem:$0x3F9C]  }
0x1a: {  	s8 =	sadd.s32 $0xFFFFE003, lr  }
0x1b: {  	s9 =	sadd.s32 $0xFFFFFEF7, lr;
	s5 =	simm.s32 $0xFFFFFFFF;
	p2 =	slt.u32 s8, $0xFFFFF086  }
0x1c: {  	p1 =	slt.u32 s9, $0xF7A;
	s5 =	simm.s32 @!p2 $0x0  }
0x1d: {  	s5 =	simm.s32 @p1 $0x1;
	p0 =	seq.s32 s7, s2  }
0x1e: {  	s7 =	smul.u32 @!p0 $0xF7A, s2;
	p2 =	seq.s32 @!p0 s5, $0x0  }
0x1f: {  	s9 =	smul.u32 $0xF7A, s1;
	s8 =	simm.s32 @!p0 $0x1BF5;
	p2 =	por !p2, p0  }
0x20: {  	[sflag:s8] =	ssyncset.s32 @!p0 $0xFFFFF086;
	s6 =	sadd.s32 @!p0 s3, s7;
	s7 =	simm.s32 @!p0 $0x108  }
0x21: {  	s3 =	sadd.s32 s3, s9;
	s6 =	sadd.s32 @!p0 $0x88, s6;
	s7 =	simm.s32 @p2 $0x1082  }
0x22: {  	[simem:s7], [sflag:s8] =	dma.local @!p0 [hbm:s6], $0xF7A  }
0x23: {  	s9 =	sor.u32 $0xD0000000, s2;
	s6 =	simm.s32 $0x108;
	_ =	swait.ge @!p0 [sflag:s8], $0x0  }
0x24: {  	s3 =	sadd.s32 $0x88, s3;
	s6 =	simm.s32 @!p1 $0x1082;
	[sflag:s4] =	ssyncset.s32 $0xFFFFF086  }
0x25: {  	[simem:s6], [sflag:s4] =	dma.local [hbm:s3], $0xF7A  }
0x26: {  	[smem:$0x3F9C] =	sst s1;
	(tag) =	ssettag s2;
	_ =	strace s9  }
0x27: {  	s1 =	sld [smem:$0x3FAC]  }
0x28: {  	s2 =	sld [smem:$0x3FAD]  }
0x29: {  	s4 =	sld [smem:$0x3FAF]  }
0x2a: {  	p0 =	seq.s32 s5, $0x0;
	s5 =	sld [smem:$0x3FB0]  }
0x2b: {  	s6 =	sld [smem:$0x3FB1]  }
0x2c: {  	s7 =	sld [smem:$0x3FB2]  }
0x2d: {  	s3 =	simm.s32 $0x108;
	s8 =	sld [smem:$0x3FB3]  }
0x2e: {  	s3 =	simm.s32 @!p0 $0x1082;
	s9 =	sld [smem:$0x3FB4]  }
0x2f: {  	lr =	sadd.s32 s0, s3;
	s0 =	sld [smem:$0x3FAB]  }
0x30: {  	s3 =	sld [smem:$0x3FAE]  }
0x31: {  	[smem:$0x3FB7] =	sst s10  }
0x32: {  	s10 =	sld [smem:$0x3FB5];
	_ =	sdelay $0x3  }
0x33: {  	p0 =	seq.s32 s10, $0x1;
	s10 =	sld [smem:$0x3FB7];
	_ =	sdelay $0x3  }
0x34: {  	[smem:$0x3FB7] =	sst s10  }
0x35: {  	s10 =	sld [smem:$0x3FB6];
	_ =	sdelay $0x3  }
0x36: {  	p1 =	seq.s32 s10, $0x1;
	s10 =	sld [smem:$0x3FB7];
	_ =	sdelay $0x3  }
0x37: {  	[smem:$0x3FB7] =	sst s10  }
0x38: {  	s10 =	sld [smem:$0x3FB8]  }
0x39: {  	_ = 	snop;
	(pc) =	sbr.ind lr, $3  }
0x3a: {  	_ = 	snop  }
0x3b: {  	_ = 	snop  }
0x3c: {  	p2 =	seq.s32 s10, $0x1;
	s10 =	sld [smem:$0x3FB7]  }
0x3d: {  	_ =	shalt  }
0x3e: {  	_ =	shalt  }
0x3f: {  	_ =	shalt  }
0x40: {  	_ =	shalt  }
0x41: {  	_ =	shalt  }
0x42: {  	_ =	shalt  }
0x43: {  	_ =	shalt  }
0x44: {  	_ =	shalt  }
0x45: {  	_ =	shalt  }
0x46: {  	_ =	shalt  }
0x47: {  	_ =	shalt  }
0x48: {  	_ =	shalt  }
0x49: {  	_ =	shalt  }
0x4a: {  	_ =	shalt  }
0x4b: {  	_ =	shalt  }
0x4c: {  	_ =	shalt  }
0x4d: {  	_ =	shalt  }
0x4e: {  	_ =	shalt  }
0x4f: {  	_ =	shalt  }
0x50: {  	_ =	shalt  }
0x51: {  	_ =	shalt  }
0x52: {  	_ =	shalt  }
0x53: {  	_ =	shalt  }
0x54: {  	_ =	shalt  }
0x55: {  	_ =	shalt  }
0x56: {  	_ =	shalt  }
0x57: {  	_ =	shalt  }
0x58: {  	_ =	shalt  }
0x59: {  	_ =	shalt  }
0x5a: {  	_ =	shalt  }
0x5b: {  	_ =	shalt  }
0x5c: {  	_ =	shalt  }
0x5d: {  	_ =	shalt  }
0x5e: {  	_ =	shalt  }
0x5f: {  	_ =	shalt  }
0x60: {  	_ =	shalt  }
0x61: {  	_ =	shalt  }
0x62: {  	_ =	shalt  }
0x63: {  	_ =	shalt  }
0x64: {  	_ =	shalt  }
0x65: {  	_ =	shalt  }
0x66: {  	_ =	shalt  }
0x67: {  	_ =	shalt  }
0x68: {  	_ =	shalt  }
0x69: {  	_ =	shalt  }
0x6a: {  	_ =	shalt  }
0x6b: {  	_ =	shalt  }
0x6c: {  	_ =	shalt  }
0x6d: {  	_ =	shalt  }
0x6e: {  	_ =	shalt  }
0x6f: {  	_ =	shalt  }
0x70: {  	_ =	shalt  }
0x71: {  	_ =	shalt  }
0x72: {  	_ =	shalt  }
0x73: {  	_ =	shalt  }
0x74: {  	_ =	shalt  }
0x75: {  	_ =	shalt  }
0x76: {  	_ =	shalt  }
0x77: {  	_ =	shalt  }
0x78: {  	_ =	shalt  }
0x79: {  	_ =	shalt  }
0x7a: {  	_ =	shalt  }
0x7b: {  	_ =	shalt  }
0x7c: {  	_ =	shalt  }
0x7d: {  	_ =	shalt  }
0x7e: {  	_ =	shalt  }
0x7f: {  	_ =	shalt  }
0x80: {  	_ =	shalt  }
0x81: {  	_ =	shalt  }
0x82: {  	_ =	shalt  }
0x83: {  	_ =	shalt  }
0x84: {  	_ =	shalt  }
0x85: {  	_ =	shalt  }
0x86: {  	_ =	shalt  }
0x87: {  	_ =	shalt  }
.Lfunc_end0:
.L_simem_size_0:
called_computation.2_lowered:
.L_overlay_start_0:
0x88: {  	s2 =	sld [smem:$0x3FD9]  }
0x89: {  	s3 =	sld [smem:$0x3FFE];
	_ =	sdelay $0x1  }
0x8a: {  	s1 =	srdreg.scid  }
0x8b: {  	s0 =	sand.u32 $0x1, s1  }
0x8c: {  	s14 =	sshll.u32 s0, $0xA;
	s2 =	sadd.s32 s3, s2  }
0x8d: {  	s2 =	sadd.s32 s2, s14  }
0x8e: {  	[smem:$0x3FC3] =	sst s2  }
0x8f: {  	_ = 	snop  }
0x90: {  	s2 =	sld [smem:$0x3FD0];
	_ =	sdelay $0x2  }
0x91: {  	s15 =	simm.s32 $0xA;
	s4 =	simm.s32 $0x10  }
0x92: {  	[smem:s4], [sflag:s15] =	dma.local [hbm:s2], $0x1  }
0x93: {  	_ =	swait.eq [sflag:s15], $0x1  }
0x94: {  	[sflag:s15] =	ssyncset.done $0x0  }
0x95: {  	s16 =	sld [smem:$0x10];
	[sflag:s15] =	ssyncadd.s32 $0xFFFFFFFF  }
0x96: {  	s17 =	sld [smem:$0x11];
	(tm) =	ssettm $0x1  }
0x97: {  	s18 =	sld [smem:$0x3FFB];
	_ =	sdelay $0x3  }
0x98: {  	_ =	strace s18  }
0x99: {  	s4 =	sld [smem:$0x3FFC];
	_ =	sdelay $0x3  }
0x9a: {  	_ =	strace s4  }
0x9b: {  	s4 =	sld [smem:$0x3FFD];
	_ =	sdelay $0x3  }
0x9c: {  	_ =	strace s4  }
0x9d: {  	_ =	strace $0x8FFFFFFF  }
0x9e: {  	s19 =	sld [smem:$0x3FDB];
	_ =	sdelay $0x1  }
0x9f: {  	s5 =	simm.s32 $_scs_section_size  }
0xa0: {  	s6 =	simm.s32 $_size__tile_overlayer_lowered;
	s7 =	simm.s32 $_tile_overlayer_lowered  }
0xa1: {  	s22 =	simm.s32 $0x1BFF;
	s21 =	sshll.u32 s7, $0x1;
	s4 =	sadd.s32 s5, s19  }
0xa2: {  	s8 =	simm.s32 $0x0;
	s20 =	sshll.u32 s6, $0x1;
	s6 =	sadd.s32 s21, s4  }
0xa3: {  	[timem:s8], [sflag:s22] =	dma.local [hbm:s6], s20  }
0xa4: {  	_ =	swait.ge [sflag:s22], s20  }
0xa5: {  	s5 =	ssub.s32 $0x0, s20;
	[sflag:s22] =	ssyncset.done $0x0  }
0xa6: {  	[sflag:s22] =	ssyncadd.s32 s5;
	_ =	sdelay $0x1  }
0xa7: {  	s23 =	simm.s32 $0x1B8B  }
0xa8: {  	_ =	swait.ge [sflag:s23], $0x1  }
0xa9: {  	[sflag:s23] =	ssyncset.done $0x0  }
0xaa: {  	s25 =	simm.s32 $0x1B8E;
	s24 =	sld [smem:$0x3FFE];
	[sflag:s23] =	ssyncadd.s32 $0xFFFFFFFF  }
0xab: {  	s26 =	simm.s32 $execute0_lowered;
	[smem:$0x3FD2] =	sst s25  }
0xac: {  	s6 =	sshll.u32 s26, $0x1;
	_ =	strace $0x8000004C;
	[dreg:$0x1] =	wrdreg $0xFFFFFFFF  }
0xad: {  	s28 =	simm.s32 $_size_execute0_lowered;
	s4 =	sadd.s32 s4, s6;
	[dreg:$0x0] =	wrdreg $0x0  }
0xae: {  	s6 =	sshll.u32 s28, $0x1;
	[dreg:$0x2] =	wrdreg s4  }
0xaf: {  	[dreg:$0x3] =	wrdreg s6  }
0xb0: {  	[dreg:$0x4] =	wrdreg $0xC0  }
0xb1: {  	_ =	task [dreg:s8], $0x5FFFF  }
0xb2: {  	[dreg:$0x1] =	wrdreg $0xFFFFFFFF  }
0xb3: {  	[dreg:$0x0] =	wrdreg $0x60  }
0xb4: {  	[dreg:$0x2] =	wrdreg s24  }
0xb5: {  	[dreg:$0x3] =	wrdreg s16  }
0xb6: {  	[dreg:$0x4] =	wrdreg s17  }
0xb7: {  	[dreg:$0x5] =	wrdreg $0x1D2800  }
0xb8: {  	[dreg:$0x6] =	wrdreg $0x9  }
0xb9: {  	_ =	task.clear_ibuf [dreg:s8], $0x7FFFF;
	_ =	strace $0x9000004C  }
0xba: {  	s29 =	simm.s32 $0x9;
	_ =	strace $0x8000004E  }
0xbb: {  	_ =	swait.ge [sflag:s29], $0x1  }
0xbc: {  	[sflag:s29] =	ssyncadd.s32 $0xFFFFFFFF  }
0xbd: {  	_ =	strace $0x9000004E  }
0xbe: {  	_ =	sfence  }
0xbf: {  	s30 =	sld [smem:$0x0];
	_ =	sdelay $0x2  }
0xc0: {  	s31 =	sshll.u32 s1, $0xD;
	s1 =	sshrl.u32 s1, $0x2  }
0xc1: {  	s3 =	sand.u32 $0x4000, s31;
	s1 =	sadd.s32 s1, s30  }
0xc2: {  	s0 =	sor.u32 s3, s0;
	s1 =	sshll.u32 s1, $0x11  }
0xc3: {  	s0 =	sor.u32 s1, s0  }
0xc4: {  	s0 =	sadd.s32 $0x8F2B, s0  }
0xc5: {  	[sflag:s0] =	ssyncadd.remote.s32 $0x1  }
0xc6: {  	_ =	sfence.sel $0xFFFF  }
0xc7: {  	[dreg:$0x0] =	wrdreg $0xFFFFFFFF;
	(pc) =	sbr.abs _section_cstart, $3  }
0xc8: {  	[dreg:$0x1] =	wrdreg $0xFFFFFFFF  }
0xc9: {  	_ =	task.clear_ibuf [dreg:s8], $0x2FFFF;
	_ =	strace $0x9FFFFFFF  }
0xca: {  	(tm) =	ssettm $0x7FFFFFFF  }
0xcb: {  	_ =	shalt  }
tec
execute0_lowered:
.L_overlay_start_1:
0x0: {  	(tag) =	ssettag $0x1  }
0x1: {  	s0 =	srdreg.scid  }
0x2: {  	s1 =	sand.u32 $0x1, s0  }
0x3: {  	p0 =	seq.s32 s1, $0x1  }
.Ltmp0:
0x4: {  	s8 =	rddreg [dreg:$0x0];
	(pc) =	sbr.rel @p0 .LBB2_135-.Ltmp0, $4  }
0x5: {  	s6 =	rddreg [dreg:$0x1]  }
0x6: {  	s2 =	rddreg [dreg:$0x2]  }
0x7: {  	s3 =	rddreg [dreg:$0x3]  }
0x8: {  	s0 =	rddreg [dreg:$0x4];
	_ =	strace $0x8000004D;
	s1 =	stileid.u32  }
0x9: {  	s4 =	simm.s32 $0x0;
	s5 =	simm.s32 $0x1  }
0xa: {  	[tilespmem:s4], [sflag:$0x1] =	stream.linear.gather [hbm4b:s8+s4], $0x13880, $0x38;
	[tilespmem:$0x1D480] =	vst v63  }
0xb: {  	_ =	swait.ge [sflag:s5], $0x13880  }
0xc: {  	[sflag:s5] =	ssyncset.done $0x0  }
0xd: {  	s7 =	simm.s32 $0x13880;
	[sflag:s5] =	ssyncadd.s32 $0xFFFEC780  }
0xe: {  	[tilespmem:s7], [sflag:$0x1] =	stream.linear.gather [hbm4b:s6+s4], $0x1400, $0x38;
	[tilespmem:$0x1D480] =	vst v63  }
0xf: {  	_ =	swait.ge [sflag:s5], $0x1400  }
0x10: {  	[sflag:s5] =	ssyncset.done $0x0  }
0x11: {  	s24 =	sadd.s32 $0x2A00, s8;
	s6 =	simm.s32 $0x14C80;
	[sflag:s5] =	ssyncadd.s32 $0xFFFFEC00  }
0x12: {  	[tilespmem:s6], [sflag:$0x1] =	stream.linear.gather [hbm4b:s24+s4], $0x1400, $0x38;
	[tilespmem:$0x1D480] =	vst v63  }
0x13: {  	_ =	swait.ge [sflag:s5], $0x1400  }
0x14: {  	[sflag:s5] =	ssyncset.done $0x0  }
0x15: {  	s25 =	sadd.s32 $0x2E00, s8;
	s9 =	simm.s32 $0x16080;
	[sflag:s5] =	ssyncadd.s32 $0xFFFFEC00  }
0x16: {  	[tilespmem:s9], [sflag:$0x1] =	stream.linear.gather [hbm4b:s25+s4], $0x1400, $0x38;
	[tilespmem:$0x1D480] =	vst v63  }
0x17: {  	_ =	swait.ge [sflag:s5], $0x1400  }
0x18: {  	[sflag:s5] =	ssyncset.done $0x0  }
0x19: {  	s26 =	sadd.s32 $0x3200, s8;
	s28 =	simm.s32 $0x17480;
	[sflag:s5] =	ssyncadd.s32 $0xFFFFEC00  }
0x1a: {  	[tilespmem:s28], [sflag:$0x1] =	stream.linear.gather [hbm4b:s26+s4], $0x1400, $0x38;
	[tilespmem:$0x1D480] =	vst v63  }
0x1b: {  	_ =	swait.ge [sflag:s5], $0x1400  }
0x1c: {  	[sflag:s5] =	ssyncset.done $0x0  }
0x1d: {  	s29 =	sadd.s32 $0x3600, s8;
	s7 =	simm.s32 $0x18880;
	[sflag:s5] =	ssyncadd.s32 $0xFFFFEC00  }
0x1e: {  	[tilespmem:s7], [sflag:$0x1] =	stream.linear.gather [hbm4b:s29+s4], $0x1400, $0x38;
	[tilespmem:$0x1D480] =	vst v63  }
0x1f: {  	_ =	swait.ge [sflag:s5], $0x1400  }
0x20: {  	[sflag:s5] =	ssyncset.done $0x0  }
0x21: {  	s30 =	sadd.s32 $0x3A00, s8;
	s31 =	simm.s32 $0x19C80;
	[sflag:s5] =	ssyncadd.s32 $0xFFFFEC00  }
0x22: {  	[tilespmem:s31], [sflag:$0x1] =	stream.linear.gather [hbm4b:s30+s4], $0x1400, $0x38;
	[tilespmem:$0x1D480] =	vst v63  }
0x23: {  	_ =	swait.ge [sflag:s5], $0x1400  }
0x24: {  	[sflag:s5] =	ssyncset.done $0x0  }
0x25: {  	[sflag:s5] =	ssyncadd.s32 $0xFFFFEC00  }
0x26: {  	v0 =	vld [tilespmem:$0x18820];
	_ =	sdelay $0x4  }
0x27: {  	(v2sf) =	vpush v0, $0x0;
	_ =	sdelay $0xe  }
0x28: {  	s8 =	spop (v2sf)  }
0x29: {  	p0 =	sgt.s32 s8, $0x0  }
.Ltmp1:
0x2a: {  	_ = 	snop;
	(pc) =	sbr.rel @!p0 .LBB2_134-.Ltmp1, $1  }
0x2b: {  	_ =	sdelay $0x3  }
.Ltmp2:
0x2c: {  	(pc) =	sbr.rel .LBB2_4-.Ltmp2, $4  }
0x2d: {  	s9 =	sshll.u32 s1, $0x9;
	s10 =	sshll.u32 s1, $0x7  }
0x2e: {  	s11 =	simm.s32 $0x1B080;
	s12 =	simm.s32 $0x80;
	s9 =	sand.u32 $0x1000, s9  }
0x2f: {  	s13 =	simm.s32 $0x400;
	s10 =	sand.u32 $0x380, s10;
	s9 =	sadd.s32 s9, s3  }
0x30: {  	v0 =	vlaneseq.u32;
	s14 =	simm.s32 $0x1B280;
	s9 =	sadd.s32 s10, s9;
	s10 =	simm.s32 $0x0  }
.LBB2_129:
0x31: {  	s16 =	simm.s32 $0x0;
	s17 =	simm.s32 $0x0  }
.LBB2_133:
0x32: {  	s16 =	sadd.s32 @p0 $0x80, s16;
	s17 =	sadd.s32 @p0 $0x10, s17;
	s18 =	simm.s32 $0x0  }
0x33: {  	s18 =	smov.u32 @p0 s17;
	s15 =	smov.u32 @p0 s16  }
0x34: {  	s31 =	sand.u32 $0x70, s18;
	s15 =	sand.u32 $0xFFFFFC00, s15;
	v3 =	vor.u32 s18, v0  }
0x35: {  	s15 =	sor.u32 s31, s15;
	vm0 =	vlt.s32 v3, v1  }
0x36: {  	v1 =	vld [tilespmem:s15+$0x1C600];
	v2 =	vnsel vm0, $0x0, v2;
	_ =	sdelay $0x4  }
0x37: {  	[tilespmem:v2+s7+$0x0] =	vst.idx.msk vm0, v1  }
.LBB2_3:
0x38: {  	s4 =	sadd.s32 $0x1, s4  }
0x39: {  	p0 =	seq.s32 s4, s8  }
.Ltmp3:
0x3a: {  	_ = 	snop;
	(pc) =	sbr.rel @p0 .LBB2_134-.Ltmp3, $1  }
0x3b: {  	_ =	sdelay $0x3  }
.LBB2_4:
0x3c: {  	v1 =	vld [tilespmem:s4+$0x17480]  }
0x3d: {  	v2 =	vld [tilespmem:s4+$0x17481];
	_ =	sdelay $0x3  }
0x3e: {  	(v2sf) =	vpush v1, $0x0  }
0x3f: {  	(v2sf) =	vpush v2, $0x0;
	_ =	sdelay $0xb  }
0x40: {  	v1 =	vld [tilespmem:s4+$0x19C80];
	_ =	sdelay $0x1  }
0x41: {  	s16 =	spop (v2sf)  }
0x42: {  	s17 =	spop (v2sf)  }
0x43: {  	s18 =	ssub.s32 s17, s16  }
0x44: {  	(v2sf) =	vpush v1, $0x0;
	s15 =	sadd.s32 $0xF, s18  }
0x45: {  	s15 =	sshra.s32 s15, $0x4  }
0x46: {  	s19 =	smul.u32 s1, s15;
	_ =	sdelay $0x1  }
0x47: {  	s21 =	sadd.s32 s16, s19  }
0x48: {  	s19 =	ssub.s32 s17, s21  }
0x49: {  	p0 =	sgt.s32 s19, $0x0  }
0x4a: {  	s19 =	simm.s32 @!p0 $0x0  }
0x4b: {  	p0 =	slt.s32 s15, s19  }
0x4c: {  	s19 =	smov.u32 @p0 s15  }
0x4d: {  	p0 =	slt.s32 s19, $0x1  }
.Ltmp4:
0x4e: {  	_ = 	snop;
	(pc) =	sbr.rel @p0 .LBB2_22-.Ltmp4, $2  }
0x4f: {  	_ =	sdelay $0x2  }
0x50: {  	s20 =	spop (v2sf)  }
.Ltmp5:
0x51: {  	(pc) =	sbr.rel .LBB2_6-.Ltmp5, $3  }
0x52: {  	_ =	sdelay $0x1  }
0x53: {  	s22 =	sadd.s32 $0x16080, s21  }
0x54: {  	s21 =	simm.s32 $0x0;
	v1 =	vmov s22  }
.LBB2_7:
0x55: {  	v2 =	vimm.f32 $-1.000000020e+30  }
.LBB2_21:
0x56: {  	(xrf0) =	vmax.scan.msk.f32 $0xffff, v2;
	_ =	sdelay $0x5  }
0x57: {  	v2 =	vld [tilespmem:s22+$0x18880];
	v3, _, _ =	vpop (xrf0)  }
0x58: {  	(v2sf) =	vpush v3, $0xF;
	_ =	sdelay $0x3  }
0x59: {  	(v2sf) =	vpush v2, $0x0;
	_ =	sdelay $0xa  }
0x5a: {  	s22 =	spop (v2sf)  }
0x5b: {  	p0 =	sgt.f32 s22, $-1.000000020e+29  }
0x5c: {  	v2 =	vmov s21;
	s21 =	sadd.s32 $0x1, s21  }
0x5d: {  	s22 =	simm.s32 @!p0 $0x3F800000;
	p0 =	sne.s32 s21, s19  }
.Ltmp6:
0x5e: {  	s23 =	spop (v2sf);
	(pc) =	sbr.rel @!p0 .LBB2_22-.Ltmp6, $4  }
0x5f: {  	s23 =	smax.f32 s20, s23  }
0x60: {  	s22 =	smin.f32 s23, s22  }
0x61: {  	v3 =	vmov s22  }
0x62: {  	[tilespmem:v2+s11+$0x0] =	vst.idx.msk $0x1, v3  }
.LBB2_6:
0x63: {  	_ =	sdelay $0x3  }
0x64: {  	v2 =	vld.idx.msk [tilespmem:v1+s21+$0x0 ss:$0x1], $0xffff;
	_ =	sdelay $0x4  }
0x65: {  	(v2sf) =	vpush v2, $0x0;
	_ =	sdelay $0xe  }
0x66: {  	s22 =	spop (v2sf)  }
0x67: {  	v3 =	vld [tilespmem:s22+$0x13880]  }
0x68: {  	v2 =	vld [tilespmem:s22+$0x13881];
	_ =	sdelay $0x3  }
0x69: {  	(v2sf) =	vpush v3, $0x0  }
0x6a: {  	(v2sf) =	vpush v2, $0x0;
	_ =	sdelay $0xd  }
0x6b: {  	s23 =	spop (v2sf)  }
0x6c: {  	s24 =	spop (v2sf)  }
0x6d: {  	s24 =	ssub.s32 s24, s23  }
0x6e: {  	s24 =	sadd.s32 $0xF, s24  }
0x6f: {  	s24 =	sshra.s32 s24, $0x4  }
0x70: {  	p0 =	slt.s32 s24, $0x1  }
.Ltmp7:
0x71: {  	_ = 	snop;
	(pc) =	sbr.rel @p0 .LBB2_7-.Ltmp7, $1  }
0x72: {  	_ =	sdelay $0x3  }
0x73: {  	p4 =	sne.s32 s24, $0x1  }
.Ltmp8:
0x74: {  	_ = 	snop;
	(pc) =	sbr.rel @!p4 .LBB2_9-.Ltmp8, $3  }
0x75: {  	_ =	sdelay $0x1  }
0x76: {  	s24 =	sadd.s32 $0xFFFFFFFF, s24;
	p0 =	por $0x0, $0x0  }
0x77: {  	v4 =	vbroadcast v2, $0x0;
	v3 =	vld.msk [tilespmem:s22+$0x14C80 ss:$0x0], $0xffff;
	v2 =	vimm.f32 $-1.000000020e+30;
	v5 =	vadd.s32 s23, v0;
	p1 =	por $0x0, $0x0;
	p2 =	por $0x0, $0x0;
	p3 =	por $0x0, $0x0  }
0x78: {  	p4 =	sne.s32 s24, $0x1  }
.Ltmp9:
0x79: {  	_ = 	snop;
	(pc) =	sbr.rel @!p4 .LBB2_11-.Ltmp9, $4  }
0x7a: {  	_ = 	snop  }
0x7b: {  	vm2 =	vlt.s32 v5, v4  }
0x7c: {  	s23 =	sadd.s32 $0x10, s23;
	v15 =	vnsel vm2, $0x0, v5  }
0x7d: {  	s24 =	sadd.s32 $0xFFFFFFFF, s24;
	p0 =	por $0x1, $0x1;
	v5 =	vadd.s32 s23, v0;
	v6 =	vshra.s32 v15, $0x1  }
0x7e: {  	_ =	sdelay $0x4  }
0x7f: {  	v7 =	vld.idx.msk [tilespmem:v6+s10+$0x0], vm2;
	p4 =	sne.s32 s24, $0x1  }
.Ltmp10:
0x80: {  	_ = 	snop;
	(pc) =	sbr.rel @!p4 .LBB2_13-.Ltmp10, $4  }
0x81: {  	_ = 	snop  }
0x82: {  	vm10 =	vlt.s32 v5, v4;
	v6 =	vshll.u32 v15, $0x4  }
0x83: {  	vm1 =	vmmov vm2;
	s23 =	sadd.s32 $0x10, s23;
	v15 =	vnsel vm10, $0x0, v5;
	v8 =	vand.u32 $0x10, v6  }
0x84: {  	s24 =	sadd.s32 $0xFFFFFFFF, s24;
	p1 =	por $0x1, $0x1;
	v5 =	vadd.s32 s23, v0;
	v6 =	vshra.s32 v15, $0x1;
	v13 =	vshra.s32 v7, v8  }
0x85: {  	_ =	sdelay $0x3  }
0x86: {  	v7 =	vand.u32 $0xFFFF, v13;
	vm0 =	vmmov vm1  }
0x87: {  	v9 =	vld.idx.msk [tilespmem:v6+s10+$0x0], vm10;
	p4 =	sne.s32 s24, $0x1;
	v8 =	vnsel vm0, $0x0, v7  }
.Ltmp11:
0x88: {  	_ = 	snop;
	(pc) =	sbr.rel @!p4 .LBB2_15-.Ltmp11, $4  }
0x89: {  	_ = 	snop  }
0x8a: {  	vm2 =	vlt.s32 v5, v4;
	v6 =	vshll.u32 v15, $0x4  }
0x8b: {  	vm4 =	vmmov vm10;
	s23 =	sadd.s32 $0x10, s23;
	v15 =	vnsel vm2, $0x0, v5;
	v7 =	vand.u32 $0x10, v6  }
0x8c: {  	s24 =	sadd.s32 $0xFFFFFFFF, s24;
	p2 =	por $0x1, $0x1;
	v5 =	vadd.s32 s23, v0;
	v6 =	vshra.s32 v15, $0x1;
	v10 =	vshra.s32 v9, v7;
	v7 =	vld.idx.msk [tilespmem:v8+s6+$0x0], vm1  }
0x8d: {  	_ =	sdelay $0x4  }
0x8e: {  	v12 =	vld.idx.msk [tilespmem:v6+s10+$0x0], vm2;
	v6 =	vand.u32 $0xFFFF, v10;
	vm5 =	vmmov vm4  }
0x8f: {  	p4 =	sne.s32 s24, $0x1;
	v9 =	vnsel vm5, $0x0, v6  }
.Ltmp12:
0x90: {  	vm3 =	vlt.s32 v5, v4;
	vm7 =	vmmov vm0;
	(pc) =	sbr.rel @!p4 .LBB2_17-.Ltmp12, $4  }
0x91: {  	vm6 =	vmmov vm2;
	v14 =	vimm.f32 $-1.000000020e+30;
	v16 =	vnsel vm3, $0x0, v5  }
0x92: {  	v5 =	vshll.u32 v15, $0x4;
	v6 =	vshra.s32 v16, $0x1;
	vm8 =	vlt.s32 v7, v3  }
0x93: {  	s23 =	sadd.s32 $0x10, s23;
	v11 =	vld.idx.msk [tilespmem:v8+s7+$0x0], vm1;
	v13 =	vand.u32 $0x10, v5;
	vm8 =	vmand vm8, vm7;
	vm7 =	vmmov vm4  }
0x94: {  	s24 =	sadd.s32 $0xFFFFFFFF, s24;
	p3 =	por $0x1, $0x1;
	v5 =	vadd.s32 s23, v0;
	vm9 =	vgt.s32 v7, $0xFFFFFFFF;
	v13 =	vshra.s32 v12, v13;
	v12 =	vld.idx.msk [tilespmem:v9+s6+$0x0], vm4  }
.LBB2_18:
0x95: {  	vm10 =	vmmov vm2;
	vm2 =	vmmov vm3  }
0x96: {  	vm8 =	vmand vm8, vm9;
	vm11 =	vmmov vm5;
	vm5 =	vmmov vm6  }
0x97: {  	p4 =	sne.s32 s24, $0x1;
	vm6 =	vmmov vm3;
	v15 =	vld.idx.msk [tilespmem:v6+s10+$0x0], vm3;
	v6 =	vand.u32 $0xFFFF, v13;
	vm3 =	vlt.s32 v5, v4  }
0x98: {  	v13 =	vnsel vm8, $0xF149F2CA, v11;
	v5 =	vnsel vm3, $0x0, v5;
	v17 =	vnsel vm5, $0x0, v6  }
.Ltmp13:
0x99: {  	v14 =	vmax.f32 v14, v13;
	v6 =	vshra.s32 v5, $0x1;
	v11 =	vld.idx.msk [tilespmem:v9+s7+$0x0], vm7;
	v9 =	vmovc v17;
	vm7 =	vmmov vm10;
	(pc) =	sbr.rel @p4 .LBB2_18-.Ltmp13, $4  }
0x9a: {  	_ = 	snop  }
0x9b: {  	s23 =	sadd.s32 $0x10, s23;
	v13 =	vshll.u32 v16, $0x4;
	v16 =	vmov v5  }
0x9c: {  	v5 =	vadd.s32 s23, v0;
	v13 =	vand.u32 $0x10, v13;
	vm8 =	vlt.s32 v12, v3  }
0x9d: {  	s24 =	sadd.s32 $0xFFFFFFFF, s24;
	vm9 =	vgt.s32 v12, $0xFFFFFFFF;
	vm8 =	vmand vm8, vm11;
	v13 =	vshra.s32 v15, v13;
	v12 =	vld.idx.msk [tilespmem:v17+s6+$0x0], vm5  }
0x9e: {  	v15 =	vmov v16  }
.LBB2_20:
0x9f: {  	_ =	sdelay $0x2  }
0xa0: {  	vm10 =	vlt.s32 v5, v4  }
0xa1: {  	v5 =	vnsel vm10, $0x0, v5  }
0xa2: {  	v4 =	vld.idx.msk @p0 [tilespmem:v6+s10+$0x0], vm3;
	v61 =	vshra.s32 v5, $0x1  }
0xa3: {  	vm8 =	vmand @p3 vm8, vm9;
	v15 =	vshll.u32 @p0 v15, $0x4  }
0xa4: {  	v13 =	vand.u32 @p1 $0xFFFF, v13;
	vm9 =	vmmov @p2 vm5;
	v15 =	vand.u32 @p0 $0x10, v15  }
0xa5: {  	vm5 =	vmmov @p1 vm6;
	vm3 =	vmmov @p0 vm3;
	vm2 =	vmmov @p1 vm2  }
0xa6: {  	v13 =	vnsel @p1 vm5, $0x0, v13;
	v11 =	vnsel @p3 vm8, $0xF149F2CA, v11;
	vm4 =	vmmov @p0 vm3  }
0xa7: {  	vm1 =	vmmov @p1 vm2;
	vm11 =	vmmov vm10;
	v4 =	vshra.s32 @p0 v4, v15;
	v15 =	vmovc @p1 v13;
	v6 =	vld.idx.msk [tilespmem:v61+s10+$0x0], vm10  }
0xa8: {  	vm3 =	vmmov @p0 vm3;
	v4 =	vpsel p0, v4, v10;
	v8 =	vpsel p1, v15, v8  }
0xa9: {  	vm0 =	vmmov @p1 vm5;
	vm2 =	vmmov @p0 vm4;
	v4 =	vand.u32 @p0 $0xFFFF, v4  }
0xaa: {  	v9 =	vld.idx.msk @p2 [tilespmem:v9+s7+$0x0], vm7;
	vm13 =	vmmov vm10;
	v5 =	vshll.u32 v5, $0x4;
	v4 =	vnsel @p0 vm2, $0x0, v4  }
0xab: {  	vm12 =	vmmov vm11;
	v5 =	vand.u32 $0x10, v5;
	v10 =	vmax.f32 @p3 v14, v11;
	v11 =	vld.idx.msk @p1 [tilespmem:v13+s6+$0x0], vm5  }
0xac: {  	vm4 =	vlt.s32 @p2 v12, v3;
	vm6 =	vgt.s32 @p2 v12, $0xFFFFFFFF;
	v12 =	vmovc @p0 v4;
	v5 =	vshra.s32 v6, v5  }
0xad: {  	vm4 =	vmand @p2 vm4, vm9;
	v6 =	vld.idx.msk @p1 [tilespmem:v8+s7+$0x0], vm1;
	v8 =	vpsel p0, v12, v0;
	v5 =	vand.u32 $0xFFFF, v5  }
0xae: {  	vm6 =	vmmov @p2 vm6;
	vm4 =	vmmov @p2 vm4;
	v5 =	vnsel vm12, $0x0, v5  }
0xaf: {  	vm0 =	vmmov @p1 vm0;
	v9 =	vpsel p2, v9, v0;
	vm4 =	vmand @p2 vm4, vm6;
	v4 =	vld.idx.msk @p0 [tilespmem:v4+s6+$0x0], vm2  }
0xb0: {  	v10 =	vpsel p3, v10, v2;
	v9 =	vnsel @p2 vm4, $0xF149F2CA, v9;
	v7 =	vpsel p1, v11, v7  }
0xb1: {  	vm5 =	vlt.s32 @p1 v7, v3;
	vm4 =	vgt.s32 @p1 v7, $0xFFFFFFFF;
	v7 =	vmax.f32 @p2 v10, v9  }
0xb2: {  	vm1 =	vmmov vm12;
	vm0 =	vmand @p1 vm5, vm0;
	vm4 =	vmmov @p1 vm4;
	v8 =	vld.idx.msk @p0 [tilespmem:v8+s7+$0x0], vm3  }
0xb3: {  	vm2 =	vmmov @p0 vm2;
	v7 =	vpsel p2, v7, v2;
	vm0 =	vmmov @p1 vm0;
	v62 =	vld.idx.msk [tilespmem:v5+s6+$0x0], vm12  }
0xb4: {  	vm0 =	vmand @p1 vm0, vm4;
	v6 =	vpsel p1, v6, v0;
	v4 =	vpsel p0, v4, v0  }
0xb5: {  	vm2 =	vmmov @p0 vm2;
	v6 =	vnsel @p1 vm0, $0xF149F2CA, v6;
	vm3 =	vlt.s32 @p0 v4, v3  }
0xb6: {  	v6 =	vmax.f32 @p1 v7, v6;
	v63 =	vld.idx.msk [tilespmem:v5+s7+$0x0], vm13;
	vm0 =	vmand @p0 vm3, vm2;
	vm2 =	vgt.s32 @p0 v4, $0xFFFFFFFF  }
0xb7: {  	v6 =	vpsel p1, v6, v2;
	vm0 =	vmmov @p0 vm0;
	vm2 =	vmmov @p0 vm2  }
.Ltmp14:
0xb8: {  	v5 =	vpsel p0, v8, v0;
	vm0 =	vmand @p0 vm0, vm2;
	vm14 =	vlt.s32 v62, v3;
	(pc) =	sbr.rel .LBB2_21-.Ltmp14, $4  }
0xb9: {  	v3 =	vnsel @p0 vm0, $0xF149F2CA, v5;
	vm15 =	vgt.s32 v62, $0xFFFFFFFF;
	vm1 =	vmand vm14, vm1  }
0xba: {  	v3 =	vmax.f32 @p0 v6, v3;
	vm0 =	vmand vm1, vm15  }
0xbb: {  	v2 =	vpsel p0, v3, v2;
	v3 =	vnsel vm0, $0xF149F2CA, v63  }
0xbc: {  	v2 =	vmax.f32 v2, v3  }
.LBB2_9:
.Ltmp15:
0xbd: {  	(pc) =	sbr.rel .LBB2_20-.Ltmp15, $2  }
0xbe: {  	_ =	sdelay $0x2  }
0xbf: {  	v14 =	vimm.f32 $-1.000000020e+30  }
.LBB2_11:
.Ltmp16:
0xc0: {  	(pc) =	sbr.rel .LBB2_20-.Ltmp16, $2  }
0xc1: {  	_ =	sdelay $0x2  }
0xc2: {  	vm3 =	vmmov vm2;
	v14 =	vimm.f32 $-1.000000020e+30  }
.LBB2_13:
.Ltmp17:
0xc3: {  	(pc) =	sbr.rel .LBB2_20-.Ltmp17, $2  }
0xc4: {  	_ =	sdelay $0x2  }
0xc5: {  	vm6 =	vmmov vm1;
	vm3 =	vmmov vm10;
	v14 =	vimm.f32 $-1.000000020e+30  }
.LBB2_15:
.Ltmp18:
0xc6: {  	_ = 	snop;
	(pc) =	sbr.rel .LBB2_20-.Ltmp18, $3  }
0xc7: {  	_ =	sdelay $0x1  }
0xc8: {  	vm3 =	vmmov vm2;
	v13 =	vmovc v10;
	vm5 =	vmmov vm0;
	vm6 =	vmmov vm4  }
0xc9: {  	vm7 =	vmmov vm1;
	v9 =	vmovc v8;
	v14 =	vimm.f32 $-1.000000020e+30;
	vm2 =	vmmov vm10;
	v12 =	vmovc v7  }
.LBB2_17:
.Ltmp19:
0xca: {  	(pc) =	sbr.rel .LBB2_20-.Ltmp19, $2  }
0xcb: {  	_ =	sdelay $0x2  }
0xcc: {  	vm7 =	vmmov vm4;
	v14 =	vimm.f32 $-1.000000020e+30;
	v15 =	vmov v16  }
.LBB2_22:
0xcd: {  	[spmem:s9] =	stream.strided.scatter [tilespmem:s11], [sflag:$0x1], $0x200, s13, s12, $0x38;
	[tilespmem:$0x1D480] =	vst v63  }
0xce: {  	p0 =	sgt.s32 s18, $0x0  }
0xcf: {  	_ =	swait.ge [sflag:s5], $0x200;
	s18 =	simm.s32 @!p0 $0x0  }
0xd0: {  	[sflag:s5] =	ssyncset.done $0x0;
	p0 =	slt.s32 s15, s18  }
0xd1: {  	[sflag:s5] =	ssyncadd.s32 $0xFFFFFE00;
	s18 =	smov.u32 @p0 s15  }
0xd2: {  	[bflag:$0x0] =	sbarrier.arrive $0xFFFF;
	s19 =	sadd.s32 $0xF, s18  }
0xd3: {  	[tilespmem:s14], [sflag:$0x1] =	stream.linear.gather [spmem:s3], $0x2000, $0x38;
	[tilespmem:$0x1D480] =	vst v63  }
0xd4: {  	s20 =	sshra.s32 s19, $0x4  }
0xd5: {  	p0 =	slt.s32 s20, $0x1  }
.Ltmp20:
0xd6: {  	_ =	swait.ge [sflag:s5], $0x2000;
	(pc) =	sbr.rel @p0 .LBB2_29-.Ltmp20, $3  }
0xd7: {  	[sflag:s5] =	ssyncset.done $0x0  }
0xd8: {  	[sflag:s5] =	ssyncadd.s32 $0xFFFFE000  }
0xd9: {  	[bflag:$0x0] =	sbarrier.arrive $0xFFFF;
	_ =	sdelay $0x1  }
0xda: {  	p1 =	sne.s32 s20, $0x1  }
.Ltmp21:
0xdb: {  	_ = 	snop;
	(pc) =	sbr.rel @!p1 .LBB2_24-.Ltmp21, $3  }
0xdc: {  	_ =	sdelay $0x1  }
0xdd: {  	s19 =	sadd.s32 $0x16080, s16  }
0xde: {  	v1 =	vmov s18;
	s18 =	simm.s32 $0x0;
	s20 =	sadd.s32 $0xFFFFFFFF, s20;
	p0 =	por $0x0, $0x0;
	v2 =	vld [tilespmem:s19+$0x0]  }
0xdf: {  	_ =	sdelay $0x1  }
0xe0: {  	s21 =	sand.u32 $0x70, s18;
	s22 =	sand.u32 $0xFFFFFC00, s18;
	v3 =	vor.u32 s18, v0  }
0xe1: {  	s21 =	sor.u32 s21, s22;
	vm0 =	vlt.s32 v3, v1  }
0xe2: {  	v3 =	vld [tilespmem:s21+$0x1B280];
	v2 =	vnsel vm0, $0x0, v2  }
0xe3: {  	p1 =	sne.s32 s20, $0x1  }
.Ltmp22:
0xe4: {  	_ = 	snop;
	(pc) =	sbr.rel @!p1 .LBB2_26-.Ltmp22, $3  }
0xe5: {  	_ =	sdelay $0x1  }
0xe6: {  	p0 =	por $0x1, $0x1;
	s21 =	sadd.s32 $0x10, s19;
	[tilespmem:v2+s7+$0x0] =	vst.idx.msk vm0, v3  }
0xe7: {  	s22 =	sadd.s32 $0xFFFFFFFF, s20;
	s20 =	simm.s32 $0x0;
	s19 =	simm.s32 $0x0;
	v2 =	vld [tilespmem:s21+$0x0]  }
.LBB2_27:
0xe8: {  	p1 =	sne.s32 s22, $0x1  }
0xe9: {  	s19 =	sadd.s32 $0x80, s19;
	s20 =	sadd.s32 $0x10, s20  }
0xea: {  	s23 =	sand.u32 $0x70, s20;
	s24 =	sand.u32 $0xFFFFFC00, s19;
	v3 =	vor.u32 s20, v0  }
0xeb: {  	s23 =	sor.u32 s23, s24;
	vm0 =	vlt.s32 v3, v1  }
0xec: {  	v3 =	vld [tilespmem:s23+$0x1B280];
	v2 =	vnsel vm0, $0x0, v2;
	_ =	sdelay $0x1  }
.Ltmp23:
0xed: {  	(pc) =	sbr.rel @p1 .LBB2_27-.Ltmp23, $3  }
0xee: {  	_ =	sdelay $0x1  }
0xef: {  	s21 =	sadd.s32 $0x10, s21;
	[tilespmem:v2+s7+$0x0] =	vst.idx.msk vm0, v3  }
0xf0: {  	s22 =	sadd.s32 $0xFFFFFFFF, s22;
	v2 =	vld [tilespmem:s21+$0x0]  }
.LBB2_28:
0xf1: {  	s19 =	sadd.s32 @p0 $0x80, s19;
	s20 =	sadd.s32 @p0 $0x10, s20;
	s21 =	simm.s32 $0x0  }
0xf2: {  	s21 =	smov.u32 @p0 s20;
	s18 =	smov.u32 @p0 s19  }
0xf3: {  	s31 =	sand.u32 $0x70, s21;
	s18 =	sand.u32 $0xFFFFFC00, s18;
	v3 =	vor.u32 s21, v0  }
0xf4: {  	s18 =	sor.u32 s31, s18;
	vm0 =	vlt.s32 v3, v1  }
0xf5: {  	v1 =	vld [tilespmem:s18+$0x1B280];
	v2 =	vnsel vm0, $0x0, v2;
	_ =	sdelay $0x4  }
0xf6: {  	[tilespmem:v2+s7+$0x0] =	vst.idx.msk vm0, v1  }
.LBB2_29:
0xf7: {  	s19 =	sadd.s32 s16, s15  }
0xf8: {  	s18 =	ssub.s32 s17, s19  }
0xf9: {  	p0 =	sgt.s32 s18, $0x0  }
0xfa: {  	s18 =	simm.s32 @!p0 $0x0  }
0xfb: {  	p0 =	slt.s32 s15, s18  }
0xfc: {  	s18 =	smov.u32 @p0 s15  }
0xfd: {  	s20 =	sadd.s32 $0xF, s18  }
0xfe: {  	s20 =	sshra.s32 s20, $0x4  }
0xff: {  	p0 =	slt.s32 s20, $0x1  }
.Ltmp24:
0x100: {  	_ = 	snop;
	(pc) =	sbr.rel @p0 .LBB2_36-.Ltmp24, $1  }
0x101: {  	_ =	sdelay $0x3  }
0x102: {  	p1 =	sne.s32 s20, $0x1  }
.Ltmp25:
0x103: {  	_ = 	snop;
	(pc) =	sbr.rel @!p1 .LBB2_31-.Ltmp25, $3  }
0x104: {  	_ =	sdelay $0x1  }
0x105: {  	s19 =	sadd.s32 $0x16080, s19  }
0x106: {  	v1 =	vmov s18;
	s18 =	simm.s32 $0x0;
	s20 =	sadd.s32 $0xFFFFFFFF, s20;
	p0 =	por $0x0, $0x0;
	v2 =	vld [tilespmem:s19+$0x0]  }
0x107: {  	_ =	sdelay $0x1  }
0x108: {  	s21 =	sand.u32 $0x70, s18;
	s22 =	sand.u32 $0xFFFFFC00, s18;
	v3 =	vor.u32 s18, v0  }
0x109: {  	s21 =	sor.u32 s21, s22;
	vm0 =	vlt.s32 v3, v1  }
0x10a: {  	v3 =	vld [tilespmem:s21+$0x1B300];
	v2 =	vnsel vm0, $0x0, v2  }
0x10b: {  	p1 =	sne.s32 s20, $0x1  }
.Ltmp26:
0x10c: {  	_ = 	snop;
	(pc) =	sbr.rel @!p1 .LBB2_33-.Ltmp26, $3  }
0x10d: {  	_ =	sdelay $0x1  }
0x10e: {  	p0 =	por $0x1, $0x1;
	s21 =	sadd.s32 $0x10, s19;
	[tilespmem:v2+s7+$0x0] =	vst.idx.msk vm0, v3  }
0x10f: {  	s22 =	sadd.s32 $0xFFFFFFFF, s20;
	s20 =	simm.s32 $0x0;
	s19 =	simm.s32 $0x0;
	v2 =	vld [tilespmem:s21+$0x0]  }
.LBB2_34:
0x110: {  	p1 =	sne.s32 s22, $0x1  }
0x111: {  	s19 =	sadd.s32 $0x80, s19;
	s20 =	sadd.s32 $0x10, s20  }
0x112: {  	s23 =	sand.u32 $0x70, s20;
	s24 =	sand.u32 $0xFFFFFC00, s19;
	v3 =	vor.u32 s20, v0  }
0x113: {  	s23 =	sor.u32 s23, s24;
	vm0 =	vlt.s32 v3, v1  }
0x114: {  	v3 =	vld [tilespmem:s23+$0x1B300];
	v2 =	vnsel vm0, $0x0, v2;
	_ =	sdelay $0x1  }
.Ltmp27:
0x115: {  	(pc) =	sbr.rel @p1 .LBB2_34-.Ltmp27, $3  }
0x116: {  	_ =	sdelay $0x1  }
0x117: {  	s21 =	sadd.s32 $0x10, s21;
	[tilespmem:v2+s7+$0x0] =	vst.idx.msk vm0, v3  }
0x118: {  	s22 =	sadd.s32 $0xFFFFFFFF, s22;
	v2 =	vld [tilespmem:s21+$0x0]  }
.LBB2_35:
0x119: {  	s19 =	sadd.s32 @p0 $0x80, s19;
	s20 =	sadd.s32 @p0 $0x10, s20;
	s21 =	simm.s32 $0x0  }
0x11a: {  	s21 =	smov.u32 @p0 s20;
	s18 =	smov.u32 @p0 s19  }
0x11b: {  	s31 =	sand.u32 $0x70, s21;
	s18 =	sand.u32 $0xFFFFFC00, s18;
	v3 =	vor.u32 s21, v0  }
0x11c: {  	s18 =	sor.u32 s31, s18;
	vm0 =	vlt.s32 v3, v1  }
0x11d: {  	v1 =	vld [tilespmem:s18+$0x1B300];
	v2 =	vnsel vm0, $0x0, v2;
	_ =	sdelay $0x4  }
0x11e: {  	[tilespmem:v2+s7+$0x0] =	vst.idx.msk vm0, v1  }
.LBB2_36:
0x11f: {  	s18 =	sshll.u32 s15, $0x1  }
0x120: {  	s19 =	sadd.s32 s16, s18  }
0x121: {  	s18 =	ssub.s32 s17, s19  }
0x122: {  	p0 =	sgt.s32 s18, $0x0  }
0x123: {  	s18 =	simm.s32 @!p0 $0x0  }
0x124: {  	p0 =	slt.s32 s15, s18  }
0x125: {  	s18 =	smov.u32 @p0 s15  }
0x126: {  	s20 =	sadd.s32 $0xF, s18  }
0x127: {  	s20 =	sshra.s32 s20, $0x4  }
0x128: {  	p0 =	slt.s32 s20, $0x1  }
.Ltmp28:
0x129: {  	_ = 	snop;
	(pc) =	sbr.rel @p0 .LBB2_43-.Ltmp28, $1  }
0x12a: {  	_ =	sdelay $0x3  }
0x12b: {  	p1 =	sne.s32 s20, $0x1  }
.Ltmp29:
0x12c: {  	_ = 	snop;
	(pc) =	sbr.rel @!p1 .LBB2_38-.Ltmp29, $3  }
0x12d: {  	_ =	sdelay $0x1  }
0x12e: {  	s19 =	sadd.s32 $0x16080, s19  }
0x12f: {  	v1 =	vmov s18;
	s18 =	simm.s32 $0x0;
	s20 =	sadd.s32 $0xFFFFFFFF, s20;
	p0 =	por $0x0, $0x0;
	v2 =	vld [tilespmem:s19+$0x0]  }
0x130: {  	_ =	sdelay $0x1  }
0x131: {  	s21 =	sand.u32 $0x70, s18;
	s22 =	sand.u32 $0xFFFFFC00, s18;
	v3 =	vor.u32 s18, v0  }
0x132: {  	s21 =	sor.u32 s21, s22;
	vm0 =	vlt.s32 v3, v1  }
0x133: {  	v3 =	vld [tilespmem:s21+$0x1B380];
	v2 =	vnsel vm0, $0x0, v2  }
0x134: {  	p1 =	sne.s32 s20, $0x1  }
.Ltmp30:
0x135: {  	_ = 	snop;
	(pc) =	sbr.rel @!p1 .LBB2_40-.Ltmp30, $3  }
0x136: {  	_ =	sdelay $0x1  }
0x137: {  	p0 =	por $0x1, $0x1;
	s21 =	sadd.s32 $0x10, s19;
	[tilespmem:v2+s7+$0x0] =	vst.idx.msk vm0, v3  }
0x138: {  	s22 =	sadd.s32 $0xFFFFFFFF, s20;
	s20 =	simm.s32 $0x0;
	s19 =	simm.s32 $0x0;
	v2 =	vld [tilespmem:s21+$0x0]  }
.LBB2_41:
0x139: {  	p1 =	sne.s32 s22, $0x1  }
0x13a: {  	s19 =	sadd.s32 $0x80, s19;
	s20 =	sadd.s32 $0x10, s20  }
0x13b: {  	s23 =	sand.u32 $0x70, s20;
	s24 =	sand.u32 $0xFFFFFC00, s19;
	v3 =	vor.u32 s20, v0  }
0x13c: {  	s23 =	sor.u32 s23, s24;
	vm0 =	vlt.s32 v3, v1  }
0x13d: {  	v3 =	vld [tilespmem:s23+$0x1B380];
	v2 =	vnsel vm0, $0x0, v2;
	_ =	sdelay $0x1  }
.Ltmp31:
0x13e: {  	(pc) =	sbr.rel @p1 .LBB2_41-.Ltmp31, $3  }
0x13f: {  	_ =	sdelay $0x1  }
0x140: {  	s21 =	sadd.s32 $0x10, s21;
	[tilespmem:v2+s7+$0x0] =	vst.idx.msk vm0, v3  }
0x141: {  	s22 =	sadd.s32 $0xFFFFFFFF, s22;
	v2 =	vld [tilespmem:s21+$0x0]  }
.LBB2_42:
0x142: {  	s19 =	sadd.s32 @p0 $0x80, s19;
	s20 =	sadd.s32 @p0 $0x10, s20;
	s21 =	simm.s32 $0x0  }
0x143: {  	s21 =	smov.u32 @p0 s20;
	s18 =	smov.u32 @p0 s19  }
0x144: {  	s31 =	sand.u32 $0x70, s21;
	s18 =	sand.u32 $0xFFFFFC00, s18;
	v3 =	vor.u32 s21, v0  }
0x145: {  	s18 =	sor.u32 s31, s18;
	vm0 =	vlt.s32 v3, v1  }
0x146: {  	v1 =	vld [tilespmem:s18+$0x1B380];
	v2 =	vnsel vm0, $0x0, v2;
	_ =	sdelay $0x4  }
0x147: {  	[tilespmem:v2+s7+$0x0] =	vst.idx.msk vm0, v1  }
.LBB2_43:
0x148: {  	s18 =	smul.u32 $0x3, s15;
	_ =	sdelay $0x1  }
0x149: {  	s19 =	sadd.s32 s16, s18  }
0x14a: {  	s18 =	ssub.s32 s17, s19  }
0x14b: {  	p0 =	sgt.s32 s18, $0x0  }
0x14c: {  	s18 =	simm.s32 @!p0 $0x0  }
0x14d: {  	p0 =	slt.s32 s15, s18  }
0x14e: {  	s18 =	smov.u32 @p0 s15  }
0x14f: {  	s20 =	sadd.s32 $0xF, s18  }
0x150: {  	s20 =	sshra.s32 s20, $0x4  }
0x151: {  	p0 =	slt.s32 s20, $0x1  }
.Ltmp32:
0x152: {  	_ = 	snop;
	(pc) =	sbr.rel @p0 .LBB2_50-.Ltmp32, $1  }
0x153: {  	_ =	sdelay $0x3  }
0x154: {  	p1 =	sne.s32 s20, $0x1  }
.Ltmp33:
0x155: {  	_ = 	snop;
	(pc) =	sbr.rel @!p1 .LBB2_45-.Ltmp33, $3  }
0x156: {  	_ =	sdelay $0x1  }
0x157: {  	s19 =	sadd.s32 $0x16080, s19  }
0x158: {  	v1 =	vmov s18;
	s18 =	simm.s32 $0x0;
	s20 =	sadd.s32 $0xFFFFFFFF, s20;
	p0 =	por $0x0, $0x0;
	v2 =	vld [tilespmem:s19+$0x0]  }
0x159: {  	_ =	sdelay $0x1  }
0x15a: {  	s21 =	sand.u32 $0x70, s18;
	s22 =	sand.u32 $0xFFFFFC00, s18;
	v3 =	vor.u32 s18, v0  }
0x15b: {  	s21 =	sor.u32 s21, s22;
	vm0 =	vlt.s32 v3, v1  }
0x15c: {  	v3 =	vld [tilespmem:s21+$0x1B400];
	v2 =	vnsel vm0, $0x0, v2  }
0x15d: {  	p1 =	sne.s32 s20, $0x1  }
.Ltmp34:
0x15e: {  	_ = 	snop;
	(pc) =	sbr.rel @!p1 .LBB2_47-.Ltmp34, $3  }
0x15f: {  	_ =	sdelay $0x1  }
0x160: {  	p0 =	por $0x1, $0x1;
	s21 =	sadd.s32 $0x10, s19;
	[tilespmem:v2+s7+$0x0] =	vst.idx.msk vm0, v3  }
0x161: {  	s22 =	sadd.s32 $0xFFFFFFFF, s20;
	s20 =	simm.s32 $0x0;
	s19 =	simm.s32 $0x0;
	v2 =	vld [tilespmem:s21+$0x0]  }
.LBB2_48:
0x162: {  	p1 =	sne.s32 s22, $0x1  }
0x163: {  	s19 =	sadd.s32 $0x80, s19;
	s20 =	sadd.s32 $0x10, s20  }
0x164: {  	s23 =	sand.u32 $0x70, s20;
	s24 =	sand.u32 $0xFFFFFC00, s19;
	v3 =	vor.u32 s20, v0  }
0x165: {  	s23 =	sor.u32 s23, s24;
	vm0 =	vlt.s32 v3, v1  }
0x166: {  	v3 =	vld [tilespmem:s23+$0x1B400];
	v2 =	vnsel vm0, $0x0, v2;
	_ =	sdelay $0x1  }
.Ltmp35:
0x167: {  	(pc) =	sbr.rel @p1 .LBB2_48-.Ltmp35, $3  }
0x168: {  	_ =	sdelay $0x1  }
0x169: {  	s21 =	sadd.s32 $0x10, s21;
	[tilespmem:v2+s7+$0x0] =	vst.idx.msk vm0, v3  }
0x16a: {  	s22 =	sadd.s32 $0xFFFFFFFF, s22;
	v2 =	vld [tilespmem:s21+$0x0]  }
.LBB2_49:
0x16b: {  	s19 =	sadd.s32 @p0 $0x80, s19;
	s20 =	sadd.s32 @p0 $0x10, s20;
	s21 =	simm.s32 $0x0  }
0x16c: {  	s21 =	smov.u32 @p0 s20;
	s18 =	smov.u32 @p0 s19  }
0x16d: {  	s31 =	sand.u32 $0x70, s21;
	s18 =	sand.u32 $0xFFFFFC00, s18;
	v3 =	vor.u32 s21, v0  }
0x16e: {  	s18 =	sor.u32 s31, s18;
	vm0 =	vlt.s32 v3, v1  }
0x16f: {  	v1 =	vld [tilespmem:s18+$0x1B400];
	v2 =	vnsel vm0, $0x0, v2;
	_ =	sdelay $0x4  }
0x170: {  	[tilespmem:v2+s7+$0x0] =	vst.idx.msk vm0, v1  }
.LBB2_50:
0x171: {  	s18 =	sshll.u32 s15, $0x2  }
0x172: {  	s19 =	sadd.s32 s16, s18  }
0x173: {  	s18 =	ssub.s32 s17, s19  }
0x174: {  	p0 =	sgt.s32 s18, $0x0  }
0x175: {  	s18 =	simm.s32 @!p0 $0x0  }
0x176: {  	p0 =	slt.s32 s15, s18  }
0x177: {  	s18 =	smov.u32 @p0 s15  }
0x178: {  	s20 =	sadd.s32 $0xF, s18  }
0x179: {  	s20 =	sshra.s32 s20, $0x4  }
0x17a: {  	p0 =	slt.s32 s20, $0x1  }
.Ltmp36:
0x17b: {  	_ = 	snop;
	(pc) =	sbr.rel @p0 .LBB2_57-.Ltmp36, $1  }
0x17c: {  	_ =	sdelay $0x3  }
0x17d: {  	p1 =	sne.s32 s20, $0x1  }
.Ltmp37:
0x17e: {  	_ = 	snop;
	(pc) =	sbr.rel @!p1 .LBB2_52-.Ltmp37, $3  }
0x17f: {  	_ =	sdelay $0x1  }
0x180: {  	s19 =	sadd.s32 $0x16080, s19  }
0x181: {  	v1 =	vmov s18;
	s18 =	simm.s32 $0x0;
	s20 =	sadd.s32 $0xFFFFFFFF, s20;
	p0 =	por $0x0, $0x0;
	v2 =	vld [tilespmem:s19+$0x0]  }
0x182: {  	_ =	sdelay $0x1  }
0x183: {  	s21 =	sand.u32 $0x70, s18;
	s22 =	sand.u32 $0xFFFFFC00, s18;
	v3 =	vor.u32 s18, v0  }
0x184: {  	s21 =	sor.u32 s21, s22;
	vm0 =	vlt.s32 v3, v1  }
0x185: {  	v3 =	vld [tilespmem:s21+$0x1B480];
	v2 =	vnsel vm0, $0x0, v2  }
0x186: {  	p1 =	sne.s32 s20, $0x1  }
.Ltmp38:
0x187: {  	_ = 	snop;
	(pc) =	sbr.rel @!p1 .LBB2_54-.Ltmp38, $3  }
0x188: {  	_ =	sdelay $0x1  }
0x189: {  	p0 =	por $0x1, $0x1;
	s21 =	sadd.s32 $0x10, s19;
	[tilespmem:v2+s7+$0x0] =	vst.idx.msk vm0, v3  }
0x18a: {  	s22 =	sadd.s32 $0xFFFFFFFF, s20;
	s20 =	simm.s32 $0x0;
	s19 =	simm.s32 $0x0;
	v2 =	vld [tilespmem:s21+$0x0]  }
.LBB2_55:
0x18b: {  	p1 =	sne.s32 s22, $0x1  }
0x18c: {  	s19 =	sadd.s32 $0x80, s19;
	s20 =	sadd.s32 $0x10, s20  }
0x18d: {  	s23 =	sand.u32 $0x70, s20;
	s24 =	sand.u32 $0xFFFFFC00, s19;
	v3 =	vor.u32 s20, v0  }
0x18e: {  	s23 =	sor.u32 s23, s24;
	vm0 =	vlt.s32 v3, v1  }
0x18f: {  	v3 =	vld [tilespmem:s23+$0x1B480];
	v2 =	vnsel vm0, $0x0, v2;
	_ =	sdelay $0x1  }
.Ltmp39:
0x190: {  	(pc) =	sbr.rel @p1 .LBB2_55-.Ltmp39, $3  }
0x191: {  	_ =	sdelay $0x1  }
0x192: {  	s21 =	sadd.s32 $0x10, s21;
	[tilespmem:v2+s7+$0x0] =	vst.idx.msk vm0, v3  }
0x193: {  	s22 =	sadd.s32 $0xFFFFFFFF, s22;
	v2 =	vld [tilespmem:s21+$0x0]  }
.LBB2_56:
0x194: {  	s19 =	sadd.s32 @p0 $0x80, s19;
	s20 =	sadd.s32 @p0 $0x10, s20;
	s21 =	simm.s32 $0x0  }
0x195: {  	s21 =	smov.u32 @p0 s20;
	s18 =	smov.u32 @p0 s19  }
0x196: {  	s31 =	sand.u32 $0x70, s21;
	s18 =	sand.u32 $0xFFFFFC00, s18;
	v3 =	vor.u32 s21, v0  }
0x197: {  	s18 =	sor.u32 s31, s18;
	vm0 =	vlt.s32 v3, v1  }
0x198: {  	v1 =	vld [tilespmem:s18+$0x1B480];
	v2 =	vnsel vm0, $0x0, v2;
	_ =	sdelay $0x4  }
0x199: {  	[tilespmem:v2+s7+$0x0] =	vst.idx.msk vm0, v1  }
.LBB2_57:
0x19a: {  	s18 =	smul.u32 $0x5, s15;
	_ =	sdelay $0x1  }
0x19b: {  	s19 =	sadd.s32 s16, s18  }
0x19c: {  	s18 =	ssub.s32 s17, s19  }
0x19d: {  	p0 =	sgt.s32 s18, $0x0  }
0x19e: {  	s18 =	simm.s32 @!p0 $0x0  }
0x19f: {  	p0 =	slt.s32 s15, s18  }
0x1a0: {  	s18 =	smov.u32 @p0 s15  }
0x1a1: {  	s20 =	sadd.s32 $0xF, s18  }
0x1a2: {  	s20 =	sshra.s32 s20, $0x4  }
0x1a3: {  	p0 =	slt.s32 s20, $0x1  }
.Ltmp40:
0x1a4: {  	_ = 	snop;
	(pc) =	sbr.rel @p0 .LBB2_64-.Ltmp40, $1  }
0x1a5: {  	_ =	sdelay $0x3  }
0x1a6: {  	p1 =	sne.s32 s20, $0x1  }
.Ltmp41:
0x1a7: {  	_ = 	snop;
	(pc) =	sbr.rel @!p1 .LBB2_59-.Ltmp41, $3  }
0x1a8: {  	_ =	sdelay $0x1  }
0x1a9: {  	s19 =	sadd.s32 $0x16080, s19  }
0x1aa: {  	v1 =	vmov s18;
	s18 =	simm.s32 $0x0;
	s20 =	sadd.s32 $0xFFFFFFFF, s20;
	p0 =	por $0x0, $0x0;
	v2 =	vld [tilespmem:s19+$0x0]  }
0x1ab: {  	_ =	sdelay $0x1  }
0x1ac: {  	s21 =	sand.u32 $0x70, s18;
	s22 =	sand.u32 $0xFFFFFC00, s18;
	v3 =	vor.u32 s18, v0  }
0x1ad: {  	s21 =	sor.u32 s21, s22;
	vm0 =	vlt.s32 v3, v1  }
0x1ae: {  	v3 =	vld [tilespmem:s21+$0x1B500];
	v2 =	vnsel vm0, $0x0, v2  }
0x1af: {  	p1 =	sne.s32 s20, $0x1  }
.Ltmp42:
0x1b0: {  	_ = 	snop;
	(pc) =	sbr.rel @!p1 .LBB2_61-.Ltmp42, $3  }
0x1b1: {  	_ =	sdelay $0x1  }
0x1b2: {  	p0 =	por $0x1, $0x1;
	s21 =	sadd.s32 $0x10, s19;
	[tilespmem:v2+s7+$0x0] =	vst.idx.msk vm0, v3  }
0x1b3: {  	s22 =	sadd.s32 $0xFFFFFFFF, s20;
	s20 =	simm.s32 $0x0;
	s19 =	simm.s32 $0x0;
	v2 =	vld [tilespmem:s21+$0x0]  }
.LBB2_62:
0x1b4: {  	p1 =	sne.s32 s22, $0x1  }
0x1b5: {  	s19 =	sadd.s32 $0x80, s19;
	s20 =	sadd.s32 $0x10, s20  }
0x1b6: {  	s23 =	sand.u32 $0x70, s20;
	s24 =	sand.u32 $0xFFFFFC00, s19;
	v3 =	vor.u32 s20, v0  }
0x1b7: {  	s23 =	sor.u32 s23, s24;
	vm0 =	vlt.s32 v3, v1  }
0x1b8: {  	v3 =	vld [tilespmem:s23+$0x1B500];
	v2 =	vnsel vm0, $0x0, v2;
	_ =	sdelay $0x1  }
.Ltmp43:
0x1b9: {  	(pc) =	sbr.rel @p1 .LBB2_62-.Ltmp43, $3  }
0x1ba: {  	_ =	sdelay $0x1  }
0x1bb: {  	s21 =	sadd.s32 $0x10, s21;
	[tilespmem:v2+s7+$0x0] =	vst.idx.msk vm0, v3  }
0x1bc: {  	s22 =	sadd.s32 $0xFFFFFFFF, s22;
	v2 =	vld [tilespmem:s21+$0x0]  }
.LBB2_63:
0x1bd: {  	s19 =	sadd.s32 @p0 $0x80, s19;
	s20 =	sadd.s32 @p0 $0x10, s20;
	s21 =	simm.s32 $0x0  }
0x1be: {  	s21 =	smov.u32 @p0 s20;
	s18 =	smov.u32 @p0 s19  }
0x1bf: {  	s31 =	sand.u32 $0x70, s21;
	s18 =	sand.u32 $0xFFFFFC00, s18;
	v3 =	vor.u32 s21, v0  }
0x1c0: {  	s18 =	sor.u32 s31, s18;
	vm0 =	vlt.s32 v3, v1  }
0x1c1: {  	v1 =	vld [tilespmem:s18+$0x1B500];
	v2 =	vnsel vm0, $0x0, v2;
	_ =	sdelay $0x4  }
0x1c2: {  	[tilespmem:v2+s7+$0x0] =	vst.idx.msk vm0, v1  }
.LBB2_64:
0x1c3: {  	s18 =	smul.u32 $0x6, s15;
	_ =	sdelay $0x1  }
0x1c4: {  	s19 =	sadd.s32 s16, s18  }
0x1c5: {  	s18 =	ssub.s32 s17, s19  }
0x1c6: {  	p0 =	sgt.s32 s18, $0x0  }
0x1c7: {  	s18 =	simm.s32 @!p0 $0x0  }
0x1c8: {  	p0 =	slt.s32 s15, s18  }
0x1c9: {  	s18 =	smov.u32 @p0 s15  }
0x1ca: {  	s20 =	sadd.s32 $0xF, s18  }
0x1cb: {  	s20 =	sshra.s32 s20, $0x4  }
0x1cc: {  	p0 =	slt.s32 s20, $0x1  }
.Ltmp44:
0x1cd: {  	_ = 	snop;
	(pc) =	sbr.rel @p0 .LBB2_71-.Ltmp44, $1  }
0x1ce: {  	_ =	sdelay $0x3  }
0x1cf: {  	p1 =	sne.s32 s20, $0x1  }
.Ltmp45:
0x1d0: {  	_ = 	snop;
	(pc) =	sbr.rel @!p1 .LBB2_66-.Ltmp45, $3  }
0x1d1: {  	_ =	sdelay $0x1  }
0x1d2: {  	s19 =	sadd.s32 $0x16080, s19  }
0x1d3: {  	v1 =	vmov s18;
	s18 =	simm.s32 $0x0;
	s20 =	sadd.s32 $0xFFFFFFFF, s20;
	p0 =	por $0x0, $0x0;
	v2 =	vld [tilespmem:s19+$0x0]  }
0x1d4: {  	_ =	sdelay $0x1  }
0x1d5: {  	s21 =	sand.u32 $0x70, s18;
	s22 =	sand.u32 $0xFFFFFC00, s18;
	v3 =	vor.u32 s18, v0  }
0x1d6: {  	s21 =	sor.u32 s21, s22;
	vm0 =	vlt.s32 v3, v1  }
0x1d7: {  	v3 =	vld [tilespmem:s21+$0x1B580];
	v2 =	vnsel vm0, $0x0, v2  }
0x1d8: {  	p1 =	sne.s32 s20, $0x1  }
.Ltmp46:
0x1d9: {  	_ = 	snop;
	(pc) =	sbr.rel @!p1 .LBB2_68-.Ltmp46, $3  }
0x1da: {  	_ =	sdelay $0x1  }
0x1db: {  	p0 =	por $0x1, $0x1;
	s21 =	sadd.s32 $0x10, s19;
	[tilespmem:v2+s7+$0x0] =	vst.idx.msk vm0, v3  }
0x1dc: {  	s22 =	sadd.s32 $0xFFFFFFFF, s20;
	s20 =	simm.s32 $0x0;
	s19 =	simm.s32 $0x0;
	v2 =	vld [tilespmem:s21+$0x0]  }
.LBB2_69:
0x1dd: {  	p1 =	sne.s32 s22, $0x1  }
0x1de: {  	s19 =	sadd.s32 $0x80, s19;
	s20 =	sadd.s32 $0x10, s20  }
0x1df: {  	s23 =	sand.u32 $0x70, s20;
	s24 =	sand.u32 $0xFFFFFC00, s19;
	v3 =	vor.u32 s20, v0  }
0x1e0: {  	s23 =	sor.u32 s23, s24;
	vm0 =	vlt.s32 v3, v1  }
0x1e1: {  	v3 =	vld [tilespmem:s23+$0x1B580];
	v2 =	vnsel vm0, $0x0, v2;
	_ =	sdelay $0x1  }
.Ltmp47:
0x1e2: {  	(pc) =	sbr.rel @p1 .LBB2_69-.Ltmp47, $3  }
0x1e3: {  	_ =	sdelay $0x1  }
0x1e4: {  	s21 =	sadd.s32 $0x10, s21;
	[tilespmem:v2+s7+$0x0] =	vst.idx.msk vm0, v3  }
0x1e5: {  	s22 =	sadd.s32 $0xFFFFFFFF, s22;
	v2 =	vld [tilespmem:s21+$0x0]  }
.LBB2_70:
0x1e6: {  	s19 =	sadd.s32 @p0 $0x80, s19;
	s20 =	sadd.s32 @p0 $0x10, s20;
	s21 =	simm.s32 $0x0  }
0x1e7: {  	s21 =	smov.u32 @p0 s20;
	s18 =	smov.u32 @p0 s19  }
0x1e8: {  	s31 =	sand.u32 $0x70, s21;
	s18 =	sand.u32 $0xFFFFFC00, s18;
	v3 =	vor.u32 s21, v0  }
0x1e9: {  	s18 =	sor.u32 s31, s18;
	vm0 =	vlt.s32 v3, v1  }
0x1ea: {  	v1 =	vld [tilespmem:s18+$0x1B580];
	v2 =	vnsel vm0, $0x0, v2;
	_ =	sdelay $0x4  }
0x1eb: {  	[tilespmem:v2+s7+$0x0] =	vst.idx.msk vm0, v1  }
.LBB2_71:
0x1ec: {  	s18 =	smul.u32 $0x7, s15;
	_ =	sdelay $0x1  }
0x1ed: {  	s19 =	sadd.s32 s16, s18  }
0x1ee: {  	s18 =	ssub.s32 s17, s19  }
0x1ef: {  	p0 =	sgt.s32 s18, $0x0  }
0x1f0: {  	s18 =	simm.s32 @!p0 $0x0  }
0x1f1: {  	p0 =	slt.s32 s15, s18  }
0x1f2: {  	s18 =	smov.u32 @p0 s15  }
0x1f3: {  	s20 =	sadd.s32 $0xF, s18  }
0x1f4: {  	s20 =	sshra.s32 s20, $0x4  }
0x1f5: {  	p0 =	slt.s32 s20, $0x1  }
.Ltmp48:
0x1f6: {  	_ = 	snop;
	(pc) =	sbr.rel @p0 .LBB2_78-.Ltmp48, $1  }
0x1f7: {  	_ =	sdelay $0x3  }
0x1f8: {  	p1 =	sne.s32 s20, $0x1  }
.Ltmp49:
0x1f9: {  	_ = 	snop;
	(pc) =	sbr.rel @!p1 .LBB2_73-.Ltmp49, $3  }
0x1fa: {  	_ =	sdelay $0x1  }
0x1fb: {  	s19 =	sadd.s32 $0x16080, s19  }
0x1fc: {  	v1 =	vmov s18;
	s18 =	simm.s32 $0x0;
	s20 =	sadd.s32 $0xFFFFFFFF, s20;
	p0 =	por $0x0, $0x0;
	v2 =	vld [tilespmem:s19+$0x0]  }
0x1fd: {  	s21 =	sand.u32 $0x7, s18  }
0x1fe: {  	s21 =	sshll.u32 s21, $0x4  }
0x1ff: {  	v3 =	vor.u32 s18, v0;
	s21 =	sadd.s32 $0x0, s21  }
0x200: {  	vm0 =	vlt.s32 v3, v1;
	s21 =	sor.u32 $0x380, s21  }
0x201: {  	v3 =	vld [tilespmem:s21+$0x1B280];
	v2 =	vnsel vm0, $0x0, v2  }
0x202: {  	p1 =	sne.s32 s20, $0x1  }
.Ltmp50:
0x203: {  	_ = 	snop;
	(pc) =	sbr.rel @!p1 .LBB2_75-.Ltmp50, $3  }
0x204: {  	_ =	sdelay $0x1  }
0x205: {  	s22 =	sadd.s32 $0x10, s19;
	s23 =	sadd.s32 $0xFFFFFFFF, s20;
	s19 =	simm.s32 $0x1;
	[tilespmem:v2+s7+$0x0] =	vst.idx.msk vm0, v3  }
0x206: {  	p0 =	por $0x1, $0x1;
	s20 =	simm.s32 $0x0;
	s21 =	simm.s32 $0x0;
	v2 =	vld [tilespmem:s22+$0x0]  }
.LBB2_76:
0x207: {  	p1 =	sne.s32 s23, $0x1;
	s24 =	sand.u32 $0x7, s19  }
0x208: {  	s20 =	sadd.s32 $0x80, s20;
	s21 =	sadd.s32 $0x10, s21;
	s24 =	sshll.u32 s24, $0x4  }
0x209: {  	v3 =	vor.u32 s21, v0;
	s24 =	sadd.s32 s24, s20  }
0x20a: {  	vm0 =	vlt.s32 v3, v1;
	s24 =	sor.u32 $0x380, s24  }
0x20b: {  	v3 =	vld [tilespmem:s24+$0x1B280];
	v2 =	vnsel vm0, $0x0, v2;
	_ =	sdelay $0x1  }
.Ltmp51:
0x20c: {  	(pc) =	sbr.rel @p1 .LBB2_76-.Ltmp51, $3  }
0x20d: {  	_ =	sdelay $0x1  }
0x20e: {  	s22 =	sadd.s32 $0x10, s22;
	[tilespmem:v2+s7+$0x0] =	vst.idx.msk vm0, v3  }
0x20f: {  	s23 =	sadd.s32 $0xFFFFFFFF, s23;
	s19 =	sadd.s32 $0x1, s19;
	v2 =	vld [tilespmem:s22+$0x0]  }
.LBB2_77:
0x210: {  	s19 =	sand.u32 $0x7, s19  }
0x211: {  	s20 =	sadd.s32 @p0 $0x80, s20;
	s21 =	sadd.s32 @p0 $0x10, s21;
	s22 =	simm.s32 $0x0  }
0x212: {  	s19 =	sshll.u32 s19, $0x4;
	s22 =	smov.u32 @p0 s20;
	s18 =	smov.u32 @p0 s21  }
0x213: {  	s19 =	sadd.s32 s19, s22;
	v3 =	vor.u32 s18, v0  }
0x214: {  	s31 =	sor.u32 $0x380, s19;
	vm0 =	vlt.s32 v3, v1  }
0x215: {  	v1 =	vld [tilespmem:s31+$0x1B280];
	v2 =	vnsel vm0, $0x0, v2;
	_ =	sdelay $0x4  }
0x216: {  	[tilespmem:v2+s7+$0x0] =	vst.idx.msk vm0, v1  }
.LBB2_78:
0x217: {  	s18 =	sshll.u32 s15, $0x3  }
0x218: {  	s19 =	sadd.s32 s16, s18  }
0x219: {  	s18 =	ssub.s32 s17, s19  }
0x21a: {  	p0 =	sgt.s32 s18, $0x0  }
0x21b: {  	s18 =	simm.s32 @!p0 $0x0  }
0x21c: {  	p0 =	slt.s32 s15, s18  }
0x21d: {  	s18 =	smov.u32 @p0 s15  }
0x21e: {  	s20 =	sadd.s32 $0xF, s18  }
0x21f: {  	s20 =	sshra.s32 s20, $0x4  }
0x220: {  	p0 =	slt.s32 s20, $0x1  }
.Ltmp52:
0x221: {  	_ = 	snop;
	(pc) =	sbr.rel @p0 .LBB2_85-.Ltmp52, $1  }
0x222: {  	_ =	sdelay $0x3  }
0x223: {  	p1 =	sne.s32 s20, $0x1  }
.Ltmp53:
0x224: {  	_ = 	snop;
	(pc) =	sbr.rel @!p1 .LBB2_80-.Ltmp53, $3  }
0x225: {  	_ =	sdelay $0x1  }
0x226: {  	s19 =	sadd.s32 $0x16080, s19  }
0x227: {  	v1 =	vmov s18;
	s18 =	simm.s32 $0x0;
	s20 =	sadd.s32 $0xFFFFFFFF, s20;
	p0 =	por $0x0, $0x0;
	v2 =	vld [tilespmem:s19+$0x0]  }
0x228: {  	_ =	sdelay $0x1  }
0x229: {  	s21 =	sand.u32 $0x70, s18;
	s22 =	sand.u32 $0xFFFFFC00, s18;
	v3 =	vor.u32 s18, v0  }
0x22a: {  	s21 =	sor.u32 s21, s22;
	vm0 =	vlt.s32 v3, v1  }
0x22b: {  	v3 =	vld [tilespmem:s21+$0x1C280];
	v2 =	vnsel vm0, $0x0, v2  }
0x22c: {  	p1 =	sne.s32 s20, $0x1  }
.Ltmp54:
0x22d: {  	_ = 	snop;
	(pc) =	sbr.rel @!p1 .LBB2_82-.Ltmp54, $3  }
0x22e: {  	_ =	sdelay $0x1  }
0x22f: {  	p0 =	por $0x1, $0x1;
	s21 =	sadd.s32 $0x10, s19;
	[tilespmem:v2+s7+$0x0] =	vst.idx.msk vm0, v3  }
0x230: {  	s22 =	sadd.s32 $0xFFFFFFFF, s20;
	s20 =	simm.s32 $0x0;
	s19 =	simm.s32 $0x0;
	v2 =	vld [tilespmem:s21+$0x0]  }
.LBB2_83:
0x231: {  	p1 =	sne.s32 s22, $0x1  }
0x232: {  	s19 =	sadd.s32 $0x80, s19;
	s20 =	sadd.s32 $0x10, s20  }
0x233: {  	s23 =	sand.u32 $0x70, s20;
	s24 =	sand.u32 $0xFFFFFC00, s19;
	v3 =	vor.u32 s20, v0  }
0x234: {  	s23 =	sor.u32 s23, s24;
	vm0 =	vlt.s32 v3, v1  }
0x235: {  	v3 =	vld [tilespmem:s23+$0x1C280];
	v2 =	vnsel vm0, $0x0, v2;
	_ =	sdelay $0x1  }
.Ltmp55:
0x236: {  	(pc) =	sbr.rel @p1 .LBB2_83-.Ltmp55, $3  }
0x237: {  	_ =	sdelay $0x1  }
0x238: {  	s21 =	sadd.s32 $0x10, s21;
	[tilespmem:v2+s7+$0x0] =	vst.idx.msk vm0, v3  }
0x239: {  	s22 =	sadd.s32 $0xFFFFFFFF, s22;
	v2 =	vld [tilespmem:s21+$0x0]  }
.LBB2_84:
0x23a: {  	s19 =	sadd.s32 @p0 $0x80, s19;
	s20 =	sadd.s32 @p0 $0x10, s20;
	s21 =	simm.s32 $0x0  }
0x23b: {  	s21 =	smov.u32 @p0 s20;
	s18 =	smov.u32 @p0 s19  }
0x23c: {  	s31 =	sand.u32 $0x70, s21;
	s18 =	sand.u32 $0xFFFFFC00, s18;
	v3 =	vor.u32 s21, v0  }
0x23d: {  	s18 =	sor.u32 s31, s18;
	vm0 =	vlt.s32 v3, v1  }
0x23e: {  	v1 =	vld [tilespmem:s18+$0x1C280];
	v2 =	vnsel vm0, $0x0, v2;
	_ =	sdelay $0x4  }
0x23f: {  	[tilespmem:v2+s7+$0x0] =	vst.idx.msk vm0, v1  }
.LBB2_85:
0x240: {  	s18 =	smul.u32 $0x9, s15;
	_ =	sdelay $0x1  }
0x241: {  	s19 =	sadd.s32 s16, s18  }
0x242: {  	s18 =	ssub.s32 s17, s19  }
0x243: {  	p0 =	sgt.s32 s18, $0x0  }
0x244: {  	s18 =	simm.s32 @!p0 $0x0  }
0x245: {  	p0 =	slt.s32 s15, s18  }
0x246: {  	s18 =	smov.u32 @p0 s15  }
0x247: {  	s20 =	sadd.s32 $0xF, s18  }
0x248: {  	s20 =	sshra.s32 s20, $0x4  }
0x249: {  	p0 =	slt.s32 s20, $0x1  }
.Ltmp56:
0x24a: {  	_ = 	snop;
	(pc) =	sbr.rel @p0 .LBB2_92-.Ltmp56, $1  }
0x24b: {  	_ =	sdelay $0x3  }
0x24c: {  	p1 =	sne.s32 s20, $0x1  }
.Ltmp57:
0x24d: {  	_ = 	snop;
	(pc) =	sbr.rel @!p1 .LBB2_87-.Ltmp57, $3  }
0x24e: {  	_ =	sdelay $0x1  }
0x24f: {  	s19 =	sadd.s32 $0x16080, s19  }
0x250: {  	v1 =	vmov s18;
	s18 =	simm.s32 $0x0;
	s20 =	sadd.s32 $0xFFFFFFFF, s20;
	p0 =	por $0x0, $0x0;
	v2 =	vld [tilespmem:s19+$0x0]  }
0x251: {  	_ =	sdelay $0x1  }
0x252: {  	s21 =	sand.u32 $0x70, s18;
	s22 =	sand.u32 $0xFFFFFC00, s18;
	v3 =	vor.u32 s18, v0  }
0x253: {  	s21 =	sor.u32 s21, s22;
	vm0 =	vlt.s32 v3, v1  }
0x254: {  	v3 =	vld [tilespmem:s21+$0x1C300];
	v2 =	vnsel vm0, $0x0, v2  }
0x255: {  	p1 =	sne.s32 s20, $0x1  }
.Ltmp58:
0x256: {  	_ = 	snop;
	(pc) =	sbr.rel @!p1 .LBB2_89-.Ltmp58, $3  }
0x257: {  	_ =	sdelay $0x1  }
0x258: {  	p0 =	por $0x1, $0x1;
	s21 =	sadd.s32 $0x10, s19;
	[tilespmem:v2+s7+$0x0] =	vst.idx.msk vm0, v3  }
0x259: {  	s22 =	sadd.s32 $0xFFFFFFFF, s20;
	s20 =	simm.s32 $0x0;
	s19 =	simm.s32 $0x0;
	v2 =	vld [tilespmem:s21+$0x0]  }
.LBB2_90:
0x25a: {  	p1 =	sne.s32 s22, $0x1  }
0x25b: {  	s19 =	sadd.s32 $0x80, s19;
	s20 =	sadd.s32 $0x10, s20  }
0x25c: {  	s23 =	sand.u32 $0x70, s20;
	s24 =	sand.u32 $0xFFFFFC00, s19;
	v3 =	vor.u32 s20, v0  }
0x25d: {  	s23 =	sor.u32 s23, s24;
	vm0 =	vlt.s32 v3, v1  }
0x25e: {  	v3 =	vld [tilespmem:s23+$0x1C300];
	v2 =	vnsel vm0, $0x0, v2;
	_ =	sdelay $0x1  }
.Ltmp59:
0x25f: {  	(pc) =	sbr.rel @p1 .LBB2_90-.Ltmp59, $3  }
0x260: {  	_ =	sdelay $0x1  }
0x261: {  	s21 =	sadd.s32 $0x10, s21;
	[tilespmem:v2+s7+$0x0] =	vst.idx.msk vm0, v3  }
0x262: {  	s22 =	sadd.s32 $0xFFFFFFFF, s22;
	v2 =	vld [tilespmem:s21+$0x0]  }
.LBB2_91:
0x263: {  	s19 =	sadd.s32 @p0 $0x80, s19;
	s20 =	sadd.s32 @p0 $0x10, s20;
	s21 =	simm.s32 $0x0  }
0x264: {  	s21 =	smov.u32 @p0 s20;
	s18 =	smov.u32 @p0 s19  }
0x265: {  	s31 =	sand.u32 $0x70, s21;
	s18 =	sand.u32 $0xFFFFFC00, s18;
	v3 =	vor.u32 s21, v0  }
0x266: {  	s18 =	sor.u32 s31, s18;
	vm0 =	vlt.s32 v3, v1  }
0x267: {  	v1 =	vld [tilespmem:s18+$0x1C300];
	v2 =	vnsel vm0, $0x0, v2;
	_ =	sdelay $0x4  }
0x268: {  	[tilespmem:v2+s7+$0x0] =	vst.idx.msk vm0, v1  }
.LBB2_92:
0x269: {  	s18 =	smul.u32 $0xA, s15;
	_ =	sdelay $0x1  }
0x26a: {  	s19 =	sadd.s32 s16, s18  }
0x26b: {  	s18 =	ssub.s32 s17, s19  }
0x26c: {  	p0 =	sgt.s32 s18, $0x0  }
0x26d: {  	s18 =	simm.s32 @!p0 $0x0  }
0x26e: {  	p0 =	slt.s32 s15, s18  }
0x26f: {  	s18 =	smov.u32 @p0 s15  }
0x270: {  	s20 =	sadd.s32 $0xF, s18  }
0x271: {  	s20 =	sshra.s32 s20, $0x4  }
0x272: {  	p0 =	slt.s32 s20, $0x1  }
.Ltmp60:
0x273: {  	_ = 	snop;
	(pc) =	sbr.rel @p0 .LBB2_99-.Ltmp60, $1  }
0x274: {  	_ =	sdelay $0x3  }
0x275: {  	p1 =	sne.s32 s20, $0x1  }
.Ltmp61:
0x276: {  	_ = 	snop;
	(pc) =	sbr.rel @!p1 .LBB2_94-.Ltmp61, $3  }
0x277: {  	_ =	sdelay $0x1  }
0x278: {  	s19 =	sadd.s32 $0x16080, s19  }
0x279: {  	v1 =	vmov s18;
	s18 =	simm.s32 $0x0;
	s20 =	sadd.s32 $0xFFFFFFFF, s20;
	p0 =	por $0x0, $0x0;
	v2 =	vld [tilespmem:s19+$0x0]  }
0x27a: {  	_ =	sdelay $0x1  }
0x27b: {  	s21 =	sand.u32 $0x70, s18;
	s22 =	sand.u32 $0xFFFFFC00, s18;
	v3 =	vor.u32 s18, v0  }
0x27c: {  	s21 =	sor.u32 s21, s22;
	vm0 =	vlt.s32 v3, v1  }
0x27d: {  	v3 =	vld [tilespmem:s21+$0x1C380];
	v2 =	vnsel vm0, $0x0, v2  }
0x27e: {  	p1 =	sne.s32 s20, $0x1  }
.Ltmp62:
0x27f: {  	_ = 	snop;
	(pc) =	sbr.rel @!p1 .LBB2_96-.Ltmp62, $3  }
0x280: {  	_ =	sdelay $0x1  }
0x281: {  	p0 =	por $0x1, $0x1;
	s21 =	sadd.s32 $0x10, s19;
	[tilespmem:v2+s7+$0x0] =	vst.idx.msk vm0, v3  }
0x282: {  	s22 =	sadd.s32 $0xFFFFFFFF, s20;
	s20 =	simm.s32 $0x0;
	s19 =	simm.s32 $0x0;
	v2 =	vld [tilespmem:s21+$0x0]  }
.LBB2_97:
0x283: {  	p1 =	sne.s32 s22, $0x1  }
0x284: {  	s19 =	sadd.s32 $0x80, s19;
	s20 =	sadd.s32 $0x10, s20  }
0x285: {  	s23 =	sand.u32 $0x70, s20;
	s24 =	sand.u32 $0xFFFFFC00, s19;
	v3 =	vor.u32 s20, v0  }
0x286: {  	s23 =	sor.u32 s23, s24;
	vm0 =	vlt.s32 v3, v1  }
0x287: {  	v3 =	vld [tilespmem:s23+$0x1C380];
	v2 =	vnsel vm0, $0x0, v2;
	_ =	sdelay $0x1  }
.Ltmp63:
0x288: {  	(pc) =	sbr.rel @p1 .LBB2_97-.Ltmp63, $3  }
0x289: {  	_ =	sdelay $0x1  }
0x28a: {  	s21 =	sadd.s32 $0x10, s21;
	[tilespmem:v2+s7+$0x0] =	vst.idx.msk vm0, v3  }
0x28b: {  	s22 =	sadd.s32 $0xFFFFFFFF, s22;
	v2 =	vld [tilespmem:s21+$0x0]  }
.LBB2_98:
0x28c: {  	s19 =	sadd.s32 @p0 $0x80, s19;
	s20 =	sadd.s32 @p0 $0x10, s20;
	s21 =	simm.s32 $0x0  }
0x28d: {  	s21 =	smov.u32 @p0 s20;
	s18 =	smov.u32 @p0 s19  }
0x28e: {  	s31 =	sand.u32 $0x70, s21;
	s18 =	sand.u32 $0xFFFFFC00, s18;
	v3 =	vor.u32 s21, v0  }
0x28f: {  	s18 =	sor.u32 s31, s18;
	vm0 =	vlt.s32 v3, v1  }
0x290: {  	v1 =	vld [tilespmem:s18+$0x1C380];
	v2 =	vnsel vm0, $0x0, v2;
	_ =	sdelay $0x4  }
0x291: {  	[tilespmem:v2+s7+$0x0] =	vst.idx.msk vm0, v1  }
.LBB2_99:
0x292: {  	s18 =	smul.u32 $0xB, s15;
	_ =	sdelay $0x1  }
0x293: {  	s19 =	sadd.s32 s16, s18  }
0x294: {  	s18 =	ssub.s32 s17, s19  }
0x295: {  	p0 =	sgt.s32 s18, $0x0  }
0x296: {  	s18 =	simm.s32 @!p0 $0x0  }
0x297: {  	p0 =	slt.s32 s15, s18  }
0x298: {  	s18 =	smov.u32 @p0 s15  }
0x299: {  	s20 =	sadd.s32 $0xF, s18  }
0x29a: {  	s20 =	sshra.s32 s20, $0x4  }
0x29b: {  	p0 =	slt.s32 s20, $0x1  }
.Ltmp64:
0x29c: {  	_ = 	snop;
	(pc) =	sbr.rel @p0 .LBB2_106-.Ltmp64, $1  }
0x29d: {  	_ =	sdelay $0x3  }
0x29e: {  	p1 =	sne.s32 s20, $0x1  }
.Ltmp65:
0x29f: {  	_ = 	snop;
	(pc) =	sbr.rel @!p1 .LBB2_101-.Ltmp65, $3  }
0x2a0: {  	_ =	sdelay $0x1  }
0x2a1: {  	s19 =	sadd.s32 $0x16080, s19  }
0x2a2: {  	v1 =	vmov s18;
	s18 =	simm.s32 $0x0;
	s20 =	sadd.s32 $0xFFFFFFFF, s20;
	p0 =	por $0x0, $0x0;
	v2 =	vld [tilespmem:s19+$0x0]  }
0x2a3: {  	_ =	sdelay $0x1  }
0x2a4: {  	s21 =	sand.u32 $0x70, s18;
	s22 =	sand.u32 $0xFFFFFC00, s18;
	v3 =	vor.u32 s18, v0  }
0x2a5: {  	s21 =	sor.u32 s21, s22;
	vm0 =	vlt.s32 v3, v1  }
0x2a6: {  	v3 =	vld [tilespmem:s21+$0x1C400];
	v2 =	vnsel vm0, $0x0, v2  }
0x2a7: {  	p1 =	sne.s32 s20, $0x1  }
.Ltmp66:
0x2a8: {  	_ = 	snop;
	(pc) =	sbr.rel @!p1 .LBB2_103-.Ltmp66, $3  }
0x2a9: {  	_ =	sdelay $0x1  }
0x2aa: {  	p0 =	por $0x1, $0x1;
	s21 =	sadd.s32 $0x10, s19;
	[tilespmem:v2+s7+$0x0] =	vst.idx.msk vm0, v3  }
0x2ab: {  	s22 =	sadd.s32 $0xFFFFFFFF, s20;
	s20 =	simm.s32 $0x0;
	s19 =	simm.s32 $0x0;
	v2 =	vld [tilespmem:s21+$0x0]  }
.LBB2_104:
0x2ac: {  	p1 =	sne.s32 s22, $0x1  }
0x2ad: {  	s19 =	sadd.s32 $0x80, s19;
	s20 =	sadd.s32 $0x10, s20  }
0x2ae: {  	s23 =	sand.u32 $0x70, s20;
	s24 =	sand.u32 $0xFFFFFC00, s19;
	v3 =	vor.u32 s20, v0  }
0x2af: {  	s23 =	sor.u32 s23, s24;
	vm0 =	vlt.s32 v3, v1  }
0x2b0: {  	v3 =	vld [tilespmem:s23+$0x1C400];
	v2 =	vnsel vm0, $0x0, v2;
	_ =	sdelay $0x1  }
.Ltmp67:
0x2b1: {  	(pc) =	sbr.rel @p1 .LBB2_104-.Ltmp67, $3  }
0x2b2: {  	_ =	sdelay $0x1  }
0x2b3: {  	s21 =	sadd.s32 $0x10, s21;
	[tilespmem:v2+s7+$0x0] =	vst.idx.msk vm0, v3  }
0x2b4: {  	s22 =	sadd.s32 $0xFFFFFFFF, s22;
	v2 =	vld [tilespmem:s21+$0x0]  }
.LBB2_105:
0x2b5: {  	s19 =	sadd.s32 @p0 $0x80, s19;
	s20 =	sadd.s32 @p0 $0x10, s20;
	s21 =	simm.s32 $0x0  }
0x2b6: {  	s21 =	smov.u32 @p0 s20;
	s18 =	smov.u32 @p0 s19  }
0x2b7: {  	s31 =	sand.u32 $0x70, s21;
	s18 =	sand.u32 $0xFFFFFC00, s18;
	v3 =	vor.u32 s21, v0  }
0x2b8: {  	s18 =	sor.u32 s31, s18;
	vm0 =	vlt.s32 v3, v1  }
0x2b9: {  	v1 =	vld [tilespmem:s18+$0x1C400];
	v2 =	vnsel vm0, $0x0, v2;
	_ =	sdelay $0x4  }
0x2ba: {  	[tilespmem:v2+s7+$0x0] =	vst.idx.msk vm0, v1  }
.LBB2_106:
0x2bb: {  	s18 =	smul.u32 $0xC, s15;
	_ =	sdelay $0x1  }
0x2bc: {  	s19 =	sadd.s32 s16, s18  }
0x2bd: {  	s18 =	ssub.s32 s17, s19  }
0x2be: {  	p0 =	sgt.s32 s18, $0x0  }
0x2bf: {  	s18 =	simm.s32 @!p0 $0x0  }
0x2c0: {  	p0 =	slt.s32 s15, s18  }
0x2c1: {  	s18 =	smov.u32 @p0 s15  }
0x2c2: {  	s20 =	sadd.s32 $0xF, s18  }
0x2c3: {  	s20 =	sshra.s32 s20, $0x4  }
0x2c4: {  	p0 =	slt.s32 s20, $0x1  }
.Ltmp68:
0x2c5: {  	_ = 	snop;
	(pc) =	sbr.rel @p0 .LBB2_113-.Ltmp68, $1  }
0x2c6: {  	_ =	sdelay $0x3  }
0x2c7: {  	p1 =	sne.s32 s20, $0x1  }
.Ltmp69:
0x2c8: {  	_ = 	snop;
	(pc) =	sbr.rel @!p1 .LBB2_108-.Ltmp69, $3  }
0x2c9: {  	_ =	sdelay $0x1  }
0x2ca: {  	s19 =	sadd.s32 $0x16080, s19  }
0x2cb: {  	v1 =	vmov s18;
	s18 =	simm.s32 $0x0;
	s20 =	sadd.s32 $0xFFFFFFFF, s20;
	p0 =	por $0x0, $0x0;
	v2 =	vld [tilespmem:s19+$0x0]  }
0x2cc: {  	_ =	sdelay $0x1  }
0x2cd: {  	s21 =	sand.u32 $0x70, s18;
	s22 =	sand.u32 $0xFFFFFC00, s18;
	v3 =	vor.u32 s18, v0  }
0x2ce: {  	s21 =	sor.u32 s21, s22;
	vm0 =	vlt.s32 v3, v1  }
0x2cf: {  	v3 =	vld [tilespmem:s21+$0x1C480];
	v2 =	vnsel vm0, $0x0, v2  }
0x2d0: {  	p1 =	sne.s32 s20, $0x1  }
.Ltmp70:
0x2d1: {  	_ = 	snop;
	(pc) =	sbr.rel @!p1 .LBB2_110-.Ltmp70, $3  }
0x2d2: {  	_ =	sdelay $0x1  }
0x2d3: {  	p0 =	por $0x1, $0x1;
	s21 =	sadd.s32 $0x10, s19;
	[tilespmem:v2+s7+$0x0] =	vst.idx.msk vm0, v3  }
0x2d4: {  	s22 =	sadd.s32 $0xFFFFFFFF, s20;
	s20 =	simm.s32 $0x0;
	s19 =	simm.s32 $0x0;
	v2 =	vld [tilespmem:s21+$0x0]  }
.LBB2_111:
0x2d5: {  	p1 =	sne.s32 s22, $0x1  }
0x2d6: {  	s19 =	sadd.s32 $0x80, s19;
	s20 =	sadd.s32 $0x10, s20  }
0x2d7: {  	s23 =	sand.u32 $0x70, s20;
	s24 =	sand.u32 $0xFFFFFC00, s19;
	v3 =	vor.u32 s20, v0  }
0x2d8: {  	s23 =	sor.u32 s23, s24;
	vm0 =	vlt.s32 v3, v1  }
0x2d9: {  	v3 =	vld [tilespmem:s23+$0x1C480];
	v2 =	vnsel vm0, $0x0, v2;
	_ =	sdelay $0x1  }
.Ltmp71:
0x2da: {  	(pc) =	sbr.rel @p1 .LBB2_111-.Ltmp71, $3  }
0x2db: {  	_ =	sdelay $0x1  }
0x2dc: {  	s21 =	sadd.s32 $0x10, s21;
	[tilespmem:v2+s7+$0x0] =	vst.idx.msk vm0, v3  }
0x2dd: {  	s22 =	sadd.s32 $0xFFFFFFFF, s22;
	v2 =	vld [tilespmem:s21+$0x0]  }
.LBB2_112:
0x2de: {  	s19 =	sadd.s32 @p0 $0x80, s19;
	s20 =	sadd.s32 @p0 $0x10, s20;
	s21 =	simm.s32 $0x0  }
0x2df: {  	s21 =	smov.u32 @p0 s20;
	s18 =	smov.u32 @p0 s19  }
0x2e0: {  	s31 =	sand.u32 $0x70, s21;
	s18 =	sand.u32 $0xFFFFFC00, s18;
	v3 =	vor.u32 s21, v0  }
0x2e1: {  	s18 =	sor.u32 s31, s18;
	vm0 =	vlt.s32 v3, v1  }
0x2e2: {  	v1 =	vld [tilespmem:s18+$0x1C480];
	v2 =	vnsel vm0, $0x0, v2;
	_ =	sdelay $0x4  }
0x2e3: {  	[tilespmem:v2+s7+$0x0] =	vst.idx.msk vm0, v1  }
.LBB2_113:
0x2e4: {  	s18 =	smul.u32 $0xD, s15;
	_ =	sdelay $0x1  }
0x2e5: {  	s19 =	sadd.s32 s16, s18  }
0x2e6: {  	s18 =	ssub.s32 s17, s19  }
0x2e7: {  	p0 =	sgt.s32 s18, $0x0  }
0x2e8: {  	s18 =	simm.s32 @!p0 $0x0  }
0x2e9: {  	p0 =	slt.s32 s15, s18  }
0x2ea: {  	s18 =	smov.u32 @p0 s15  }
0x2eb: {  	s20 =	sadd.s32 $0xF, s18  }
0x2ec: {  	s20 =	sshra.s32 s20, $0x4  }
0x2ed: {  	p0 =	slt.s32 s20, $0x1  }
.Ltmp72:
0x2ee: {  	_ = 	snop;
	(pc) =	sbr.rel @p0 .LBB2_120-.Ltmp72, $1  }
0x2ef: {  	_ =	sdelay $0x3  }
0x2f0: {  	p1 =	sne.s32 s20, $0x1  }
.Ltmp73:
0x2f1: {  	_ = 	snop;
	(pc) =	sbr.rel @!p1 .LBB2_115-.Ltmp73, $3  }
0x2f2: {  	_ =	sdelay $0x1  }
0x2f3: {  	s19 =	sadd.s32 $0x16080, s19  }
0x2f4: {  	v1 =	vmov s18;
	s18 =	simm.s32 $0x0;
	s20 =	sadd.s32 $0xFFFFFFFF, s20;
	p0 =	por $0x0, $0x0;
	v2 =	vld [tilespmem:s19+$0x0]  }
0x2f5: {  	_ =	sdelay $0x1  }
0x2f6: {  	s21 =	sand.u32 $0x70, s18;
	s22 =	sand.u32 $0xFFFFFC00, s18;
	v3 =	vor.u32 s18, v0  }
0x2f7: {  	s21 =	sor.u32 s21, s22;
	vm0 =	vlt.s32 v3, v1  }
0x2f8: {  	v3 =	vld [tilespmem:s21+$0x1C500];
	v2 =	vnsel vm0, $0x0, v2  }
0x2f9: {  	p1 =	sne.s32 s20, $0x1  }
.Ltmp74:
0x2fa: {  	_ = 	snop;
	(pc) =	sbr.rel @!p1 .LBB2_117-.Ltmp74, $3  }
0x2fb: {  	_ =	sdelay $0x1  }
0x2fc: {  	p0 =	por $0x1, $0x1;
	s21 =	sadd.s32 $0x10, s19;
	[tilespmem:v2+s7+$0x0] =	vst.idx.msk vm0, v3  }
0x2fd: {  	s22 =	sadd.s32 $0xFFFFFFFF, s20;
	s20 =	simm.s32 $0x0;
	s19 =	simm.s32 $0x0;
	v2 =	vld [tilespmem:s21+$0x0]  }
.LBB2_118:
0x2fe: {  	p1 =	sne.s32 s22, $0x1  }
0x2ff: {  	s19 =	sadd.s32 $0x80, s19;
	s20 =	sadd.s32 $0x10, s20  }
0x300: {  	s23 =	sand.u32 $0x70, s20;
	s24 =	sand.u32 $0xFFFFFC00, s19;
	v3 =	vor.u32 s20, v0  }
0x301: {  	s23 =	sor.u32 s23, s24;
	vm0 =	vlt.s32 v3, v1  }
0x302: {  	v3 =	vld [tilespmem:s23+$0x1C500];
	v2 =	vnsel vm0, $0x0, v2;
	_ =	sdelay $0x1  }
.Ltmp75:
0x303: {  	(pc) =	sbr.rel @p1 .LBB2_118-.Ltmp75, $3  }
0x304: {  	_ =	sdelay $0x1  }
0x305: {  	s21 =	sadd.s32 $0x10, s21;
	[tilespmem:v2+s7+$0x0] =	vst.idx.msk vm0, v3  }
0x306: {  	s22 =	sadd.s32 $0xFFFFFFFF, s22;
	v2 =	vld [tilespmem:s21+$0x0]  }
.LBB2_119:
0x307: {  	s19 =	sadd.s32 @p0 $0x80, s19;
	s20 =	sadd.s32 @p0 $0x10, s20;
	s21 =	simm.s32 $0x0  }
0x308: {  	s21 =	smov.u32 @p0 s20;
	s18 =	smov.u32 @p0 s19  }
0x309: {  	s31 =	sand.u32 $0x70, s21;
	s18 =	sand.u32 $0xFFFFFC00, s18;
	v3 =	vor.u32 s21, v0  }
0x30a: {  	s18 =	sor.u32 s31, s18;
	vm0 =	vlt.s32 v3, v1  }
0x30b: {  	v1 =	vld [tilespmem:s18+$0x1C500];
	v2 =	vnsel vm0, $0x0, v2;
	_ =	sdelay $0x4  }
0x30c: {  	[tilespmem:v2+s7+$0x0] =	vst.idx.msk vm0, v1  }
.LBB2_120:
0x30d: {  	s18 =	smul.u32 $0xE, s15;
	_ =	sdelay $0x1  }
0x30e: {  	s19 =	sadd.s32 s16, s18  }
0x30f: {  	s18 =	ssub.s32 s17, s19  }
0x310: {  	p0 =	sgt.s32 s18, $0x0  }
0x311: {  	s18 =	simm.s32 @!p0 $0x0  }
0x312: {  	p0 =	slt.s32 s15, s18  }
0x313: {  	s18 =	smov.u32 @p0 s15  }
0x314: {  	s20 =	sadd.s32 $0xF, s18  }
0x315: {  	s20 =	sshra.s32 s20, $0x4  }
0x316: {  	p0 =	slt.s32 s20, $0x1  }
.Ltmp76:
0x317: {  	_ = 	snop;
	(pc) =	sbr.rel @p0 .LBB2_127-.Ltmp76, $1  }
0x318: {  	_ =	sdelay $0x3  }
0x319: {  	p1 =	sne.s32 s20, $0x1  }
.Ltmp77:
0x31a: {  	_ = 	snop;
	(pc) =	sbr.rel @!p1 .LBB2_122-.Ltmp77, $3  }
0x31b: {  	_ =	sdelay $0x1  }
0x31c: {  	s19 =	sadd.s32 $0x16080, s19  }
0x31d: {  	v1 =	vmov s18;
	s18 =	simm.s32 $0x0;
	s20 =	sadd.s32 $0xFFFFFFFF, s20;
	p0 =	por $0x0, $0x0;
	v2 =	vld [tilespmem:s19+$0x0]  }
0x31e: {  	_ =	sdelay $0x1  }
0x31f: {  	s21 =	sand.u32 $0x70, s18;
	s22 =	sand.u32 $0xFFFFFC00, s18;
	v3 =	vor.u32 s18, v0  }
0x320: {  	s21 =	sor.u32 s21, s22;
	vm0 =	vlt.s32 v3, v1  }
0x321: {  	v3 =	vld [tilespmem:s21+$0x1C580];
	v2 =	vnsel vm0, $0x0, v2  }
0x322: {  	p1 =	sne.s32 s20, $0x1  }
.Ltmp78:
0x323: {  	_ = 	snop;
	(pc) =	sbr.rel @!p1 .LBB2_124-.Ltmp78, $3  }
0x324: {  	_ =	sdelay $0x1  }
0x325: {  	p0 =	por $0x1, $0x1;
	s21 =	sadd.s32 $0x10, s19;
	[tilespmem:v2+s7+$0x0] =	vst.idx.msk vm0, v3  }
0x326: {  	s22 =	sadd.s32 $0xFFFFFFFF, s20;
	s20 =	simm.s32 $0x0;
	s19 =	simm.s32 $0x0;
	v2 =	vld [tilespmem:s21+$0x0]  }
.LBB2_125:
0x327: {  	p1 =	sne.s32 s22, $0x1  }
0x328: {  	s19 =	sadd.s32 $0x80, s19;
	s20 =	sadd.s32 $0x10, s20  }
0x329: {  	s23 =	sand.u32 $0x70, s20;
	s24 =	sand.u32 $0xFFFFFC00, s19;
	v3 =	vor.u32 s20, v0  }
0x32a: {  	s23 =	sor.u32 s23, s24;
	vm0 =	vlt.s32 v3, v1  }
0x32b: {  	v3 =	vld [tilespmem:s23+$0x1C580];
	v2 =	vnsel vm0, $0x0, v2;
	_ =	sdelay $0x1  }
.Ltmp79:
0x32c: {  	(pc) =	sbr.rel @p1 .LBB2_125-.Ltmp79, $3  }
0x32d: {  	_ =	sdelay $0x1  }
0x32e: {  	s21 =	sadd.s32 $0x10, s21;
	[tilespmem:v2+s7+$0x0] =	vst.idx.msk vm0, v3  }
0x32f: {  	s22 =	sadd.s32 $0xFFFFFFFF, s22;
	v2 =	vld [tilespmem:s21+$0x0]  }
.LBB2_126:
0x330: {  	s19 =	sadd.s32 @p0 $0x80, s19;
	s20 =	sadd.s32 @p0 $0x10, s20;
	s21 =	simm.s32 $0x0  }
0x331: {  	s21 =	smov.u32 @p0 s20;
	s18 =	smov.u32 @p0 s19  }
0x332: {  	s31 =	sand.u32 $0x70, s21;
	s18 =	sand.u32 $0xFFFFFC00, s18;
	v3 =	vor.u32 s21, v0  }
0x333: {  	s18 =	sor.u32 s31, s18;
	vm0 =	vlt.s32 v3, v1  }
0x334: {  	v1 =	vld [tilespmem:s18+$0x1C580];
	v2 =	vnsel vm0, $0x0, v2;
	_ =	sdelay $0x4  }
0x335: {  	[tilespmem:v2+s7+$0x0] =	vst.idx.msk vm0, v1  }
.LBB2_127:
0x336: {  	s18 =	smul.u32 $0xF, s15;
	_ =	sdelay $0x1  }
0x337: {  	s16 =	sadd.s32 s16, s18  }
0x338: {  	s17 =	ssub.s32 s17, s16  }
0x339: {  	p0 =	sgt.s32 s17, $0x0  }
0x33a: {  	s17 =	simm.s32 @!p0 $0x0  }
0x33b: {  	p0 =	slt.s32 s15, s17  }
0x33c: {  	s17 =	smov.u32 @p0 s15  }
0x33d: {  	s15 =	sadd.s32 $0xF, s17  }
0x33e: {  	s18 =	sshra.s32 s15, $0x4  }
0x33f: {  	p0 =	slt.s32 s18, $0x1  }
.Ltmp80:
0x340: {  	_ = 	snop;
	(pc) =	sbr.rel @p0 .LBB2_3-.Ltmp80, $1  }
0x341: {  	_ =	sdelay $0x3  }
0x342: {  	p1 =	seq.s32 s18, $0x1  }
.Ltmp81:
0x343: {  	_ = 	snop;
	(pc) =	sbr.rel @p1 .LBB2_129-.Ltmp81, $3  }
0x344: {  	_ =	sdelay $0x1  }
0x345: {  	s16 =	sadd.s32 $0x16080, s16  }
0x346: {  	v1 =	vmov s17;
	s15 =	simm.s32 $0x0;
	s17 =	sadd.s32 $0xFFFFFFFF, s18;
	p0 =	por $0x0, $0x0;
	v2 =	vld [tilespmem:s16+$0x0]  }
0x347: {  	_ =	sdelay $0x1  }
0x348: {  	s18 =	sand.u32 $0x70, s15;
	s19 =	sand.u32 $0xFFFFFC00, s15;
	v3 =	vor.u32 s15, v0  }
0x349: {  	s18 =	sor.u32 s18, s19;
	vm0 =	vlt.s32 v3, v1  }
0x34a: {  	v3 =	vld [tilespmem:s18+$0x1C600];
	v2 =	vnsel vm0, $0x0, v2  }
0x34b: {  	p1 =	seq.s32 s17, $0x1  }
.Ltmp82:
0x34c: {  	_ = 	snop;
	(pc) =	sbr.rel @p1 .LBB2_131-.Ltmp82, $3  }
0x34d: {  	_ =	sdelay $0x1  }
0x34e: {  	p0 =	por $0x1, $0x1;
	s18 =	sadd.s32 $0x10, s16;
	[tilespmem:v2+s7+$0x0] =	vst.idx.msk vm0, v3  }
0x34f: {  	s19 =	sadd.s32 $0xFFFFFFFF, s17;
	s17 =	simm.s32 $0x0;
	s16 =	simm.s32 $0x0;
	v2 =	vld [tilespmem:s18+$0x0]  }
.LBB2_132:
0x350: {  	p1 =	seq.s32 s19, $0x1  }
0x351: {  	s16 =	sadd.s32 $0x80, s16;
	s17 =	sadd.s32 $0x10, s17  }
0x352: {  	s20 =	sand.u32 $0x70, s17;
	s21 =	sand.u32 $0xFFFFFC00, s16;
	v3 =	vor.u32 s17, v0  }
0x353: {  	s20 =	sor.u32 s20, s21;
	vm0 =	vlt.s32 v3, v1  }
0x354: {  	v2 =	vnsel vm0, $0x0, v2;
	v3 =	vld [tilespmem:s20+$0x1C600];
	_ =	sdelay $0x1  }
.Ltmp83:
0x355: {  	(pc) =	sbr.rel @!p1 .LBB2_132-.Ltmp83, $3  }
0x356: {  	_ =	sdelay $0x1  }
0x357: {  	s18 =	sadd.s32 $0x10, s18;
	[tilespmem:v2+s7+$0x0] =	vst.idx.msk vm0, v3  }
0x358: {  	s19 =	sadd.s32 $0xFFFFFFFF, s19;
	v2 =	vld [tilespmem:s18+$0x0]  }
.Ltmp84:
0x359: {  	_ = 	snop;
	(pc) =	sbr.rel .LBB2_133-.Ltmp84, $1  }
0x35a: {  	_ =	sdelay $0x3  }
.LBB2_24:
.Ltmp85:
0x35b: {  	(pc) =	sbr.rel .LBB2_28-.Ltmp85, $2  }
0x35c: {  	_ =	sdelay $0x2  }
0x35d: {  	s19 =	simm.s32 $0x0;
	s20 =	simm.s32 $0x0  }
.LBB2_31:
.Ltmp86:
0x35e: {  	(pc) =	sbr.rel .LBB2_35-.Ltmp86, $2  }
0x35f: {  	_ =	sdelay $0x2  }
0x360: {  	s19 =	simm.s32 $0x0;
	s20 =	simm.s32 $0x0  }
.LBB2_38:
.Ltmp87:
0x361: {  	(pc) =	sbr.rel .LBB2_42-.Ltmp87, $2  }
0x362: {  	_ =	sdelay $0x2  }
0x363: {  	s19 =	simm.s32 $0x0;
	s20 =	simm.s32 $0x0  }
.LBB2_45:
.Ltmp88:
0x364: {  	(pc) =	sbr.rel .LBB2_49-.Ltmp88, $2  }
0x365: {  	_ =	sdelay $0x2  }
0x366: {  	s19 =	simm.s32 $0x0;
	s20 =	simm.s32 $0x0  }
.LBB2_52:
.Ltmp89:
0x367: {  	(pc) =	sbr.rel .LBB2_56-.Ltmp89, $2  }
0x368: {  	_ =	sdelay $0x2  }
0x369: {  	s19 =	simm.s32 $0x0;
	s20 =	simm.s32 $0x0  }
.LBB2_59:
.Ltmp90:
0x36a: {  	(pc) =	sbr.rel .LBB2_63-.Ltmp90, $2  }
0x36b: {  	_ =	sdelay $0x2  }
0x36c: {  	s19 =	simm.s32 $0x0;
	s20 =	simm.s32 $0x0  }
.LBB2_66:
.Ltmp91:
0x36d: {  	(pc) =	sbr.rel .LBB2_70-.Ltmp91, $2  }
0x36e: {  	_ =	sdelay $0x2  }
0x36f: {  	s19 =	simm.s32 $0x0;
	s20 =	simm.s32 $0x0  }
.LBB2_73:
.Ltmp92:
0x370: {  	(pc) =	sbr.rel .LBB2_77-.Ltmp92, $2  }
0x371: {  	_ =	sdelay $0x2  }
0x372: {  	s19 =	simm.s32 $0x0;
	s20 =	simm.s32 $0x0;
	s21 =	simm.s32 $0x0  }
.LBB2_80:
.Ltmp93:
0x373: {  	(pc) =	sbr.rel .LBB2_84-.Ltmp93, $2  }
0x374: {  	_ =	sdelay $0x2  }
0x375: {  	s19 =	simm.s32 $0x0;
	s20 =	simm.s32 $0x0  }
.LBB2_87:
.Ltmp94:
0x376: {  	(pc) =	sbr.rel .LBB2_91-.Ltmp94, $2  }
0x377: {  	_ =	sdelay $0x2  }
0x378: {  	s19 =	simm.s32 $0x0;
	s20 =	simm.s32 $0x0  }
.LBB2_94:
.Ltmp95:
0x379: {  	(pc) =	sbr.rel .LBB2_98-.Ltmp95, $2  }
0x37a: {  	_ =	sdelay $0x2  }
0x37b: {  	s19 =	simm.s32 $0x0;
	s20 =	simm.s32 $0x0  }
.LBB2_101:
.Ltmp96:
0x37c: {  	(pc) =	sbr.rel .LBB2_105-.Ltmp96, $2  }
0x37d: {  	_ =	sdelay $0x2  }
0x37e: {  	s19 =	simm.s32 $0x0;
	s20 =	simm.s32 $0x0  }
.LBB2_108:
.Ltmp97:
0x37f: {  	(pc) =	sbr.rel .LBB2_112-.Ltmp97, $2  }
0x380: {  	_ =	sdelay $0x2  }
0x381: {  	s19 =	simm.s32 $0x0;
	s20 =	simm.s32 $0x0  }
.LBB2_115:
.Ltmp98:
0x382: {  	(pc) =	sbr.rel .LBB2_119-.Ltmp98, $2  }
0x383: {  	_ =	sdelay $0x2  }
0x384: {  	s19 =	simm.s32 $0x0;
	s20 =	simm.s32 $0x0  }
.LBB2_122:
.Ltmp99:
0x385: {  	(pc) =	sbr.rel .LBB2_126-.Ltmp99, $2  }
0x386: {  	_ =	sdelay $0x2  }
0x387: {  	s19 =	simm.s32 $0x0;
	s20 =	simm.s32 $0x0  }
.LBB2_26:
.Ltmp100:
0x388: {  	(pc) =	sbr.rel .LBB2_28-.Ltmp100, $2  }
0x389: {  	_ =	sdelay $0x2  }
0x38a: {  	s19 =	simm.s32 $0x0;
	s20 =	simm.s32 $0x0  }
.LBB2_33:
.Ltmp101:
0x38b: {  	(pc) =	sbr.rel .LBB2_35-.Ltmp101, $2  }
0x38c: {  	_ =	sdelay $0x2  }
0x38d: {  	s19 =	simm.s32 $0x0;
	s20 =	simm.s32 $0x0  }
.LBB2_40:
.Ltmp102:
0x38e: {  	(pc) =	sbr.rel .LBB2_42-.Ltmp102, $2  }
0x38f: {  	_ =	sdelay $0x2  }
0x390: {  	s19 =	simm.s32 $0x0;
	s20 =	simm.s32 $0x0  }
.LBB2_47:
.Ltmp103:
0x391: {  	(pc) =	sbr.rel .LBB2_49-.Ltmp103, $2  }
0x392: {  	_ =	sdelay $0x2  }
0x393: {  	s19 =	simm.s32 $0x0;
	s20 =	simm.s32 $0x0  }
.LBB2_54:
.Ltmp104:
0x394: {  	(pc) =	sbr.rel .LBB2_56-.Ltmp104, $2  }
0x395: {  	_ =	sdelay $0x2  }
0x396: {  	s19 =	simm.s32 $0x0;
	s20 =	simm.s32 $0x0  }
.LBB2_61:
.Ltmp105:
0x397: {  	(pc) =	sbr.rel .LBB2_63-.Ltmp105, $2  }
0x398: {  	_ =	sdelay $0x2  }
0x399: {  	s19 =	simm.s32 $0x0;
	s20 =	simm.s32 $0x0  }
.LBB2_68:
.Ltmp106:
0x39a: {  	(pc) =	sbr.rel .LBB2_70-.Ltmp106, $2  }
0x39b: {  	_ =	sdelay $0x2  }
0x39c: {  	s19 =	simm.s32 $0x0;
	s20 =	simm.s32 $0x0  }
.LBB2_75:
.Ltmp107:
0x39d: {  	(pc) =	sbr.rel .LBB2_77-.Ltmp107, $2  }
0x39e: {  	_ =	sdelay $0x2  }
0x39f: {  	s20 =	simm.s32 $0x0;
	s21 =	simm.s32 $0x0  }
.LBB2_82:
.Ltmp108:
0x3a0: {  	(pc) =	sbr.rel .LBB2_84-.Ltmp108, $2  }
0x3a1: {  	_ =	sdelay $0x2  }
0x3a2: {  	s19 =	simm.s32 $0x0;
	s20 =	simm.s32 $0x0  }
.LBB2_89:
.Ltmp109:
0x3a3: {  	(pc) =	sbr.rel .LBB2_91-.Ltmp109, $2  }
0x3a4: {  	_ =	sdelay $0x2  }
0x3a5: {  	s19 =	simm.s32 $0x0;
	s20 =	simm.s32 $0x0  }
.LBB2_96:
.Ltmp110:
0x3a6: {  	(pc) =	sbr.rel .LBB2_98-.Ltmp110, $2  }
0x3a7: {  	_ =	sdelay $0x2  }
0x3a8: {  	s19 =	simm.s32 $0x0;
	s20 =	simm.s32 $0x0  }
.LBB2_103:
.Ltmp111:
0x3a9: {  	(pc) =	sbr.rel .LBB2_105-.Ltmp111, $2  }
0x3aa: {  	_ =	sdelay $0x2  }
0x3ab: {  	s19 =	simm.s32 $0x0;
	s20 =	simm.s32 $0x0  }
.LBB2_110:
.Ltmp112:
0x3ac: {  	(pc) =	sbr.rel .LBB2_112-.Ltmp112, $2  }
0x3ad: {  	_ =	sdelay $0x2  }
0x3ae: {  	s19 =	simm.s32 $0x0;
	s20 =	simm.s32 $0x0  }
.LBB2_117:
.Ltmp113:
0x3af: {  	(pc) =	sbr.rel .LBB2_119-.Ltmp113, $2  }
0x3b0: {  	_ =	sdelay $0x2  }
0x3b1: {  	s19 =	simm.s32 $0x0;
	s20 =	simm.s32 $0x0  }
.LBB2_124:
.Ltmp114:
0x3b2: {  	(pc) =	sbr.rel .LBB2_126-.Ltmp114, $2  }
0x3b3: {  	_ =	sdelay $0x2  }
0x3b4: {  	s19 =	simm.s32 $0x0;
	s20 =	simm.s32 $0x0  }
.LBB2_131:
.Ltmp115:
0x3b5: {  	(pc) =	sbr.rel .LBB2_133-.Ltmp115, $2  }
0x3b6: {  	_ =	sdelay $0x2  }
0x3b7: {  	s16 =	simm.s32 $0x0;
	s17 =	simm.s32 $0x0  }
.LBB2_134:
0x3b8: {  	p0 =	sne.s32 s1, $0x0  }
0x3b9: {  	s3 =	simm.s32 @!p0 $0x0;
	s4 =	simm.s32 @!p0 $0x18880  }
0x3ba: {  	[hbm4b:s2+s3] =	stream.linear.scatter @!p0 [tilespmem:s4], [sflag:$0x1], $0x1400, $0x38;
	[tilespmem:$0x1D480] =	vst v63  }
0x3bb: {  	s2 =	simm.s32 @!p0 $0x1  }
0x3bc: {  	_ =	swait.ge @!p0 [sflag:s2], $0x1400  }
0x3bd: {  	[sflag:s2] =	ssyncset.done @!p0 $0x0  }
0x3be: {  	[sflag:s2] =	ssyncadd.s32 @!p0 $0xFFFFEC00  }
.LBB2_135:
0x3bf: {  	_ =	sfence.sel $0x180000  }
0x3c0: {  	[bflag:$0x0] =	sbarrier.arrive $0xFFFF  }
0x3c1: {  	p0 =	sne.s32 s1, $0x0;
	_ =	strace $0x9000004D  }
0x3c2: {  	s0 =	sadd.s32 @!p0 $0x100000, s0;
	[bflag:$0x2] =	sbarrier.arrive $0xFFFF  }
0x3c3: {  	[sflag:s0] =	ssyncadd.tile.s32 @!p0 $0x1;
	_ =	shalt  }
.Lfunc_end2:
_tile_overlayer_lowered:
.L_overlay_start_2:
0x3c4: {  	(tag) =	ssettag $0x2  }
0x3c5: {  	s0 =	rddreg [dreg:$0x0];
	s2 =	stileid.u32  }
0x3c6: {  	s1 =	rddreg [dreg:$0x1];
	p0 =	sne.s32 s2, $0x0  }
0x3c7: {  	s3 =	rddreg [dreg:$0x2];
	[bflag:$0x3] =	sbarrier.arrive $0xFFFF;
	s2 =	simm.s32 @!p0 $0x1C01  }
0x3c8: {  	[timem:s3], [sflag:s2] =	dma.local @!p0 [hbm:s0], s1  }
0x3c9: {  	s0 =	simm.s32 @!p0 $0x1  }
0x3ca: {  	_ =	swait.ge @!p0 [sflag:s0], s1  }
0x3cb: {  	s1 =	ssub.s32 @!p0 $0x0, s1;
	[sflag:s0] =	ssyncset.done @!p0 $0x0  }
0x3cc: {  	[sflag:s0] =	ssyncadd.s32 @!p0 s1  }
0x3cd: {  	[bflag:$0x3] =	sbarrier.arrive $0xFFFF  }
0x3ce: {  	_ =	shalt  }

// kernel: scatter_offload_async_start
scs
__scs_entry_jumppad:
0x0: {  	(pc) =	sbr.rel $0x88, $3  }
0x1: {  	(tag) =	ssettag $0x0;
	lr =	simm.s32 $0x1  }
0x2: {  	[smem:$0x3F9C] =	sst lr;
	_ =	strace $0xD0000000  }
0x3: {  	_ = 	snop  }
0x4: {  	_ = 	snop  }
0x5: {  	_ = 	snop  }
0x6: {  	_ = 	snop  }
0x7: {  	_ = 	snop  }
__scs_overlays_trampoline_lowered:
0x8: {  	[smem:$0x3FAB] =	sst s0  }
0x9: {  	[smem:$0x3FAC] =	sst s1  }
0xa: {  	[smem:$0x3FAD] =	sst s2  }
0xb: {  	[smem:$0x3FAE] =	sst s3  }
0xc: {  	[smem:$0x3FAF] =	sst s4  }
0xd: {  	[smem:$0x3FB0] =	sst s5  }
0xe: {  	[smem:$0x3FB1] =	sst s6  }
0xf: {  	[smem:$0x3FB2] =	sst s7  }
0x10: {  	[smem:$0x3FB3] =	sst s8  }
0x11: {  	[smem:$0x3FB4] =	sst s9;
	s0 =	simm.s32 @!p0 $0x0  }
0x12: {  	s1 =	sld [smem:$0x3F9A];
	s0 =	simm.s32 @p0 $0x1  }
0x13: {  	[smem:$0x3FB5] =	sst s0;
	s0 =	simm.s32 @!p1 $0x0  }
0x14: {  	s2 =	sld [smem:$0x3F99];
	s0 =	simm.s32 @p1 $0x1  }
0x15: {  	[smem:$0x3FB6] =	sst s0;
	s0 =	simm.s32 @!p2 $0x0  }
0x16: {  	s3 =	sld [smem:$0x3FDB];
	s0 =	simm.s32 @p2 $0x1  }
0x17: {  	s4 =	simm.s32 $0x1BF5;
	[smem:$0x3FB8] =	sst s0  }
0x18: {  	s0 =	sld [smem:$0x3F9B];
	_ =	swait.ge [sflag:s4], $0x0  }
0x19: {  	s7 =	sld [smem:$0x3F9C]  }
0x1a: {  	s8 =	sadd.s32 $0xFFFFE003, lr  }
0x1b: {  	s9 =	sadd.s32 $0xFFFFFEF7, lr;
	s5 =	simm.s32 $0xFFFFFFFF;
	p2 =	slt.u32 s8, $0xFFFFF086  }
0x1c: {  	p1 =	slt.u32 s9, $0xF7A;
	s5 =	simm.s32 @!p2 $0x0  }
0x1d: {  	s5 =	simm.s32 @p1 $0x1;
	p0 =	seq.s32 s7, s2  }
0x1e: {  	s7 =	smul.u32 @!p0 $0xF7A, s2;
	p2 =	seq.s32 @!p0 s5, $0x0  }
0x1f: {  	s9 =	smul.u32 $0xF7A, s1;
	s8 =	simm.s32 @!p0 $0x1BF5;
	p2 =	por !p2, p0  }
0x20: {  	[sflag:s8] =	ssyncset.s32 @!p0 $0xFFFFF086;
	s6 =	sadd.s32 @!p0 s3, s7;
	s7 =	simm.s32 @!p0 $0x108  }
0x21: {  	s3 =	sadd.s32 s3, s9;
	s6 =	sadd.s32 @!p0 $0x88, s6;
	s7 =	simm.s32 @p2 $0x1082  }
0x22: {  	[simem:s7], [sflag:s8] =	dma.local @!p0 [hbm:s6], $0xF7A  }
0x23: {  	s9 =	sor.u32 $0xD0000000, s2;
	s6 =	simm.s32 $0x108;
	_ =	swait.ge @!p0 [sflag:s8], $0x0  }
0x24: {  	s3 =	sadd.s32 $0x88, s3;
	s6 =	simm.s32 @!p1 $0x1082;
	[sflag:s4] =	ssyncset.s32 $0xFFFFF086  }
0x25: {  	[simem:s6], [sflag:s4] =	dma.local [hbm:s3], $0xF7A  }
0x26: {  	[smem:$0x3F9C] =	sst s1;
	(tag) =	ssettag s2;
	_ =	strace s9  }
0x27: {  	s1 =	sld [smem:$0x3FAC]  }
0x28: {  	s2 =	sld [smem:$0x3FAD]  }
0x29: {  	s4 =	sld [smem:$0x3FAF]  }
0x2a: {  	p0 =	seq.s32 s5, $0x0;
	s5 =	sld [smem:$0x3FB0]  }
0x2b: {  	s6 =	sld [smem:$0x3FB1]  }
0x2c: {  	s7 =	sld [smem:$0x3FB2]  }
0x2d: {  	s3 =	simm.s32 $0x108;
	s8 =	sld [smem:$0x3FB3]  }
0x2e: {  	s3 =	simm.s32 @!p0 $0x1082;
	s9 =	sld [smem:$0x3FB4]  }
0x2f: {  	lr =	sadd.s32 s0, s3;
	s0 =	sld [smem:$0x3FAB]  }
0x30: {  	s3 =	sld [smem:$0x3FAE]  }
0x31: {  	[smem:$0x3FB7] =	sst s10  }
0x32: {  	s10 =	sld [smem:$0x3FB5];
	_ =	sdelay $0x3  }
0x33: {  	p0 =	seq.s32 s10, $0x1;
	s10 =	sld [smem:$0x3FB7];
	_ =	sdelay $0x3  }
0x34: {  	[smem:$0x3FB7] =	sst s10  }
0x35: {  	s10 =	sld [smem:$0x3FB6];
	_ =	sdelay $0x3  }
0x36: {  	p1 =	seq.s32 s10, $0x1;
	s10 =	sld [smem:$0x3FB7];
	_ =	sdelay $0x3  }
0x37: {  	[smem:$0x3FB7] =	sst s10  }
0x38: {  	s10 =	sld [smem:$0x3FB8]  }
0x39: {  	_ = 	snop;
	(pc) =	sbr.ind lr, $3  }
0x3a: {  	_ = 	snop  }
0x3b: {  	_ = 	snop  }
0x3c: {  	p2 =	seq.s32 s10, $0x1;
	s10 =	sld [smem:$0x3FB7]  }
0x3d: {  	_ =	shalt  }
0x3e: {  	_ =	shalt  }
0x3f: {  	_ =	shalt  }
0x40: {  	_ =	shalt  }
0x41: {  	_ =	shalt  }
0x42: {  	_ =	shalt  }
0x43: {  	_ =	shalt  }
0x44: {  	_ =	shalt  }
0x45: {  	_ =	shalt  }
0x46: {  	_ =	shalt  }
0x47: {  	_ =	shalt  }
0x48: {  	_ =	shalt  }
0x49: {  	_ =	shalt  }
0x4a: {  	_ =	shalt  }
0x4b: {  	_ =	shalt  }
0x4c: {  	_ =	shalt  }
0x4d: {  	_ =	shalt  }
0x4e: {  	_ =	shalt  }
0x4f: {  	_ =	shalt  }
0x50: {  	_ =	shalt  }
0x51: {  	_ =	shalt  }
0x52: {  	_ =	shalt  }
0x53: {  	_ =	shalt  }
0x54: {  	_ =	shalt  }
0x55: {  	_ =	shalt  }
0x56: {  	_ =	shalt  }
0x57: {  	_ =	shalt  }
0x58: {  	_ =	shalt  }
0x59: {  	_ =	shalt  }
0x5a: {  	_ =	shalt  }
0x5b: {  	_ =	shalt  }
0x5c: {  	_ =	shalt  }
0x5d: {  	_ =	shalt  }
0x5e: {  	_ =	shalt  }
0x5f: {  	_ =	shalt  }
0x60: {  	_ =	shalt  }
0x61: {  	_ =	shalt  }
0x62: {  	_ =	shalt  }
0x63: {  	_ =	shalt  }
0x64: {  	_ =	shalt  }
0x65: {  	_ =	shalt  }
0x66: {  	_ =	shalt  }
0x67: {  	_ =	shalt  }
0x68: {  	_ =	shalt  }
0x69: {  	_ =	shalt  }
0x6a: {  	_ =	shalt  }
0x6b: {  	_ =	shalt  }
0x6c: {  	_ =	shalt  }
0x6d: {  	_ =	shalt  }
0x6e: {  	_ =	shalt  }
0x6f: {  	_ =	shalt  }
0x70: {  	_ =	shalt  }
0x71: {  	_ =	shalt  }
0x72: {  	_ =	shalt  }
0x73: {  	_ =	shalt  }
0x74: {  	_ =	shalt  }
0x75: {  	_ =	shalt  }
0x76: {  	_ =	shalt  }
0x77: {  	_ =	shalt  }
0x78: {  	_ =	shalt  }
0x79: {  	_ =	shalt  }
0x7a: {  	_ =	shalt  }
0x7b: {  	_ =	shalt  }
0x7c: {  	_ =	shalt  }
0x7d: {  	_ =	shalt  }
0x7e: {  	_ =	shalt  }
0x7f: {  	_ =	shalt  }
0x80: {  	_ =	shalt  }
0x81: {  	_ =	shalt  }
0x82: {  	_ =	shalt  }
0x83: {  	_ =	shalt  }
0x84: {  	_ =	shalt  }
0x85: {  	_ =	shalt  }
0x86: {  	_ =	shalt  }
0x87: {  	_ =	shalt  }
.Lfunc_end0:
.L_simem_size_0:
called_computation_lowered:
.L_overlay_start_0:
0x88: {  	s0 =	sld [smem:$0x3FD9]  }
0x89: {  	s1 =	sld [smem:$0x3FFE];
	_ =	sdelay $0x3  }
0x8a: {  	s0 =	sadd.s32 s1, s0  }
0x8b: {  	[smem:$0x3FC3] =	sst s0  }
0x8c: {  	_ = 	snop  }
0x8d: {  	s0 =	sld [smem:$0x3FD0];
	_ =	sdelay $0x2  }
0x8e: {  	s13 =	simm.s32 $0xA;
	s2 =	simm.s32 $0x10  }
0x8f: {  	[smem:s2], [sflag:s13] =	dma.local [hbm:s0], $0x1  }
0x90: {  	_ =	swait.eq [sflag:s13], $0x1  }
0x91: {  	[sflag:s13] =	ssyncset.done $0x0  }
0x92: {  	s14 =	sld [smem:$0x10];
	[sflag:s13] =	ssyncadd.s32 $0xFFFFFFFF  }
0x93: {  	s15 =	sld [smem:$0x11];
	(tm) =	ssettm $0x1  }
0x94: {  	s16 =	sld [smem:$0x3FFB];
	_ =	sdelay $0x3  }
0x95: {  	_ =	strace s16  }
0x96: {  	s2 =	sld [smem:$0x3FFC];
	_ =	sdelay $0x3  }
0x97: {  	_ =	strace s2  }
0x98: {  	s2 =	sld [smem:$0x3FFD];
	_ =	sdelay $0x3  }
0x99: {  	_ =	strace s2  }
0x9a: {  	_ =	strace $0x8FFFFFFF  }
0x9b: {  	s17 =	sld [smem:$0x3FDB];
	_ =	sdelay $0x1  }
0x9c: {  	s3 =	simm.s32 $_scs_section_size  }
0x9d: {  	s4 =	simm.s32 $_size__tile_overlayer_lowered;
	s5 =	simm.s32 $_tile_overlayer_lowered  }
0x9e: {  	s20 =	simm.s32 $0x1BFF;
	s19 =	sshll.u32 s5, $0x1;
	s2 =	sadd.s32 s3, s17  }
0x9f: {  	s6 =	simm.s32 $0x0;
	s18 =	sshll.u32 s4, $0x1;
	s4 =	sadd.s32 s19, s2  }
0xa0: {  	[timem:s6], [sflag:s20] =	dma.local [hbm:s4], s18  }
0xa1: {  	_ =	swait.ge [sflag:s20], s18  }
0xa2: {  	s3 =	ssub.s32 $0x0, s18;
	[sflag:s20] =	ssyncset.done $0x0  }
0xa3: {  	[sflag:s20] =	ssyncadd.s32 s3;
	_ =	sdelay $0x1  }
0xa4: {  	s21 =	simm.s32 $0x1B8B  }
0xa5: {  	_ =	swait.ge [sflag:s21], $0x1  }
0xa6: {  	[sflag:s21] =	ssyncset.done $0x0  }
0xa7: {  	s23 =	simm.s32 $0x1B8E;
	s22 =	sld [smem:$0x3FFE];
	[sflag:s21] =	ssyncadd.s32 $0xFFFFFFFF  }
0xa8: {  	s24 =	simm.s32 $execute0_lowered;
	[smem:$0x3FD2] =	sst s23  }
0xa9: {  	s4 =	sshll.u32 s24, $0x1;
	_ =	strace $0x80000046;
	[dreg:$0x1] =	wrdreg $0xFFFFFFFF  }
0xaa: {  	s25 =	simm.s32 $_size_execute0_lowered;
	s2 =	sadd.s32 s2, s4;
	[dreg:$0x0] =	wrdreg $0x0  }
0xab: {  	s4 =	sshll.u32 s25, $0x1;
	[dreg:$0x2] =	wrdreg s2  }
0xac: {  	[dreg:$0x3] =	wrdreg s4  }
0xad: {  	[dreg:$0x4] =	wrdreg $0xC0  }
0xae: {  	_ =	task [dreg:s6], $0x5FFFF  }
0xaf: {  	[dreg:$0x1] =	wrdreg $0xFFFFFFFF  }
0xb0: {  	[dreg:$0x0] =	wrdreg $0x60  }
0xb1: {  	[dreg:$0x2] =	wrdreg s15  }
0xb2: {  	[dreg:$0x3] =	wrdreg s14  }
0xb3: {  	[dreg:$0x4] =	wrdreg s22  }
0xb4: {  	[dreg:$0x5] =	wrdreg $0x9  }
0xb5: {  	_ =	task.clear_ibuf [dreg:s6], $0x6FFFF;
	_ =	strace $0x90000046  }
0xb6: {  	s26 =	simm.s32 $0x9;
	_ =	strace $0x80000048  }
0xb7: {  	_ =	swait.ge [sflag:s26], $0x1  }
0xb8: {  	[sflag:s26] =	ssyncadd.s32 $0xFFFFFFFF  }
0xb9: {  	_ =	strace $0x90000048  }
0xba: {  	_ =	sfence  }
0xbb: {  	s28 =	sld [smem:$0x0];
	_ =	sdelay $0x1  }
0xbc: {  	s29 =	srdreg.scid  }
0xbd: {  	s30 =	sshll.u32 s29, $0xD;
	s31 =	sshrl.u32 s29, $0x2  }
0xbe: {  	s1 =	sand.u32 $0x1, s29;
	s2 =	sand.u32 $0x4000, s30;
	s0 =	sadd.s32 s31, s28  }
0xbf: {  	s1 =	sor.u32 s2, s1;
	s0 =	sshll.u32 s0, $0x11  }
0xc0: {  	s0 =	sor.u32 s0, s1  }
0xc1: {  	s0 =	sadd.s32 $0x8F2B, s0  }
0xc2: {  	[sflag:s0] =	ssyncadd.remote.s32 $0x1  }
0xc3: {  	_ =	sfence.sel $0xFFFF  }
0xc4: {  	[dreg:$0x0] =	wrdreg $0xFFFFFFFF;
	(pc) =	sbr.abs _section_cstart, $3  }
0xc5: {  	[dreg:$0x1] =	wrdreg $0xFFFFFFFF  }
0xc6: {  	_ =	task.clear_ibuf [dreg:s6], $0x2FFFF;
	_ =	strace $0x9FFFFFFF  }
0xc7: {  	(tm) =	ssettm $0x7FFFFFFF  }
tec
execute0_lowered:
.L_overlay_start_1:
0x0: {  	(tag) =	ssettag $0x1  }
0x1: {  	s1 =	rddreg [dreg:$0x0]  }
0x2: {  	s2 =	rddreg [dreg:$0x1]  }
0x3: {  	s7 =	rddreg [dreg:$0x2]  }
0x4: {  	s0 =	rddreg [dreg:$0x3]  }
0x5: {  	s4 =	stileid.u32;
	_ =	strace $0x80000047;
	s5 =	simm.s32 $0x3E  }
0x6: {  	p0 =	sne.s32 s4, $0x0;
	[sflag:s5] =	ssyncpa.u1 $0x0  }
0x7: {  	s30 =	smin.u32 s4, $0x4;
	s3 =	simm.s32 @!p0 $0x1C3E;
	s6 =	simm.s32 @!p0 $0x0  }
0x8: {  	[spmem:s6], [sflag:s3] =	dma.local @!p0 [hbm:s1], $0x280  }
0x9: {  	s3 =	sadd.s32 s4, s30  }
0xa: {  	p1 =	slt.u32 s4, $0x4;
	s4 =	simm.s32 $0x3E80;
	s3 =	smul.u32 $0x1F40, s3  }
0xb: {  	s4 =	simm.s32 @!p1 $0x1F40  }
0xc: {  	s4 =	sadd.s32 s4, s3  }
0xd: {  	s4 =	smin.u32 s4, $0x27100  }
0xe: {  	s8 =	ssub.s32 s4, s3  }
0xf: {  	p1 =	sgt.s32 s8, $0x0  }
0x10: {  	s8 =	simm.s32 @!p1 $0x0  }
0x11: {  	s6 =	simm.s32 @!p0 $0x3E;
	s31 =	smulhi.u32 $0x10624DD3, s8  }
0x12: {  	_ =	swait.ge @!p0 [sflag:s6], $0x280  }
0x13: {  	[sflag:s6] =	ssyncset.done @!p0 $0x0;
	s9 =	sshrl.u32 s31, $0x9  }
0x14: {  	s11 =	simm.s32 $0x0;
	[sflag:s6] =	ssyncadd.s32 @!p0 $0xFFFFFD80;
	s10 =	smul.u32 $0x1F40, s9  }
.Ltmp0:
0x15: {  	s7 =	sadd.s32 $0x5000, s7;
	[bflag:$0x0] =	sbarrier.arrive $0xFFFF;
	(pc) =	sbr.rel .LBB2_1-.Ltmp0, $4  }
0x16: {  	s6 =	simm.s32 $0x2;
	[sflag:s5] =	ssyncpa.u1 $0x1;
	s5 =	simm.s32 $0x1  }
0x17: {  	[sflag:s5] =	ssyncpa.u1 $0x0;
	p1 =	sne.s32 s8, s10;
	s8 =	simm.s32 $0x1  }
0x18: {  	(ifvalue) =	ssetifvalue $0x1400;
	[sflag:s6] =	ssyncpa.u1 $0x0;
	s8 =	simm.s32 @!p1 $0x0  }
0x19: {  	vm0 =	vmmov $0xffff;
	s10 =	smov.u32 s3;
	s8 =	sadd.s32 s8, s9;
	s9 =	simm.s32 $0x0  }
.LBB2_5:
0x1a: {  	p2 =	sne.s32 s11, s8  }
.Ltmp1:
0x1b: {  	_ = 	snop;
	(pc) =	sbr.rel @!p2 .LBB2_6-.Ltmp1, $4  }
0x1c: {  	_ = 	snop  }
0x1d: {  	s12 =	sadd.s32 $0x1F40, s10  }
0x1e: {  	s10 =	smov.u32 s3;
	s13 =	sadd.s32 $0x1, s11;
	p1 =	slt.s32 s12, s4  }
0x1f: {  	s11 =	smov.u32 s13;
	s10 =	smov.u32 @p1 s12  }
.LBB2_1:
0x20: {  	p1 =	sge.u32 s11, s8  }
0x21: {  	s12 =	sxor.u32 @!p1 $0xFFFFFFFF, s11  }
0x22: {  	s12 =	sand.u32 @!p1 $0x1, s12  }
0x23: {  	s12 =	smul.u32 @!p1 $0x1F40, s12  }
0x24: {  	s13 =	sshrl.u32 @!p1 s10, $0x3  }
0x25: {  	s16 =	sand.u32 @!p1 $0x7, s10;
	s14 =	sadd.s32 @!p1 s2, s13;
	s15 =	sadd.s32 @!p1 $0x140, s12  }
0x26: {  	[tilespmem:s15], [sflag:$0x2] =	stream.linear.gather @!p1 [hbm4b:s14+s16], $0x1F40, $0x38;
	[tilespmem:$0x7E40] =	vst v63  }
0x27: {  	s13 =	sadd.s32 @!p1 s7, s13;
	s12 =	sadd.s32 @!p1 $0x3FC0, s12  }
0x28: {  	[tilespmem:s12], [sflag:$0x2] =	stream.linear.gather @!p1 [hbm4b:s13+s16], $0x1F40, $0x38;
	[tilespmem:$0x7E40] =	vst v63  }
0x29: {  	p1 =	seq.s32 s11, $0x0  }
.Ltmp2:
0x2a: {  	_ = 	snop;
	(pc) =	sbr.rel @p1 .LBB2_5-.Ltmp2, $1  }
0x2b: {  	_ =	sdelay $0x3  }
0x2c: {  	s12 =	sand.u32 $0x1, s11  }
0x2d: {  	_ =	swait.ge [sflag:s6], $0x3E80;
	p1 =	seq.s32 s12, $0x1;
	s12 =	simm.s32 $0x1F40  }
0x2e: {  	[sflag:s6] =	ssyncset.done $0x0;
	s12 =	simm.s32 @!p1 $0x0  }
0x2f: {  	[sflag:s6] =	ssyncadd.s32 $0xFFFFC180;
	s14 =	sadd.s32 $0x140, s12  }
0x30: {  	v0 =	vld.msk [tilespmem:s14+$0x0 ss:$0x1], $0xffff;
	_ =	sdelay $0x4  }
0x31: {  	v0 =	vmin.u32 v0, $0x1400;
	_ =	sdelay $0x3  }
0x32: {  	s13 =	simm.s32 $0x0;
	s12 =	sadd.s32 $0x3FC0, s12;
	s14 =	sadd.s32 $0x10, s14  }
0x33: {  	[spmem:s9] =	stream.indirect_vreg.scatter.add.s32 [tilespmem:s12], [sflag:$0x1], $0x1, v0, vm0, $0x4038;
	[tilespmem:$0x7E40] =	vst v63  }
.LBB2_3:
0x34: {  	v0 =	vld.msk [tilespmem:s14+$0x0 ss:$0x1], $0xffff;
	s13 =	sadd.s32 $0x10, s13  }
0x35: {  	p1 =	slt.u32 s13, $0x1F30;
	_ =	sdelay $0x4  }
0x36: {  	v0 =	vmin.u32 v0, $0x1400  }
.Ltmp3:
0x37: {  	(pc) =	sbr.rel @p1 .LBB2_3-.Ltmp3, $3  }
0x38: {  	_ =	sdelay $0x1  }
0x39: {  	s14 =	sadd.s32 $0x10, s14;
	s12 =	sadd.s32 $0x10, s12  }
0x3a: {  	[spmem:s9] =	stream.indirect_vreg.scatter.add.s32 [tilespmem:s12], [sflag:$0x1], $0x1, v0, vm0, $0x4038;
	[tilespmem:$0x7E40] =	vst v63  }
.Ltmp4:
0x3b: {  	(pc) =	sbr.rel .LBB2_5-.Ltmp4, $4  }
0x3c: {  	_ = 	snop  }
0x3d: {  	_ =	swait.ge [sflag:s5], $0x1F40  }
0x3e: {  	[sflag:s5] =	ssyncset.done $0x0  }
0x3f: {  	[sflag:s5] =	ssyncadd.s32 $0xFFFFE0C0  }
.LBB2_6:
0x40: {  	_ =	sfence.sel $0x180000  }
0x41: {  	s2 =	simm.s32 $0x2;
	[bflag:$0x0] =	sbarrier.arrive $0xFFFF  }
0x42: {  	s30 =	simm.s32 $0x1;
	[sflag:s2] =	ssyncpa.u1 $0x1  }
0x43: {  	[sflag:s30] =	ssyncpa.u1 $0x1  }
0x44: {  	_ =	sfence.stream.spmem  }
0x45: {  	s31 =	simm.s32 $0x3D;
	[bflag:$0x0] =	sbarrier.arrive $0xFFFF  }
0x46: {  	s2 =	simm.s32 @p0 $0x3D;
	[sflag:s31] =	ssyncpa.u1 $0x0  }
0x47: {  	[sflag:s2] =	ssyncpa.u1 @p0 $0x1  }
0x48: {  	[bflag:$0x0] =	sbarrier.arrive @p0 $0xFFFF  }
0x49: {  	_ =	strace @p0 $0x90000047  }
0x4a: {  	s3 =	simm.s32 @!p0 $0x1C3D;
	s2 =	simm.s32 @!p0 $0x0;
	[bflag:$0x2] =	sbarrier.arrive @p0 $0xFFFF  }
0x4b: {  	[hbm:s1], [sflag:s3] =	dma.local @!p0 [spmem:s2], $0x280  }
0x4c: {  	s1 =	simm.s32 @!p0 $0x3D  }
0x4d: {  	_ =	swait.ge @!p0 [sflag:s1], $0x280  }
0x4e: {  	[sflag:s1] =	ssyncset.done @!p0 $0x0  }
0x4f: {  	[sflag:s1] =	ssyncadd.s32 @!p0 $0xFFFFFD80  }
0x50: {  	[sflag:s1] =	ssyncpa.u1 @!p0 $0x1  }
0x51: {  	[bflag:$0x0] =	sbarrier.arrive @!p0 $0xFFFF  }
0x52: {  	_ =	strace @!p0 $0x90000047  }
0x53: {  	s0 =	sadd.s32 @!p0 $0x100000, s0;
	[bflag:$0x2] =	sbarrier.arrive @!p0 $0xFFFF  }
0x54: {  	[sflag:s0] =	ssyncadd.tile.s32 @!p0 $0x1;
	_ =	shalt  }
.Lfunc_end2:
_tile_overlayer_lowered:
.L_overlay_start_2:
0x55: {  	(tag) =	ssettag $0x2  }
0x56: {  	s0 =	rddreg [dreg:$0x0];
	s2 =	stileid.u32  }
0x57: {  	s1 =	rddreg [dreg:$0x1];
	p0 =	sne.s32 s2, $0x0  }
0x58: {  	s3 =	rddreg [dreg:$0x2];
	[bflag:$0x3] =	sbarrier.arrive $0xFFFF;
	s2 =	simm.s32 @!p0 $0x1C01  }
0x59: {  	[timem:s3], [sflag:s2] =	dma.local @!p0 [hbm:s0], s1  }
0x5a: {  	s0 =	simm.s32 @!p0 $0x1  }
0x5b: {  	_ =	swait.ge @!p0 [sflag:s0], s1  }
0x5c: {  	s1 =	ssub.s32 @!p0 $0x0, s1;
	[sflag:s0] =	ssyncset.done @!p0 $0x0  }
0x5d: {  	[sflag:s0] =	ssyncadd.s32 @!p0 s1  }
0x5e: {  	[bflag:$0x3] =	sbarrier.arrive $0xFFFF  }
0x5f: {  	_ =	shalt  }

</sc_bundles>
